<compile_context>
chip_gen: v7x
topology: tpu7x:2x2x1
jax: 0.10.2.dev20260603
libtpu: 0.0.44.dev20260713+nightly
codegen_flags: <defaults>
</compile_context>

<pallas_src>
import jax
import jax.numpy as jnp
from jax import lax
from jax.experimental import pallas as pl
from jax.experimental.pallas import tpu as pltpu
from jax.experimental.pallas import tpu_sc as plsc

N = 10000
E = 320000
D = 128
HID = 128
OUT = 64
L = 3
G = 16

NW = 32
N_PER_W = 320
N_PAD = NW * N_PER_W
N_CH = 5
E_CH = 79
E_PER_W = E_CH * 128
E_PAD = NW * E_PER_W
TPW = N_PAD // 16
RB = 512
N_BLK = N_PAD // RB


def _sc_counts_body(dst_hbm, z_hbm, o_hbm, cnt_hbm, didx_v, buf_v, cnt_sh):
    c = lax.axis_index("c")
    s = lax.axis_index("s")
    wid = s * 2 + c
    pltpu.sync_copy(dst_hbm.at[wid], didx_v)
    pltpu.sync_copy(z_hbm, cnt_sh.at[pl.ds(s * TPW, TPW)])
    pltpu.sync_copy(o_hbm, buf_v)
    plsc.subcore_barrier()

    def _cnt(j, _):
        pltpu.sync_copy(buf_v, cnt_sh.at[didx_v.at[j]], add=True)
        return 0
    lax.fori_loop(0, E_CH, _cnt, 0)
    plsc.subcore_barrier()
    pltpu.sync_copy(cnt_sh.at[pl.ds(s * TPW, TPW)],
                    cnt_hbm.at[c, pl.ds(s * TPW, TPW)])


def _sc_encode_body(xi_hbm, emb_hbm, h0_hbm, idx_v, iota_v, tmp_v, tmp2_v,
                    emb_sh, acc_sh, sem, sem1):
    c = lax.axis_index("c")
    s = lax.axis_index("s")
    wid = s * 2 + c
    pltpu.sync_copy(xi_hbm.at[wid], idx_v)
    pltpu.sync_copy(emb_hbm.at[pl.ds(s * 64, 64)], tmp_v)
    pltpu.sync_copy(tmp_v, emb_sh.at[pl.ds(s * 64, 64)])
    plsc.subcore_barrier()

    i16 = lax.broadcasted_iota(jnp.int32, (16,), 0)
    win = s * 64
    for t in range(4):
        iota_v[0, pl.ds(t * 16, 16)] = i16 + (win + t * 16)
    for ch in range(N_CH):
        pltpu.async_copy(
            emb_sh.at[idx_v.at[0, pl.ds(ch * 64, 64)]], tmp_v, sem).wait()
        pltpu.sync_copy(tmp_v, acc_sh.at[pl.ds(win, 64)])

        def _k(p, _):
            ka = 1 + 2 * p
            ca = pltpu.async_copy(
                emb_sh.at[idx_v.at[ka, pl.ds(ch * 64, 64)]], tmp_v, sem)
            cb = pltpu.async_copy(
                emb_sh.at[idx_v.at[ka + 1, pl.ds(ch * 64, 64)]], tmp2_v, sem1)
            ca.wait()
            pltpu.sync_copy(tmp_v, acc_sh.at[iota_v.at[0]], add=True)
            cb.wait()
            pltpu.sync_copy(tmp2_v, acc_sh.at[iota_v.at[0]], add=True)
            return 0
        lax.fori_loop(0, 4, _k, 0)
        pltpu.sync_copy(acc_sh.at[pl.ds(win, 64)],
                        h0_hbm.at[pl.ds(wid * N_PER_W + ch * 64, 64)])


def _sc_segsum_body(h_hbm, src_hbm, dst_hbm, z_hbm, part_hbm,
                    sidx_v, didx_v, rows0, rows1, acc_sh, sem0, sem1):
    c = lax.axis_index("c")
    s = lax.axis_index("s")
    wid = s * 2 + c
    pltpu.sync_copy(src_hbm.at[wid], sidx_v)
    pltpu.sync_copy(dst_hbm.at[wid, pl.ds(0, 40)], didx_v)

    pltpu.sync_copy(z_hbm, acc_sh.at[pl.ds(s * TPW, TPW)])
    plsc.subcore_barrier()

    def _pair(p, off):
        j = 2 * p
        ca = pltpu.async_copy(
            h_hbm.at[sidx_v.at[pl.ds((off + j) * 128, 128)]], rows0, sem0)
        cb = pltpu.async_copy(
            h_hbm.at[sidx_v.at[pl.ds((off + j + 1) * 128, 128)]], rows1, sem1)
        ca.wait()
        pltpu.sync_copy(rows0, acc_sh.at[didx_v.at[j]], add=True)
        cb.wait()
        pltpu.sync_copy(rows1, acc_sh.at[didx_v.at[j + 1]], add=True)

    def _stepa(p, _):
        _pair(p, 0)
        return 0
    lax.fori_loop(0, 20, _stepa, 0)
    pltpu.sync_copy(dst_hbm.at[wid, pl.ds(40, 39)],
                    didx_v.at[pl.ds(0, 39)])

    def _stepb(p, _):
        _pair(p, 40)
        return 0
    lax.fori_loop(0, 19, _stepb, 0)
    pltpu.async_copy(
        h_hbm.at[sidx_v.at[pl.ds(78 * 128, 128)]], rows0, sem0).wait()
    pltpu.sync_copy(rows0, acc_sh.at[didx_v.at[38]], add=True)
    plsc.subcore_barrier()

    pltpu.sync_copy(acc_sh.at[pl.ds(s * TPW, TPW)],
                    part_hbm.at[c, pl.ds(s * TPW, TPW)])


def _tc_b_body(h0_ref, w1_ref, b1_ref, cnt_ref, h_ref, inv_ref):
    h_ref[...] = (jnp.dot(h0_ref[...], w1_ref[...],
                          preferred_element_type=jnp.float32) + b1_ref[...])
    csum = cnt_ref[0, :, 0:1] + cnt_ref[1, :, 0:1]
    inv_ref[...] = 1.0 / jnp.maximum(csum, 1.0)


def _tc_layer_body(part_ref, inv_ref, h_ref, wl_ref, wr_ref, b_ref, g_ref,
                   be_ref, out_ref):
    mean = (part_ref[0] + part_ref[1]) * inv_ref[...]
    z = (jnp.dot(mean, wl_ref[...], preferred_element_type=jnp.float32)
         + jnp.dot(h_ref[...], wr_ref[...], preferred_element_type=jnp.float32)
         + b_ref[...])
    z = jnp.maximum(z, 0.0)
    mu = jnp.mean(z, axis=1, keepdims=True)
    var = jnp.mean((z - mu) ** 2, axis=1, keepdims=True)
    out_ref[...] = (z - mu) * lax.rsqrt(var + 1e-5) * g_ref[...] + be_ref[...]


def _tc_layer3_pool_body(part_ref, inv_ref, h_ref, wl_ref, wr_ref, b_ref,
                         g_ref, be_ref, w2_ref, b2_ref, bid_ref, out_ref):
    i = pl.program_id(0)
    mean = (part_ref[0] + part_ref[1]) * inv_ref[...]
    z = (jnp.dot(mean, wl_ref[...], preferred_element_type=jnp.float32)
         + jnp.dot(h_ref[...], wr_ref[...], preferred_element_type=jnp.float32)
         + b_ref[...])
    z = jnp.maximum(z, 0.0)
    mu = jnp.mean(z, axis=1, keepdims=True)
    var = jnp.mean((z - mu) ** 2, axis=1, keepdims=True)
    hn = (z - mu) * lax.rsqrt(var + 1e-5) * g_ref[...] + be_ref[...]

    zz = (jnp.dot(hn, w2_ref[...], preferred_element_type=jnp.float32)
          + b2_ref[...])
    rows = i * RB + lax.broadcasted_iota(jnp.int32, (RB, 1), 0)
    zz = jnp.where(rows < N, zz, -jnp.inf)
    bid = bid_ref[...]

    @pl.when(i == 0)
    def _init():
        out_ref[...] = jnp.full((G, OUT), -jnp.inf, jnp.float32)

    maxes = jnp.stack(
        [jnp.max(jnp.where(bid == g, zz, -jnp.inf), axis=0) for g in range(G)])
    out_ref[...] = jnp.maximum(out_ref[...], maxes)

    @pl.when(i == pl.num_programs(0) - 1)
    def _fin():
        p = out_ref[...]
        out_ref[...] = 1.0 / (1.0 + jnp.exp(-p))


def kernel(x, edge_index, edge_attr, batch, size, params):
    del edge_attr
    x = x.astype(jnp.int32)
    xi = x + (jnp.arange(9, dtype=jnp.int32) * 100)[None, :]
    xpad = (jnp.arange(N_PAD - N, dtype=jnp.int32)[:, None] % 100
            + (jnp.arange(9, dtype=jnp.int32) * 100)[None, :])
    xi = jnp.concatenate([xi, xpad], axis=0)
    xi_w = xi.T.reshape(9, NW, N_PER_W).transpose(1, 0, 2)
    emb_pad = jnp.pad(params['node_emb'].reshape(9 * 100, D),
                      ((0, 124), (0, 0)))

    src = edge_index[0].astype(jnp.int32)
    dst = edge_index[1].astype(jnp.int32)
    ar = jnp.arange(E_PAD - E, dtype=jnp.int32)
    src_p = jnp.concatenate([src, ar % N])
    dst_p = jnp.concatenate([dst, N + ar % (N_PAD - N)])
    src2 = src_p.reshape(NW, E_PER_W)
    dst3 = dst_p.reshape(NW, E_CH, 128)
    zrows = jnp.zeros((TPW, D), jnp.float32)
    orows = jnp.ones((128, D), jnp.float32)

    mesh = plsc.VectorSubcoreMesh(core_axis_name="c", subcore_axis_name="s")

    counts = pl.kernel(
        _sc_counts_body, mesh=mesh,
        out_type=jax.ShapeDtypeStruct((2, N_PAD, D), jnp.float32),
        scratch_types=[pltpu.VMEM((E_CH, 128), jnp.int32),
                       pltpu.VMEM((128, D), jnp.float32),
                       pltpu.VMEM_SHARED((N_PAD, D), jnp.float32)])
    cnt_part = counts(dst3, zrows, orows)

    enc = pl.kernel(
        _sc_encode_body, mesh=mesh,
        out_type=jax.ShapeDtypeStruct((N_PAD, D), jnp.float32),
        scratch_types=[pltpu.VMEM((9, N_PER_W), jnp.int32),
                       pltpu.VMEM((1, 64), jnp.int32),
                       pltpu.VMEM((64, D), jnp.float32),
                       pltpu.VMEM((64, D), jnp.float32),
                       pltpu.VMEM_SHARED((1024, D), jnp.float32),
                       pltpu.VMEM_SHARED((16 * 64, D), jnp.float32),
                       pltpu.SemaphoreType.DMA,
                       pltpu.SemaphoreType.DMA])
    h0 = enc(xi_w, emb_pad)

    segsum = pl.kernel(
        _sc_segsum_body, mesh=mesh,
        out_type=jax.ShapeDtypeStruct((2, N_PAD, D), jnp.float32),
        scratch_types=[pltpu.VMEM((E_PER_W,), jnp.int32),
                       pltpu.VMEM((40, 128), jnp.int32),
                       pltpu.VMEM((128, D), jnp.float32),
                       pltpu.VMEM((128, D), jnp.float32),
                       pltpu.VMEM_SHARED((N_PAD, D), jnp.float32),
                       pltpu.SemaphoreType.DMA,
                       pltpu.SemaphoreType.DMA])

    b1 = params['b1'].reshape(1, HID)
    h, inv = pl.pallas_call(
        _tc_b_body,
        grid=(N_BLK,),
        in_specs=[pl.BlockSpec((RB, D), lambda i: (i, 0)),
                  pl.BlockSpec((D, HID), lambda i: (0, 0)),
                  pl.BlockSpec((1, HID), lambda i: (0, 0)),
                  pl.BlockSpec((2, RB, D), lambda i: (0, i, 0))],
        out_specs=[pl.BlockSpec((RB, HID), lambda i: (i, 0)),
                   pl.BlockSpec((RB, 1), lambda i: (i, 0))],
        out_shape=[jax.ShapeDtypeStruct((N_PAD, HID), jnp.float32),
                   jax.ShapeDtypeStruct((N_PAD, 1), jnp.float32)],
    )(h0, params['W1'], b1, cnt_part)

    for li in range(L - 1):
        part = segsum(h, src2, dst3, zrows)
        h = pl.pallas_call(
            _tc_layer_body,
            grid=(N_BLK,),
            in_specs=[pl.BlockSpec((2, RB, HID), lambda i: (0, i, 0)),
                      pl.BlockSpec((RB, 1), lambda i: (i, 0)),
                      pl.BlockSpec((RB, HID), lambda i: (i, 0)),
                      pl.BlockSpec((HID, HID), lambda i: (0, 0)),
                      pl.BlockSpec((HID, HID), lambda i: (0, 0)),
                      pl.BlockSpec((1, HID), lambda i: (0, 0)),
                      pl.BlockSpec((1, HID), lambda i: (0, 0)),
                      pl.BlockSpec((1, HID), lambda i: (0, 0))],
            out_specs=pl.BlockSpec((RB, HID), lambda i: (i, 0)),
            out_shape=jax.ShapeDtypeStruct((N_PAD, HID), jnp.float32),
        )(part, inv, h, params['Wl'][li], params['Wr'][li],
          params['bs'][li].reshape(1, HID),
          params['gamma'][li].reshape(1, HID),
          params['beta'][li].reshape(1, HID))

    part = segsum(h, src2, dst3, zrows)
    seg = batch.astype(jnp.int32) + (jnp.asarray(size, jnp.int32) - G)
    seg = jnp.pad(seg, (0, N_PAD - N), constant_values=G)
    b2 = params['b2'].reshape(1, OUT)
    li = L - 1
    pooled = pl.pallas_call(
        _tc_layer3_pool_body,
        grid=(N_BLK,),
        in_specs=[pl.BlockSpec((2, RB, HID), lambda i: (0, i, 0)),
                  pl.BlockSpec((RB, 1), lambda i: (i, 0)),
                  pl.BlockSpec((RB, HID), lambda i: (i, 0)),
                  pl.BlockSpec((HID, HID), lambda i: (0, 0)),
                  pl.BlockSpec((HID, HID), lambda i: (0, 0)),
                  pl.BlockSpec((1, HID), lambda i: (0, 0)),
                  pl.BlockSpec((1, HID), lambda i: (0, 0)),
                  pl.BlockSpec((1, HID), lambda i: (0, 0)),
                  pl.BlockSpec((HID, OUT), lambda i: (0, 0)),
                  pl.BlockSpec((1, OUT), lambda i: (0, 0)),
                  pl.BlockSpec((RB, 1), lambda i: (i, 0))],
        out_specs=pl.BlockSpec((G, OUT), lambda i: (0, 0)),
        out_shape=jax.ShapeDtypeStruct((G, OUT), jnp.float32),
    )(part, inv, h, params['Wl'][li], params['Wr'][li],
      params['bs'][li].reshape(1, HID),
      params['gamma'][li].reshape(1, HID),
      params['beta'][li].reshape(1, HID),
      params['W2'], b2, seg.reshape(N_PAD, 1))
    return pooled

# --- scband reference (transcript-rebuilt; emitter-appended) ---
"""Pipeline reference for scband-gnn-common-classifier-91061896610364 (READ-ONLY COPY).

The authoritative reference and input builder live on the scoring server;
editing this copy changes nothing except your own understanding.
"""

import jax, jax.numpy as jnp
import numpy as np

N = 10000
E = 320000
D = 128
H = 128
O = 64
L = 3
G = 16


def setup_inputs(seed: int = 0) -> dict:
    key = jax.random.key(seed)
    ks = jax.random.split(key, 20)
    x = jax.random.randint(ks[0], (N, 9), 0, 100)
    edge_index = jax.random.randint(ks[1], (2, E), 0, N)
    edge_attr = jax.random.randint(ks[2], (E, 3), 0, 2)
    batch = jnp.sort(jax.random.randint(ks[3], (N,), 0, G))
    params = {
        'node_emb': jax.random.normal(ks[4], (9, 100, D), dtype=jnp.float32) * 0.02,
        'edge_enc_emb': jax.random.normal(ks[5], (3, 6, D), dtype=jnp.float32) * 0.02,
        'edge_embeddings': jax.random.normal(ks[6], (60, D), dtype=jnp.float32) * 0.02,
        'W_el': jax.random.normal(ks[7], (D, 1), dtype=jnp.float32) * 0.05,
        'b_el': jnp.zeros((1,), dtype=jnp.float32),
        'W1': jax.random.normal(ks[8], (D, H), dtype=jnp.float32) * (1.0 / np.sqrt(D)),
        'b1': jnp.zeros((H,), dtype=jnp.float32),
        'Wl': jax.random.normal(ks[9], (L, H, H), dtype=jnp.float32) * (1.0 / np.sqrt(H)),
        'Wr': jax.random.normal(ks[10], (L, H, H), dtype=jnp.float32) * (1.0 / np.sqrt(H)),
        'bs': jnp.zeros((L, H), dtype=jnp.float32),
        'gamma': jnp.ones((L, H), dtype=jnp.float32),
        'beta': jnp.zeros((L, H), dtype=jnp.float32),
        'W2': jax.random.normal(ks[11], (H, O), dtype=jnp.float32) * (1.0 / np.sqrt(H)),
        'b2': jnp.zeros((O,), dtype=jnp.float32),
    }
    return {'x': x, 'edge_index': edge_index, 'edge_attr': edge_attr, 'batch': batch, 'size': int(G), 'params': params}


def _layer_norm(h, gamma, beta, eps=1e-5):
    mu = jnp.mean(h, axis=-1, keepdims=True)
    var = jnp.var(h, axis=-1, keepdims=True)
    return (h - mu) / jnp.sqrt(var + eps) * gamma + beta


def reference(x, edge_index, edge_attr, batch, size, params):
    # NodeEncoder: sum of per-column embeddings (OGB AtomEncoder style)
    h = jnp.zeros((x.shape[0], D), dtype=jnp.float32)
    for k in range(9):
        h = h + jnp.take(params['node_emb'][k], x[:, k], axis=0)
    # EdgeEncoder (computed but unused downstream, as in torch forward)
    enc_attr = jnp.zeros((edge_attr.shape[0], D), dtype=jnp.float32)
    for k in range(3):
        enc_attr = enc_attr + jnp.take(params['edge_enc_emb'][k], edge_attr[:, k], axis=0)
    # edge_embeddings lookup with composed index
    comp = edge_attr[:, 0] + (edge_attr[:, 1] + edge_attr[:, 2] * 6) * 5
    ea = jnp.take(params['edge_embeddings'], comp, axis=0)
    temp = jax.nn.sigmoid(ea @ params['W_el'] + params['b_el'])  # unused by SAGE layers
    h = h @ params['W1'] + params['b1']
    src = edge_index[0]
    dst = edge_index[1]
    n = h.shape[0]
    for i in range(L):
        msg = jnp.take(h, src, axis=0)
        agg = jax.ops.segment_sum(msg, dst, num_segments=n)
        cnt = jax.ops.segment_sum(jnp.ones((msg.shape[0], 1), dtype=h.dtype), dst, num_segments=n)
        mean = agg / jnp.clip(cnt, 1.0, None)
        h = jax.nn.relu(mean @ params['Wl'][i] + h @ params['Wr'][i] + params['bs'][i])
        h = _layer_norm(h, params['gamma'][i], params['beta'][i])
    out = h @ params['W2'] + params['b2']
    segment_ids = batch + jnp.asarray(size - G, dtype=batch.dtype)
    pooled = jax.ops.segment_max(out, segment_ids, num_segments=G)
    return jax.nn.sigmoid(pooled)

if __name__ == "__main__":
    import jax
    _d = setup_inputs()
    print(jax.jit(kernel)(*tuple(_d.values())))

</pallas_src>

<mosaic_0001>
#map = affine_map<(d0, d1) -> (0, 0)>
#map1 = affine_map<(d0, d1) -> (0, 0, 0)>
module attributes {stable_mosaic.version = 14 : i64} {
  func.func @_sc_segsum_body(%arg0: i32, %arg1: i32, %arg2: memref<10240x128xf32, #tpu.memory_space<hbm>>, %arg3: memref<32x10112xi32, #tpu.memory_space<hbm>>, %arg4: memref<32x79x128xi32, #tpu.memory_space<hbm>>, %arg5: memref<640x128xf32, #tpu.memory_space<hbm>>, %arg6: memref<2x10240x128xf32, #tpu.memory_space<hbm>>, %arg7: memref<10112xi32, #tpu.memory_space<vmem>>, %arg8: memref<40x128xi32, #tpu.memory_space<vmem>>, %arg9: memref<128x128xf32, #tpu.memory_space<vmem>>, %arg10: memref<128x128xf32, #tpu.memory_space<vmem>>, %arg11: memref<10240x128xf32, #tpu.memory_space<vmem_shared>>, %arg12: memref<!tpu.dma_semaphore, #tpu.memory_space<semaphore_mem>>, %arg13: memref<!tpu.dma_semaphore, #tpu.memory_space<semaphore_mem>>) attributes {dimension_semantics = [#tpu.dimension_semantics<core_parallel>, #tpu.dimension_semantics<subcore_parallel>], iteration_bounds = array<i64: 2, 16>, scalar_prefetch = 0 : i64, scratch_operands = 7 : i64, tpu.core_type = #tpu.core_type<sc_vector_subcore>, window_params = [{transform_indices = #map}, {transform_indices = #map}, {transform_indices = #map1}, {transform_indices = #map}, {transform_indices = #map1}]} {
    %mul3A = arith.constant 2 : i32
    %mul3A_0 = arith.muli %arg1, %mul3A : i32
    %add3A = arith.addi %mul3A_0, %arg0 : i32
    "tpu.region"() ({
      %run_scoped3A_29 = tpu.sem_alloc : memref<!tpu.dma_semaphore, #tpu.memory_space<semaphore_mem>>
      %dma_start3A_30 = arith.constant 0 : i32
      %dma_start3A_31 = tpu.memref_slice %arg3[%add3A, %dma_start3A_30] : memref<32x10112xi32, #tpu.memory_space<hbm>> -> memref<1x10112xi32, #tpu.memory_space<hbm>>
      %dma_start3A_32 = tpu.memref_squeeze %dma_start3A_31 : memref<1x10112xi32, #tpu.memory_space<hbm>> -> memref<10112xi32, #tpu.memory_space<hbm>>
      %dma_start3A_33 = arith.constant 0 : i32
      %dma_start3A_34 = tpu.memref_slice %arg3[%add3A, %dma_start3A_33] : memref<32x10112xi32, #tpu.memory_space<hbm>> -> memref<1x10112xi32, #tpu.memory_space<hbm>>
      %dma_start3A_35 = tpu.memref_squeeze %dma_start3A_34 : memref<1x10112xi32, #tpu.memory_space<hbm>> -> memref<10112xi32, #tpu.memory_space<hbm>>
      tpu.enqueue_dma source(%dma_start3A_35 : memref<10112xi32, #tpu.memory_space<hbm>>) target(%arg7 : memref<10112xi32, #tpu.memory_space<vmem>>) target_semaphore(%run_scoped3A_29 : memref<!tpu.dma_semaphore, #tpu.memory_space<semaphore_mem>>)
      %dma_wait3A_36 = arith.constant 0 : i32
      %dma_wait3A_37 = tpu.memref_slice %arg3[%add3A, %dma_wait3A_36] : memref<32x10112xi32, #tpu.memory_space<hbm>> -> memref<1x10112xi32, #tpu.memory_space<hbm>>
      %dma_wait3A_38 = tpu.memref_squeeze %dma_wait3A_37 : memref<1x10112xi32, #tpu.memory_space<hbm>> -> memref<10112xi32, #tpu.memory_space<hbm>>
      %dma_wait3A_39 = arith.constant 0 : i32
      %dma_wait3A_40 = tpu.memref_slice %arg3[%add3A, %dma_wait3A_39] : memref<32x10112xi32, #tpu.memory_space<hbm>> -> memref<1x10112xi32, #tpu.memory_space<hbm>>
      %dma_wait3A_41 = tpu.memref_squeeze %dma_wait3A_40 : memref<1x10112xi32, #tpu.memory_space<hbm>> -> memref<10112xi32, #tpu.memory_space<hbm>>
      tpu.wait_dma2 semaphore(%run_scoped3A_29 : memref<!tpu.dma_semaphore, #tpu.memory_space<semaphore_mem>>) src(%dma_wait3A_41 : memref<10112xi32, #tpu.memory_space<hbm>>) dst(%arg7 : memref<10112xi32, #tpu.memory_space<vmem>>)
      tpu.yield
    }) : () -> ()
    "tpu.region"() ({
      %run_scoped3A_29 = tpu.sem_alloc : memref<!tpu.dma_semaphore, #tpu.memory_space<semaphore_mem>>
      %dma_start3A_30 = arith.constant 0 : i32
      %dma_start3A_31 = arith.constant 0 : i32
      %dma_start3A_32 = tpu.memref_slice %arg4[%add3A, %dma_start3A_30, %dma_start3A_31] : memref<32x79x128xi32, #tpu.memory_space<hbm>> -> memref<1x40x128xi32, #tpu.memory_space<hbm>>
      %dma_start3A_33 = tpu.memref_squeeze %dma_start3A_32 : memref<1x40x128xi32, #tpu.memory_space<hbm>> -> memref<40x128xi32, #tpu.memory_space<hbm>>
      %dma_start3A_34 = arith.constant 0 : i32
      %dma_start3A_35 = arith.constant 0 : i32
      %dma_start3A_36 = tpu.memref_slice %arg4[%add3A, %dma_start3A_34, %dma_start3A_35] : memref<32x79x128xi32, #tpu.memory_space<hbm>> -> memref<1x40x128xi32, #tpu.memory_space<hbm>>
      %dma_start3A_37 = tpu.memref_squeeze %dma_start3A_36 : memref<1x40x128xi32, #tpu.memory_space<hbm>> -> memref<40x128xi32, #tpu.memory_space<hbm>>
      tpu.enqueue_dma source(%dma_start3A_37 : memref<40x128xi32, #tpu.memory_space<hbm>>) target(%arg8 : memref<40x128xi32, #tpu.memory_space<vmem>>) target_semaphore(%run_scoped3A_29 : memref<!tpu.dma_semaphore, #tpu.memory_space<semaphore_mem>>)
      %dma_wait3A_38 = arith.constant 0 : i32
      %dma_wait3A_39 = arith.constant 0 : i32
      %dma_wait3A_40 = tpu.memref_slice %arg4[%add3A, %dma_wait3A_38, %dma_wait3A_39] : memref<32x79x128xi32, #tpu.memory_space<hbm>> -> memref<1x40x128xi32, #tpu.memory_space<hbm>>
      %dma_wait3A_41 = tpu.memref_squeeze %dma_wait3A_40 : memref<1x40x128xi32, #tpu.memory_space<hbm>> -> memref<40x128xi32, #tpu.memory_space<hbm>>
      %dma_wait3A_42 = arith.constant 0 : i32
      %dma_wait3A_43 = arith.constant 0 : i32
      %dma_wait3A_44 = tpu.memref_slice %arg4[%add3A, %dma_wait3A_42, %dma_wait3A_43] : memref<32x79x128xi32, #tpu.memory_space<hbm>> -> memref<1x40x128xi32, #tpu.memory_space<hbm>>
      %dma_wait3A_45 = tpu.memref_squeeze %dma_wait3A_44 : memref<1x40x128xi32, #tpu.memory_space<hbm>> -> memref<40x128xi32, #tpu.memory_space<hbm>>
      tpu.wait_dma2 semaphore(%run_scoped3A_29 : memref<!tpu.dma_semaphore, #tpu.memory_space<semaphore_mem>>) src(%dma_wait3A_45 : memref<40x128xi32, #tpu.memory_space<hbm>>) dst(%arg8 : memref<40x128xi32, #tpu.memory_space<vmem>>)
      tpu.yield
    }) : () -> ()
    %mul3A_1 = arith.constant 640 : i32
    %mul3A_2 = arith.muli %arg1, %mul3A_1 : i32
    "tpu.region"() ({
      %run_scoped3A_29 = tpu.sem_alloc : memref<!tpu.dma_semaphore, #tpu.memory_space<semaphore_mem>>
      %dma_start3A_30 = arith.constant 0 : i32
      %dma_start3A_31 = tpu.memref_slice %arg11[%mul3A_2, %dma_start3A_30] : memref<10240x128xf32, #tpu.memory_space<vmem_shared>> -> memref<640x128xf32, #tpu.memory_space<vmem_shared>>
      tpu.enqueue_dma source(%arg5 : memref<640x128xf32, #tpu.memory_space<hbm>>) target(%dma_start3A_31 : memref<640x128xf32, #tpu.memory_space<vmem_shared>>) target_semaphore(%run_scoped3A_29 : memref<!tpu.dma_semaphore, #tpu.memory_space<semaphore_mem>>)
      %dma_wait3A_32 = arith.constant 0 : i32
      %dma_wait3A_33 = tpu.memref_slice %arg11[%mul3A_2, %dma_wait3A_32] : memref<10240x128xf32, #tpu.memory_space<vmem_shared>> -> memref<640x128xf32, #tpu.memory_space<vmem_shared>>
      tpu.wait_dma2 semaphore(%run_scoped3A_29 : memref<!tpu.dma_semaphore, #tpu.memory_space<semaphore_mem>>) src(%arg5 : memref<640x128xf32, #tpu.memory_space<hbm>>) dst(%dma_wait3A_33 : memref<640x128xf32, #tpu.memory_space<vmem_shared>>)
      tpu.yield
    }) : () -> ()
    %barrier3A = arith.constant 0 : index
    tpu.barrier barrier_id(%barrier3A)
    %scan3A = arith.constant 0 : i32
    %scan3A_3 = arith.constant 0 : i32
    %scan3A_4 = arith.constant 20 : i32
    %scan3A_5 = arith.addi %scan3A_3, %scan3A_4 : i32
    %scan3A_6 = arith.constant 1 : i32
    %scan3A_7 = scf.for %scan3A_29 = %scan3A_3 to %scan3A_5 step %scan3A_6 iter_args(%scan3A_30 = %scan3A) -> (i32)  : i32 {
      %mul3A_31 = arith.constant 2 : i32
      %mul3A_32 = arith.muli %mul3A_31, %scan3A_29 : i32
      %add3A_33 = arith.constant 0 : i32
      %add3A_34 = arith.addi %add3A_33, %mul3A_32 : i32
      %mul3A_35 = arith.constant 128 : i32
      %mul3A_36 = arith.muli %add3A_34, %mul3A_35 : i32
      %dma_start3A_37 = tpu.memref_slice %arg7[%mul3A_36] : memref<10112xi32, #tpu.memory_space<vmem>> -> memref<128xi32, #tpu.memory_space<vmem>>
      %dma_start3A_38 = arith.constant 0 : i32
      %dma_start3A_39 = arith.constant 0 : i32
      %dma_start3A_40 = tpu.memref_slice %arg2[%dma_start3A_38, %dma_start3A_39] : memref<10240x128xf32, #tpu.memory_space<hbm>> -> memref<10240x128xf32, #tpu.memory_space<hbm>>
      tpu.enqueue_indirect_dma source(%dma_start3A_40 : memref<10240x128xf32, #tpu.memory_space<hbm>>) target(%arg9 : memref<128x128xf32, #tpu.memory_space<vmem>>) offsets(%dma_start3A_37 : memref<128xi32, #tpu.memory_space<vmem>>) semaphore(%arg12 : memref<!tpu.dma_semaphore, #tpu.memory_space<semaphore_mem>>)
      %add3A_41 = arith.constant 0 : i32
      %add3A_42 = arith.addi %add3A_41, %mul3A_32 : i32
      %add3A_43 = arith.constant 1 : i32
      %add3A_44 = arith.addi %add3A_42, %add3A_43 : i32
      %mul3A_45 = arith.constant 128 : i32
      %mul3A_46 = arith.muli %add3A_44, %mul3A_45 : i32
      %dma_start3A_47 = tpu.memref_slice %arg7[%mul3A_46] : memref<10112xi32, #tpu.memory_space<vmem>> -> memref<128xi32, #tpu.memory_space<vmem>>
      %dma_start3A_48 = arith.constant 0 : i32
      %dma_start3A_49 = arith.constant 0 : i32
      %dma_start3A_50 = tpu.memref_slice %arg2[%dma_start3A_48, %dma_start3A_49] : memref<10240x128xf32, #tpu.memory_space<hbm>> -> memref<10240x128xf32, #tpu.memory_space<hbm>>
      tpu.enqueue_indirect_dma source(%dma_start3A_50 : memref<10240x128xf32, #tpu.memory_space<hbm>>) target(%arg10 : memref<128x128xf32, #tpu.memory_space<vmem>>) offsets(%dma_start3A_47 : memref<128xi32, #tpu.memory_space<vmem>>) semaphore(%arg13 : memref<!tpu.dma_semaphore, #tpu.memory_space<semaphore_mem>>)
      %dma_wait3A_51 = tpu.memref_slice %arg7[%mul3A_36] : memref<10112xi32, #tpu.memory_space<vmem>> -> memref<128xi32, #tpu.memory_space<vmem>>
      %dma_wait3A_52 = arith.constant 0 : i32
      %dma_wait3A_53 = arith.constant 0 : i32
      %dma_wait3A_54 = tpu.memref_slice %arg2[%dma_wait3A_52, %dma_wait3A_53] : memref<10240x128xf32, #tpu.memory_space<hbm>> -> memref<10240x128xf32, #tpu.memory_space<hbm>>
      tpu.wait_indirect_dma semaphore(%arg12 : memref<!tpu.dma_semaphore, #tpu.memory_space<semaphore_mem>>) src(%dma_wait3A_54 : memref<10240x128xf32, #tpu.memory_space<hbm>>) dst(%arg9 : memref<128x128xf32, #tpu.memory_space<vmem>>)
      "tpu.region"() ({
        %run_scoped3A_62 = tpu.sem_alloc : memref<!tpu.dma_semaphore, #tpu.memory_space<semaphore_mem>>
        %dma_start3A_63 = arith.constant 0 : i32
        %dma_start3A_64 = tpu.memref_slice %arg8[%mul3A_32, %dma_start3A_63] : memref<40x128xi32, #tpu.memory_space<vmem>> -> memref<1x128xi32, #tpu.memory_space<vmem>>
        %dma_start3A_65 = tpu.memref_squeeze %dma_start3A_64 : memref<1x128xi32, #tpu.memory_space<vmem>> -> memref<128xi32, #tpu.memory_space<vmem>>
        %dma_start3A_66 = arith.constant 0 : i32
        %dma_start3A_67 = arith.constant 0 : i32
        %dma_start3A_68 = tpu.memref_slice %arg11[%dma_start3A_66, %dma_start3A_67] : memref<10240x128xf32, #tpu.memory_space<vmem_shared>> -> memref<10240x128xf32, #tpu.memory_space<vmem_shared>>
        tpu.enqueue_indirect_dma source(%arg9 : memref<128x128xf32, #tpu.memory_space<vmem>>) target(%dma_start3A_68 : memref<10240x128xf32, #tpu.memory_space<vmem_shared>>) offsets(%dma_start3A_65 : memref<128xi32, #tpu.memory_space<vmem>>) semaphore(%run_scoped3A_62 : memref<!tpu.dma_semaphore, #tpu.memory_space<semaphore_mem>>) {add = true}
        %dma_wait3A_69 = arith.constant 0 : i32
        %dma_wait3A_70 = tpu.memref_slice %arg8[%mul3A_32, %dma_wait3A_69] : memref<40x128xi32, #tpu.memory_space<vmem>> -> memref<1x128xi32, #tpu.memory_space<vmem>>
        %dma_wait3A_71 = tpu.memref_squeeze %dma_wait3A_70 : memref<1x128xi32, #tpu.memory_space<vmem>> -> memref<128xi32, #tpu.memory_space<vmem>>
        %dma_wait3A_72 = arith.constant 0 : i32
        %dma_wait3A_73 = arith.constant 0 : i32
        %dma_wait3A_74 = tpu.memref_slice %arg11[%dma_wait3A_72, %dma_wait3A_73] : memref<10240x128xf32, #tpu.memory_space<vmem_shared>> -> memref<10240x128xf32, #tpu.memory_space<vmem_shared>>
        tpu.wait_indirect_dma semaphore(%run_scoped3A_62 : memref<!tpu.dma_semaphore, #tpu.memory_space<semaphore_mem>>) src(%arg9 : memref<128x128xf32, #tpu.memory_space<vmem>>) dst(%dma_wait3A_74 : memref<10240x128xf32, #tpu.memory_space<vmem_shared>>)
        tpu.yield
      }) : () -> ()
      %dma_wait3A_55 = tpu.memref_slice %arg7[%mul3A_46] : memref<10112xi32, #tpu.memory_space<vmem>> -> memref<128xi32, #tpu.memory_space<vmem>>
      %dma_wait3A_56 = arith.constant 0 : i32
      %dma_wait3A_57 = arith.constant 0 : i32
      %dma_wait3A_58 = tpu.memref_slice %arg2[%dma_wait3A_56, %dma_wait3A_57] : memref<10240x128xf32, #tpu.memory_space<hbm>> -> memref<10240x128xf32, #tpu.memory_space<hbm>>
      tpu.wait_indirect_dma semaphore(%arg13 : memref<!tpu.dma_semaphore, #tpu.memory_space<semaphore_mem>>) src(%dma_wait3A_58 : memref<10240x128xf32, #tpu.memory_space<hbm>>) dst(%arg10 : memref<128x128xf32, #tpu.memory_space<vmem>>)
      %add3A_59 = arith.constant 1 : i32
      %add3A_60 = arith.addi %mul3A_32, %add3A_59 : i32
      "tpu.region"() ({
        %run_scoped3A_62 = tpu.sem_alloc : memref<!tpu.dma_semaphore, #tpu.memory_space<semaphore_mem>>
        %dma_start3A_63 = arith.constant 0 : i32
        %dma_start3A_64 = tpu.memref_slice %arg8[%add3A_60, %dma_start3A_63] : memref<40x128xi32, #tpu.memory_space<vmem>> -> memref<1x128xi32, #tpu.memory_space<vmem>>
        %dma_start3A_65 = tpu.memref_squeeze %dma_start3A_64 : memref<1x128xi32, #tpu.memory_space<vmem>> -> memref<128xi32, #tpu.memory_space<vmem>>
        %dma_start3A_66 = arith.constant 0 : i32
        %dma_start3A_67 = arith.constant 0 : i32
        %dma_start3A_68 = tpu.memref_slice %arg11[%dma_start3A_66, %dma_start3A_67] : memref<10240x128xf32, #tpu.memory_space<vmem_shared>> -> memref<10240x128xf32, #tpu.memory_space<vmem_shared>>
        tpu.enqueue_indirect_dma source(%arg10 : memref<128x128xf32, #tpu.memory_space<vmem>>) target(%dma_start3A_68 : memref<10240x128xf32, #tpu.memory_space<vmem_shared>>) offsets(%dma_start3A_65 : memref<128xi32, #tpu.memory_space<vmem>>) semaphore(%run_scoped3A_62 : memref<!tpu.dma_semaphore, #tpu.memory_space<semaphore_mem>>) {add = true}
        %dma_wait3A_69 = arith.constant 0 : i32
        %dma_wait3A_70 = tpu.memref_slice %arg8[%add3A_60, %dma_wait3A_69] : memref<40x128xi32, #tpu.memory_space<vmem>> -> memref<1x128xi32, #tpu.memory_space<vmem>>
        %dma_wait3A_71 = tpu.memref_squeeze %dma_wait3A_70 : memref<1x128xi32, #tpu.memory_space<vmem>> -> memref<128xi32, #tpu.memory_space<vmem>>
        %dma_wait3A_72 = arith.constant 0 : i32
        %dma_wait3A_73 = arith.constant 0 : i32
        %dma_wait3A_74 = tpu.memref_slice %arg11[%dma_wait3A_72, %dma_wait3A_73] : memref<10240x128xf32, #tpu.memory_space<vmem_shared>> -> memref<10240x128xf32, #tpu.memory_space<vmem_shared>>
        tpu.wait_indirect_dma semaphore(%run_scoped3A_62 : memref<!tpu.dma_semaphore, #tpu.memory_space<semaphore_mem>>) src(%arg10 : memref<128x128xf32, #tpu.memory_space<vmem>>) dst(%dma_wait3A_74 : memref<10240x128xf32, #tpu.memory_space<vmem_shared>>)
        tpu.yield
      }) : () -> ()
      %scan3A_61 = arith.constant 0 : i32
      scf.yield %scan3A_61 : i32
    }
    %scan3A_8 = arith.constant 20 : i32
    "tpu.region"() ({
      %run_scoped3A_29 = tpu.sem_alloc : memref<!tpu.dma_semaphore, #tpu.memory_space<semaphore_mem>>
      %dma_start3A_30 = arith.constant 0 : i32
      %dma_start3A_31 = arith.constant 0 : i32
      %dma_start3A_32 = tpu.memref_slice %arg8[%dma_start3A_30, %dma_start3A_31] : memref<40x128xi32, #tpu.memory_space<vmem>> -> memref<39x128xi32, #tpu.memory_space<vmem>>
      %dma_start3A_33 = arith.constant 40 : i32
      %dma_start3A_34 = arith.constant 0 : i32
      %dma_start3A_35 = tpu.memref_slice %arg4[%add3A, %dma_start3A_33, %dma_start3A_34] : memref<32x79x128xi32, #tpu.memory_space<hbm>> -> memref<1x39x128xi32, #tpu.memory_space<hbm>>
      %dma_start3A_36 = tpu.memref_squeeze %dma_start3A_35 : memref<1x39x128xi32, #tpu.memory_space<hbm>> -> memref<39x128xi32, #tpu.memory_space<hbm>>
      %dma_start3A_37 = arith.constant 0 : i32
      %dma_start3A_38 = arith.constant 0 : i32
      %dma_start3A_39 = tpu.memref_slice %arg8[%dma_start3A_37, %dma_start3A_38] : memref<40x128xi32, #tpu.memory_space<vmem>> -> memref<39x128xi32, #tpu.memory_space<vmem>>
      %dma_start3A_40 = arith.constant 40 : i32
      %dma_start3A_41 = arith.constant 0 : i32
      %dma_start3A_42 = tpu.memref_slice %arg4[%add3A, %dma_start3A_40, %dma_start3A_41] : memref<32x79x128xi32, #tpu.memory_space<hbm>> -> memref<1x39x128xi32, #tpu.memory_space<hbm>>
      %dma_start3A_43 = tpu.memref_squeeze %dma_start3A_42 : memref<1x39x128xi32, #tpu.memory_space<hbm>> -> memref<39x128xi32, #tpu.memory_space<hbm>>
      tpu.enqueue_dma source(%dma_start3A_43 : memref<39x128xi32, #tpu.memory_space<hbm>>) target(%dma_start3A_39 : memref<39x128xi32, #tpu.memory_space<vmem>>) target_semaphore(%run_scoped3A_29 : memref<!tpu.dma_semaphore, #tpu.memory_space<semaphore_mem>>)
      %dma_wait3A_44 = arith.constant 0 : i32
      %dma_wait3A_45 = arith.constant 0 : i32
      %dma_wait3A_46 = tpu.memref_slice %arg8[%dma_wait3A_44, %dma_wait3A_45] : memref<40x128xi32, #tpu.memory_space<vmem>> -> memref<39x128xi32, #tpu.memory_space<vmem>>
      %dma_wait3A_47 = arith.constant 40 : i32
      %dma_wait3A_48 = arith.constant 0 : i32
      %dma_wait3A_49 = tpu.memref_slice %arg4[%add3A, %dma_wait3A_47, %dma_wait3A_48] : memref<32x79x128xi32, #tpu.memory_space<hbm>> -> memref<1x39x128xi32, #tpu.memory_space<hbm>>
      %dma_wait3A_50 = tpu.memref_squeeze %dma_wait3A_49 : memref<1x39x128xi32, #tpu.memory_space<hbm>> -> memref<39x128xi32, #tpu.memory_space<hbm>>
      %dma_wait3A_51 = arith.constant 0 : i32
      %dma_wait3A_52 = arith.constant 0 : i32
      %dma_wait3A_53 = tpu.memref_slice %arg8[%dma_wait3A_51, %dma_wait3A_52] : memref<40x128xi32, #tpu.memory_space<vmem>> -> memref<39x128xi32, #tpu.memory_space<vmem>>
      %dma_wait3A_54 = arith.constant 40 : i32
      %dma_wait3A_55 = arith.constant 0 : i32
      %dma_wait3A_56 = tpu.memref_slice %arg4[%add3A, %dma_wait3A_54, %dma_wait3A_55] : memref<32x79x128xi32, #tpu.memory_space<hbm>> -> memref<1x39x128xi32, #tpu.memory_space<hbm>>
      %dma_wait3A_57 = tpu.memref_squeeze %dma_wait3A_56 : memref<1x39x128xi32, #tpu.memory_space<hbm>> -> memref<39x128xi32, #tpu.memory_space<hbm>>
      tpu.wait_dma2 semaphore(%run_scoped3A_29 : memref<!tpu.dma_semaphore, #tpu.memory_space<semaphore_mem>>) src(%dma_wait3A_57 : memref<39x128xi32, #tpu.memory_space<hbm>>) dst(%dma_wait3A_53 : memref<39x128xi32, #tpu.memory_space<vmem>>)
      tpu.yield
    }) : () -> ()
    %scan3A_9 = arith.constant 0 : i32
    %scan3A_10 = arith.constant 0 : i32
    %scan3A_11 = arith.constant 19 : i32
    %scan3A_12 = arith.addi %scan3A_10, %scan3A_11 : i32
    %scan3A_13 = arith.constant 1 : i32
    %scan3A_14 = scf.for %scan3A_29 = %scan3A_10 to %scan3A_12 step %scan3A_13 iter_args(%scan3A_30 = %scan3A_9) -> (i32)  : i32 {
      %mul3A_31 = arith.constant 2 : i32
      %mul3A_32 = arith.muli %mul3A_31, %scan3A_29 : i32
      %add3A_33 = arith.constant 40 : i32
      %add3A_34 = arith.addi %add3A_33, %mul3A_32 : i32
      %mul3A_35 = arith.constant 128 : i32
      %mul3A_36 = arith.muli %add3A_34, %mul3A_35 : i32
      %dma_start3A_37 = tpu.memref_slice %arg7[%mul3A_36] : memref<10112xi32, #tpu.memory_space<vmem>> -> memref<128xi32, #tpu.memory_space<vmem>>
      %dma_start3A_38 = arith.constant 0 : i32
      %dma_start3A_39 = arith.constant 0 : i32
      %dma_start3A_40 = tpu.memref_slice %arg2[%dma_start3A_38, %dma_start3A_39] : memref<10240x128xf32, #tpu.memory_space<hbm>> -> memref<10240x128xf32, #tpu.memory_space<hbm>>
      tpu.enqueue_indirect_dma source(%dma_start3A_40 : memref<10240x128xf32, #tpu.memory_space<hbm>>) target(%arg9 : memref<128x128xf32, #tpu.memory_space<vmem>>) offsets(%dma_start3A_37 : memref<128xi32, #tpu.memory_space<vmem>>) semaphore(%arg12 : memref<!tpu.dma_semaphore, #tpu.memory_space<semaphore_mem>>)
      %add3A_41 = arith.constant 40 : i32
      %add3A_42 = arith.addi %add3A_41, %mul3A_32 : i32
      %add3A_43 = arith.constant 1 : i32
      %add3A_44 = arith.addi %add3A_42, %add3A_43 : i32
      %mul3A_45 = arith.constant 128 : i32
      %mul3A_46 = arith.muli %add3A_44, %mul3A_45 : i32
      %dma_start3A_47 = tpu.memref_slice %arg7[%mul3A_46] : memref<10112xi32, #tpu.memory_space<vmem>> -> memref<128xi32, #tpu.memory_space<vmem>>
      %dma_start3A_48 = arith.constant 0 : i32
      %dma_start3A_49 = arith.constant 0 : i32
      %dma_start3A_50 = tpu.memref_slice %arg2[%dma_start3A_48, %dma_start3A_49] : memref<10240x128xf32, #tpu.memory_space<hbm>> -> memref<10240x128xf32, #tpu.memory_space<hbm>>
      tpu.enqueue_indirect_dma source(%dma_start3A_50 : memref<10240x128xf32, #tpu.memory_space<hbm>>) target(%arg10 : memref<128x128xf32, #tpu.memory_space<vmem>>) offsets(%dma_start3A_47 : memref<128xi32, #tpu.memory_space<vmem>>) semaphore(%arg13 : memref<!tpu.dma_semaphore, #tpu.memory_space<semaphore_mem>>)
      %dma_wait3A_51 = tpu.memref_slice %arg7[%mul3A_36] : memref<10112xi32, #tpu.memory_space<vmem>> -> memref<128xi32, #tpu.memory_space<vmem>>
      %dma_wait3A_52 = arith.constant 0 : i32
      %dma_wait3A_53 = arith.constant 0 : i32
      %dma_wait3A_54 = tpu.memref_slice %arg2[%dma_wait3A_52, %dma_wait3A_53] : memref<10240x128xf32, #tpu.memory_space<hbm>> -> memref<10240x128xf32, #tpu.memory_space<hbm>>
      tpu.wait_indirect_dma semaphore(%arg12 : memref<!tpu.dma_semaphore, #tpu.memory_space<semaphore_mem>>) src(%dma_wait3A_54 : memref<10240x128xf32, #tpu.memory_space<hbm>>) dst(%arg9 : memref<128x128xf32, #tpu.memory_space<vmem>>)
      "tpu.region"() ({
        %run_scoped3A_62 = tpu.sem_alloc : memref<!tpu.dma_semaphore, #tpu.memory_space<semaphore_mem>>
        %dma_start3A_63 = arith.constant 0 : i32
        %dma_start3A_64 = tpu.memref_slice %arg8[%mul3A_32, %dma_start3A_63] : memref<40x128xi32, #tpu.memory_space<vmem>> -> memref<1x128xi32, #tpu.memory_space<vmem>>
        %dma_start3A_65 = tpu.memref_squeeze %dma_start3A_64 : memref<1x128xi32, #tpu.memory_space<vmem>> -> memref<128xi32, #tpu.memory_space<vmem>>
        %dma_start3A_66 = arith.constant 0 : i32
        %dma_start3A_67 = arith.constant 0 : i32
        %dma_start3A_68 = tpu.memref_slice %arg11[%dma_start3A_66, %dma_start3A_67] : memref<10240x128xf32, #tpu.memory_space<vmem_shared>> -> memref<10240x128xf32, #tpu.memory_space<vmem_shared>>
        tpu.enqueue_indirect_dma source(%arg9 : memref<128x128xf32, #tpu.memory_space<vmem>>) target(%dma_start3A_68 : memref<10240x128xf32, #tpu.memory_space<vmem_shared>>) offsets(%dma_start3A_65 : memref<128xi32, #tpu.memory_space<vmem>>) semaphore(%run_scoped3A_62 : memref<!tpu.dma_semaphore, #tpu.memory_space<semaphore_mem>>) {add = true}
        %dma_wait3A_69 = arith.constant 0 : i32
        %dma_wait3A_70 = tpu.memref_slice %arg8[%mul3A_32, %dma_wait3A_69] : memref<40x128xi32, #tpu.memory_space<vmem>> -> memref<1x128xi32, #tpu.memory_space<vmem>>
        %dma_wait3A_71 = tpu.memref_squeeze %dma_wait3A_70 : memref<1x128xi32, #tpu.memory_space<vmem>> -> memref<128xi32, #tpu.memory_space<vmem>>
        %dma_wait3A_72 = arith.constant 0 : i32
        %dma_wait3A_73 = arith.constant 0 : i32
        %dma_wait3A_74 = tpu.memref_slice %arg11[%dma_wait3A_72, %dma_wait3A_73] : memref<10240x128xf32, #tpu.memory_space<vmem_shared>> -> memref<10240x128xf32, #tpu.memory_space<vmem_shared>>
        tpu.wait_indirect_dma semaphore(%run_scoped3A_62 : memref<!tpu.dma_semaphore, #tpu.memory_space<semaphore_mem>>) src(%arg9 : memref<128x128xf32, #tpu.memory_space<vmem>>) dst(%dma_wait3A_74 : memref<10240x128xf32, #tpu.memory_space<vmem_shared>>)
        tpu.yield
      }) : () -> ()
      %dma_wait3A_55 = tpu.memref_slice %arg7[%mul3A_46] : memref<10112xi32, #tpu.memory_space<vmem>> -> memref<128xi32, #tpu.memory_space<vmem>>
      %dma_wait3A_56 = arith.constant 0 : i32
      %dma_wait3A_57 = arith.constant 0 : i32
      %dma_wait3A_58 = tpu.memref_slice %arg2[%dma_wait3A_56, %dma_wait3A_57] : memref<10240x128xf32, #tpu.memory_space<hbm>> -> memref<10240x128xf32, #tpu.memory_space<hbm>>
      tpu.wait_indirect_dma semaphore(%arg13 : memref<!tpu.dma_semaphore, #tpu.memory_space<semaphore_mem>>) src(%dma_wait3A_58 : memref<10240x128xf32, #tpu.memory_space<hbm>>) dst(%arg10 : memref<128x128xf32, #tpu.memory_space<vmem>>)
      %add3A_59 = arith.constant 1 : i32
      %add3A_60 = arith.addi %mul3A_32, %add3A_59 : i32
      "tpu.region"() ({
        %run_scoped3A_62 = tpu.sem_alloc : memref<!tpu.dma_semaphore, #tpu.memory_space<semaphore_mem>>
        %dma_start3A_63 = arith.constant 0 : i32
        %dma_start3A_64 = tpu.memref_slice %arg8[%add3A_60, %dma_start3A_63] : memref<40x128xi32, #tpu.memory_space<vmem>> -> memref<1x128xi32, #tpu.memory_space<vmem>>
        %dma_start3A_65 = tpu.memref_squeeze %dma_start3A_64 : memref<1x128xi32, #tpu.memory_space<vmem>> -> memref<128xi32, #tpu.memory_space<vmem>>
        %dma_start3A_66 = arith.constant 0 : i32
        %dma_start3A_67 = arith.constant 0 : i32
        %dma_start3A_68 = tpu.memref_slice %arg11[%dma_start3A_66, %dma_start3A_67] : memref<10240x128xf32, #tpu.memory_space<vmem_shared>> -> memref<10240x128xf32, #tpu.memory_space<vmem_shared>>
        tpu.enqueue_indirect_dma source(%arg10 : memref<128x128xf32, #tpu.memory_space<vmem>>) target(%dma_start3A_68 : memref<10240x128xf32, #tpu.memory_space<vmem_shared>>) offsets(%dma_start3A_65 : memref<128xi32, #tpu.memory_space<vmem>>) semaphore(%run_scoped3A_62 : memref<!tpu.dma_semaphore, #tpu.memory_space<semaphore_mem>>) {add = true}
        %dma_wait3A_69 = arith.constant 0 : i32
        %dma_wait3A_70 = tpu.memref_slice %arg8[%add3A_60, %dma_wait3A_69] : memref<40x128xi32, #tpu.memory_space<vmem>> -> memref<1x128xi32, #tpu.memory_space<vmem>>
        %dma_wait3A_71 = tpu.memref_squeeze %dma_wait3A_70 : memref<1x128xi32, #tpu.memory_space<vmem>> -> memref<128xi32, #tpu.memory_space<vmem>>
        %dma_wait3A_72 = arith.constant 0 : i32
        %dma_wait3A_73 = arith.constant 0 : i32
        %dma_wait3A_74 = tpu.memref_slice %arg11[%dma_wait3A_72, %dma_wait3A_73] : memref<10240x128xf32, #tpu.memory_space<vmem_shared>> -> memref<10240x128xf32, #tpu.memory_space<vmem_shared>>
        tpu.wait_indirect_dma semaphore(%run_scoped3A_62 : memref<!tpu.dma_semaphore, #tpu.memory_space<semaphore_mem>>) src(%arg10 : memref<128x128xf32, #tpu.memory_space<vmem>>) dst(%dma_wait3A_74 : memref<10240x128xf32, #tpu.memory_space<vmem_shared>>)
        tpu.yield
      }) : () -> ()
      %scan3A_61 = arith.constant 0 : i32
      scf.yield %scan3A_61 : i32
    }
    %scan3A_15 = arith.constant 19 : i32
    %dma_start3A = arith.constant 9984 : i32
    %dma_start3A_16 = tpu.memref_slice %arg7[%dma_start3A] : memref<10112xi32, #tpu.memory_space<vmem>> -> memref<128xi32, #tpu.memory_space<vmem>>
    %dma_start3A_17 = arith.constant 0 : i32
    %dma_start3A_18 = arith.constant 0 : i32
    %dma_start3A_19 = tpu.memref_slice %arg2[%dma_start3A_17, %dma_start3A_18] : memref<10240x128xf32, #tpu.memory_space<hbm>> -> memref<10240x128xf32, #tpu.memory_space<hbm>>
    tpu.enqueue_indirect_dma source(%dma_start3A_19 : memref<10240x128xf32, #tpu.memory_space<hbm>>) target(%arg9 : memref<128x128xf32, #tpu.memory_space<vmem>>) offsets(%dma_start3A_16 : memref<128xi32, #tpu.memory_space<vmem>>) semaphore(%arg12 : memref<!tpu.dma_semaphore, #tpu.memory_space<semaphore_mem>>)
    %dma_wait3A = arith.constant 9984 : i32
    %dma_wait3A_20 = tpu.memref_slice %arg7[%dma_wait3A] : memref<10112xi32, #tpu.memory_space<vmem>> -> memref<128xi32, #tpu.memory_space<vmem>>
    %dma_wait3A_21 = arith.constant 0 : i32
    %dma_wait3A_22 = arith.constant 0 : i32
    %dma_wait3A_23 = tpu.memref_slice %arg2[%dma_wait3A_21, %dma_wait3A_22] : memref<10240x128xf32, #tpu.memory_space<hbm>> -> memref<10240x128xf32, #tpu.memory_space<hbm>>
    tpu.wait_indirect_dma semaphore(%arg12 : memref<!tpu.dma_semaphore, #tpu.memory_space<semaphore_mem>>) src(%dma_wait3A_23 : memref<10240x128xf32, #tpu.memory_space<hbm>>) dst(%arg9 : memref<128x128xf32, #tpu.memory_space<vmem>>)
    %run_scoped3A = arith.constant 38 : i32
    "tpu.region"() ({
      %run_scoped3A_29 = tpu.sem_alloc : memref<!tpu.dma_semaphore, #tpu.memory_space<semaphore_mem>>
      %dma_start3A_30 = arith.constant 0 : i32
      %dma_start3A_31 = tpu.memref_slice %arg8[%run_scoped3A, %dma_start3A_30] : memref<40x128xi32, #tpu.memory_space<vmem>> -> memref<1x128xi32, #tpu.memory_space<vmem>>
      %dma_start3A_32 = tpu.memref_squeeze %dma_start3A_31 : memref<1x128xi32, #tpu.memory_space<vmem>> -> memref<128xi32, #tpu.memory_space<vmem>>
      %dma_start3A_33 = arith.constant 0 : i32
      %dma_start3A_34 = arith.constant 0 : i32
      %dma_start3A_35 = tpu.memref_slice %arg11[%dma_start3A_33, %dma_start3A_34] : memref<10240x128xf32, #tpu.memory_space<vmem_shared>> -> memref<10240x128xf32, #tpu.memory_space<vmem_shared>>
      tpu.enqueue_indirect_dma source(%arg9 : memref<128x128xf32, #tpu.memory_space<vmem>>) target(%dma_start3A_35 : memref<10240x128xf32, #tpu.memory_space<vmem_shared>>) offsets(%dma_start3A_32 : memref<128xi32, #tpu.memory_space<vmem>>) semaphore(%run_scoped3A_29 : memref<!tpu.dma_semaphore, #tpu.memory_space<semaphore_mem>>) {add = true}
      %dma_wait3A_36 = arith.constant 0 : i32
      %dma_wait3A_37 = tpu.memref_slice %arg8[%run_scoped3A, %dma_wait3A_36] : memref<40x128xi32, #tpu.memory_space<vmem>> -> memref<1x128xi32, #tpu.memory_space<vmem>>
      %dma_wait3A_38 = tpu.memref_squeeze %dma_wait3A_37 : memref<1x128xi32, #tpu.memory_space<vmem>> -> memref<128xi32, #tpu.memory_space<vmem>>
      %dma_wait3A_39 = arith.constant 0 : i32
      %dma_wait3A_40 = arith.constant 0 : i32
      %dma_wait3A_41 = tpu.memref_slice %arg11[%dma_wait3A_39, %dma_wait3A_40] : memref<10240x128xf32, #tpu.memory_space<vmem_shared>> -> memref<10240x128xf32, #tpu.memory_space<vmem_shared>>
      tpu.wait_indirect_dma semaphore(%run_scoped3A_29 : memref<!tpu.dma_semaphore, #tpu.memory_space<semaphore_mem>>) src(%arg9 : memref<128x128xf32, #tpu.memory_space<vmem>>) dst(%dma_wait3A_41 : memref<10240x128xf32, #tpu.memory_space<vmem_shared>>)
      tpu.yield
    }) : () -> ()
    %barrier3A_24 = arith.constant 0 : index
    tpu.barrier barrier_id(%barrier3A_24)
    %mul3A_25 = arith.constant 640 : i32
    %mul3A_26 = arith.muli %arg1, %mul3A_25 : i32
    %mul3A_27 = arith.constant 640 : i32
    %mul3A_28 = arith.muli %arg1, %mul3A_27 : i32
    "tpu.region"() ({
      %run_scoped3A_29 = tpu.sem_alloc : memref<!tpu.dma_semaphore, #tpu.memory_space<semaphore_mem>>
      %dma_start3A_30 = arith.constant 0 : i32
      %dma_start3A_31 = tpu.memref_slice %arg6[%arg0, %mul3A_28, %dma_start3A_30] : memref<2x10240x128xf32, #tpu.memory_space<hbm>> -> memref<1x640x128xf32, #tpu.memory_space<hbm>>
      %dma_start3A_32 = tpu.memref_squeeze %dma_start3A_31 : memref<1x640x128xf32, #tpu.memory_space<hbm>> -> memref<640x128xf32, #tpu.memory_space<hbm>>
      %dma_start3A_33 = arith.constant 0 : i32
      %dma_start3A_34 = tpu.memref_slice %arg11[%mul3A_26, %dma_start3A_33] : memref<10240x128xf32, #tpu.memory_space<vmem_shared>> -> memref<640x128xf32, #tpu.memory_space<vmem_shared>>
      tpu.enqueue_dma source(%dma_start3A_34 : memref<640x128xf32, #tpu.memory_space<vmem_shared>>) target(%dma_start3A_32 : memref<640x128xf32, #tpu.memory_space<hbm>>) target_semaphore(%run_scoped3A_29 : memref<!tpu.dma_semaphore, #tpu.memory_space<semaphore_mem>>)
      %dma_wait3A_35 = arith.constant 0 : i32
      %dma_wait3A_36 = tpu.memref_slice %arg6[%arg0, %mul3A_28, %dma_wait3A_35] : memref<2x10240x128xf32, #tpu.memory_space<hbm>> -> memref<1x640x128xf32, #tpu.memory_space<hbm>>
      %dma_wait3A_37 = tpu.memref_squeeze %dma_wait3A_36 : memref<1x640x128xf32, #tpu.memory_space<hbm>> -> memref<640x128xf32, #tpu.memory_space<hbm>>
      %dma_wait3A_38 = arith.constant 0 : i32
      %dma_wait3A_39 = tpu.memref_slice %arg11[%mul3A_26, %dma_wait3A_38] : memref<10240x128xf32, #tpu.memory_space<vmem_shared>> -> memref<640x128xf32, #tpu.memory_space<vmem_shared>>
      tpu.wait_dma2 semaphore(%run_scoped3A_29 : memref<!tpu.dma_semaphore, #tpu.memory_space<semaphore_mem>>) src(%dma_wait3A_39 : memref<640x128xf32, #tpu.memory_space<vmem_shared>>) dst(%dma_wait3A_37 : memref<640x128xf32, #tpu.memory_space<hbm>>)
      tpu.yield
    }) : () -> ()
    return
  }
}

#map = affine_map<(d0, d1) -> (0, 0, 0)>
#map1 = affine_map<(d0, d1) -> (0, 0)>
module attributes {stable_mosaic.version = 14 : i64} {
  func.func @_sc_counts_body(%arg0: i32, %arg1: i32, %arg2: memref<32x79x128xi32, #tpu.memory_space<hbm>>, %arg3: memref<640x128xf32, #tpu.memory_space<hbm>>, %arg4: memref<128x128xf32, #tpu.memory_space<hbm>>, %arg5: memref<2x10240x128xf32, #tpu.memory_space<hbm>>, %arg6: memref<79x128xi32, #tpu.memory_space<vmem>>, %arg7: memref<128x128xf32, #tpu.memory_space<vmem>>, %arg8: memref<10240x128xf32, #tpu.memory_space<vmem_shared>>) attributes {dimension_semantics = [#tpu.dimension_semantics<core_parallel>, #tpu.dimension_semantics<subcore_parallel>], iteration_bounds = array<i64: 2, 16>, scalar_prefetch = 0 : i64, scratch_operands = 3 : i64, tpu.core_type = #tpu.core_type<sc_vector_subcore>, window_params = [{transform_indices = #map}, {transform_indices = #map1}, {transform_indices = #map1}, {transform_indices = #map}]} {
    %mul3A = arith.constant 2 : i32
    %mul3A_0 = arith.muli %arg1, %mul3A : i32
    %add3A = arith.addi %mul3A_0, %arg0 : i32
    "tpu.region"() ({
      %run_scoped3A = tpu.sem_alloc : memref<!tpu.dma_semaphore, #tpu.memory_space<semaphore_mem>>
      %dma_start3A = arith.constant 0 : i32
      %dma_start3A_14 = arith.constant 0 : i32
      %dma_start3A_15 = tpu.memref_slice %arg2[%add3A, %dma_start3A, %dma_start3A_14] : memref<32x79x128xi32, #tpu.memory_space<hbm>> -> memref<1x79x128xi32, #tpu.memory_space<hbm>>
      %dma_start3A_16 = tpu.memref_squeeze %dma_start3A_15 : memref<1x79x128xi32, #tpu.memory_space<hbm>> -> memref<79x128xi32, #tpu.memory_space<hbm>>
      %dma_start3A_17 = arith.constant 0 : i32
      %dma_start3A_18 = arith.constant 0 : i32
      %dma_start3A_19 = tpu.memref_slice %arg2[%add3A, %dma_start3A_17, %dma_start3A_18] : memref<32x79x128xi32, #tpu.memory_space<hbm>> -> memref<1x79x128xi32, #tpu.memory_space<hbm>>
      %dma_start3A_20 = tpu.memref_squeeze %dma_start3A_19 : memref<1x79x128xi32, #tpu.memory_space<hbm>> -> memref<79x128xi32, #tpu.memory_space<hbm>>
      tpu.enqueue_dma source(%dma_start3A_20 : memref<79x128xi32, #tpu.memory_space<hbm>>) target(%arg6 : memref<79x128xi32, #tpu.memory_space<vmem>>) target_semaphore(%run_scoped3A : memref<!tpu.dma_semaphore, #tpu.memory_space<semaphore_mem>>)
      %dma_wait3A = arith.constant 0 : i32
      %dma_wait3A_21 = arith.constant 0 : i32
      %dma_wait3A_22 = tpu.memref_slice %arg2[%add3A, %dma_wait3A, %dma_wait3A_21] : memref<32x79x128xi32, #tpu.memory_space<hbm>> -> memref<1x79x128xi32, #tpu.memory_space<hbm>>
      %dma_wait3A_23 = tpu.memref_squeeze %dma_wait3A_22 : memref<1x79x128xi32, #tpu.memory_space<hbm>> -> memref<79x128xi32, #tpu.memory_space<hbm>>
      %dma_wait3A_24 = arith.constant 0 : i32
      %dma_wait3A_25 = arith.constant 0 : i32
      %dma_wait3A_26 = tpu.memref_slice %arg2[%add3A, %dma_wait3A_24, %dma_wait3A_25] : memref<32x79x128xi32, #tpu.memory_space<hbm>> -> memref<1x79x128xi32, #tpu.memory_space<hbm>>
      %dma_wait3A_27 = tpu.memref_squeeze %dma_wait3A_26 : memref<1x79x128xi32, #tpu.memory_space<hbm>> -> memref<79x128xi32, #tpu.memory_space<hbm>>
      tpu.wait_dma2 semaphore(%run_scoped3A : memref<!tpu.dma_semaphore, #tpu.memory_space<semaphore_mem>>) src(%dma_wait3A_27 : memref<79x128xi32, #tpu.memory_space<hbm>>) dst(%arg6 : memref<79x128xi32, #tpu.memory_space<vmem>>)
      tpu.yield
    }) : () -> ()
    %mul3A_1 = arith.constant 640 : i32
    %mul3A_2 = arith.muli %arg1, %mul3A_1 : i32
    "tpu.region"() ({
      %run_scoped3A = tpu.sem_alloc : memref<!tpu.dma_semaphore, #tpu.memory_space<semaphore_mem>>
      %dma_start3A = arith.constant 0 : i32
      %dma_start3A_14 = tpu.memref_slice %arg8[%mul3A_2, %dma_start3A] : memref<10240x128xf32, #tpu.memory_space<vmem_shared>> -> memref<640x128xf32, #tpu.memory_space<vmem_shared>>
      tpu.enqueue_dma source(%arg3 : memref<640x128xf32, #tpu.memory_space<hbm>>) target(%dma_start3A_14 : memref<640x128xf32, #tpu.memory_space<vmem_shared>>) target_semaphore(%run_scoped3A : memref<!tpu.dma_semaphore, #tpu.memory_space<semaphore_mem>>)
      %dma_wait3A = arith.constant 0 : i32
      %dma_wait3A_15 = tpu.memref_slice %arg8[%mul3A_2, %dma_wait3A] : memref<10240x128xf32, #tpu.memory_space<vmem_shared>> -> memref<640x128xf32, #tpu.memory_space<vmem_shared>>
      tpu.wait_dma2 semaphore(%run_scoped3A : memref<!tpu.dma_semaphore, #tpu.memory_space<semaphore_mem>>) src(%arg3 : memref<640x128xf32, #tpu.memory_space<hbm>>) dst(%dma_wait3A_15 : memref<640x128xf32, #tpu.memory_space<vmem_shared>>)
      tpu.yield
    }) : () -> ()
    "tpu.region"() ({
      %run_scoped3A = tpu.sem_alloc : memref<!tpu.dma_semaphore, #tpu.memory_space<semaphore_mem>>
      tpu.enqueue_dma source(%arg4 : memref<128x128xf32, #tpu.memory_space<hbm>>) target(%arg7 : memref<128x128xf32, #tpu.memory_space<vmem>>) target_semaphore(%run_scoped3A : memref<!tpu.dma_semaphore, #tpu.memory_space<semaphore_mem>>)
      tpu.wait_dma2 semaphore(%run_scoped3A : memref<!tpu.dma_semaphore, #tpu.memory_space<semaphore_mem>>) src(%arg4 : memref<128x128xf32, #tpu.memory_space<hbm>>) dst(%arg7 : memref<128x128xf32, #tpu.memory_space<vmem>>)
      tpu.yield
    }) : () -> ()
    %barrier3A = arith.constant 0 : index
    tpu.barrier barrier_id(%barrier3A)
    %scan3A = arith.constant 0 : i32
    %scan3A_3 = arith.constant 0 : i32
    %scan3A_4 = arith.constant 79 : i32
    %scan3A_5 = arith.addi %scan3A_3, %scan3A_4 : i32
    %scan3A_6 = arith.constant 1 : i32
    %scan3A_7 = scf.for %scan3A_14 = %scan3A_3 to %scan3A_5 step %scan3A_6 iter_args(%scan3A_15 = %scan3A) -> (i32)  : i32 {
      "tpu.region"() ({
        %run_scoped3A = tpu.sem_alloc : memref<!tpu.dma_semaphore, #tpu.memory_space<semaphore_mem>>
        %dma_start3A = arith.constant 0 : i32
        %dma_start3A_17 = tpu.memref_slice %arg6[%scan3A_14, %dma_start3A] : memref<79x128xi32, #tpu.memory_space<vmem>> -> memref<1x128xi32, #tpu.memory_space<vmem>>
        %dma_start3A_18 = tpu.memref_squeeze %dma_start3A_17 : memref<1x128xi32, #tpu.memory_space<vmem>> -> memref<128xi32, #tpu.memory_space<vmem>>
        %dma_start3A_19 = arith.constant 0 : i32
        %dma_start3A_20 = arith.constant 0 : i32
        %dma_start3A_21 = tpu.memref_slice %arg8[%dma_start3A_19, %dma_start3A_20] : memref<10240x128xf32, #tpu.memory_space<vmem_shared>> -> memref<10240x128xf32, #tpu.memory_space<vmem_shared>>
        tpu.enqueue_indirect_dma source(%arg7 : memref<128x128xf32, #tpu.memory_space<vmem>>) target(%dma_start3A_21 : memref<10240x128xf32, #tpu.memory_space<vmem_shared>>) offsets(%dma_start3A_18 : memref<128xi32, #tpu.memory_space<vmem>>) semaphore(%run_scoped3A : memref<!tpu.dma_semaphore, #tpu.memory_space<semaphore_mem>>) {add = true}
        %dma_wait3A = arith.constant 0 : i32
        %dma_wait3A_22 = tpu.memref_slice %arg6[%scan3A_14, %dma_wait3A] : memref<79x128xi32, #tpu.memory_space<vmem>> -> memref<1x128xi32, #tpu.memory_space<vmem>>
        %dma_wait3A_23 = tpu.memref_squeeze %dma_wait3A_22 : memref<1x128xi32, #tpu.memory_space<vmem>> -> memref<128xi32, #tpu.memory_space<vmem>>
        %dma_wait3A_24 = arith.constant 0 : i32
        %dma_wait3A_25 = arith.constant 0 : i32
        %dma_wait3A_26 = tpu.memref_slice %arg8[%dma_wait3A_24, %dma_wait3A_25] : memref<10240x128xf32, #tpu.memory_space<vmem_shared>> -> memref<10240x128xf32, #tpu.memory_space<vmem_shared>>
        tpu.wait_indirect_dma semaphore(%run_scoped3A : memref<!tpu.dma_semaphore, #tpu.memory_space<semaphore_mem>>) src(%arg7 : memref<128x128xf32, #tpu.memory_space<vmem>>) dst(%dma_wait3A_26 : memref<10240x128xf32, #tpu.memory_space<vmem_shared>>)
        tpu.yield
      }) : () -> ()
      %scan3A_16 = arith.constant 0 : i32
      scf.yield %scan3A_16 : i32
    }
    %scan3A_8 = arith.constant 79 : i32
    %barrier3A_9 = arith.constant 0 : index
    tpu.barrier barrier_id(%barrier3A_9)
    %mul3A_10 = arith.constant 640 : i32
    %mul3A_11 = arith.muli %arg1, %mul3A_10 : i32
    %mul3A_12 = arith.constant 640 : i32
    %mul3A_13 = arith.muli %arg1, %mul3A_12 : i32
    "tpu.region"() ({
      %run_scoped3A = tpu.sem_alloc : memref<!tpu.dma_semaphore, #tpu.memory_space<semaphore_mem>>
      %dma_start3A = arith.constant 0 : i32
      %dma_start3A_14 = tpu.memref_slice %arg5[%arg0, %mul3A_13, %dma_start3A] : memref<2x10240x128xf32, #tpu.memory_space<hbm>> -> memref<1x640x128xf32, #tpu.memory_space<hbm>>
      %dma_start3A_15 = tpu.memref_squeeze %dma_start3A_14 : memref<1x640x128xf32, #tpu.memory_space<hbm>> -> memref<640x128xf32, #tpu.memory_space<hbm>>
      %dma_start3A_16 = arith.constant 0 : i32
      %dma_start3A_17 = tpu.memref_slice %arg8[%mul3A_11, %dma_start3A_16] : memref<10240x128xf32, #tpu.memory_space<vmem_shared>> -> memref<640x128xf32, #tpu.memory_space<vmem_shared>>
      tpu.enqueue_dma source(%dma_start3A_17 : memref<640x128xf32, #tpu.memory_space<vmem_shared>>) target(%dma_start3A_15 : memref<640x128xf32, #tpu.memory_space<hbm>>) target_semaphore(%run_scoped3A : memref<!tpu.dma_semaphore, #tpu.memory_space<semaphore_mem>>)
      %dma_wait3A = arith.constant 0 : i32
      %dma_wait3A_18 = tpu.memref_slice %arg5[%arg0, %mul3A_13, %dma_wait3A] : memref<2x10240x128xf32, #tpu.memory_space<hbm>> -> memref<1x640x128xf32, #tpu.memory_space<hbm>>
      %dma_wait3A_19 = tpu.memref_squeeze %dma_wait3A_18 : memref<1x640x128xf32, #tpu.memory_space<hbm>> -> memref<640x128xf32, #tpu.memory_space<hbm>>
      %dma_wait3A_20 = arith.constant 0 : i32
      %dma_wait3A_21 = tpu.memref_slice %arg8[%mul3A_11, %dma_wait3A_20] : memref<10240x128xf32, #tpu.memory_space<vmem_shared>> -> memref<640x128xf32, #tpu.memory_space<vmem_shared>>
      tpu.wait_dma2 semaphore(%run_scoped3A : memref<!tpu.dma_semaphore, #tpu.memory_space<semaphore_mem>>) src(%dma_wait3A_21 : memref<640x128xf32, #tpu.memory_space<vmem_shared>>) dst(%dma_wait3A_19 : memref<640x128xf32, #tpu.memory_space<hbm>>)
      tpu.yield
    }) : () -> ()
    return
  }
}

#map = affine_map<(d0, d1) -> (0, 0, 0)>
#map1 = affine_map<(d0, d1) -> (0, 0)>
module attributes {stable_mosaic.version = 14 : i64} {
  func.func @_sc_encode_body(%arg0: i32, %arg1: i32, %arg2: memref<32x9x320xi32, #tpu.memory_space<hbm>>, %arg3: memref<1024x128xf32, #tpu.memory_space<hbm>>, %arg4: memref<10240x128xf32, #tpu.memory_space<hbm>>, %arg5: memref<9x320xi32, #tpu.memory_space<vmem>>, %arg6: memref<1x64xi32, #tpu.memory_space<vmem>>, %arg7: memref<64x128xf32, #tpu.memory_space<vmem>>, %arg8: memref<64x128xf32, #tpu.memory_space<vmem>>, %arg9: memref<1024x128xf32, #tpu.memory_space<vmem_shared>>, %arg10: memref<1024x128xf32, #tpu.memory_space<vmem_shared>>, %arg11: memref<!tpu.dma_semaphore, #tpu.memory_space<semaphore_mem>>, %arg12: memref<!tpu.dma_semaphore, #tpu.memory_space<semaphore_mem>>) attributes {dimension_semantics = [#tpu.dimension_semantics<core_parallel>, #tpu.dimension_semantics<subcore_parallel>], iteration_bounds = array<i64: 2, 16>, scalar_prefetch = 0 : i64, scratch_operands = 8 : i64, tpu.core_type = #tpu.core_type<sc_vector_subcore>, window_params = [{transform_indices = #map}, {transform_indices = #map1}, {transform_indices = #map1}]} {
    %mul3A = arith.constant 2 : i32
    %mul3A_0 = arith.muli %arg1, %mul3A : i32
    %add3A = arith.addi %mul3A_0, %arg0 : i32
    "tpu.region"() ({
      %run_scoped3A = tpu.sem_alloc : memref<!tpu.dma_semaphore, #tpu.memory_space<semaphore_mem>>
      %dma_start3A_168 = arith.constant 0 : i32
      %dma_start3A_169 = arith.constant 0 : i32
      %dma_start3A_170 = tpu.memref_slice %arg2[%add3A, %dma_start3A_168, %dma_start3A_169] : memref<32x9x320xi32, #tpu.memory_space<hbm>> -> memref<1x9x320xi32, #tpu.memory_space<hbm>>
      %dma_start3A_171 = tpu.memref_squeeze %dma_start3A_170 : memref<1x9x320xi32, #tpu.memory_space<hbm>> -> memref<9x320xi32, #tpu.memory_space<hbm>>
      %dma_start3A_172 = arith.constant 0 : i32
      %dma_start3A_173 = arith.constant 0 : i32
      %dma_start3A_174 = tpu.memref_slice %arg2[%add3A, %dma_start3A_172, %dma_start3A_173] : memref<32x9x320xi32, #tpu.memory_space<hbm>> -> memref<1x9x320xi32, #tpu.memory_space<hbm>>
      %dma_start3A_175 = tpu.memref_squeeze %dma_start3A_174 : memref<1x9x320xi32, #tpu.memory_space<hbm>> -> memref<9x320xi32, #tpu.memory_space<hbm>>
      tpu.enqueue_dma source(%dma_start3A_175 : memref<9x320xi32, #tpu.memory_space<hbm>>) target(%arg5 : memref<9x320xi32, #tpu.memory_space<vmem>>) target_semaphore(%run_scoped3A : memref<!tpu.dma_semaphore, #tpu.memory_space<semaphore_mem>>)
      %dma_wait3A_176 = arith.constant 0 : i32
      %dma_wait3A_177 = arith.constant 0 : i32
      %dma_wait3A_178 = tpu.memref_slice %arg2[%add3A, %dma_wait3A_176, %dma_wait3A_177] : memref<32x9x320xi32, #tpu.memory_space<hbm>> -> memref<1x9x320xi32, #tpu.memory_space<hbm>>
      %dma_wait3A_179 = tpu.memref_squeeze %dma_wait3A_178 : memref<1x9x320xi32, #tpu.memory_space<hbm>> -> memref<9x320xi32, #tpu.memory_space<hbm>>
      %dma_wait3A_180 = arith.constant 0 : i32
      %dma_wait3A_181 = arith.constant 0 : i32
      %dma_wait3A_182 = tpu.memref_slice %arg2[%add3A, %dma_wait3A_180, %dma_wait3A_181] : memref<32x9x320xi32, #tpu.memory_space<hbm>> -> memref<1x9x320xi32, #tpu.memory_space<hbm>>
      %dma_wait3A_183 = tpu.memref_squeeze %dma_wait3A_182 : memref<1x9x320xi32, #tpu.memory_space<hbm>> -> memref<9x320xi32, #tpu.memory_space<hbm>>
      tpu.wait_dma2 semaphore(%run_scoped3A : memref<!tpu.dma_semaphore, #tpu.memory_space<semaphore_mem>>) src(%dma_wait3A_183 : memref<9x320xi32, #tpu.memory_space<hbm>>) dst(%arg5 : memref<9x320xi32, #tpu.memory_space<vmem>>)
      tpu.yield
    }) : () -> ()
    %mul3A_1 = arith.constant 64 : i32
    %mul3A_2 = arith.muli %arg1, %mul3A_1 : i32
    "tpu.region"() ({
      %run_scoped3A = tpu.sem_alloc : memref<!tpu.dma_semaphore, #tpu.memory_space<semaphore_mem>>
      %dma_start3A_168 = arith.constant 0 : i32
      %dma_start3A_169 = tpu.memref_slice %arg3[%mul3A_2, %dma_start3A_168] : memref<1024x128xf32, #tpu.memory_space<hbm>> -> memref<64x128xf32, #tpu.memory_space<hbm>>
      %dma_start3A_170 = arith.constant 0 : i32
      %dma_start3A_171 = tpu.memref_slice %arg3[%mul3A_2, %dma_start3A_170] : memref<1024x128xf32, #tpu.memory_space<hbm>> -> memref<64x128xf32, #tpu.memory_space<hbm>>
      tpu.enqueue_dma source(%dma_start3A_171 : memref<64x128xf32, #tpu.memory_space<hbm>>) target(%arg7 : memref<64x128xf32, #tpu.memory_space<vmem>>) target_semaphore(%run_scoped3A : memref<!tpu.dma_semaphore, #tpu.memory_space<semaphore_mem>>)
      %dma_wait3A_172 = arith.constant 0 : i32
      %dma_wait3A_173 = tpu.memref_slice %arg3[%mul3A_2, %dma_wait3A_172] : memref<1024x128xf32, #tpu.memory_space<hbm>> -> memref<64x128xf32, #tpu.memory_space<hbm>>
      %dma_wait3A_174 = arith.constant 0 : i32
      %dma_wait3A_175 = tpu.memref_slice %arg3[%mul3A_2, %dma_wait3A_174] : memref<1024x128xf32, #tpu.memory_space<hbm>> -> memref<64x128xf32, #tpu.memory_space<hbm>>
      tpu.wait_dma2 semaphore(%run_scoped3A : memref<!tpu.dma_semaphore, #tpu.memory_space<semaphore_mem>>) src(%dma_wait3A_175 : memref<64x128xf32, #tpu.memory_space<hbm>>) dst(%arg7 : memref<64x128xf32, #tpu.memory_space<vmem>>)
      tpu.yield
    }) : () -> ()
    %mul3A_3 = arith.constant 64 : i32
    %mul3A_4 = arith.muli %arg1, %mul3A_3 : i32
    "tpu.region"() ({
      %run_scoped3A = tpu.sem_alloc : memref<!tpu.dma_semaphore, #tpu.memory_space<semaphore_mem>>
      %dma_start3A_168 = arith.constant 0 : i32
      %dma_start3A_169 = tpu.memref_slice %arg9[%mul3A_4, %dma_start3A_168] : memref<1024x128xf32, #tpu.memory_space<vmem_shared>> -> memref<64x128xf32, #tpu.memory_space<vmem_shared>>
      %dma_start3A_170 = arith.constant 0 : i32
      %dma_start3A_171 = tpu.memref_slice %arg9[%mul3A_4, %dma_start3A_170] : memref<1024x128xf32, #tpu.memory_space<vmem_shared>> -> memref<64x128xf32, #tpu.memory_space<vmem_shared>>
      tpu.enqueue_dma source(%arg7 : memref<64x128xf32, #tpu.memory_space<vmem>>) target(%dma_start3A_171 : memref<64x128xf32, #tpu.memory_space<vmem_shared>>) target_semaphore(%run_scoped3A : memref<!tpu.dma_semaphore, #tpu.memory_space<semaphore_mem>>)
      %dma_wait3A_172 = arith.constant 0 : i32
      %dma_wait3A_173 = tpu.memref_slice %arg9[%mul3A_4, %dma_wait3A_172] : memref<1024x128xf32, #tpu.memory_space<vmem_shared>> -> memref<64x128xf32, #tpu.memory_space<vmem_shared>>
      %dma_wait3A_174 = arith.constant 0 : i32
      %dma_wait3A_175 = tpu.memref_slice %arg9[%mul3A_4, %dma_wait3A_174] : memref<1024x128xf32, #tpu.memory_space<vmem_shared>> -> memref<64x128xf32, #tpu.memory_space<vmem_shared>>
      tpu.wait_dma2 semaphore(%run_scoped3A : memref<!tpu.dma_semaphore, #tpu.memory_space<semaphore_mem>>) src(%arg7 : memref<64x128xf32, #tpu.memory_space<vmem>>) dst(%dma_wait3A_175 : memref<64x128xf32, #tpu.memory_space<vmem_shared>>)
      tpu.yield
    }) : () -> ()
    %barrier3A = arith.constant 0 : index
    tpu.barrier barrier_id(%barrier3A)
    %iota3A = tpu.iota {dimensions = array<i32: 0>} : vector<16xi32>
    %mul3A_5 = arith.constant 64 : i32
    %mul3A_6 = arith.muli %arg1, %mul3A_5 : i32
    %add3A_7 = arith.constant 0 : i32
    %add3A_8 = arith.addi %mul3A_6, %add3A_7 : i32
    %add3A_9 = vector.broadcast %add3A_8 : i32 to vector<16xi32>
    %add3A_10 = arith.addi %iota3A, %add3A_9 : vector<16xi32>
    %swap3A = arith.constant 0 : i32
    %swap3A_11 = arith.index_cast %swap3A : i32 to index
    %swap3A_12 = arith.constant 0 : index
    %swap3A_13 = tpu.vector_load %arg6[%swap3A_11, %swap3A_12] {strides = array<i32>} : memref<1x64xi32, #tpu.memory_space<vmem>>, vector<1x16xi32>,
    %swap3A_14 = vector.shape_cast %swap3A_13 : vector<1x16xi32> to vector<16xi32>
    %swap3A_15 = vector.shape_cast %add3A_10 : vector<16xi32> to vector<1x16xi32>
    tpu.vector_store %arg6[%swap3A_11, %swap3A_12], %swap3A_15 {strides = array<i32>} : memref<1x64xi32, #tpu.memory_space<vmem>>, vector<1x16xi32>,
    %add3A_16 = arith.constant 16 : i32
    %add3A_17 = arith.addi %mul3A_6, %add3A_16 : i32
    %add3A_18 = vector.broadcast %add3A_17 : i32 to vector<16xi32>
    %add3A_19 = arith.addi %iota3A, %add3A_18 : vector<16xi32>
    %swap3A_20 = arith.constant 0 : i32
    %swap3A_21 = arith.index_cast %swap3A_20 : i32 to index
    %swap3A_22 = arith.constant 16 : index
    %swap3A_23 = tpu.vector_load %arg6[%swap3A_21, %swap3A_22] {strides = array<i32>} : memref<1x64xi32, #tpu.memory_space<vmem>>, vector<1x16xi32>,
    %swap3A_24 = vector.shape_cast %swap3A_23 : vector<1x16xi32> to vector<16xi32>
    %swap3A_25 = vector.shape_cast %add3A_19 : vector<16xi32> to vector<1x16xi32>
    tpu.vector_store %arg6[%swap3A_21, %swap3A_22], %swap3A_25 {strides = array<i32>} : memref<1x64xi32, #tpu.memory_space<vmem>>, vector<1x16xi32>,
    %add3A_26 = arith.constant 32 : i32
    %add3A_27 = arith.addi %mul3A_6, %add3A_26 : i32
    %add3A_28 = vector.broadcast %add3A_27 : i32 to vector<16xi32>
    %add3A_29 = arith.addi %iota3A, %add3A_28 : vector<16xi32>
    %swap3A_30 = arith.constant 0 : i32
    %swap3A_31 = arith.index_cast %swap3A_30 : i32 to index
    %swap3A_32 = arith.constant 32 : index
    %swap3A_33 = tpu.vector_load %arg6[%swap3A_31, %swap3A_32] {strides = array<i32>} : memref<1x64xi32, #tpu.memory_space<vmem>>, vector<1x16xi32>,
    %swap3A_34 = vector.shape_cast %swap3A_33 : vector<1x16xi32> to vector<16xi32>
    %swap3A_35 = vector.shape_cast %add3A_29 : vector<16xi32> to vector<1x16xi32>
    tpu.vector_store %arg6[%swap3A_31, %swap3A_32], %swap3A_35 {strides = array<i32>} : memref<1x64xi32, #tpu.memory_space<vmem>>, vector<1x16xi32>,
    %add3A_36 = arith.constant 48 : i32
    %add3A_37 = arith.addi %mul3A_6, %add3A_36 : i32
    %add3A_38 = vector.broadcast %add3A_37 : i32 to vector<16xi32>
    %add3A_39 = arith.addi %iota3A, %add3A_38 : vector<16xi32>
    %swap3A_40 = arith.constant 0 : i32
    %swap3A_41 = arith.index_cast %swap3A_40 : i32 to index
    %swap3A_42 = arith.constant 48 : index
    %swap3A_43 = tpu.vector_load %arg6[%swap3A_41, %swap3A_42] {strides = array<i32>} : memref<1x64xi32, #tpu.memory_space<vmem>>, vector<1x16xi32>,
    %swap3A_44 = vector.shape_cast %swap3A_43 : vector<1x16xi32> to vector<16xi32>
    %swap3A_45 = vector.shape_cast %add3A_39 : vector<16xi32> to vector<1x16xi32>
    tpu.vector_store %arg6[%swap3A_41, %swap3A_42], %swap3A_45 {strides = array<i32>} : memref<1x64xi32, #tpu.memory_space<vmem>>, vector<1x16xi32>,
    %dma_start3A = arith.constant 0 : i32
    %dma_start3A_46 = arith.constant 0 : i32
    %dma_start3A_47 = tpu.memref_slice %arg5[%dma_start3A, %dma_start3A_46] : memref<9x320xi32, #tpu.memory_space<vmem>> -> memref<1x64xi32, #tpu.memory_space<vmem>>
    %dma_start3A_48 = tpu.memref_squeeze %dma_start3A_47 : memref<1x64xi32, #tpu.memory_space<vmem>> -> memref<64xi32, #tpu.memory_space<vmem>>
    %dma_start3A_49 = arith.constant 0 : i32
    %dma_start3A_50 = arith.constant 0 : i32
    %dma_start3A_51 = tpu.memref_slice %arg9[%dma_start3A_49, %dma_start3A_50] : memref<1024x128xf32, #tpu.memory_space<vmem_shared>> -> memref<1024x128xf32, #tpu.memory_space<vmem_shared>>
    tpu.enqueue_indirect_dma source(%dma_start3A_51 : memref<1024x128xf32, #tpu.memory_space<vmem_shared>>) target(%arg7 : memref<64x128xf32, #tpu.memory_space<vmem>>) offsets(%dma_start3A_48 : memref<64xi32, #tpu.memory_space<vmem>>) semaphore(%arg11 : memref<!tpu.dma_semaphore, #tpu.memory_space<semaphore_mem>>)
    %dma_wait3A = arith.constant 0 : i32
    %dma_wait3A_52 = arith.constant 0 : i32
    %dma_wait3A_53 = tpu.memref_slice %arg5[%dma_wait3A, %dma_wait3A_52] : memref<9x320xi32, #tpu.memory_space<vmem>> -> memref<1x64xi32, #tpu.memory_space<vmem>>
    %dma_wait3A_54 = tpu.memref_squeeze %dma_wait3A_53 : memref<1x64xi32, #tpu.memory_space<vmem>> -> memref<64xi32, #tpu.memory_space<vmem>>
    %dma_wait3A_55 = arith.constant 0 : i32
    %dma_wait3A_56 = arith.constant 0 : i32
    %dma_wait3A_57 = tpu.memref_slice %arg9[%dma_wait3A_55, %dma_wait3A_56] : memref<1024x128xf32, #tpu.memory_space<vmem_shared>> -> memref<1024x128xf32, #tpu.memory_space<vmem_shared>>
    tpu.wait_indirect_dma semaphore(%arg11 : memref<!tpu.dma_semaphore, #tpu.memory_space<semaphore_mem>>) src(%dma_wait3A_57 : memref<1024x128xf32, #tpu.memory_space<vmem_shared>>) dst(%arg7 : memref<64x128xf32, #tpu.memory_space<vmem>>)
    "tpu.region"() ({
      %run_scoped3A = tpu.sem_alloc : memref<!tpu.dma_semaphore, #tpu.memory_space<semaphore_mem>>
      %dma_start3A_168 = arith.constant 0 : i32
      %dma_start3A_169 = tpu.memref_slice %arg10[%mul3A_6, %dma_start3A_168] : memref<1024x128xf32, #tpu.memory_space<vmem_shared>> -> memref<64x128xf32, #tpu.memory_space<vmem_shared>>
      %dma_start3A_170 = arith.constant 0 : i32
      %dma_start3A_171 = tpu.memref_slice %arg10[%mul3A_6, %dma_start3A_170] : memref<1024x128xf32, #tpu.memory_space<vmem_shared>> -> memref<64x128xf32, #tpu.memory_space<vmem_shared>>
      tpu.enqueue_dma source(%arg7 : memref<64x128xf32, #tpu.memory_space<vmem>>) target(%dma_start3A_171 : memref<64x128xf32, #tpu.memory_space<vmem_shared>>) target_semaphore(%run_scoped3A : memref<!tpu.dma_semaphore, #tpu.memory_space<semaphore_mem>>)
      %dma_wait3A_172 = arith.constant 0 : i32
      %dma_wait3A_173 = tpu.memref_slice %arg10[%mul3A_6, %dma_wait3A_172] : memref<1024x128xf32, #tpu.memory_space<vmem_shared>> -> memref<64x128xf32, #tpu.memory_space<vmem_shared>>
      %dma_wait3A_174 = arith.constant 0 : i32
      %dma_wait3A_175 = tpu.memref_slice %arg10[%mul3A_6, %dma_wait3A_174] : memref<1024x128xf32, #tpu.memory_space<vmem_shared>> -> memref<64x128xf32, #tpu.memory_space<vmem_shared>>
      tpu.wait_dma2 semaphore(%run_scoped3A : memref<!tpu.dma_semaphore, #tpu.memory_space<semaphore_mem>>) src(%arg7 : memref<64x128xf32, #tpu.memory_space<vmem>>) dst(%dma_wait3A_175 : memref<64x128xf32, #tpu.memory_space<vmem_shared>>)
      tpu.yield
    }) : () -> ()
    %scan3A = arith.constant 0 : i32
    %scan3A_58 = arith.constant 0 : i32
    %scan3A_59 = arith.constant 4 : i32
    %scan3A_60 = arith.addi %scan3A_58, %scan3A_59 : i32
    %scan3A_61 = arith.constant 1 : i32
    %scan3A_62 = scf.for %scan3A_168 = %scan3A_58 to %scan3A_60 step %scan3A_61 iter_args(%scan3A_169 = %scan3A) -> (i32)  : i32 {
      %mul3A_170 = arith.constant 2 : i32
      %mul3A_171 = arith.muli %mul3A_170, %scan3A_168 : i32
      %add3A_172 = arith.constant 1 : i32
      %add3A_173 = arith.addi %add3A_172, %mul3A_171 : i32
      %dma_start3A_174 = arith.constant 0 : i32
      %dma_start3A_175 = tpu.memref_slice %arg5[%add3A_173, %dma_start3A_174] : memref<9x320xi32, #tpu.memory_space<vmem>> -> memref<1x64xi32, #tpu.memory_space<vmem>>
      %dma_start3A_176 = tpu.memref_squeeze %dma_start3A_175 : memref<1x64xi32, #tpu.memory_space<vmem>> -> memref<64xi32, #tpu.memory_space<vmem>>
      %dma_start3A_177 = arith.constant 0 : i32
      %dma_start3A_178 = arith.constant 0 : i32
      %dma_start3A_179 = tpu.memref_slice %arg9[%dma_start3A_177, %dma_start3A_178] : memref<1024x128xf32, #tpu.memory_space<vmem_shared>> -> memref<1024x128xf32, #tpu.memory_space<vmem_shared>>
      tpu.enqueue_indirect_dma source(%dma_start3A_179 : memref<1024x128xf32, #tpu.memory_space<vmem_shared>>) target(%arg7 : memref<64x128xf32, #tpu.memory_space<vmem>>) offsets(%dma_start3A_176 : memref<64xi32, #tpu.memory_space<vmem>>) semaphore(%arg11 : memref<!tpu.dma_semaphore, #tpu.memory_space<semaphore_mem>>)
      %add3A_180 = arith.constant 1 : i32
      %add3A_181 = arith.addi %add3A_173, %add3A_180 : i32
      %dma_start3A_182 = arith.constant 0 : i32
      %dma_start3A_183 = tpu.memref_slice %arg5[%add3A_181, %dma_start3A_182] : memref<9x320xi32, #tpu.memory_space<vmem>> -> memref<1x64xi32, #tpu.memory_space<vmem>>
      %dma_start3A_184 = tpu.memref_squeeze %dma_start3A_183 : memref<1x64xi32, #tpu.memory_space<vmem>> -> memref<64xi32, #tpu.memory_space<vmem>>
      %dma_start3A_185 = arith.constant 0 : i32
      %dma_start3A_186 = arith.constant 0 : i32
      %dma_start3A_187 = tpu.memref_slice %arg9[%dma_start3A_185, %dma_start3A_186] : memref<1024x128xf32, #tpu.memory_space<vmem_shared>> -> memref<1024x128xf32, #tpu.memory_space<vmem_shared>>
      tpu.enqueue_indirect_dma source(%dma_start3A_187 : memref<1024x128xf32, #tpu.memory_space<vmem_shared>>) target(%arg8 : memref<64x128xf32, #tpu.memory_space<vmem>>) offsets(%dma_start3A_184 : memref<64xi32, #tpu.memory_space<vmem>>) semaphore(%arg12 : memref<!tpu.dma_semaphore, #tpu.memory_space<semaphore_mem>>)
      %dma_wait3A_188 = arith.constant 0 : i32
      %dma_wait3A_189 = tpu.memref_slice %arg5[%add3A_173, %dma_wait3A_188] : memref<9x320xi32, #tpu.memory_space<vmem>> -> memref<1x64xi32, #tpu.memory_space<vmem>>
      %dma_wait3A_190 = tpu.memref_squeeze %dma_wait3A_189 : memref<1x64xi32, #tpu.memory_space<vmem>> -> memref<64xi32, #tpu.memory_space<vmem>>
      %dma_wait3A_191 = arith.constant 0 : i32
      %dma_wait3A_192 = arith.constant 0 : i32
      %dma_wait3A_193 = tpu.memref_slice %arg9[%dma_wait3A_191, %dma_wait3A_192] : memref<1024x128xf32, #tpu.memory_space<vmem_shared>> -> memref<1024x128xf32, #tpu.memory_space<vmem_shared>>
      tpu.wait_indirect_dma semaphore(%arg11 : memref<!tpu.dma_semaphore, #tpu.memory_space<semaphore_mem>>) src(%dma_wait3A_193 : memref<1024x128xf32, #tpu.memory_space<vmem_shared>>) dst(%arg7 : memref<64x128xf32, #tpu.memory_space<vmem>>)
      %run_scoped3A = arith.constant 0 : i32
      "tpu.region"() ({
        %run_scoped3A_202 = tpu.sem_alloc : memref<!tpu.dma_semaphore, #tpu.memory_space<semaphore_mem>>
        %dma_start3A_203 = arith.constant 0 : i32
        %dma_start3A_204 = tpu.memref_slice %arg6[%run_scoped3A, %dma_start3A_203] : memref<1x64xi32, #tpu.memory_space<vmem>> -> memref<1x64xi32, #tpu.memory_space<vmem>>
        %dma_start3A_205 = tpu.memref_squeeze %dma_start3A_204 : memref<1x64xi32, #tpu.memory_space<vmem>> -> memref<64xi32, #tpu.memory_space<vmem>>
        %dma_start3A_206 = arith.constant 0 : i32
        %dma_start3A_207 = arith.constant 0 : i32
        %dma_start3A_208 = tpu.memref_slice %arg10[%dma_start3A_206, %dma_start3A_207] : memref<1024x128xf32, #tpu.memory_space<vmem_shared>> -> memref<1024x128xf32, #tpu.memory_space<vmem_shared>>
        tpu.enqueue_indirect_dma source(%arg7 : memref<64x128xf32, #tpu.memory_space<vmem>>) target(%dma_start3A_208 : memref<1024x128xf32, #tpu.memory_space<vmem_shared>>) offsets(%dma_start3A_205 : memref<64xi32, #tpu.memory_space<vmem>>) semaphore(%run_scoped3A_202 : memref<!tpu.dma_semaphore, #tpu.memory_space<semaphore_mem>>) {add = true}
        %dma_wait3A_209 = arith.constant 0 : i32
        %dma_wait3A_210 = tpu.memref_slice %arg6[%run_scoped3A, %dma_wait3A_209] : memref<1x64xi32, #tpu.memory_space<vmem>> -> memref<1x64xi32, #tpu.memory_space<vmem>>
        %dma_wait3A_211 = tpu.memref_squeeze %dma_wait3A_210 : memref<1x64xi32, #tpu.memory_space<vmem>> -> memref<64xi32, #tpu.memory_space<vmem>>
        %dma_wait3A_212 = arith.constant 0 : i32
        %dma_wait3A_213 = arith.constant 0 : i32
        %dma_wait3A_214 = tpu.memref_slice %arg10[%dma_wait3A_212, %dma_wait3A_213] : memref<1024x128xf32, #tpu.memory_space<vmem_shared>> -> memref<1024x128xf32, #tpu.memory_space<vmem_shared>>
        tpu.wait_indirect_dma semaphore(%run_scoped3A_202 : memref<!tpu.dma_semaphore, #tpu.memory_space<semaphore_mem>>) src(%arg7 : memref<64x128xf32, #tpu.memory_space<vmem>>) dst(%dma_wait3A_214 : memref<1024x128xf32, #tpu.memory_space<vmem_shared>>)
        tpu.yield
      }) : () -> ()
      %dma_wait3A_194 = arith.constant 0 : i32
      %dma_wait3A_195 = tpu.memref_slice %arg5[%add3A_181, %dma_wait3A_194] : memref<9x320xi32, #tpu.memory_space<vmem>> -> memref<1x64xi32, #tpu.memory_space<vmem>>
      %dma_wait3A_196 = tpu.memref_squeeze %dma_wait3A_195 : memref<1x64xi32, #tpu.memory_space<vmem>> -> memref<64xi32, #tpu.memory_space<vmem>>
      %dma_wait3A_197 = arith.constant 0 : i32
      %dma_wait3A_198 = arith.constant 0 : i32
      %dma_wait3A_199 = tpu.memref_slice %arg9[%dma_wait3A_197, %dma_wait3A_198] : memref<1024x128xf32, #tpu.memory_space<vmem_shared>> -> memref<1024x128xf32, #tpu.memory_space<vmem_shared>>
      tpu.wait_indirect_dma semaphore(%arg12 : memref<!tpu.dma_semaphore, #tpu.memory_space<semaphore_mem>>) src(%dma_wait3A_199 : memref<1024x128xf32, #tpu.memory_space<vmem_shared>>) dst(%arg8 : memref<64x128xf32, #tpu.memory_space<vmem>>)
      %run_scoped3A_200 = arith.constant 0 : i32
      "tpu.region"() ({
        %run_scoped3A_202 = tpu.sem_alloc : memref<!tpu.dma_semaphore, #tpu.memory_space<semaphore_mem>>
        %dma_start3A_203 = arith.constant 0 : i32
        %dma_start3A_204 = tpu.memref_slice %arg6[%run_scoped3A_200, %dma_start3A_203] : memref<1x64xi32, #tpu.memory_space<vmem>> -> memref<1x64xi32, #tpu.memory_space<vmem>>
        %dma_start3A_205 = tpu.memref_squeeze %dma_start3A_204 : memref<1x64xi32, #tpu.memory_space<vmem>> -> memref<64xi32, #tpu.memory_space<vmem>>
        %dma_start3A_206 = arith.constant 0 : i32
        %dma_start3A_207 = arith.constant 0 : i32
        %dma_start3A_208 = tpu.memref_slice %arg10[%dma_start3A_206, %dma_start3A_207] : memref<1024x128xf32, #tpu.memory_space<vmem_shared>> -> memref<1024x128xf32, #tpu.memory_space<vmem_shared>>
        tpu.enqueue_indirect_dma source(%arg8 : memref<64x128xf32, #tpu.memory_space<vmem>>) target(%dma_start3A_208 : memref<1024x128xf32, #tpu.memory_space<vmem_shared>>) offsets(%dma_start3A_205 : memref<64xi32, #tpu.memory_space<vmem>>) semaphore(%run_scoped3A_202 : memref<!tpu.dma_semaphore, #tpu.memory_space<semaphore_mem>>) {add = true}
        %dma_wait3A_209 = arith.constant 0 : i32
        %dma_wait3A_210 = tpu.memref_slice %arg6[%run_scoped3A_200, %dma_wait3A_209] : memref<1x64xi32, #tpu.memory_space<vmem>> -> memref<1x64xi32, #tpu.memory_space<vmem>>
        %dma_wait3A_211 = tpu.memref_squeeze %dma_wait3A_210 : memref<1x64xi32, #tpu.memory_space<vmem>> -> memref<64xi32, #tpu.memory_space<vmem>>
        %dma_wait3A_212 = arith.constant 0 : i32
        %dma_wait3A_213 = arith.constant 0 : i32
        %dma_wait3A_214 = tpu.memref_slice %arg10[%dma_wait3A_212, %dma_wait3A_213] : memref<1024x128xf32, #tpu.memory_space<vmem_shared>> -> memref<1024x128xf32, #tpu.memory_space<vmem_shared>>
        tpu.wait_indirect_dma semaphore(%run_scoped3A_202 : memref<!tpu.dma_semaphore, #tpu.memory_space<semaphore_mem>>) src(%arg8 : memref<64x128xf32, #tpu.memory_space<vmem>>) dst(%dma_wait3A_214 : memref<1024x128xf32, #tpu.memory_space<vmem_shared>>)
        tpu.yield
      }) : () -> ()
      %scan3A_201 = arith.constant 0 : i32
      scf.yield %scan3A_201 : i32
    }
    %scan3A_63 = arith.constant 4 : i32
    %mul3A_64 = arith.constant 320 : i32
    %mul3A_65 = arith.muli %add3A, %mul3A_64 : i32
    %add3A_66 = arith.constant 0 : i32
    %add3A_67 = arith.addi %mul3A_65, %add3A_66 : i32
    "tpu.region"() ({
      %run_scoped3A = tpu.sem_alloc : memref<!tpu.dma_semaphore, #tpu.memory_space<semaphore_mem>>
      %dma_start3A_168 = arith.constant 0 : i32
      %dma_start3A_169 = tpu.memref_slice %arg4[%add3A_67, %dma_start3A_168] : memref<10240x128xf32, #tpu.memory_space<hbm>> -> memref<64x128xf32, #tpu.memory_space<hbm>>
      %dma_start3A_170 = arith.constant 0 : i32
      %dma_start3A_171 = tpu.memref_slice %arg10[%mul3A_6, %dma_start3A_170] : memref<1024x128xf32, #tpu.memory_space<vmem_shared>> -> memref<64x128xf32, #tpu.memory_space<vmem_shared>>
      tpu.enqueue_dma source(%dma_start3A_171 : memref<64x128xf32, #tpu.memory_space<vmem_shared>>) target(%dma_start3A_169 : memref<64x128xf32, #tpu.memory_space<hbm>>) target_semaphore(%run_scoped3A : memref<!tpu.dma_semaphore, #tpu.memory_space<semaphore_mem>>)
      %dma_wait3A_172 = arith.constant 0 : i32
      %dma_wait3A_173 = tpu.memref_slice %arg4[%add3A_67, %dma_wait3A_172] : memref<10240x128xf32, #tpu.memory_space<hbm>> -> memref<64x128xf32, #tpu.memory_space<hbm>>
      %dma_wait3A_174 = arith.constant 0 : i32
      %dma_wait3A_175 = tpu.memref_slice %arg10[%mul3A_6, %dma_wait3A_174] : memref<1024x128xf32, #tpu.memory_space<vmem_shared>> -> memref<64x128xf32, #tpu.memory_space<vmem_shared>>
      tpu.wait_dma2 semaphore(%run_scoped3A : memref<!tpu.dma_semaphore, #tpu.memory_space<semaphore_mem>>) src(%dma_wait3A_175 : memref<64x128xf32, #tpu.memory_space<vmem_shared>>) dst(%dma_wait3A_173 : memref<64x128xf32, #tpu.memory_space<hbm>>)
      tpu.yield
    }) : () -> ()
    %dma_start3A_68 = arith.constant 0 : i32
    %dma_start3A_69 = arith.constant 64 : i32
    %dma_start3A_70 = tpu.memref_slice %arg5[%dma_start3A_68, %dma_start3A_69] : memref<9x320xi32, #tpu.memory_space<vmem>> -> memref<1x64xi32, #tpu.memory_space<vmem>>
    %dma_start3A_71 = tpu.memref_squeeze %dma_start3A_70 : memref<1x64xi32, #tpu.memory_space<vmem>> -> memref<64xi32, #tpu.memory_space<vmem>>
    %dma_start3A_72 = arith.constant 0 : i32
    %dma_start3A_73 = arith.constant 0 : i32
    %dma_start3A_74 = tpu.memref_slice %arg9[%dma_start3A_72, %dma_start3A_73] : memref<1024x128xf32, #tpu.memory_space<vmem_shared>> -> memref<1024x128xf32, #tpu.memory_space<vmem_shared>>
    tpu.enqueue_indirect_dma source(%dma_start3A_74 : memref<1024x128xf32, #tpu.memory_space<vmem_shared>>) target(%arg7 : memref<64x128xf32, #tpu.memory_space<vmem>>) offsets(%dma_start3A_71 : memref<64xi32, #tpu.memory_space<vmem>>) semaphore(%arg11 : memref<!tpu.dma_semaphore, #tpu.memory_space<semaphore_mem>>)
    %dma_wait3A_75 = arith.constant 0 : i32
    %dma_wait3A_76 = arith.constant 64 : i32
    %dma_wait3A_77 = tpu.memref_slice %arg5[%dma_wait3A_75, %dma_wait3A_76] : memref<9x320xi32, #tpu.memory_space<vmem>> -> memref<1x64xi32, #tpu.memory_space<vmem>>
    %dma_wait3A_78 = tpu.memref_squeeze %dma_wait3A_77 : memref<1x64xi32, #tpu.memory_space<vmem>> -> memref<64xi32, #tpu.memory_space<vmem>>
    %dma_wait3A_79 = arith.constant 0 : i32
    %dma_wait3A_80 = arith.constant 0 : i32
    %dma_wait3A_81 = tpu.memref_slice %arg9[%dma_wait3A_79, %dma_wait3A_80] : memref<1024x128xf32, #tpu.memory_space<vmem_shared>> -> memref<1024x128xf32, #tpu.memory_space<vmem_shared>>
    tpu.wait_indirect_dma semaphore(%arg11 : memref<!tpu.dma_semaphore, #tpu.memory_space<semaphore_mem>>) src(%dma_wait3A_81 : memref<1024x128xf32, #tpu.memory_space<vmem_shared>>) dst(%arg7 : memref<64x128xf32, #tpu.memory_space<vmem>>)
    "tpu.region"() ({
      %run_scoped3A = tpu.sem_alloc : memref<!tpu.dma_semaphore, #tpu.memory_space<semaphore_mem>>
      %dma_start3A_168 = arith.constant 0 : i32
      %dma_start3A_169 = tpu.memref_slice %arg10[%mul3A_6, %dma_start3A_168] : memref<1024x128xf32, #tpu.memory_space<vmem_shared>> -> memref<64x128xf32, #tpu.memory_space<vmem_shared>>
      %dma_start3A_170 = arith.constant 0 : i32
      %dma_start3A_171 = tpu.memref_slice %arg10[%mul3A_6, %dma_start3A_170] : memref<1024x128xf32, #tpu.memory_space<vmem_shared>> -> memref<64x128xf32, #tpu.memory_space<vmem_shared>>
      tpu.enqueue_dma source(%arg7 : memref<64x128xf32, #tpu.memory_space<vmem>>) target(%dma_start3A_171 : memref<64x128xf32, #tpu.memory_space<vmem_shared>>) target_semaphore(%run_scoped3A : memref<!tpu.dma_semaphore, #tpu.memory_space<semaphore_mem>>)
      %dma_wait3A_172 = arith.constant 0 : i32
      %dma_wait3A_173 = tpu.memref_slice %arg10[%mul3A_6, %dma_wait3A_172] : memref<1024x128xf32, #tpu.memory_space<vmem_shared>> -> memref<64x128xf32, #tpu.memory_space<vmem_shared>>
      %dma_wait3A_174 = arith.constant 0 : i32
      %dma_wait3A_175 = tpu.memref_slice %arg10[%mul3A_6, %dma_wait3A_174] : memref<1024x128xf32, #tpu.memory_space<vmem_shared>> -> memref<64x128xf32, #tpu.memory_space<vmem_shared>>
      tpu.wait_dma2 semaphore(%run_scoped3A : memref<!tpu.dma_semaphore, #tpu.memory_space<semaphore_mem>>) src(%arg7 : memref<64x128xf32, #tpu.memory_space<vmem>>) dst(%dma_wait3A_175 : memref<64x128xf32, #tpu.memory_space<vmem_shared>>)
      tpu.yield
    }) : () -> ()
    %scan3A_82 = arith.constant 0 : i32
    %scan3A_83 = arith.constant 0 : i32
    %scan3A_84 = arith.constant 4 : i32
    %scan3A_85 = arith.addi %scan3A_83, %scan3A_84 : i32
    %scan3A_86 = arith.constant 1 : i32
    %scan3A_87 = scf.for %scan3A_168 = %scan3A_83 to %scan3A_85 step %scan3A_86 iter_args(%scan3A_169 = %scan3A_82) -> (i32)  : i32 {
      %mul3A_170 = arith.constant 2 : i32
      %mul3A_171 = arith.muli %mul3A_170, %scan3A_168 : i32
      %add3A_172 = arith.constant 1 : i32
      %add3A_173 = arith.addi %add3A_172, %mul3A_171 : i32
      %dma_start3A_174 = arith.constant 64 : i32
      %dma_start3A_175 = tpu.memref_slice %arg5[%add3A_173, %dma_start3A_174] : memref<9x320xi32, #tpu.memory_space<vmem>> -> memref<1x64xi32, #tpu.memory_space<vmem>>
      %dma_start3A_176 = tpu.memref_squeeze %dma_start3A_175 : memref<1x64xi32, #tpu.memory_space<vmem>> -> memref<64xi32, #tpu.memory_space<vmem>>
      %dma_start3A_177 = arith.constant 0 : i32
      %dma_start3A_178 = arith.constant 0 : i32
      %dma_start3A_179 = tpu.memref_slice %arg9[%dma_start3A_177, %dma_start3A_178] : memref<1024x128xf32, #tpu.memory_space<vmem_shared>> -> memref<1024x128xf32, #tpu.memory_space<vmem_shared>>
      tpu.enqueue_indirect_dma source(%dma_start3A_179 : memref<1024x128xf32, #tpu.memory_space<vmem_shared>>) target(%arg7 : memref<64x128xf32, #tpu.memory_space<vmem>>) offsets(%dma_start3A_176 : memref<64xi32, #tpu.memory_space<vmem>>) semaphore(%arg11 : memref<!tpu.dma_semaphore, #tpu.memory_space<semaphore_mem>>)
      %add3A_180 = arith.constant 1 : i32
      %add3A_181 = arith.addi %add3A_173, %add3A_180 : i32
      %dma_start3A_182 = arith.constant 64 : i32
      %dma_start3A_183 = tpu.memref_slice %arg5[%add3A_181, %dma_start3A_182] : memref<9x320xi32, #tpu.memory_space<vmem>> -> memref<1x64xi32, #tpu.memory_space<vmem>>
      %dma_start3A_184 = tpu.memref_squeeze %dma_start3A_183 : memref<1x64xi32, #tpu.memory_space<vmem>> -> memref<64xi32, #tpu.memory_space<vmem>>
      %dma_start3A_185 = arith.constant 0 : i32
      %dma_start3A_186 = arith.constant 0 : i32
      %dma_start3A_187 = tpu.memref_slice %arg9[%dma_start3A_185, %dma_start3A_186] : memref<1024x128xf32, #tpu.memory_space<vmem_shared>> -> memref<1024x128xf32, #tpu.memory_space<vmem_shared>>
      tpu.enqueue_indirect_dma source(%dma_start3A_187 : memref<1024x128xf32, #tpu.memory_space<vmem_shared>>) target(%arg8 : memref<64x128xf32, #tpu.memory_space<vmem>>) offsets(%dma_start3A_184 : memref<64xi32, #tpu.memory_space<vmem>>) semaphore(%arg12 : memref<!tpu.dma_semaphore, #tpu.memory_space<semaphore_mem>>)
      %dma_wait3A_188 = arith.constant 64 : i32
      %dma_wait3A_189 = tpu.memref_slice %arg5[%add3A_173, %dma_wait3A_188] : memref<9x320xi32, #tpu.memory_space<vmem>> -> memref<1x64xi32, #tpu.memory_space<vmem>>
      %dma_wait3A_190 = tpu.memref_squeeze %dma_wait3A_189 : memref<1x64xi32, #tpu.memory_space<vmem>> -> memref<64xi32, #tpu.memory_space<vmem>>
      %dma_wait3A_191 = arith.constant 0 : i32
      %dma_wait3A_192 = arith.constant 0 : i32
      %dma_wait3A_193 = tpu.memref_slice %arg9[%dma_wait3A_191, %dma_wait3A_192] : memref<1024x128xf32, #tpu.memory_space<vmem_shared>> -> memref<1024x128xf32, #tpu.memory_space<vmem_shared>>
      tpu.wait_indirect_dma semaphore(%arg11 : memref<!tpu.dma_semaphore, #tpu.memory_space<semaphore_mem>>) src(%dma_wait3A_193 : memref<1024x128xf32, #tpu.memory_space<vmem_shared>>) dst(%arg7 : memref<64x128xf32, #tpu.memory_space<vmem>>)
      %run_scoped3A = arith.constant 0 : i32
      "tpu.region"() ({
        %run_scoped3A_202 = tpu.sem_alloc : memref<!tpu.dma_semaphore, #tpu.memory_space<semaphore_mem>>
        %dma_start3A_203 = arith.constant 0 : i32
        %dma_start3A_204 = tpu.memref_slice %arg6[%run_scoped3A, %dma_start3A_203] : memref<1x64xi32, #tpu.memory_space<vmem>> -> memref<1x64xi32, #tpu.memory_space<vmem>>
        %dma_start3A_205 = tpu.memref_squeeze %dma_start3A_204 : memref<1x64xi32, #tpu.memory_space<vmem>> -> memref<64xi32, #tpu.memory_space<vmem>>
        %dma_start3A_206 = arith.constant 0 : i32
        %dma_start3A_207 = arith.constant 0 : i32
        %dma_start3A_208 = tpu.memref_slice %arg10[%dma_start3A_206, %dma_start3A_207] : memref<1024x128xf32, #tpu.memory_space<vmem_shared>> -> memref<1024x128xf32, #tpu.memory_space<vmem_shared>>
        tpu.enqueue_indirect_dma source(%arg7 : memref<64x128xf32, #tpu.memory_space<vmem>>) target(%dma_start3A_208 : memref<1024x128xf32, #tpu.memory_space<vmem_shared>>) offsets(%dma_start3A_205 : memref<64xi32, #tpu.memory_space<vmem>>) semaphore(%run_scoped3A_202 : memref<!tpu.dma_semaphore, #tpu.memory_space<semaphore_mem>>) {add = true}
        %dma_wait3A_209 = arith.constant 0 : i32
        %dma_wait3A_210 = tpu.memref_slice %arg6[%run_scoped3A, %dma_wait3A_209] : memref<1x64xi32, #tpu.memory_space<vmem>> -> memref<1x64xi32, #tpu.memory_space<vmem>>
        %dma_wait3A_211 = tpu.memref_squeeze %dma_wait3A_210 : memref<1x64xi32, #tpu.memory_space<vmem>> -> memref<64xi32, #tpu.memory_space<vmem>>
        %dma_wait3A_212 = arith.constant 0 : i32
        %dma_wait3A_213 = arith.constant 0 : i32
        %dma_wait3A_214 = tpu.memref_slice %arg10[%dma_wait3A_212, %dma_wait3A_213] : memref<1024x128xf32, #tpu.memory_space<vmem_shared>> -> memref<1024x128xf32, #tpu.memory_space<vmem_shared>>
        tpu.wait_indirect_dma semaphore(%run_scoped3A_202 : memref<!tpu.dma_semaphore, #tpu.memory_space<semaphore_mem>>) src(%arg7 : memref<64x128xf32, #tpu.memory_space<vmem>>) dst(%dma_wait3A_214 : memref<1024x128xf32, #tpu.memory_space<vmem_shared>>)
        tpu.yield
      }) : () -> ()
      %dma_wait3A_194 = arith.constant 64 : i32
      %dma_wait3A_195 = tpu.memref_slice %arg5[%add3A_181, %dma_wait3A_194] : memref<9x320xi32, #tpu.memory_space<vmem>> -> memref<1x64xi32, #tpu.memory_space<vmem>>
      %dma_wait3A_196 = tpu.memref_squeeze %dma_wait3A_195 : memref<1x64xi32, #tpu.memory_space<vmem>> -> memref<64xi32, #tpu.memory_space<vmem>>
      %dma_wait3A_197 = arith.constant 0 : i32
      %dma_wait3A_198 = arith.constant 0 : i32
      %dma_wait3A_199 = tpu.memref_slice %arg9[%dma_wait3A_197, %dma_wait3A_198] : memref<1024x128xf32, #tpu.memory_space<vmem_shared>> -> memref<1024x128xf32, #tpu.memory_space<vmem_shared>>
      tpu.wait_indirect_dma semaphore(%arg12 : memref<!tpu.dma_semaphore, #tpu.memory_space<semaphore_mem>>) src(%dma_wait3A_199 : memref<1024x128xf32, #tpu.memory_space<vmem_shared>>) dst(%arg8 : memref<64x128xf32, #tpu.memory_space<vmem>>)
      %run_scoped3A_200 = arith.constant 0 : i32
      "tpu.region"() ({
        %run_scoped3A_202 = tpu.sem_alloc : memref<!tpu.dma_semaphore, #tpu.memory_space<semaphore_mem>>
        %dma_start3A_203 = arith.constant 0 : i32
        %dma_start3A_204 = tpu.memref_slice %arg6[%run_scoped3A_200, %dma_start3A_203] : memref<1x64xi32, #tpu.memory_space<vmem>> -> memref<1x64xi32, #tpu.memory_space<vmem>>
        %dma_start3A_205 = tpu.memref_squeeze %dma_start3A_204 : memref<1x64xi32, #tpu.memory_space<vmem>> -> memref<64xi32, #tpu.memory_space<vmem>>
        %dma_start3A_206 = arith.constant 0 : i32
        %dma_start3A_207 = arith.constant 0 : i32
        %dma_start3A_208 = tpu.memref_slice %arg10[%dma_start3A_206, %dma_start3A_207] : memref<1024x128xf32, #tpu.memory_space<vmem_shared>> -> memref<1024x128xf32, #tpu.memory_space<vmem_shared>>
        tpu.enqueue_indirect_dma source(%arg8 : memref<64x128xf32, #tpu.memory_space<vmem>>) target(%dma_start3A_208 : memref<1024x128xf32, #tpu.memory_space<vmem_shared>>) offsets(%dma_start3A_205 : memref<64xi32, #tpu.memory_space<vmem>>) semaphore(%run_scoped3A_202 : memref<!tpu.dma_semaphore, #tpu.memory_space<semaphore_mem>>) {add = true}
        %dma_wait3A_209 = arith.constant 0 : i32
        %dma_wait3A_210 = tpu.memref_slice %arg6[%run_scoped3A_200, %dma_wait3A_209] : memref<1x64xi32, #tpu.memory_space<vmem>> -> memref<1x64xi32, #tpu.memory_space<vmem>>
        %dma_wait3A_211 = tpu.memref_squeeze %dma_wait3A_210 : memref<1x64xi32, #tpu.memory_space<vmem>> -> memref<64xi32, #tpu.memory_space<vmem>>
        %dma_wait3A_212 = arith.constant 0 : i32
        %dma_wait3A_213 = arith.constant 0 : i32
        %dma_wait3A_214 = tpu.memref_slice %arg10[%dma_wait3A_212, %dma_wait3A_213] : memref<1024x128xf32, #tpu.memory_space<vmem_shared>> -> memref<1024x128xf32, #tpu.memory_space<vmem_shared>>
        tpu.wait_indirect_dma semaphore(%run_scoped3A_202 : memref<!tpu.dma_semaphore, #tpu.memory_space<semaphore_mem>>) src(%arg8 : memref<64x128xf32, #tpu.memory_space<vmem>>) dst(%dma_wait3A_214 : memref<1024x128xf32, #tpu.memory_space<vmem_shared>>)
        tpu.yield
      }) : () -> ()
      %scan3A_201 = arith.constant 0 : i32
      scf.yield %scan3A_201 : i32
    }
    %scan3A_88 = arith.constant 4 : i32
    %mul3A_89 = arith.constant 320 : i32
    %mul3A_90 = arith.muli %add3A, %mul3A_89 : i32
    %add3A_91 = arith.constant 64 : i32
    %add3A_92 = arith.addi %mul3A_90, %add3A_91 : i32
    "tpu.region"() ({
      %run_scoped3A = tpu.sem_alloc : memref<!tpu.dma_semaphore, #tpu.memory_space<semaphore_mem>>
      %dma_start3A_168 = arith.constant 0 : i32
      %dma_start3A_169 = tpu.memref_slice %arg4[%add3A_92, %dma_start3A_168] : memref<10240x128xf32, #tpu.memory_space<hbm>> -> memref<64x128xf32, #tpu.memory_space<hbm>>
      %dma_start3A_170 = arith.constant 0 : i32
      %dma_start3A_171 = tpu.memref_slice %arg10[%mul3A_6, %dma_start3A_170] : memref<1024x128xf32, #tpu.memory_space<vmem_shared>> -> memref<64x128xf32, #tpu.memory_space<vmem_shared>>
      tpu.enqueue_dma source(%dma_start3A_171 : memref<64x128xf32, #tpu.memory_space<vmem_shared>>) target(%dma_start3A_169 : memref<64x128xf32, #tpu.memory_space<hbm>>) target_semaphore(%run_scoped3A : memref<!tpu.dma_semaphore, #tpu.memory_space<semaphore_mem>>)
      %dma_wait3A_172 = arith.constant 0 : i32
      %dma_wait3A_173 = tpu.memref_slice %arg4[%add3A_92, %dma_wait3A_172] : memref<10240x128xf32, #tpu.memory_space<hbm>> -> memref<64x128xf32, #tpu.memory_space<hbm>>
      %dma_wait3A_174 = arith.constant 0 : i32
      %dma_wait3A_175 = tpu.memref_slice %arg10[%mul3A_6, %dma_wait3A_174] : memref<1024x128xf32, #tpu.memory_space<vmem_shared>> -> memref<64x128xf32, #tpu.memory_space<vmem_shared>>
      tpu.wait_dma2 semaphore(%run_scoped3A : memref<!tpu.dma_semaphore, #tpu.memory_space<semaphore_mem>>) src(%dma_wait3A_175 : memref<64x128xf32, #tpu.memory_space<vmem_shared>>) dst(%dma_wait3A_173 : memref<64x128xf32, #tpu.memory_space<hbm>>)
      tpu.yield
    }) : () -> ()
    %dma_start3A_93 = arith.constant 0 : i32
    %dma_start3A_94 = arith.constant 128 : i32
    %dma_start3A_95 = tpu.memref_slice %arg5[%dma_start3A_93, %dma_start3A_94] : memref<9x320xi32, #tpu.memory_space<vmem>> -> memref<1x64xi32, #tpu.memory_space<vmem>>
    %dma_start3A_96 = tpu.memref_squeeze %dma_start3A_95 : memref<1x64xi32, #tpu.memory_space<vmem>> -> memref<64xi32, #tpu.memory_space<vmem>>
    %dma_start3A_97 = arith.constant 0 : i32
    %dma_start3A_98 = arith.constant 0 : i32
    %dma_start3A_99 = tpu.memref_slice %arg9[%dma_start3A_97, %dma_start3A_98] : memref<1024x128xf32, #tpu.memory_space<vmem_shared>> -> memref<1024x128xf32, #tpu.memory_space<vmem_shared>>
    tpu.enqueue_indirect_dma source(%dma_start3A_99 : memref<1024x128xf32, #tpu.memory_space<vmem_shared>>) target(%arg7 : memref<64x128xf32, #tpu.memory_space<vmem>>) offsets(%dma_start3A_96 : memref<64xi32, #tpu.memory_space<vmem>>) semaphore(%arg11 : memref<!tpu.dma_semaphore, #tpu.memory_space<semaphore_mem>>)
    %dma_wait3A_100 = arith.constant 0 : i32
    %dma_wait3A_101 = arith.constant 128 : i32
    %dma_wait3A_102 = tpu.memref_slice %arg5[%dma_wait3A_100, %dma_wait3A_101] : memref<9x320xi32, #tpu.memory_space<vmem>> -> memref<1x64xi32, #tpu.memory_space<vmem>>
    %dma_wait3A_103 = tpu.memref_squeeze %dma_wait3A_102 : memref<1x64xi32, #tpu.memory_space<vmem>> -> memref<64xi32, #tpu.memory_space<vmem>>
    %dma_wait3A_104 = arith.constant 0 : i32
    %dma_wait3A_105 = arith.constant 0 : i32
    %dma_wait3A_106 = tpu.memref_slice %arg9[%dma_wait3A_104, %dma_wait3A_105] : memref<1024x128xf32, #tpu.memory_space<vmem_shared>> -> memref<1024x128xf32, #tpu.memory_space<vmem_shared>>
    tpu.wait_indirect_dma semaphore(%arg11 : memref<!tpu.dma_semaphore, #tpu.memory_space<semaphore_mem>>) src(%dma_wait3A_106 : memref<1024x128xf32, #tpu.memory_space<vmem_shared>>) dst(%arg7 : memref<64x128xf32, #tpu.memory_space<vmem>>)
    "tpu.region"() ({
      %run_scoped3A = tpu.sem_alloc : memref<!tpu.dma_semaphore, #tpu.memory_space<semaphore_mem>>
      %dma_start3A_168 = arith.constant 0 : i32
      %dma_start3A_169 = tpu.memref_slice %arg10[%mul3A_6, %dma_start3A_168] : memref<1024x128xf32, #tpu.memory_space<vmem_shared>> -> memref<64x128xf32, #tpu.memory_space<vmem_shared>>
      %dma_start3A_170 = arith.constant 0 : i32
      %dma_start3A_171 = tpu.memref_slice %arg10[%mul3A_6, %dma_start3A_170] : memref<1024x128xf32, #tpu.memory_space<vmem_shared>> -> memref<64x128xf32, #tpu.memory_space<vmem_shared>>
      tpu.enqueue_dma source(%arg7 : memref<64x128xf32, #tpu.memory_space<vmem>>) target(%dma_start3A_171 : memref<64x128xf32, #tpu.memory_space<vmem_shared>>) target_semaphore(%run_scoped3A : memref<!tpu.dma_semaphore, #tpu.memory_space<semaphore_mem>>)
      %dma_wait3A_172 = arith.constant 0 : i32
      %dma_wait3A_173 = tpu.memref_slice %arg10[%mul3A_6, %dma_wait3A_172] : memref<1024x128xf32, #tpu.memory_space<vmem_shared>> -> memref<64x128xf32, #tpu.memory_space<vmem_shared>>
      %dma_wait3A_174 = arith.constant 0 : i32
      %dma_wait3A_175 = tpu.memref_slice %arg10[%mul3A_6, %dma_wait3A_174] : memref<1024x128xf32, #tpu.memory_space<vmem_shared>> -> memref<64x128xf32, #tpu.memory_space<vmem_shared>>
      tpu.wait_dma2 semaphore(%run_scoped3A : memref<!tpu.dma_semaphore, #tpu.memory_space<semaphore_mem>>) src(%arg7 : memref<64x128xf32, #tpu.memory_space<vmem>>) dst(%dma_wait3A_175 : memref<64x128xf32, #tpu.memory_space<vmem_shared>>)
      tpu.yield
    }) : () -> ()
    %scan3A_107 = arith.constant 0 : i32
    %scan3A_108 = arith.constant 0 : i32
    %scan3A_109 = arith.constant 4 : i32
    %scan3A_110 = arith.addi %scan3A_108, %scan3A_109 : i32
    %scan3A_111 = arith.constant 1 : i32
    %scan3A_112 = scf.for %scan3A_168 = %scan3A_108 to %scan3A_110 step %scan3A_111 iter_args(%scan3A_169 = %scan3A_107) -> (i32)  : i32 {
      %mul3A_170 = arith.constant 2 : i32
      %mul3A_171 = arith.muli %mul3A_170, %scan3A_168 : i32
      %add3A_172 = arith.constant 1 : i32
      %add3A_173 = arith.addi %add3A_172, %mul3A_171 : i32
      %dma_start3A_174 = arith.constant 128 : i32
      %dma_start3A_175 = tpu.memref_slice %arg5[%add3A_173, %dma_start3A_174] : memref<9x320xi32, #tpu.memory_space<vmem>> -> memref<1x64xi32, #tpu.memory_space<vmem>>
      %dma_start3A_176 = tpu.memref_squeeze %dma_start3A_175 : memref<1x64xi32, #tpu.memory_space<vmem>> -> memref<64xi32, #tpu.memory_space<vmem>>
      %dma_start3A_177 = arith.constant 0 : i32
      %dma_start3A_178 = arith.constant 0 : i32
      %dma_start3A_179 = tpu.memref_slice %arg9[%dma_start3A_177, %dma_start3A_178] : memref<1024x128xf32, #tpu.memory_space<vmem_shared>> -> memref<1024x128xf32, #tpu.memory_space<vmem_shared>>
      tpu.enqueue_indirect_dma source(%dma_start3A_179 : memref<1024x128xf32, #tpu.memory_space<vmem_shared>>) target(%arg7 : memref<64x128xf32, #tpu.memory_space<vmem>>) offsets(%dma_start3A_176 : memref<64xi32, #tpu.memory_space<vmem>>) semaphore(%arg11 : memref<!tpu.dma_semaphore, #tpu.memory_space<semaphore_mem>>)
      %add3A_180 = arith.constant 1 : i32
      %add3A_181 = arith.addi %add3A_173, %add3A_180 : i32
      %dma_start3A_182 = arith.constant 128 : i32
      %dma_start3A_183 = tpu.memref_slice %arg5[%add3A_181, %dma_start3A_182] : memref<9x320xi32, #tpu.memory_space<vmem>> -> memref<1x64xi32, #tpu.memory_space<vmem>>
      %dma_start3A_184 = tpu.memref_squeeze %dma_start3A_183 : memref<1x64xi32, #tpu.memory_space<vmem>> -> memref<64xi32, #tpu.memory_space<vmem>>
      %dma_start3A_185 = arith.constant 0 : i32
      %dma_start3A_186 = arith.constant 0 : i32
      %dma_start3A_187 = tpu.memref_slice %arg9[%dma_start3A_185, %dma_start3A_186] : memref<1024x128xf32, #tpu.memory_space<vmem_shared>> -> memref<1024x128xf32, #tpu.memory_space<vmem_shared>>
      tpu.enqueue_indirect_dma source(%dma_start3A_187 : memref<1024x128xf32, #tpu.memory_space<vmem_shared>>) target(%arg8 : memref<64x128xf32, #tpu.memory_space<vmem>>) offsets(%dma_start3A_184 : memref<64xi32, #tpu.memory_space<vmem>>) semaphore(%arg12 : memref<!tpu.dma_semaphore, #tpu.memory_space<semaphore_mem>>)
      %dma_wait3A_188 = arith.constant 128 : i32
      %dma_wait3A_189 = tpu.memref_slice %arg5[%add3A_173, %dma_wait3A_188] : memref<9x320xi32, #tpu.memory_space<vmem>> -> memref<1x64xi32, #tpu.memory_space<vmem>>
      %dma_wait3A_190 = tpu.memref_squeeze %dma_wait3A_189 : memref<1x64xi32, #tpu.memory_space<vmem>> -> memref<64xi32, #tpu.memory_space<vmem>>
      %dma_wait3A_191 = arith.constant 0 : i32
      %dma_wait3A_192 = arith.constant 0 : i32
      %dma_wait3A_193 = tpu.memref_slice %arg9[%dma_wait3A_191, %dma_wait3A_192] : memref<1024x128xf32, #tpu.memory_space<vmem_shared>> -> memref<1024x128xf32, #tpu.memory_space<vmem_shared>>
      tpu.wait_indirect_dma semaphore(%arg11 : memref<!tpu.dma_semaphore, #tpu.memory_space<semaphore_mem>>) src(%dma_wait3A_193 : memref<1024x128xf32, #tpu.memory_space<vmem_shared>>) dst(%arg7 : memref<64x128xf32, #tpu.memory_space<vmem>>)
      %run_scoped3A = arith.constant 0 : i32
      "tpu.region"() ({
        %run_scoped3A_202 = tpu.sem_alloc : memref<!tpu.dma_semaphore, #tpu.memory_space<semaphore_mem>>
        %dma_start3A_203 = arith.constant 0 : i32
        %dma_start3A_204 = tpu.memref_slice %arg6[%run_scoped3A, %dma_start3A_203] : memref<1x64xi32, #tpu.memory_space<vmem>> -> memref<1x64xi32, #tpu.memory_space<vmem>>
        %dma_start3A_205 = tpu.memref_squeeze %dma_start3A_204 : memref<1x64xi32, #tpu.memory_space<vmem>> -> memref<64xi32, #tpu.memory_space<vmem>>
        %dma_start3A_206 = arith.constant 0 : i32
        %dma_start3A_207 = arith.constant 0 : i32
        %dma_start3A_208 = tpu.memref_slice %arg10[%dma_start3A_206, %dma_start3A_207] : memref<1024x128xf32, #tpu.memory_space<vmem_shared>> -> memref<1024x128xf32, #tpu.memory_space<vmem_shared>>
        tpu.enqueue_indirect_dma source(%arg7 : memref<64x128xf32, #tpu.memory_space<vmem>>) target(%dma_start3A_208 : memref<1024x128xf32, #tpu.memory_space<vmem_shared>>) offsets(%dma_start3A_205 : memref<64xi32, #tpu.memory_space<vmem>>) semaphore(%run_scoped3A_202 : memref<!tpu.dma_semaphore, #tpu.memory_space<semaphore_mem>>) {add = true}
        %dma_wait3A_209 = arith.constant 0 : i32
        %dma_wait3A_210 = tpu.memref_slice %arg6[%run_scoped3A, %dma_wait3A_209] : memref<1x64xi32, #tpu.memory_space<vmem>> -> memref<1x64xi32, #tpu.memory_space<vmem>>
        %dma_wait3A_211 = tpu.memref_squeeze %dma_wait3A_210 : memref<1x64xi32, #tpu.memory_space<vmem>> -> memref<64xi32, #tpu.memory_space<vmem>>
        %dma_wait3A_212 = arith.constant 0 : i32
        %dma_wait3A_213 = arith.constant 0 : i32
        %dma_wait3A_214 = tpu.memref_slice %arg10[%dma_wait3A_212, %dma_wait3A_213] : memref<1024x128xf32, #tpu.memory_space<vmem_shared>> -> memref<1024x128xf32, #tpu.memory_space<vmem_shared>>
        tpu.wait_indirect_dma semaphore(%run_scoped3A_202 : memref<!tpu.dma_semaphore, #tpu.memory_space<semaphore_mem>>) src(%arg7 : memref<64x128xf32, #tpu.memory_space<vmem>>) dst(%dma_wait3A_214 : memref<1024x128xf32, #tpu.memory_space<vmem_shared>>)
        tpu.yield
      }) : () -> ()
      %dma_wait3A_194 = arith.constant 128 : i32
      %dma_wait3A_195 = tpu.memref_slice %arg5[%add3A_181, %dma_wait3A_194] : memref<9x320xi32, #tpu.memory_space<vmem>> -> memref<1x64xi32, #tpu.memory_space<vmem>>
      %dma_wait3A_196 = tpu.memref_squeeze %dma_wait3A_195 : memref<1x64xi32, #tpu.memory_space<vmem>> -> memref<64xi32, #tpu.memory_space<vmem>>
      %dma_wait3A_197 = arith.constant 0 : i32
      %dma_wait3A_198 = arith.constant 0 : i32
      %dma_wait3A_199 = tpu.memref_slice %arg9[%dma_wait3A_197, %dma_wait3A_198] : memref<1024x128xf32, #tpu.memory_space<vmem_shared>> -> memref<1024x128xf32, #tpu.memory_space<vmem_shared>>
      tpu.wait_indirect_dma semaphore(%arg12 : memref<!tpu.dma_semaphore, #tpu.memory_space<semaphore_mem>>) src(%dma_wait3A_199 : memref<1024x128xf32, #tpu.memory_space<vmem_shared>>) dst(%arg8 : memref<64x128xf32, #tpu.memory_space<vmem>>)
      %run_scoped3A_200 = arith.constant 0 : i32
      "tpu.region"() ({
        %run_scoped3A_202 = tpu.sem_alloc : memref<!tpu.dma_semaphore, #tpu.memory_space<semaphore_mem>>
        %dma_start3A_203 = arith.constant 0 : i32
        %dma_start3A_204 = tpu.memref_slice %arg6[%run_scoped3A_200, %dma_start3A_203] : memref<1x64xi32, #tpu.memory_space<vmem>> -> memref<1x64xi32, #tpu.memory_space<vmem>>
        %dma_start3A_205 = tpu.memref_squeeze %dma_start3A_204 : memref<1x64xi32, #tpu.memory_space<vmem>> -> memref<64xi32, #tpu.memory_space<vmem>>
        %dma_start3A_206 = arith.constant 0 : i32
        %dma_start3A_207 = arith.constant 0 : i32
        %dma_start3A_208 = tpu.memref_slice %arg10[%dma_start3A_206, %dma_start3A_207] : memref<1024x128xf32, #tpu.memory_space<vmem_shared>> -> memref<1024x128xf32, #tpu.memory_space<vmem_shared>>
        tpu.enqueue_indirect_dma source(%arg8 : memref<64x128xf32, #tpu.memory_space<vmem>>) target(%dma_start3A_208 : memref<1024x128xf32, #tpu.memory_space<vmem_shared>>) offsets(%dma_start3A_205 : memref<64xi32, #tpu.memory_space<vmem>>) semaphore(%run_scoped3A_202 : memref<!tpu.dma_semaphore, #tpu.memory_space<semaphore_mem>>) {add = true}
        %dma_wait3A_209 = arith.constant 0 : i32
        %dma_wait3A_210 = tpu.memref_slice %arg6[%run_scoped3A_200, %dma_wait3A_209] : memref<1x64xi32, #tpu.memory_space<vmem>> -> memref<1x64xi32, #tpu.memory_space<vmem>>
        %dma_wait3A_211 = tpu.memref_squeeze %dma_wait3A_210 : memref<1x64xi32, #tpu.memory_space<vmem>> -> memref<64xi32, #tpu.memory_space<vmem>>
        %dma_wait3A_212 = arith.constant 0 : i32
        %dma_wait3A_213 = arith.constant 0 : i32
        %dma_wait3A_214 = tpu.memref_slice %arg10[%dma_wait3A_212, %dma_wait3A_213] : memref<1024x128xf32, #tpu.memory_space<vmem_shared>> -> memref<1024x128xf32, #tpu.memory_space<vmem_shared>>
        tpu.wait_indirect_dma semaphore(%run_scoped3A_202 : memref<!tpu.dma_semaphore, #tpu.memory_space<semaphore_mem>>) src(%arg8 : memref<64x128xf32, #tpu.memory_space<vmem>>) dst(%dma_wait3A_214 : memref<1024x128xf32, #tpu.memory_space<vmem_shared>>)
        tpu.yield
      }) : () -> ()
      %scan3A_201 = arith.constant 0 : i32
      scf.yield %scan3A_201 : i32
    }
    %scan3A_113 = arith.constant 4 : i32
    %mul3A_114 = arith.constant 320 : i32
    %mul3A_115 = arith.muli %add3A, %mul3A_114 : i32
    %add3A_116 = arith.constant 128 : i32
    %add3A_117 = arith.addi %mul3A_115, %add3A_116 : i32
    "tpu.region"() ({
      %run_scoped3A = tpu.sem_alloc : memref<!tpu.dma_semaphore, #tpu.memory_space<semaphore_mem>>
      %dma_start3A_168 = arith.constant 0 : i32
      %dma_start3A_169 = tpu.memref_slice %arg4[%add3A_117, %dma_start3A_168] : memref<10240x128xf32, #tpu.memory_space<hbm>> -> memref<64x128xf32, #tpu.memory_space<hbm>>
      %dma_start3A_170 = arith.constant 0 : i32
      %dma_start3A_171 = tpu.memref_slice %arg10[%mul3A_6, %dma_start3A_170] : memref<1024x128xf32, #tpu.memory_space<vmem_shared>> -> memref<64x128xf32, #tpu.memory_space<vmem_shared>>
      tpu.enqueue_dma source(%dma_start3A_171 : memref<64x128xf32, #tpu.memory_space<vmem_shared>>) target(%dma_start3A_169 : memref<64x128xf32, #tpu.memory_space<hbm>>) target_semaphore(%run_scoped3A : memref<!tpu.dma_semaphore, #tpu.memory_space<semaphore_mem>>)
      %dma_wait3A_172 = arith.constant 0 : i32
      %dma_wait3A_173 = tpu.memref_slice %arg4[%add3A_117, %dma_wait3A_172] : memref<10240x128xf32, #tpu.memory_space<hbm>> -> memref<64x128xf32, #tpu.memory_space<hbm>>
      %dma_wait3A_174 = arith.constant 0 : i32
      %dma_wait3A_175 = tpu.memref_slice %arg10[%mul3A_6, %dma_wait3A_174] : memref<1024x128xf32, #tpu.memory_space<vmem_shared>> -> memref<64x128xf32, #tpu.memory_space<vmem_shared>>
      tpu.wait_dma2 semaphore(%run_scoped3A : memref<!tpu.dma_semaphore, #tpu.memory_space<semaphore_mem>>) src(%dma_wait3A_175 : memref<64x128xf32, #tpu.memory_space<vmem_shared>>) dst(%dma_wait3A_173 : memref<64x128xf32, #tpu.memory_space<hbm>>)
      tpu.yield
    }) : () -> ()
    %dma_start3A_118 = arith.constant 0 : i32
    %dma_start3A_119 = arith.constant 192 : i32
    %dma_start3A_120 = tpu.memref_slice %arg5[%dma_start3A_118, %dma_start3A_119] : memref<9x320xi32, #tpu.memory_space<vmem>> -> memref<1x64xi32, #tpu.memory_space<vmem>>
    %dma_start3A_121 = tpu.memref_squeeze %dma_start3A_120 : memref<1x64xi32, #tpu.memory_space<vmem>> -> memref<64xi32, #tpu.memory_space<vmem>>
    %dma_start3A_122 = arith.constant 0 : i32
    %dma_start3A_123 = arith.constant 0 : i32
    %dma_start3A_124 = tpu.memref_slice %arg9[%dma_start3A_122, %dma_start3A_123] : memref<1024x128xf32, #tpu.memory_space<vmem_shared>> -> memref<1024x128xf32, #tpu.memory_space<vmem_shared>>
    tpu.enqueue_indirect_dma source(%dma_start3A_124 : memref<1024x128xf32, #tpu.memory_space<vmem_shared>>) target(%arg7 : memref<64x128xf32, #tpu.memory_space<vmem>>) offsets(%dma_start3A_121 : memref<64xi32, #tpu.memory_space<vmem>>) semaphore(%arg11 : memref<!tpu.dma_semaphore, #tpu.memory_space<semaphore_mem>>)
    %dma_wait3A_125 = arith.constant 0 : i32
    %dma_wait3A_126 = arith.constant 192 : i32
    %dma_wait3A_127 = tpu.memref_slice %arg5[%dma_wait3A_125, %dma_wait3A_126] : memref<9x320xi32, #tpu.memory_space<vmem>> -> memref<1x64xi32, #tpu.memory_space<vmem>>
    %dma_wait3A_128 = tpu.memref_squeeze %dma_wait3A_127 : memref<1x64xi32, #tpu.memory_space<vmem>> -> memref<64xi32, #tpu.memory_space<vmem>>
    %dma_wait3A_129 = arith.constant 0 : i32
    %dma_wait3A_130 = arith.constant 0 : i32
    %dma_wait3A_131 = tpu.memref_slice %arg9[%dma_wait3A_129, %dma_wait3A_130] : memref<1024x128xf32, #tpu.memory_space<vmem_shared>> -> memref<1024x128xf32, #tpu.memory_space<vmem_shared>>
    tpu.wait_indirect_dma semaphore(%arg11 : memref<!tpu.dma_semaphore, #tpu.memory_space<semaphore_mem>>) src(%dma_wait3A_131 : memref<1024x128xf32, #tpu.memory_space<vmem_shared>>) dst(%arg7 : memref<64x128xf32, #tpu.memory_space<vmem>>)
    "tpu.region"() ({
      %run_scoped3A = tpu.sem_alloc : memref<!tpu.dma_semaphore, #tpu.memory_space<semaphore_mem>>
      %dma_start3A_168 = arith.constant 0 : i32
      %dma_start3A_169 = tpu.memref_slice %arg10[%mul3A_6, %dma_start3A_168] : memref<1024x128xf32, #tpu.memory_space<vmem_shared>> -> memref<64x128xf32, #tpu.memory_space<vmem_shared>>
      %dma_start3A_170 = arith.constant 0 : i32
      %dma_start3A_171 = tpu.memref_slice %arg10[%mul3A_6, %dma_start3A_170] : memref<1024x128xf32, #tpu.memory_space<vmem_shared>> -> memref<64x128xf32, #tpu.memory_space<vmem_shared>>
      tpu.enqueue_dma source(%arg7 : memref<64x128xf32, #tpu.memory_space<vmem>>) target(%dma_start3A_171 : memref<64x128xf32, #tpu.memory_space<vmem_shared>>) target_semaphore(%run_scoped3A : memref<!tpu.dma_semaphore, #tpu.memory_space<semaphore_mem>>)
      %dma_wait3A_172 = arith.constant 0 : i32
      %dma_wait3A_173 = tpu.memref_slice %arg10[%mul3A_6, %dma_wait3A_172] : memref<1024x128xf32, #tpu.memory_space<vmem_shared>> -> memref<64x128xf32, #tpu.memory_space<vmem_shared>>
      %dma_wait3A_174 = arith.constant 0 : i32
      %dma_wait3A_175 = tpu.memref_slice %arg10[%mul3A_6, %dma_wait3A_174] : memref<1024x128xf32, #tpu.memory_space<vmem_shared>> -> memref<64x128xf32, #tpu.memory_space<vmem_shared>>
      tpu.wait_dma2 semaphore(%run_scoped3A : memref<!tpu.dma_semaphore, #tpu.memory_space<semaphore_mem>>) src(%arg7 : memref<64x128xf32, #tpu.memory_space<vmem>>) dst(%dma_wait3A_175 : memref<64x128xf32, #tpu.memory_space<vmem_shared>>)
      tpu.yield
    }) : () -> ()
    %scan3A_132 = arith.constant 0 : i32
    %scan3A_133 = arith.constant 0 : i32
    %scan3A_134 = arith.constant 4 : i32
    %scan3A_135 = arith.addi %scan3A_133, %scan3A_134 : i32
    %scan3A_136 = arith.constant 1 : i32
    %scan3A_137 = scf.for %scan3A_168 = %scan3A_133 to %scan3A_135 step %scan3A_136 iter_args(%scan3A_169 = %scan3A_132) -> (i32)  : i32 {
      %mul3A_170 = arith.constant 2 : i32
      %mul3A_171 = arith.muli %mul3A_170, %scan3A_168 : i32
      %add3A_172 = arith.constant 1 : i32
      %add3A_173 = arith.addi %add3A_172, %mul3A_171 : i32
      %dma_start3A_174 = arith.constant 192 : i32
      %dma_start3A_175 = tpu.memref_slice %arg5[%add3A_173, %dma_start3A_174] : memref<9x320xi32, #tpu.memory_space<vmem>> -> memref<1x64xi32, #tpu.memory_space<vmem>>
      %dma_start3A_176 = tpu.memref_squeeze %dma_start3A_175 : memref<1x64xi32, #tpu.memory_space<vmem>> -> memref<64xi32, #tpu.memory_space<vmem>>
      %dma_start3A_177 = arith.constant 0 : i32
      %dma_start3A_178 = arith.constant 0 : i32
      %dma_start3A_179 = tpu.memref_slice %arg9[%dma_start3A_177, %dma_start3A_178] : memref<1024x128xf32, #tpu.memory_space<vmem_shared>> -> memref<1024x128xf32, #tpu.memory_space<vmem_shared>>
      tpu.enqueue_indirect_dma source(%dma_start3A_179 : memref<1024x128xf32, #tpu.memory_space<vmem_shared>>) target(%arg7 : memref<64x128xf32, #tpu.memory_space<vmem>>) offsets(%dma_start3A_176 : memref<64xi32, #tpu.memory_space<vmem>>) semaphore(%arg11 : memref<!tpu.dma_semaphore, #tpu.memory_space<semaphore_mem>>)
      %add3A_180 = arith.constant 1 : i32
      %add3A_181 = arith.addi %add3A_173, %add3A_180 : i32
      %dma_start3A_182 = arith.constant 192 : i32
      %dma_start3A_183 = tpu.memref_slice %arg5[%add3A_181, %dma_start3A_182] : memref<9x320xi32, #tpu.memory_space<vmem>> -> memref<1x64xi32, #tpu.memory_space<vmem>>
      %dma_start3A_184 = tpu.memref_squeeze %dma_start3A_183 : memref<1x64xi32, #tpu.memory_space<vmem>> -> memref<64xi32, #tpu.memory_space<vmem>>
      %dma_start3A_185 = arith.constant 0 : i32
      %dma_start3A_186 = arith.constant 0 : i32
      %dma_start3A_187 = tpu.memref_slice %arg9[%dma_start3A_185, %dma_start3A_186] : memref<1024x128xf32, #tpu.memory_space<vmem_shared>> -> memref<1024x128xf32, #tpu.memory_space<vmem_shared>>
      tpu.enqueue_indirect_dma source(%dma_start3A_187 : memref<1024x128xf32, #tpu.memory_space<vmem_shared>>) target(%arg8 : memref<64x128xf32, #tpu.memory_space<vmem>>) offsets(%dma_start3A_184 : memref<64xi32, #tpu.memory_space<vmem>>) semaphore(%arg12 : memref<!tpu.dma_semaphore, #tpu.memory_space<semaphore_mem>>)
      %dma_wait3A_188 = arith.constant 192 : i32
      %dma_wait3A_189 = tpu.memref_slice %arg5[%add3A_173, %dma_wait3A_188] : memref<9x320xi32, #tpu.memory_space<vmem>> -> memref<1x64xi32, #tpu.memory_space<vmem>>
      %dma_wait3A_190 = tpu.memref_squeeze %dma_wait3A_189 : memref<1x64xi32, #tpu.memory_space<vmem>> -> memref<64xi32, #tpu.memory_space<vmem>>
      %dma_wait3A_191 = arith.constant 0 : i32
      %dma_wait3A_192 = arith.constant 0 : i32
      %dma_wait3A_193 = tpu.memref_slice %arg9[%dma_wait3A_191, %dma_wait3A_192] : memref<1024x128xf32, #tpu.memory_space<vmem_shared>> -> memref<1024x128xf32, #tpu.memory_space<vmem_shared>>
      tpu.wait_indirect_dma semaphore(%arg11 : memref<!tpu.dma_semaphore, #tpu.memory_space<semaphore_mem>>) src(%dma_wait3A_193 : memref<1024x128xf32, #tpu.memory_space<vmem_shared>>) dst(%arg7 : memref<64x128xf32, #tpu.memory_space<vmem>>)
      %run_scoped3A = arith.constant 0 : i32
      "tpu.region"() ({
        %run_scoped3A_202 = tpu.sem_alloc : memref<!tpu.dma_semaphore, #tpu.memory_space<semaphore_mem>>
        %dma_start3A_203 = arith.constant 0 : i32
        %dma_start3A_204 = tpu.memref_slice %arg6[%run_scoped3A, %dma_start3A_203] : memref<1x64xi32, #tpu.memory_space<vmem>> -> memref<1x64xi32, #tpu.memory_space<vmem>>
        %dma_start3A_205 = tpu.memref_squeeze %dma_start3A_204 : memref<1x64xi32, #tpu.memory_space<vmem>> -> memref<64xi32, #tpu.memory_space<vmem>>
        %dma_start3A_206 = arith.constant 0 : i32
        %dma_start3A_207 = arith.constant 0 : i32
        %dma_start3A_208 = tpu.memref_slice %arg10[%dma_start3A_206, %dma_start3A_207] : memref<1024x128xf32, #tpu.memory_space<vmem_shared>> -> memref<1024x128xf32, #tpu.memory_space<vmem_shared>>
        tpu.enqueue_indirect_dma source(%arg7 : memref<64x128xf32, #tpu.memory_space<vmem>>) target(%dma_start3A_208 : memref<1024x128xf32, #tpu.memory_space<vmem_shared>>) offsets(%dma_start3A_205 : memref<64xi32, #tpu.memory_space<vmem>>) semaphore(%run_scoped3A_202 : memref<!tpu.dma_semaphore, #tpu.memory_space<semaphore_mem>>) {add = true}
        %dma_wait3A_209 = arith.constant 0 : i32
        %dma_wait3A_210 = tpu.memref_slice %arg6[%run_scoped3A, %dma_wait3A_209] : memref<1x64xi32, #tpu.memory_space<vmem>> -> memref<1x64xi32, #tpu.memory_space<vmem>>
        %dma_wait3A_211 = tpu.memref_squeeze %dma_wait3A_210 : memref<1x64xi32, #tpu.memory_space<vmem>> -> memref<64xi32, #tpu.memory_space<vmem>>
        %dma_wait3A_212 = arith.constant 0 : i32
        %dma_wait3A_213 = arith.constant 0 : i32
        %dma_wait3A_214 = tpu.memref_slice %arg10[%dma_wait3A_212, %dma_wait3A_213] : memref<1024x128xf32, #tpu.memory_space<vmem_shared>> -> memref<1024x128xf32, #tpu.memory_space<vmem_shared>>
        tpu.wait_indirect_dma semaphore(%run_scoped3A_202 : memref<!tpu.dma_semaphore, #tpu.memory_space<semaphore_mem>>) src(%arg7 : memref<64x128xf32, #tpu.memory_space<vmem>>) dst(%dma_wait3A_214 : memref<1024x128xf32, #tpu.memory_space<vmem_shared>>)
        tpu.yield
      }) : () -> ()
      %dma_wait3A_194 = arith.constant 192 : i32
      %dma_wait3A_195 = tpu.memref_slice %arg5[%add3A_181, %dma_wait3A_194] : memref<9x320xi32, #tpu.memory_space<vmem>> -> memref<1x64xi32, #tpu.memory_space<vmem>>
      %dma_wait3A_196 = tpu.memref_squeeze %dma_wait3A_195 : memref<1x64xi32, #tpu.memory_space<vmem>> -> memref<64xi32, #tpu.memory_space<vmem>>
      %dma_wait3A_197 = arith.constant 0 : i32
      %dma_wait3A_198 = arith.constant 0 : i32
      %dma_wait3A_199 = tpu.memref_slice %arg9[%dma_wait3A_197, %dma_wait3A_198] : memref<1024x128xf32, #tpu.memory_space<vmem_shared>> -> memref<1024x128xf32, #tpu.memory_space<vmem_shared>>
      tpu.wait_indirect_dma semaphore(%arg12 : memref<!tpu.dma_semaphore, #tpu.memory_space<semaphore_mem>>) src(%dma_wait3A_199 : memref<1024x128xf32, #tpu.memory_space<vmem_shared>>) dst(%arg8 : memref<64x128xf32, #tpu.memory_space<vmem>>)
      %run_scoped3A_200 = arith.constant 0 : i32
      "tpu.region"() ({
        %run_scoped3A_202 = tpu.sem_alloc : memref<!tpu.dma_semaphore, #tpu.memory_space<semaphore_mem>>
        %dma_start3A_203 = arith.constant 0 : i32
        %dma_start3A_204 = tpu.memref_slice %arg6[%run_scoped3A_200, %dma_start3A_203] : memref<1x64xi32, #tpu.memory_space<vmem>> -> memref<1x64xi32, #tpu.memory_space<vmem>>
        %dma_start3A_205 = tpu.memref_squeeze %dma_start3A_204 : memref<1x64xi32, #tpu.memory_space<vmem>> -> memref<64xi32, #tpu.memory_space<vmem>>
        %dma_start3A_206 = arith.constant 0 : i32
        %dma_start3A_207 = arith.constant 0 : i32
        %dma_start3A_208 = tpu.memref_slice %arg10[%dma_start3A_206, %dma_start3A_207] : memref<1024x128xf32, #tpu.memory_space<vmem_shared>> -> memref<1024x128xf32, #tpu.memory_space<vmem_shared>>
        tpu.enqueue_indirect_dma source(%arg8 : memref<64x128xf32, #tpu.memory_space<vmem>>) target(%dma_start3A_208 : memref<1024x128xf32, #tpu.memory_space<vmem_shared>>) offsets(%dma_start3A_205 : memref<64xi32, #tpu.memory_space<vmem>>) semaphore(%run_scoped3A_202 : memref<!tpu.dma_semaphore, #tpu.memory_space<semaphore_mem>>) {add = true}
        %dma_wait3A_209 = arith.constant 0 : i32
        %dma_wait3A_210 = tpu.memref_slice %arg6[%run_scoped3A_200, %dma_wait3A_209] : memref<1x64xi32, #tpu.memory_space<vmem>> -> memref<1x64xi32, #tpu.memory_space<vmem>>
        %dma_wait3A_211 = tpu.memref_squeeze %dma_wait3A_210 : memref<1x64xi32, #tpu.memory_space<vmem>> -> memref<64xi32, #tpu.memory_space<vmem>>
        %dma_wait3A_212 = arith.constant 0 : i32
        %dma_wait3A_213 = arith.constant 0 : i32
        %dma_wait3A_214 = tpu.memref_slice %arg10[%dma_wait3A_212, %dma_wait3A_213] : memref<1024x128xf32, #tpu.memory_space<vmem_shared>> -> memref<1024x128xf32, #tpu.memory_space<vmem_shared>>
        tpu.wait_indirect_dma semaphore(%run_scoped3A_202 : memref<!tpu.dma_semaphore, #tpu.memory_space<semaphore_mem>>) src(%arg8 : memref<64x128xf32, #tpu.memory_space<vmem>>) dst(%dma_wait3A_214 : memref<1024x128xf32, #tpu.memory_space<vmem_shared>>)
        tpu.yield
      }) : () -> ()
      %scan3A_201 = arith.constant 0 : i32
      scf.yield %scan3A_201 : i32
    }
    %scan3A_138 = arith.constant 4 : i32
    %mul3A_139 = arith.constant 320 : i32
    %mul3A_140 = arith.muli %add3A, %mul3A_139 : i32
    %add3A_141 = arith.constant 192 : i32
    %add3A_142 = arith.addi %mul3A_140, %add3A_141 : i32
    "tpu.region"() ({
      %run_scoped3A = tpu.sem_alloc : memref<!tpu.dma_semaphore, #tpu.memory_space<semaphore_mem>>
      %dma_start3A_168 = arith.constant 0 : i32
      %dma_start3A_169 = tpu.memref_slice %arg4[%add3A_142, %dma_start3A_168] : memref<10240x128xf32, #tpu.memory_space<hbm>> -> memref<64x128xf32, #tpu.memory_space<hbm>>
      %dma_start3A_170 = arith.constant 0 : i32
      %dma_start3A_171 = tpu.memref_slice %arg10[%mul3A_6, %dma_start3A_170] : memref<1024x128xf32, #tpu.memory_space<vmem_shared>> -> memref<64x128xf32, #tpu.memory_space<vmem_shared>>
      tpu.enqueue_dma source(%dma_start3A_171 : memref<64x128xf32, #tpu.memory_space<vmem_shared>>) target(%dma_start3A_169 : memref<64x128xf32, #tpu.memory_space<hbm>>) target_semaphore(%run_scoped3A : memref<!tpu.dma_semaphore, #tpu.memory_space<semaphore_mem>>)
      %dma_wait3A_172 = arith.constant 0 : i32
      %dma_wait3A_173 = tpu.memref_slice %arg4[%add3A_142, %dma_wait3A_172] : memref<10240x128xf32, #tpu.memory_space<hbm>> -> memref<64x128xf32, #tpu.memory_space<hbm>>
      %dma_wait3A_174 = arith.constant 0 : i32
      %dma_wait3A_175 = tpu.memref_slice %arg10[%mul3A_6, %dma_wait3A_174] : memref<1024x128xf32, #tpu.memory_space<vmem_shared>> -> memref<64x128xf32, #tpu.memory_space<vmem_shared>>
      tpu.wait_dma2 semaphore(%run_scoped3A : memref<!tpu.dma_semaphore, #tpu.memory_space<semaphore_mem>>) src(%dma_wait3A_175 : memref<64x128xf32, #tpu.memory_space<vmem_shared>>) dst(%dma_wait3A_173 : memref<64x128xf32, #tpu.memory_space<hbm>>)
      tpu.yield
    }) : () -> ()
    %dma_start3A_143 = arith.constant 0 : i32
    %dma_start3A_144 = arith.constant 256 : i32
    %dma_start3A_145 = tpu.memref_slice %arg5[%dma_start3A_143, %dma_start3A_144] : memref<9x320xi32, #tpu.memory_space<vmem>> -> memref<1x64xi32, #tpu.memory_space<vmem>>
    %dma_start3A_146 = tpu.memref_squeeze %dma_start3A_145 : memref<1x64xi32, #tpu.memory_space<vmem>> -> memref<64xi32, #tpu.memory_space<vmem>>
    %dma_start3A_147 = arith.constant 0 : i32
    %dma_start3A_148 = arith.constant 0 : i32
    %dma_start3A_149 = tpu.memref_slice %arg9[%dma_start3A_147, %dma_start3A_148] : memref<1024x128xf32, #tpu.memory_space<vmem_shared>> -> memref<1024x128xf32, #tpu.memory_space<vmem_shared>>
    tpu.enqueue_indirect_dma source(%dma_start3A_149 : memref<1024x128xf32, #tpu.memory_space<vmem_shared>>) target(%arg7 : memref<64x128xf32, #tpu.memory_space<vmem>>) offsets(%dma_start3A_146 : memref<64xi32, #tpu.memory_space<vmem>>) semaphore(%arg11 : memref<!tpu.dma_semaphore, #tpu.memory_space<semaphore_mem>>)
    %dma_wait3A_150 = arith.constant 0 : i32
    %dma_wait3A_151 = arith.constant 256 : i32
    %dma_wait3A_152 = tpu.memref_slice %arg5[%dma_wait3A_150, %dma_wait3A_151] : memref<9x320xi32, #tpu.memory_space<vmem>> -> memref<1x64xi32, #tpu.memory_space<vmem>>
    %dma_wait3A_153 = tpu.memref_squeeze %dma_wait3A_152 : memref<1x64xi32, #tpu.memory_space<vmem>> -> memref<64xi32, #tpu.memory_space<vmem>>
    %dma_wait3A_154 = arith.constant 0 : i32
    %dma_wait3A_155 = arith.constant 0 : i32
    %dma_wait3A_156 = tpu.memref_slice %arg9[%dma_wait3A_154, %dma_wait3A_155] : memref<1024x128xf32, #tpu.memory_space<vmem_shared>> -> memref<1024x128xf32, #tpu.memory_space<vmem_shared>>
    tpu.wait_indirect_dma semaphore(%arg11 : memref<!tpu.dma_semaphore, #tpu.memory_space<semaphore_mem>>) src(%dma_wait3A_156 : memref<1024x128xf32, #tpu.memory_space<vmem_shared>>) dst(%arg7 : memref<64x128xf32, #tpu.memory_space<vmem>>)
    "tpu.region"() ({
      %run_scoped3A = tpu.sem_alloc : memref<!tpu.dma_semaphore, #tpu.memory_space<semaphore_mem>>
      %dma_start3A_168 = arith.constant 0 : i32
      %dma_start3A_169 = tpu.memref_slice %arg10[%mul3A_6, %dma_start3A_168] : memref<1024x128xf32, #tpu.memory_space<vmem_shared>> -> memref<64x128xf32, #tpu.memory_space<vmem_shared>>
      %dma_start3A_170 = arith.constant 0 : i32
      %dma_start3A_171 = tpu.memref_slice %arg10[%mul3A_6, %dma_start3A_170] : memref<1024x128xf32, #tpu.memory_space<vmem_shared>> -> memref<64x128xf32, #tpu.memory_space<vmem_shared>>
      tpu.enqueue_dma source(%arg7 : memref<64x128xf32, #tpu.memory_space<vmem>>) target(%dma_start3A_171 : memref<64x128xf32, #tpu.memory_space<vmem_shared>>) target_semaphore(%run_scoped3A : memref<!tpu.dma_semaphore, #tpu.memory_space<semaphore_mem>>)
      %dma_wait3A_172 = arith.constant 0 : i32
      %dma_wait3A_173 = tpu.memref_slice %arg10[%mul3A_6, %dma_wait3A_172] : memref<1024x128xf32, #tpu.memory_space<vmem_shared>> -> memref<64x128xf32, #tpu.memory_space<vmem_shared>>
      %dma_wait3A_174 = arith.constant 0 : i32
      %dma_wait3A_175 = tpu.memref_slice %arg10[%mul3A_6, %dma_wait3A_174] : memref<1024x128xf32, #tpu.memory_space<vmem_shared>> -> memref<64x128xf32, #tpu.memory_space<vmem_shared>>
      tpu.wait_dma2 semaphore(%run_scoped3A : memref<!tpu.dma_semaphore, #tpu.memory_space<semaphore_mem>>) src(%arg7 : memref<64x128xf32, #tpu.memory_space<vmem>>) dst(%dma_wait3A_175 : memref<64x128xf32, #tpu.memory_space<vmem_shared>>)
      tpu.yield
    }) : () -> ()
    %scan3A_157 = arith.constant 0 : i32
    %scan3A_158 = arith.constant 0 : i32
    %scan3A_159 = arith.constant 4 : i32
    %scan3A_160 = arith.addi %scan3A_158, %scan3A_159 : i32
    %scan3A_161 = arith.constant 1 : i32
    %scan3A_162 = scf.for %scan3A_168 = %scan3A_158 to %scan3A_160 step %scan3A_161 iter_args(%scan3A_169 = %scan3A_157) -> (i32)  : i32 {
      %mul3A_170 = arith.constant 2 : i32
      %mul3A_171 = arith.muli %mul3A_170, %scan3A_168 : i32
      %add3A_172 = arith.constant 1 : i32
      %add3A_173 = arith.addi %add3A_172, %mul3A_171 : i32
      %dma_start3A_174 = arith.constant 256 : i32
      %dma_start3A_175 = tpu.memref_slice %arg5[%add3A_173, %dma_start3A_174] : memref<9x320xi32, #tpu.memory_space<vmem>> -> memref<1x64xi32, #tpu.memory_space<vmem>>
      %dma_start3A_176 = tpu.memref_squeeze %dma_start3A_175 : memref<1x64xi32, #tpu.memory_space<vmem>> -> memref<64xi32, #tpu.memory_space<vmem>>
      %dma_start3A_177 = arith.constant 0 : i32
      %dma_start3A_178 = arith.constant 0 : i32
      %dma_start3A_179 = tpu.memref_slice %arg9[%dma_start3A_177, %dma_start3A_178] : memref<1024x128xf32, #tpu.memory_space<vmem_shared>> -> memref<1024x128xf32, #tpu.memory_space<vmem_shared>>
      tpu.enqueue_indirect_dma source(%dma_start3A_179 : memref<1024x128xf32, #tpu.memory_space<vmem_shared>>) target(%arg7 : memref<64x128xf32, #tpu.memory_space<vmem>>) offsets(%dma_start3A_176 : memref<64xi32, #tpu.memory_space<vmem>>) semaphore(%arg11 : memref<!tpu.dma_semaphore, #tpu.memory_space<semaphore_mem>>)
      %add3A_180 = arith.constant 1 : i32
      %add3A_181 = arith.addi %add3A_173, %add3A_180 : i32
      %dma_start3A_182 = arith.constant 256 : i32
      %dma_start3A_183 = tpu.memref_slice %arg5[%add3A_181, %dma_start3A_182] : memref<9x320xi32, #tpu.memory_space<vmem>> -> memref<1x64xi32, #tpu.memory_space<vmem>>
      %dma_start3A_184 = tpu.memref_squeeze %dma_start3A_183 : memref<1x64xi32, #tpu.memory_space<vmem>> -> memref<64xi32, #tpu.memory_space<vmem>>
      %dma_start3A_185 = arith.constant 0 : i32
      %dma_start3A_186 = arith.constant 0 : i32
      %dma_start3A_187 = tpu.memref_slice %arg9[%dma_start3A_185, %dma_start3A_186] : memref<1024x128xf32, #tpu.memory_space<vmem_shared>> -> memref<1024x128xf32, #tpu.memory_space<vmem_shared>>
      tpu.enqueue_indirect_dma source(%dma_start3A_187 : memref<1024x128xf32, #tpu.memory_space<vmem_shared>>) target(%arg8 : memref<64x128xf32, #tpu.memory_space<vmem>>) offsets(%dma_start3A_184 : memref<64xi32, #tpu.memory_space<vmem>>) semaphore(%arg12 : memref<!tpu.dma_semaphore, #tpu.memory_space<semaphore_mem>>)
      %dma_wait3A_188 = arith.constant 256 : i32
      %dma_wait3A_189 = tpu.memref_slice %arg5[%add3A_173, %dma_wait3A_188] : memref<9x320xi32, #tpu.memory_space<vmem>> -> memref<1x64xi32, #tpu.memory_space<vmem>>
      %dma_wait3A_190 = tpu.memref_squeeze %dma_wait3A_189 : memref<1x64xi32, #tpu.memory_space<vmem>> -> memref<64xi32, #tpu.memory_space<vmem>>
      %dma_wait3A_191 = arith.constant 0 : i32
      %dma_wait3A_192 = arith.constant 0 : i32
      %dma_wait3A_193 = tpu.memref_slice %arg9[%dma_wait3A_191, %dma_wait3A_192] : memref<1024x128xf32, #tpu.memory_space<vmem_shared>> -> memref<1024x128xf32, #tpu.memory_space<vmem_shared>>
      tpu.wait_indirect_dma semaphore(%arg11 : memref<!tpu.dma_semaphore, #tpu.memory_space<semaphore_mem>>) src(%dma_wait3A_193 : memref<1024x128xf32, #tpu.memory_space<vmem_shared>>) dst(%arg7 : memref<64x128xf32, #tpu.memory_space<vmem>>)
      %run_scoped3A = arith.constant 0 : i32
      "tpu.region"() ({
        %run_scoped3A_202 = tpu.sem_alloc : memref<!tpu.dma_semaphore, #tpu.memory_space<semaphore_mem>>
        %dma_start3A_203 = arith.constant 0 : i32
        %dma_start3A_204 = tpu.memref_slice %arg6[%run_scoped3A, %dma_start3A_203] : memref<1x64xi32, #tpu.memory_space<vmem>> -> memref<1x64xi32, #tpu.memory_space<vmem>>
        %dma_start3A_205 = tpu.memref_squeeze %dma_start3A_204 : memref<1x64xi32, #tpu.memory_space<vmem>> -> memref<64xi32, #tpu.memory_space<vmem>>
        %dma_start3A_206 = arith.constant 0 : i32
        %dma_start3A_207 = arith.constant 0 : i32
        %dma_start3A_208 = tpu.memref_slice %arg10[%dma_start3A_206, %dma_start3A_207] : memref<1024x128xf32, #tpu.memory_space<vmem_shared>> -> memref<1024x128xf32, #tpu.memory_space<vmem_shared>>
        tpu.enqueue_indirect_dma source(%arg7 : memref<64x128xf32, #tpu.memory_space<vmem>>) target(%dma_start3A_208 : memref<1024x128xf32, #tpu.memory_space<vmem_shared>>) offsets(%dma_start3A_205 : memref<64xi32, #tpu.memory_space<vmem>>) semaphore(%run_scoped3A_202 : memref<!tpu.dma_semaphore, #tpu.memory_space<semaphore_mem>>) {add = true}
        %dma_wait3A_209 = arith.constant 0 : i32
        %dma_wait3A_210 = tpu.memref_slice %arg6[%run_scoped3A, %dma_wait3A_209] : memref<1x64xi32, #tpu.memory_space<vmem>> -> memref<1x64xi32, #tpu.memory_space<vmem>>
        %dma_wait3A_211 = tpu.memref_squeeze %dma_wait3A_210 : memref<1x64xi32, #tpu.memory_space<vmem>> -> memref<64xi32, #tpu.memory_space<vmem>>
        %dma_wait3A_212 = arith.constant 0 : i32
        %dma_wait3A_213 = arith.constant 0 : i32
        %dma_wait3A_214 = tpu.memref_slice %arg10[%dma_wait3A_212, %dma_wait3A_213] : memref<1024x128xf32, #tpu.memory_space<vmem_shared>> -> memref<1024x128xf32, #tpu.memory_space<vmem_shared>>
        tpu.wait_indirect_dma semaphore(%run_scoped3A_202 : memref<!tpu.dma_semaphore, #tpu.memory_space<semaphore_mem>>) src(%arg7 : memref<64x128xf32, #tpu.memory_space<vmem>>) dst(%dma_wait3A_214 : memref<1024x128xf32, #tpu.memory_space<vmem_shared>>)
        tpu.yield
      }) : () -> ()
      %dma_wait3A_194 = arith.constant 256 : i32
      %dma_wait3A_195 = tpu.memref_slice %arg5[%add3A_181, %dma_wait3A_194] : memref<9x320xi32, #tpu.memory_space<vmem>> -> memref<1x64xi32, #tpu.memory_space<vmem>>
      %dma_wait3A_196 = tpu.memref_squeeze %dma_wait3A_195 : memref<1x64xi32, #tpu.memory_space<vmem>> -> memref<64xi32, #tpu.memory_space<vmem>>
      %dma_wait3A_197 = arith.constant 0 : i32
      %dma_wait3A_198 = arith.constant 0 : i32
      %dma_wait3A_199 = tpu.memref_slice %arg9[%dma_wait3A_197, %dma_wait3A_198] : memref<1024x128xf32, #tpu.memory_space<vmem_shared>> -> memref<1024x128xf32, #tpu.memory_space<vmem_shared>>
      tpu.wait_indirect_dma semaphore(%arg12 : memref<!tpu.dma_semaphore, #tpu.memory_space<semaphore_mem>>) src(%dma_wait3A_199 : memref<1024x128xf32, #tpu.memory_space<vmem_shared>>) dst(%arg8 : memref<64x128xf32, #tpu.memory_space<vmem>>)
      %run_scoped3A_200 = arith.constant 0 : i32
      "tpu.region"() ({
        %run_scoped3A_202 = tpu.sem_alloc : memref<!tpu.dma_semaphore, #tpu.memory_space<semaphore_mem>>
        %dma_start3A_203 = arith.constant 0 : i32
        %dma_start3A_204 = tpu.memref_slice %arg6[%run_scoped3A_200, %dma_start3A_203] : memref<1x64xi32, #tpu.memory_space<vmem>> -> memref<1x64xi32, #tpu.memory_space<vmem>>
        %dma_start3A_205 = tpu.memref_squeeze %dma_start3A_204 : memref<1x64xi32, #tpu.memory_space<vmem>> -> memref<64xi32, #tpu.memory_space<vmem>>
        %dma_start3A_206 = arith.constant 0 : i32
        %dma_start3A_207 = arith.constant 0 : i32
        %dma_start3A_208 = tpu.memref_slice %arg10[%dma_start3A_206, %dma_start3A_207] : memref<1024x128xf32, #tpu.memory_space<vmem_shared>> -> memref<1024x128xf32, #tpu.memory_space<vmem_shared>>
        tpu.enqueue_indirect_dma source(%arg8 : memref<64x128xf32, #tpu.memory_space<vmem>>) target(%dma_start3A_208 : memref<1024x128xf32, #tpu.memory_space<vmem_shared>>) offsets(%dma_start3A_205 : memref<64xi32, #tpu.memory_space<vmem>>) semaphore(%run_scoped3A_202 : memref<!tpu.dma_semaphore, #tpu.memory_space<semaphore_mem>>) {add = true}
        %dma_wait3A_209 = arith.constant 0 : i32
        %dma_wait3A_210 = tpu.memref_slice %arg6[%run_scoped3A_200, %dma_wait3A_209] : memref<1x64xi32, #tpu.memory_space<vmem>> -> memref<1x64xi32, #tpu.memory_space<vmem>>
        %dma_wait3A_211 = tpu.memref_squeeze %dma_wait3A_210 : memref<1x64xi32, #tpu.memory_space<vmem>> -> memref<64xi32, #tpu.memory_space<vmem>>
        %dma_wait3A_212 = arith.constant 0 : i32
        %dma_wait3A_213 = arith.constant 0 : i32
        %dma_wait3A_214 = tpu.memref_slice %arg10[%dma_wait3A_212, %dma_wait3A_213] : memref<1024x128xf32, #tpu.memory_space<vmem_shared>> -> memref<1024x128xf32, #tpu.memory_space<vmem_shared>>
        tpu.wait_indirect_dma semaphore(%run_scoped3A_202 : memref<!tpu.dma_semaphore, #tpu.memory_space<semaphore_mem>>) src(%arg8 : memref<64x128xf32, #tpu.memory_space<vmem>>) dst(%dma_wait3A_214 : memref<1024x128xf32, #tpu.memory_space<vmem_shared>>)
        tpu.yield
      }) : () -> ()
      %scan3A_201 = arith.constant 0 : i32
      scf.yield %scan3A_201 : i32
    }
    %scan3A_163 = arith.constant 4 : i32
    %mul3A_164 = arith.constant 320 : i32
    %mul3A_165 = arith.muli %add3A, %mul3A_164 : i32
    %add3A_166 = arith.constant 256 : i32
    %add3A_167 = arith.addi %mul3A_165, %add3A_166 : i32
    "tpu.region"() ({
      %run_scoped3A = tpu.sem_alloc : memref<!tpu.dma_semaphore, #tpu.memory_space<semaphore_mem>>
      %dma_start3A_168 = arith.constant 0 : i32
      %dma_start3A_169 = tpu.memref_slice %arg4[%add3A_167, %dma_start3A_168] : memref<10240x128xf32, #tpu.memory_space<hbm>> -> memref<64x128xf32, #tpu.memory_space<hbm>>
      %dma_start3A_170 = arith.constant 0 : i32
      %dma_start3A_171 = tpu.memref_slice %arg10[%mul3A_6, %dma_start3A_170] : memref<1024x128xf32, #tpu.memory_space<vmem_shared>> -> memref<64x128xf32, #tpu.memory_space<vmem_shared>>
      tpu.enqueue_dma source(%dma_start3A_171 : memref<64x128xf32, #tpu.memory_space<vmem_shared>>) target(%dma_start3A_169 : memref<64x128xf32, #tpu.memory_space<hbm>>) target_semaphore(%run_scoped3A : memref<!tpu.dma_semaphore, #tpu.memory_space<semaphore_mem>>)
      %dma_wait3A_172 = arith.constant 0 : i32
      %dma_wait3A_173 = tpu.memref_slice %arg4[%add3A_167, %dma_wait3A_172] : memref<10240x128xf32, #tpu.memory_space<hbm>> -> memref<64x128xf32, #tpu.memory_space<hbm>>
      %dma_wait3A_174 = arith.constant 0 : i32
      %dma_wait3A_175 = tpu.memref_slice %arg10[%mul3A_6, %dma_wait3A_174] : memref<1024x128xf32, #tpu.memory_space<vmem_shared>> -> memref<64x128xf32, #tpu.memory_space<vmem_shared>>
      tpu.wait_dma2 semaphore(%run_scoped3A : memref<!tpu.dma_semaphore, #tpu.memory_space<semaphore_mem>>) src(%dma_wait3A_175 : memref<64x128xf32, #tpu.memory_space<vmem_shared>>) dst(%dma_wait3A_173 : memref<64x128xf32, #tpu.memory_space<hbm>>)
      tpu.yield
    }) : () -> ()
    return
  }
}

#map = affine_map<(d0, d1) -> (0, 0)>
#map1 = affine_map<(d0, d1) -> (0, 0, 0)>
module attributes {stable_mosaic.version = 14 : i64} {
  func.func @_sc_segsum_body(%arg0: i32, %arg1: i32, %arg2: memref<10240x128xf32, #tpu.memory_space<hbm>>, %arg3: memref<32x10112xi32, #tpu.memory_space<hbm>>, %arg4: memref<32x79x128xi32, #tpu.memory_space<hbm>>, %arg5: memref<640x128xf32, #tpu.memory_space<hbm>>, %arg6: memref<2x10240x128xf32, #tpu.memory_space<hbm>>, %arg7: memref<10112xi32, #tpu.memory_space<vmem>>, %arg8: memref<40x128xi32, #tpu.memory_space<vmem>>, %arg9: memref<128x128xf32, #tpu.memory_space<vmem>>, %arg10: memref<128x128xf32, #tpu.memory_space<vmem>>, %arg11: memref<10240x128xf32, #tpu.memory_space<vmem_shared>>, %arg12: memref<!tpu.dma_semaphore, #tpu.memory_space<semaphore_mem>>, %arg13: memref<!tpu.dma_semaphore, #tpu.memory_space<semaphore_mem>>) attributes {dimension_semantics = [#tpu.dimension_semantics<core_parallel>, #tpu.dimension_semantics<subcore_parallel>], iteration_bounds = array<i64: 2, 16>, scalar_prefetch = 0 : i64, scratch_operands = 7 : i64, tpu.core_type = #tpu.core_type<sc_vector_subcore>, window_params = [{transform_indices = #map}, {transform_indices = #map}, {transform_indices = #map1}, {transform_indices = #map}, {transform_indices = #map1}]} {
    %mul3A = arith.constant 2 : i32
    %mul3A_0 = arith.muli %arg1, %mul3A : i32
    %add3A = arith.addi %mul3A_0, %arg0 : i32
    "tpu.region"() ({
      %run_scoped3A_29 = tpu.sem_alloc : memref<!tpu.dma_semaphore, #tpu.memory_space<semaphore_mem>>
      %dma_start3A_30 = arith.constant 0 : i32
      %dma_start3A_31 = tpu.memref_slice %arg3[%add3A, %dma_start3A_30] : memref<32x10112xi32, #tpu.memory_space<hbm>> -> memref<1x10112xi32, #tpu.memory_space<hbm>>
      %dma_start3A_32 = tpu.memref_squeeze %dma_start3A_31 : memref<1x10112xi32, #tpu.memory_space<hbm>> -> memref<10112xi32, #tpu.memory_space<hbm>>
      %dma_start3A_33 = arith.constant 0 : i32
      %dma_start3A_34 = tpu.memref_slice %arg3[%add3A, %dma_start3A_33] : memref<32x10112xi32, #tpu.memory_space<hbm>> -> memref<1x10112xi32, #tpu.memory_space<hbm>>
      %dma_start3A_35 = tpu.memref_squeeze %dma_start3A_34 : memref<1x10112xi32, #tpu.memory_space<hbm>> -> memref<10112xi32, #tpu.memory_space<hbm>>
      tpu.enqueue_dma source(%dma_start3A_35 : memref<10112xi32, #tpu.memory_space<hbm>>) target(%arg7 : memref<10112xi32, #tpu.memory_space<vmem>>) target_semaphore(%run_scoped3A_29 : memref<!tpu.dma_semaphore, #tpu.memory_space<semaphore_mem>>)
      %dma_wait3A_36 = arith.constant 0 : i32
      %dma_wait3A_37 = tpu.memref_slice %arg3[%add3A, %dma_wait3A_36] : memref<32x10112xi32, #tpu.memory_space<hbm>> -> memref<1x10112xi32, #tpu.memory_space<hbm>>
      %dma_wait3A_38 = tpu.memref_squeeze %dma_wait3A_37 : memref<1x10112xi32, #tpu.memory_space<hbm>> -> memref<10112xi32, #tpu.memory_space<hbm>>
      %dma_wait3A_39 = arith.constant 0 : i32
      %dma_wait3A_40 = tpu.memref_slice %arg3[%add3A, %dma_wait3A_39] : memref<32x10112xi32, #tpu.memory_space<hbm>> -> memref<1x10112xi32, #tpu.memory_space<hbm>>
      %dma_wait3A_41 = tpu.memref_squeeze %dma_wait3A_40 : memref<1x10112xi32, #tpu.memory_space<hbm>> -> memref<10112xi32, #tpu.memory_space<hbm>>
      tpu.wait_dma2 semaphore(%run_scoped3A_29 : memref<!tpu.dma_semaphore, #tpu.memory_space<semaphore_mem>>) src(%dma_wait3A_41 : memref<10112xi32, #tpu.memory_space<hbm>>) dst(%arg7 : memref<10112xi32, #tpu.memory_space<vmem>>)
      tpu.yield
    }) : () -> ()
    "tpu.region"() ({
      %run_scoped3A_29 = tpu.sem_alloc : memref<!tpu.dma_semaphore, #tpu.memory_space<semaphore_mem>>
      %dma_start3A_30 = arith.constant 0 : i32
      %dma_start3A_31 = arith.constant 0 : i32
      %dma_start3A_32 = tpu.memref_slice %arg4[%add3A, %dma_start3A_30, %dma_start3A_31] : memref<32x79x128xi32, #tpu.memory_space<hbm>> -> memref<1x40x128xi32, #tpu.memory_space<hbm>>
      %dma_start3A_33 = tpu.memref_squeeze %dma_start3A_32 : memref<1x40x128xi32, #tpu.memory_space<hbm>> -> memref<40x128xi32, #tpu.memory_space<hbm>>
      %dma_start3A_34 = arith.constant 0 : i32
      %dma_start3A_35 = arith.constant 0 : i32
      %dma_start3A_36 = tpu.memref_slice %arg4[%add3A, %dma_start3A_34, %dma_start3A_35] : memref<32x79x128xi32, #tpu.memory_space<hbm>> -> memref<1x40x128xi32, #tpu.memory_space<hbm>>
      %dma_start3A_37 = tpu.memref_squeeze %dma_start3A_36 : memref<1x40x128xi32, #tpu.memory_space<hbm>> -> memref<40x128xi32, #tpu.memory_space<hbm>>
      tpu.enqueue_dma source(%dma_start3A_37 : memref<40x128xi32, #tpu.memory_space<hbm>>) target(%arg8 : memref<40x128xi32, #tpu.memory_space<vmem>>) target_semaphore(%run_scoped3A_29 : memref<!tpu.dma_semaphore, #tpu.memory_space<semaphore_mem>>)
      %dma_wait3A_38 = arith.constant 0 : i32
      %dma_wait3A_39 = arith.constant 0 : i32
      %dma_wait3A_40 = tpu.memref_slice %arg4[%add3A, %dma_wait3A_38, %dma_wait3A_39] : memref<32x79x128xi32, #tpu.memory_space<hbm>> -> memref<1x40x128xi32, #tpu.memory_space<hbm>>
      %dma_wait3A_41 = tpu.memref_squeeze %dma_wait3A_40 : memref<1x40x128xi32, #tpu.memory_space<hbm>> -> memref<40x128xi32, #tpu.memory_space<hbm>>
      %dma_wait3A_42 = arith.constant 0 : i32
      %dma_wait3A_43 = arith.constant 0 : i32
      %dma_wait3A_44 = tpu.memref_slice %arg4[%add3A, %dma_wait3A_42, %dma_wait3A_43] : memref<32x79x128xi32, #tpu.memory_space<hbm>> -> memref<1x40x128xi32, #tpu.memory_space<hbm>>
      %dma_wait3A_45 = tpu.memref_squeeze %dma_wait3A_44 : memref<1x40x128xi32, #tpu.memory_space<hbm>> -> memref<40x128xi32, #tpu.memory_space<hbm>>
      tpu.wait_dma2 semaphore(%run_scoped3A_29 : memref<!tpu.dma_semaphore, #tpu.memory_space<semaphore_mem>>) src(%dma_wait3A_45 : memref<40x128xi32, #tpu.memory_space<hbm>>) dst(%arg8 : memref<40x128xi32, #tpu.memory_space<vmem>>)
      tpu.yield
    }) : () -> ()
    %mul3A_1 = arith.constant 640 : i32
    %mul3A_2 = arith.muli %arg1, %mul3A_1 : i32
    "tpu.region"() ({
      %run_scoped3A_29 = tpu.sem_alloc : memref<!tpu.dma_semaphore, #tpu.memory_space<semaphore_mem>>
      %dma_start3A_30 = arith.constant 0 : i32
      %dma_start3A_31 = tpu.memref_slice %arg11[%mul3A_2, %dma_start3A_30] : memref<10240x128xf32, #tpu.memory_space<vmem_shared>> -> memref<640x128xf32, #tpu.memory_space<vmem_shared>>
      tpu.enqueue_dma source(%arg5 : memref<640x128xf32, #tpu.memory_space<hbm>>) target(%dma_start3A_31 : memref<640x128xf32, #tpu.memory_space<vmem_shared>>) target_semaphore(%run_scoped3A_29 : memref<!tpu.dma_semaphore, #tpu.memory_space<semaphore_mem>>)
      %dma_wait3A_32 = arith.constant 0 : i32
      %dma_wait3A_33 = tpu.memref_slice %arg11[%mul3A_2, %dma_wait3A_32] : memref<10240x128xf32, #tpu.memory_space<vmem_shared>> -> memref<640x128xf32, #tpu.memory_space<vmem_shared>>
      tpu.wait_dma2 semaphore(%run_scoped3A_29 : memref<!tpu.dma_semaphore, #tpu.memory_space<semaphore_mem>>) src(%arg5 : memref<640x128xf32, #tpu.memory_space<hbm>>) dst(%dma_wait3A_33 : memref<640x128xf32, #tpu.memory_space<vmem_shared>>)
      tpu.yield
    }) : () -> ()
    %barrier3A = arith.constant 0 : index
    tpu.barrier barrier_id(%barrier3A)
    %scan3A = arith.constant 0 : i32
    %scan3A_3 = arith.constant 0 : i32
    %scan3A_4 = arith.constant 20 : i32
    %scan3A_5 = arith.addi %scan3A_3, %scan3A_4 : i32
    %scan3A_6 = arith.constant 1 : i32
    %scan3A_7 = scf.for %scan3A_29 = %scan3A_3 to %scan3A_5 step %scan3A_6 iter_args(%scan3A_30 = %scan3A) -> (i32)  : i32 {
      %mul3A_31 = arith.constant 2 : i32
      %mul3A_32 = arith.muli %mul3A_31, %scan3A_29 : i32
      %add3A_33 = arith.constant 0 : i32
      %add3A_34 = arith.addi %add3A_33, %mul3A_32 : i32
      %mul3A_35 = arith.constant 128 : i32
      %mul3A_36 = arith.muli %add3A_34, %mul3A_35 : i32
      %dma_start3A_37 = tpu.memref_slice %arg7[%mul3A_36] : memref<10112xi32, #tpu.memory_space<vmem>> -> memref<128xi32, #tpu.memory_space<vmem>>
      %dma_start3A_38 = arith.constant 0 : i32
      %dma_start3A_39 = arith.constant 0 : i32
      %dma_start3A_40 = tpu.memref_slice %arg2[%dma_start3A_38, %dma_start3A_39] : memref<10240x128xf32, #tpu.memory_space<hbm>> -> memref<10240x128xf32, #tpu.memory_space<hbm>>
      tpu.enqueue_indirect_dma source(%dma_start3A_40 : memref<10240x128xf32, #tpu.memory_space<hbm>>) target(%arg9 : memref<128x128xf32, #tpu.memory_space<vmem>>) offsets(%dma_start3A_37 : memref<128xi32, #tpu.memory_space<vmem>>) semaphore(%arg12 : memref<!tpu.dma_semaphore, #tpu.memory_space<semaphore_mem>>)
      %add3A_41 = arith.constant 0 : i32
      %add3A_42 = arith.addi %add3A_41, %mul3A_32 : i32
      %add3A_43 = arith.constant 1 : i32
      %add3A_44 = arith.addi %add3A_42, %add3A_43 : i32
      %mul3A_45 = arith.constant 128 : i32
      %mul3A_46 = arith.muli %add3A_44, %mul3A_45 : i32
      %dma_start3A_47 = tpu.memref_slice %arg7[%mul3A_46] : memref<10112xi32, #tpu.memory_space<vmem>> -> memref<128xi32, #tpu.memory_space<vmem>>
      %dma_start3A_48 = arith.constant 0 : i32
      %dma_start3A_49 = arith.constant 0 : i32
      %dma_start3A_50 = tpu.memref_slice %arg2[%dma_start3A_48, %dma_start3A_49] : memref<10240x128xf32, #tpu.memory_space<hbm>> -> memref<10240x128xf32, #tpu.memory_space<hbm>>
      tpu.enqueue_indirect_dma source(%dma_start3A_50 : memref<10240x128xf32, #tpu.memory_space<hbm>>) target(%arg10 : memref<128x128xf32, #tpu.memory_space<vmem>>) offsets(%dma_start3A_47 : memref<128xi32, #tpu.memory_space<vmem>>) semaphore(%arg13 : memref<!tpu.dma_semaphore, #tpu.memory_space<semaphore_mem>>)
      %dma_wait3A_51 = tpu.memref_slice %arg7[%mul3A_36] : memref<10112xi32, #tpu.memory_space<vmem>> -> memref<128xi32, #tpu.memory_space<vmem>>
      %dma_wait3A_52 = arith.constant 0 : i32
      %dma_wait3A_53 = arith.constant 0 : i32
      %dma_wait3A_54 = tpu.memref_slice %arg2[%dma_wait3A_52, %dma_wait3A_53] : memref<10240x128xf32, #tpu.memory_space<hbm>> -> memref<10240x128xf32, #tpu.memory_space<hbm>>
      tpu.wait_indirect_dma semaphore(%arg12 : memref<!tpu.dma_semaphore, #tpu.memory_space<semaphore_mem>>) src(%dma_wait3A_54 : memref<10240x128xf32, #tpu.memory_space<hbm>>) dst(%arg9 : memref<128x128xf32, #tpu.memory_space<vmem>>)
      "tpu.region"() ({
        %run_scoped3A_62 = tpu.sem_alloc : memref<!tpu.dma_semaphore, #tpu.memory_space<semaphore_mem>>
        %dma_start3A_63 = arith.constant 0 : i32
        %dma_start3A_64 = tpu.memref_slice %arg8[%mul3A_32, %dma_start3A_63] : memref<40x128xi32, #tpu.memory_space<vmem>> -> memref<1x128xi32, #tpu.memory_space<vmem>>
        %dma_start3A_65 = tpu.memref_squeeze %dma_start3A_64 : memref<1x128xi32, #tpu.memory_space<vmem>> -> memref<128xi32, #tpu.memory_space<vmem>>
        %dma_start3A_66 = arith.constant 0 : i32
        %dma_start3A_67 = arith.constant 0 : i32
        %dma_start3A_68 = tpu.memref_slice %arg11[%dma_start3A_66, %dma_start3A_67] : memref<10240x128xf32, #tpu.memory_space<vmem_shared>> -> memref<10240x128xf32, #tpu.memory_space<vmem_shared>>
        tpu.enqueue_indirect_dma source(%arg9 : memref<128x128xf32, #tpu.memory_space<vmem>>) target(%dma_start3A_68 : memref<10240x128xf32, #tpu.memory_space<vmem_shared>>) offsets(%dma_start3A_65 : memref<128xi32, #tpu.memory_space<vmem>>) semaphore(%run_scoped3A_62 : memref<!tpu.dma_semaphore, #tpu.memory_space<semaphore_mem>>) {add = true}
        %dma_wait3A_69 = arith.constant 0 : i32
        %dma_wait3A_70 = tpu.memref_slice %arg8[%mul3A_32, %dma_wait3A_69] : memref<40x128xi32, #tpu.memory_space<vmem>> -> memref<1x128xi32, #tpu.memory_space<vmem>>
        %dma_wait3A_71 = tpu.memref_squeeze %dma_wait3A_70 : memref<1x128xi32, #tpu.memory_space<vmem>> -> memref<128xi32, #tpu.memory_space<vmem>>
        %dma_wait3A_72 = arith.constant 0 : i32
        %dma_wait3A_73 = arith.constant 0 : i32
        %dma_wait3A_74 = tpu.memref_slice %arg11[%dma_wait3A_72, %dma_wait3A_73] : memref<10240x128xf32, #tpu.memory_space<vmem_shared>> -> memref<10240x128xf32, #tpu.memory_space<vmem_shared>>
        tpu.wait_indirect_dma semaphore(%run_scoped3A_62 : memref<!tpu.dma_semaphore, #tpu.memory_space<semaphore_mem>>) src(%arg9 : memref<128x128xf32, #tpu.memory_space<vmem>>) dst(%dma_wait3A_74 : memref<10240x128xf32, #tpu.memory_space<vmem_shared>>)
        tpu.yield
      }) : () -> ()
      %dma_wait3A_55 = tpu.memref_slice %arg7[%mul3A_46] : memref<10112xi32, #tpu.memory_space<vmem>> -> memref<128xi32, #tpu.memory_space<vmem>>
      %dma_wait3A_56 = arith.constant 0 : i32
      %dma_wait3A_57 = arith.constant 0 : i32
      %dma_wait3A_58 = tpu.memref_slice %arg2[%dma_wait3A_56, %dma_wait3A_57] : memref<10240x128xf32, #tpu.memory_space<hbm>> -> memref<10240x128xf32, #tpu.memory_space<hbm>>
      tpu.wait_indirect_dma semaphore(%arg13 : memref<!tpu.dma_semaphore, #tpu.memory_space<semaphore_mem>>) src(%dma_wait3A_58 : memref<10240x128xf32, #tpu.memory_space<hbm>>) dst(%arg10 : memref<128x128xf32, #tpu.memory_space<vmem>>)
      %add3A_59 = arith.constant 1 : i32
      %add3A_60 = arith.addi %mul3A_32, %add3A_59 : i32
      "tpu.region"() ({
        %run_scoped3A_62 = tpu.sem_alloc : memref<!tpu.dma_semaphore, #tpu.memory_space<semaphore_mem>>
        %dma_start3A_63 = arith.constant 0 : i32
        %dma_start3A_64 = tpu.memref_slice %arg8[%add3A_60, %dma_start3A_63] : memref<40x128xi32, #tpu.memory_space<vmem>> -> memref<1x128xi32, #tpu.memory_space<vmem>>
        %dma_start3A_65 = tpu.memref_squeeze %dma_start3A_64 : memref<1x128xi32, #tpu.memory_space<vmem>> -> memref<128xi32, #tpu.memory_space<vmem>>
        %dma_start3A_66 = arith.constant 0 : i32
        %dma_start3A_67 = arith.constant 0 : i32
        %dma_start3A_68 = tpu.memref_slice %arg11[%dma_start3A_66, %dma_start3A_67] : memref<10240x128xf32, #tpu.memory_space<vmem_shared>> -> memref<10240x128xf32, #tpu.memory_space<vmem_shared>>
        tpu.enqueue_indirect_dma source(%arg10 : memref<128x128xf32, #tpu.memory_space<vmem>>) target(%dma_start3A_68 : memref<10240x128xf32, #tpu.memory_space<vmem_shared>>) offsets(%dma_start3A_65 : memref<128xi32, #tpu.memory_space<vmem>>) semaphore(%run_scoped3A_62 : memref<!tpu.dma_semaphore, #tpu.memory_space<semaphore_mem>>) {add = true}
        %dma_wait3A_69 = arith.constant 0 : i32
        %dma_wait3A_70 = tpu.memref_slice %arg8[%add3A_60, %dma_wait3A_69] : memref<40x128xi32, #tpu.memory_space<vmem>> -> memref<1x128xi32, #tpu.memory_space<vmem>>
        %dma_wait3A_71 = tpu.memref_squeeze %dma_wait3A_70 : memref<1x128xi32, #tpu.memory_space<vmem>> -> memref<128xi32, #tpu.memory_space<vmem>>
        %dma_wait3A_72 = arith.constant 0 : i32
        %dma_wait3A_73 = arith.constant 0 : i32
        %dma_wait3A_74 = tpu.memref_slice %arg11[%dma_wait3A_72, %dma_wait3A_73] : memref<10240x128xf32, #tpu.memory_space<vmem_shared>> -> memref<10240x128xf32, #tpu.memory_space<vmem_shared>>
        tpu.wait_indirect_dma semaphore(%run_scoped3A_62 : memref<!tpu.dma_semaphore, #tpu.memory_space<semaphore_mem>>) src(%arg10 : memref<128x128xf32, #tpu.memory_space<vmem>>) dst(%dma_wait3A_74 : memref<10240x128xf32, #tpu.memory_space<vmem_shared>>)
        tpu.yield
      }) : () -> ()
      %scan3A_61 = arith.constant 0 : i32
      scf.yield %scan3A_61 : i32
    }
    %scan3A_8 = arith.constant 20 : i32
    "tpu.region"() ({
      %run_scoped3A_29 = tpu.sem_alloc : memref<!tpu.dma_semaphore, #tpu.memory_space<semaphore_mem>>
      %dma_start3A_30 = arith.constant 0 : i32
      %dma_start3A_31 = arith.constant 0 : i32
      %dma_start3A_32 = tpu.memref_slice %arg8[%dma_start3A_30, %dma_start3A_31] : memref<40x128xi32, #tpu.memory_space<vmem>> -> memref<39x128xi32, #tpu.memory_space<vmem>>
      %dma_start3A_33 = arith.constant 40 : i32
      %dma_start3A_34 = arith.constant 0 : i32
      %dma_start3A_35 = tpu.memref_slice %arg4[%add3A, %dma_start3A_33, %dma_start3A_34] : memref<32x79x128xi32, #tpu.memory_space<hbm>> -> memref<1x39x128xi32, #tpu.memory_space<hbm>>
      %dma_start3A_36 = tpu.memref_squeeze %dma_start3A_35 : memref<1x39x128xi32, #tpu.memory_space<hbm>> -> memref<39x128xi32, #tpu.memory_space<hbm>>
      %dma_start3A_37 = arith.constant 0 : i32
      %dma_start3A_38 = arith.constant 0 : i32
      %dma_start3A_39 = tpu.memref_slice %arg8[%dma_start3A_37, %dma_start3A_38] : memref<40x128xi32, #tpu.memory_space<vmem>> -> memref<39x128xi32, #tpu.memory_space<vmem>>
      %dma_start3A_40 = arith.constant 40 : i32
      %dma_start3A_41 = arith.constant 0 : i32
      %dma_start3A_42 = tpu.memref_slice %arg4[%add3A, %dma_start3A_40, %dma_start3A_41] : memref<32x79x128xi32, #tpu.memory_space<hbm>> -> memref<1x39x128xi32, #tpu.memory_space<hbm>>
      %dma_start3A_43 = tpu.memref_squeeze %dma_start3A_42 : memref<1x39x128xi32, #tpu.memory_space<hbm>> -> memref<39x128xi32, #tpu.memory_space<hbm>>
      tpu.enqueue_dma source(%dma_start3A_43 : memref<39x128xi32, #tpu.memory_space<hbm>>) target(%dma_start3A_39 : memref<39x128xi32, #tpu.memory_space<vmem>>) target_semaphore(%run_scoped3A_29 : memref<!tpu.dma_semaphore, #tpu.memory_space<semaphore_mem>>)
      %dma_wait3A_44 = arith.constant 0 : i32
      %dma_wait3A_45 = arith.constant 0 : i32
      %dma_wait3A_46 = tpu.memref_slice %arg8[%dma_wait3A_44, %dma_wait3A_45] : memref<40x128xi32, #tpu.memory_space<vmem>> -> memref<39x128xi32, #tpu.memory_space<vmem>>
      %dma_wait3A_47 = arith.constant 40 : i32
      %dma_wait3A_48 = arith.constant 0 : i32
      %dma_wait3A_49 = tpu.memref_slice %arg4[%add3A, %dma_wait3A_47, %dma_wait3A_48] : memref<32x79x128xi32, #tpu.memory_space<hbm>> -> memref<1x39x128xi32, #tpu.memory_space<hbm>>
      %dma_wait3A_50 = tpu.memref_squeeze %dma_wait3A_49 : memref<1x39x128xi32, #tpu.memory_space<hbm>> -> memref<39x128xi32, #tpu.memory_space<hbm>>
      %dma_wait3A_51 = arith.constant 0 : i32
      %dma_wait3A_52 = arith.constant 0 : i32
      %dma_wait3A_53 = tpu.memref_slice %arg8[%dma_wait3A_51, %dma_wait3A_52] : memref<40x128xi32, #tpu.memory_space<vmem>> -> memref<39x128xi32, #tpu.memory_space<vmem>>
      %dma_wait3A_54 = arith.constant 40 : i32
      %dma_wait3A_55 = arith.constant 0 : i32
      %dma_wait3A_56 = tpu.memref_slice %arg4[%add3A, %dma_wait3A_54, %dma_wait3A_55] : memref<32x79x128xi32, #tpu.memory_space<hbm>> -> memref<1x39x128xi32, #tpu.memory_space<hbm>>
      %dma_wait3A_57 = tpu.memref_squeeze %dma_wait3A_56 : memref<1x39x128xi32, #tpu.memory_space<hbm>> -> memref<39x128xi32, #tpu.memory_space<hbm>>
      tpu.wait_dma2 semaphore(%run_scoped3A_29 : memref<!tpu.dma_semaphore, #tpu.memory_space<semaphore_mem>>) src(%dma_wait3A_57 : memref<39x128xi32, #tpu.memory_space<hbm>>) dst(%dma_wait3A_53 : memref<39x128xi32, #tpu.memory_space<vmem>>)
      tpu.yield
    }) : () -> ()
    %scan3A_9 = arith.constant 0 : i32
    %scan3A_10 = arith.constant 0 : i32
    %scan3A_11 = arith.constant 19 : i32
    %scan3A_12 = arith.addi %scan3A_10, %scan3A_11 : i32
    %scan3A_13 = arith.constant 1 : i32
    %scan3A_14 = scf.for %scan3A_29 = %scan3A_10 to %scan3A_12 step %scan3A_13 iter_args(%scan3A_30 = %scan3A_9) -> (i32)  : i32 {
      %mul3A_31 = arith.constant 2 : i32
      %mul3A_32 = arith.muli %mul3A_31, %scan3A_29 : i32
      %add3A_33 = arith.constant 40 : i32
      %add3A_34 = arith.addi %add3A_33, %mul3A_32 : i32
      %mul3A_35 = arith.constant 128 : i32
      %mul3A_36 = arith.muli %add3A_34, %mul3A_35 : i32
      %dma_start3A_37 = tpu.memref_slice %arg7[%mul3A_36] : memref<10112xi32, #tpu.memory_space<vmem>> -> memref<128xi32, #tpu.memory_space<vmem>>
      %dma_start3A_38 = arith.constant 0 : i32
      %dma_start3A_39 = arith.constant 0 : i32
      %dma_start3A_40 = tpu.memref_slice %arg2[%dma_start3A_38, %dma_start3A_39] : memref<10240x128xf32, #tpu.memory_space<hbm>> -> memref<10240x128xf32, #tpu.memory_space<hbm>>
      tpu.enqueue_indirect_dma source(%dma_start3A_40 : memref<10240x128xf32, #tpu.memory_space<hbm>>) target(%arg9 : memref<128x128xf32, #tpu.memory_space<vmem>>) offsets(%dma_start3A_37 : memref<128xi32, #tpu.memory_space<vmem>>) semaphore(%arg12 : memref<!tpu.dma_semaphore, #tpu.memory_space<semaphore_mem>>)
      %add3A_41 = arith.constant 40 : i32
      %add3A_42 = arith.addi %add3A_41, %mul3A_32 : i32
      %add3A_43 = arith.constant 1 : i32
      %add3A_44 = arith.addi %add3A_42, %add3A_43 : i32
      %mul3A_45 = arith.constant 128 : i32
      %mul3A_46 = arith.muli %add3A_44, %mul3A_45 : i32
      %dma_start3A_47 = tpu.memref_slice %arg7[%mul3A_46] : memref<10112xi32, #tpu.memory_space<vmem>> -> memref<128xi32, #tpu.memory_space<vmem>>
      %dma_start3A_48 = arith.constant 0 : i32
      %dma_start3A_49 = arith.constant 0 : i32
      %dma_start3A_50 = tpu.memref_slice %arg2[%dma_start3A_48, %dma_start3A_49] : memref<10240x128xf32, #tpu.memory_space<hbm>> -> memref<10240x128xf32, #tpu.memory_space<hbm>>
      tpu.enqueue_indirect_dma source(%dma_start3A_50 : memref<10240x128xf32, #tpu.memory_space<hbm>>) target(%arg10 : memref<128x128xf32, #tpu.memory_space<vmem>>) offsets(%dma_start3A_47 : memref<128xi32, #tpu.memory_space<vmem>>) semaphore(%arg13 : memref<!tpu.dma_semaphore, #tpu.memory_space<semaphore_mem>>)
      %dma_wait3A_51 = tpu.memref_slice %arg7[%mul3A_36] : memref<10112xi32, #tpu.memory_space<vmem>> -> memref<128xi32, #tpu.memory_space<vmem>>
      %dma_wait3A_52 = arith.constant 0 : i32
      %dma_wait3A_53 = arith.constant 0 : i32
      %dma_wait3A_54 = tpu.memref_slice %arg2[%dma_wait3A_52, %dma_wait3A_53] : memref<10240x128xf32, #tpu.memory_space<hbm>> -> memref<10240x128xf32, #tpu.memory_space<hbm>>
      tpu.wait_indirect_dma semaphore(%arg12 : memref<!tpu.dma_semaphore, #tpu.memory_space<semaphore_mem>>) src(%dma_wait3A_54 : memref<10240x128xf32, #tpu.memory_space<hbm>>) dst(%arg9 : memref<128x128xf32, #tpu.memory_space<vmem>>)
      "tpu.region"() ({
        %run_scoped3A_62 = tpu.sem_alloc : memref<!tpu.dma_semaphore, #tpu.memory_space<semaphore_mem>>
        %dma_start3A_63 = arith.constant 0 : i32
        %dma_start3A_64 = tpu.memref_slice %arg8[%mul3A_32, %dma_start3A_63] : memref<40x128xi32, #tpu.memory_space<vmem>> -> memref<1x128xi32, #tpu.memory_space<vmem>>
        %dma_start3A_65 = tpu.memref_squeeze %dma_start3A_64 : memref<1x128xi32, #tpu.memory_space<vmem>> -> memref<128xi32, #tpu.memory_space<vmem>>
        %dma_start3A_66 = arith.constant 0 : i32
        %dma_start3A_67 = arith.constant 0 : i32
        %dma_start3A_68 = tpu.memref_slice %arg11[%dma_start3A_66, %dma_start3A_67] : memref<10240x128xf32, #tpu.memory_space<vmem_shared>> -> memref<10240x128xf32, #tpu.memory_space<vmem_shared>>
        tpu.enqueue_indirect_dma source(%arg9 : memref<128x128xf32, #tpu.memory_space<vmem>>) target(%dma_start3A_68 : memref<10240x128xf32, #tpu.memory_space<vmem_shared>>) offsets(%dma_start3A_65 : memref<128xi32, #tpu.memory_space<vmem>>) semaphore(%run_scoped3A_62 : memref<!tpu.dma_semaphore, #tpu.memory_space<semaphore_mem>>) {add = true}
        %dma_wait3A_69 = arith.constant 0 : i32
        %dma_wait3A_70 = tpu.memref_slice %arg8[%mul3A_32, %dma_wait3A_69] : memref<40x128xi32, #tpu.memory_space<vmem>> -> memref<1x128xi32, #tpu.memory_space<vmem>>
        %dma_wait3A_71 = tpu.memref_squeeze %dma_wait3A_70 : memref<1x128xi32, #tpu.memory_space<vmem>> -> memref<128xi32, #tpu.memory_space<vmem>>
        %dma_wait3A_72 = arith.constant 0 : i32
        %dma_wait3A_73 = arith.constant 0 : i32
        %dma_wait3A_74 = tpu.memref_slice %arg11[%dma_wait3A_72, %dma_wait3A_73] : memref<10240x128xf32, #tpu.memory_space<vmem_shared>> -> memref<10240x128xf32, #tpu.memory_space<vmem_shared>>
        tpu.wait_indirect_dma semaphore(%run_scoped3A_62 : memref<!tpu.dma_semaphore, #tpu.memory_space<semaphore_mem>>) src(%arg9 : memref<128x128xf32, #tpu.memory_space<vmem>>) dst(%dma_wait3A_74 : memref<10240x128xf32, #tpu.memory_space<vmem_shared>>)
        tpu.yield
      }) : () -> ()
      %dma_wait3A_55 = tpu.memref_slice %arg7[%mul3A_46] : memref<10112xi32, #tpu.memory_space<vmem>> -> memref<128xi32, #tpu.memory_space<vmem>>
      %dma_wait3A_56 = arith.constant 0 : i32
      %dma_wait3A_57 = arith.constant 0 : i32
      %dma_wait3A_58 = tpu.memref_slice %arg2[%dma_wait3A_56, %dma_wait3A_57] : memref<10240x128xf32, #tpu.memory_space<hbm>> -> memref<10240x128xf32, #tpu.memory_space<hbm>>
      tpu.wait_indirect_dma semaphore(%arg13 : memref<!tpu.dma_semaphore, #tpu.memory_space<semaphore_mem>>) src(%dma_wait3A_58 : memref<10240x128xf32, #tpu.memory_space<hbm>>) dst(%arg10 : memref<128x128xf32, #tpu.memory_space<vmem>>)
      %add3A_59 = arith.constant 1 : i32
      %add3A_60 = arith.addi %mul3A_32, %add3A_59 : i32
      "tpu.region"() ({
        %run_scoped3A_62 = tpu.sem_alloc : memref<!tpu.dma_semaphore, #tpu.memory_space<semaphore_mem>>
        %dma_start3A_63 = arith.constant 0 : i32
        %dma_start3A_64 = tpu.memref_slice %arg8[%add3A_60, %dma_start3A_63] : memref<40x128xi32, #tpu.memory_space<vmem>> -> memref<1x128xi32, #tpu.memory_space<vmem>>
        %dma_start3A_65 = tpu.memref_squeeze %dma_start3A_64 : memref<1x128xi32, #tpu.memory_space<vmem>> -> memref<128xi32, #tpu.memory_space<vmem>>
        %dma_start3A_66 = arith.constant 0 : i32
        %dma_start3A_67 = arith.constant 0 : i32
        %dma_start3A_68 = tpu.memref_slice %arg11[%dma_start3A_66, %dma_start3A_67] : memref<10240x128xf32, #tpu.memory_space<vmem_shared>> -> memref<10240x128xf32, #tpu.memory_space<vmem_shared>>
        tpu.enqueue_indirect_dma source(%arg10 : memref<128x128xf32, #tpu.memory_space<vmem>>) target(%dma_start3A_68 : memref<10240x128xf32, #tpu.memory_space<vmem_shared>>) offsets(%dma_start3A_65 : memref<128xi32, #tpu.memory_space<vmem>>) semaphore(%run_scoped3A_62 : memref<!tpu.dma_semaphore, #tpu.memory_space<semaphore_mem>>) {add = true}
        %dma_wait3A_69 = arith.constant 0 : i32
        %dma_wait3A_70 = tpu.memref_slice %arg8[%add3A_60, %dma_wait3A_69] : memref<40x128xi32, #tpu.memory_space<vmem>> -> memref<1x128xi32, #tpu.memory_space<vmem>>
        %dma_wait3A_71 = tpu.memref_squeeze %dma_wait3A_70 : memref<1x128xi32, #tpu.memory_space<vmem>> -> memref<128xi32, #tpu.memory_space<vmem>>
        %dma_wait3A_72 = arith.constant 0 : i32
        %dma_wait3A_73 = arith.constant 0 : i32
        %dma_wait3A_74 = tpu.memref_slice %arg11[%dma_wait3A_72, %dma_wait3A_73] : memref<10240x128xf32, #tpu.memory_space<vmem_shared>> -> memref<10240x128xf32, #tpu.memory_space<vmem_shared>>
        tpu.wait_indirect_dma semaphore(%run_scoped3A_62 : memref<!tpu.dma_semaphore, #tpu.memory_space<semaphore_mem>>) src(%arg10 : memref<128x128xf32, #tpu.memory_space<vmem>>) dst(%dma_wait3A_74 : memref<10240x128xf32, #tpu.memory_space<vmem_shared>>)
        tpu.yield
      }) : () -> ()
      %scan3A_61 = arith.constant 0 : i32
      scf.yield %scan3A_61 : i32
    }
    %scan3A_15 = arith.constant 19 : i32
    %dma_start3A = arith.constant 9984 : i32
    %dma_start3A_16 = tpu.memref_slice %arg7[%dma_start3A] : memref<10112xi32, #tpu.memory_space<vmem>> -> memref<128xi32, #tpu.memory_space<vmem>>
    %dma_start3A_17 = arith.constant 0 : i32
    %dma_start3A_18 = arith.constant 0 : i32
    %dma_start3A_19 = tpu.memref_slice %arg2[%dma_start3A_17, %dma_start3A_18] : memref<10240x128xf32, #tpu.memory_space<hbm>> -> memref<10240x128xf32, #tpu.memory_space<hbm>>
    tpu.enqueue_indirect_dma source(%dma_start3A_19 : memref<10240x128xf32, #tpu.memory_space<hbm>>) target(%arg9 : memref<128x128xf32, #tpu.memory_space<vmem>>) offsets(%dma_start3A_16 : memref<128xi32, #tpu.memory_space<vmem>>) semaphore(%arg12 : memref<!tpu.dma_semaphore, #tpu.memory_space<semaphore_mem>>)
    %dma_wait3A = arith.constant 9984 : i32
    %dma_wait3A_20 = tpu.memref_slice %arg7[%dma_wait3A] : memref<10112xi32, #tpu.memory_space<vmem>> -> memref<128xi32, #tpu.memory_space<vmem>>
    %dma_wait3A_21 = arith.constant 0 : i32
    %dma_wait3A_22 = arith.constant 0 : i32
    %dma_wait3A_23 = tpu.memref_slice %arg2[%dma_wait3A_21, %dma_wait3A_22] : memref<10240x128xf32, #tpu.memory_space<hbm>> -> memref<10240x128xf32, #tpu.memory_space<hbm>>
    tpu.wait_indirect_dma semaphore(%arg12 : memref<!tpu.dma_semaphore, #tpu.memory_space<semaphore_mem>>) src(%dma_wait3A_23 : memref<10240x128xf32, #tpu.memory_space<hbm>>) dst(%arg9 : memref<128x128xf32, #tpu.memory_space<vmem>>)
    %run_scoped3A = arith.constant 38 : i32
    "tpu.region"() ({
      %run_scoped3A_29 = tpu.sem_alloc : memref<!tpu.dma_semaphore, #tpu.memory_space<semaphore_mem>>
      %dma_start3A_30 = arith.constant 0 : i32
      %dma_start3A_31 = tpu.memref_slice %arg8[%run_scoped3A, %dma_start3A_30] : memref<40x128xi32, #tpu.memory_space<vmem>> -> memref<1x128xi32, #tpu.memory_space<vmem>>
      %dma_start3A_32 = tpu.memref_squeeze %dma_start3A_31 : memref<1x128xi32, #tpu.memory_space<vmem>> -> memref<128xi32, #tpu.memory_space<vmem>>
      %dma_start3A_33 = arith.constant 0 : i32
      %dma_start3A_34 = arith.constant 0 : i32
      %dma_start3A_35 = tpu.memref_slice %arg11[%dma_start3A_33, %dma_start3A_34] : memref<10240x128xf32, #tpu.memory_space<vmem_shared>> -> memref<10240x128xf32, #tpu.memory_space<vmem_shared>>
      tpu.enqueue_indirect_dma source(%arg9 : memref<128x128xf32, #tpu.memory_space<vmem>>) target(%dma_start3A_35 : memref<10240x128xf32, #tpu.memory_space<vmem_shared>>) offsets(%dma_start3A_32 : memref<128xi32, #tpu.memory_space<vmem>>) semaphore(%run_scoped3A_29 : memref<!tpu.dma_semaphore, #tpu.memory_space<semaphore_mem>>) {add = true}
      %dma_wait3A_36 = arith.constant 0 : i32
      %dma_wait3A_37 = tpu.memref_slice %arg8[%run_scoped3A, %dma_wait3A_36] : memref<40x128xi32, #tpu.memory_space<vmem>> -> memref<1x128xi32, #tpu.memory_space<vmem>>
      %dma_wait3A_38 = tpu.memref_squeeze %dma_wait3A_37 : memref<1x128xi32, #tpu.memory_space<vmem>> -> memref<128xi32, #tpu.memory_space<vmem>>
      %dma_wait3A_39 = arith.constant 0 : i32
      %dma_wait3A_40 = arith.constant 0 : i32
      %dma_wait3A_41 = tpu.memref_slice %arg11[%dma_wait3A_39, %dma_wait3A_40] : memref<10240x128xf32, #tpu.memory_space<vmem_shared>> -> memref<10240x128xf32, #tpu.memory_space<vmem_shared>>
      tpu.wait_indirect_dma semaphore(%run_scoped3A_29 : memref<!tpu.dma_semaphore, #tpu.memory_space<semaphore_mem>>) src(%arg9 : memref<128x128xf32, #tpu.memory_space<vmem>>) dst(%dma_wait3A_41 : memref<10240x128xf32, #tpu.memory_space<vmem_shared>>)
      tpu.yield
    }) : () -> ()
    %barrier3A_24 = arith.constant 0 : index
    tpu.barrier barrier_id(%barrier3A_24)
    %mul3A_25 = arith.constant 640 : i32
    %mul3A_26 = arith.muli %arg1, %mul3A_25 : i32
    %mul3A_27 = arith.constant 640 : i32
    %mul3A_28 = arith.muli %arg1, %mul3A_27 : i32
    "tpu.region"() ({
      %run_scoped3A_29 = tpu.sem_alloc : memref<!tpu.dma_semaphore, #tpu.memory_space<semaphore_mem>>
      %dma_start3A_30 = arith.constant 0 : i32
      %dma_start3A_31 = tpu.memref_slice %arg6[%arg0, %mul3A_28, %dma_start3A_30] : memref<2x10240x128xf32, #tpu.memory_space<hbm>> -> memref<1x640x128xf32, #tpu.memory_space<hbm>>
      %dma_start3A_32 = tpu.memref_squeeze %dma_start3A_31 : memref<1x640x128xf32, #tpu.memory_space<hbm>> -> memref<640x128xf32, #tpu.memory_space<hbm>>
      %dma_start3A_33 = arith.constant 0 : i32
      %dma_start3A_34 = tpu.memref_slice %arg11[%mul3A_26, %dma_start3A_33] : memref<10240x128xf32, #tpu.memory_space<vmem_shared>> -> memref<640x128xf32, #tpu.memory_space<vmem_shared>>
      tpu.enqueue_dma source(%dma_start3A_34 : memref<640x128xf32, #tpu.memory_space<vmem_shared>>) target(%dma_start3A_32 : memref<640x128xf32, #tpu.memory_space<hbm>>) target_semaphore(%run_scoped3A_29 : memref<!tpu.dma_semaphore, #tpu.memory_space<semaphore_mem>>)
      %dma_wait3A_35 = arith.constant 0 : i32
      %dma_wait3A_36 = tpu.memref_slice %arg6[%arg0, %mul3A_28, %dma_wait3A_35] : memref<2x10240x128xf32, #tpu.memory_space<hbm>> -> memref<1x640x128xf32, #tpu.memory_space<hbm>>
      %dma_wait3A_37 = tpu.memref_squeeze %dma_wait3A_36 : memref<1x640x128xf32, #tpu.memory_space<hbm>> -> memref<640x128xf32, #tpu.memory_space<hbm>>
      %dma_wait3A_38 = arith.constant 0 : i32
      %dma_wait3A_39 = tpu.memref_slice %arg11[%mul3A_26, %dma_wait3A_38] : memref<10240x128xf32, #tpu.memory_space<vmem_shared>> -> memref<640x128xf32, #tpu.memory_space<vmem_shared>>
      tpu.wait_dma2 semaphore(%run_scoped3A_29 : memref<!tpu.dma_semaphore, #tpu.memory_space<semaphore_mem>>) src(%dma_wait3A_39 : memref<640x128xf32, #tpu.memory_space<vmem_shared>>) dst(%dma_wait3A_37 : memref<640x128xf32, #tpu.memory_space<hbm>>)
      tpu.yield
    }) : () -> ()
    return
  }
}

#map = affine_map<(d0, d1) -> (0, 0)>
#map1 = affine_map<(d0, d1) -> (0, 0, 0)>
module attributes {stable_mosaic.version = 14 : i64} {
  func.func @_sc_segsum_body(%arg0: i32, %arg1: i32, %arg2: memref<10240x128xf32, #tpu.memory_space<hbm>>, %arg3: memref<32x10112xi32, #tpu.memory_space<hbm>>, %arg4: memref<32x79x128xi32, #tpu.memory_space<hbm>>, %arg5: memref<640x128xf32, #tpu.memory_space<hbm>>, %arg6: memref<2x10240x128xf32, #tpu.memory_space<hbm>>, %arg7: memref<10112xi32, #tpu.memory_space<vmem>>, %arg8: memref<40x128xi32, #tpu.memory_space<vmem>>, %arg9: memref<128x128xf32, #tpu.memory_space<vmem>>, %arg10: memref<128x128xf32, #tpu.memory_space<vmem>>, %arg11: memref<10240x128xf32, #tpu.memory_space<vmem_shared>>, %arg12: memref<!tpu.dma_semaphore, #tpu.memory_space<semaphore_mem>>, %arg13: memref<!tpu.dma_semaphore, #tpu.memory_space<semaphore_mem>>) attributes {dimension_semantics = [#tpu.dimension_semantics<core_parallel>, #tpu.dimension_semantics<subcore_parallel>], iteration_bounds = array<i64: 2, 16>, scalar_prefetch = 0 : i64, scratch_operands = 7 : i64, tpu.core_type = #tpu.core_type<sc_vector_subcore>, window_params = [{transform_indices = #map}, {transform_indices = #map}, {transform_indices = #map1}, {transform_indices = #map}, {transform_indices = #map1}]} {
    %mul3A = arith.constant 2 : i32
    %mul3A_0 = arith.muli %arg1, %mul3A : i32
    %add3A = arith.addi %mul3A_0, %arg0 : i32
    "tpu.region"() ({
      %run_scoped3A_29 = tpu.sem_alloc : memref<!tpu.dma_semaphore, #tpu.memory_space<semaphore_mem>>
      %dma_start3A_30 = arith.constant 0 : i32
      %dma_start3A_31 = tpu.memref_slice %arg3[%add3A, %dma_start3A_30] : memref<32x10112xi32, #tpu.memory_space<hbm>> -> memref<1x10112xi32, #tpu.memory_space<hbm>>
      %dma_start3A_32 = tpu.memref_squeeze %dma_start3A_31 : memref<1x10112xi32, #tpu.memory_space<hbm>> -> memref<10112xi32, #tpu.memory_space<hbm>>
      %dma_start3A_33 = arith.constant 0 : i32
      %dma_start3A_34 = tpu.memref_slice %arg3[%add3A, %dma_start3A_33] : memref<32x10112xi32, #tpu.memory_space<hbm>> -> memref<1x10112xi32, #tpu.memory_space<hbm>>
      %dma_start3A_35 = tpu.memref_squeeze %dma_start3A_34 : memref<1x10112xi32, #tpu.memory_space<hbm>> -> memref<10112xi32, #tpu.memory_space<hbm>>
      tpu.enqueue_dma source(%dma_start3A_35 : memref<10112xi32, #tpu.memory_space<hbm>>) target(%arg7 : memref<10112xi32, #tpu.memory_space<vmem>>) target_semaphore(%run_scoped3A_29 : memref<!tpu.dma_semaphore, #tpu.memory_space<semaphore_mem>>)
      %dma_wait3A_36 = arith.constant 0 : i32
      %dma_wait3A_37 = tpu.memref_slice %arg3[%add3A, %dma_wait3A_36] : memref<32x10112xi32, #tpu.memory_space<hbm>> -> memref<1x10112xi32, #tpu.memory_space<hbm>>
      %dma_wait3A_38 = tpu.memref_squeeze %dma_wait3A_37 : memref<1x10112xi32, #tpu.memory_space<hbm>> -> memref<10112xi32, #tpu.memory_space<hbm>>
      %dma_wait3A_39 = arith.constant 0 : i32
      %dma_wait3A_40 = tpu.memref_slice %arg3[%add3A, %dma_wait3A_39] : memref<32x10112xi32, #tpu.memory_space<hbm>> -> memref<1x10112xi32, #tpu.memory_space<hbm>>
      %dma_wait3A_41 = tpu.memref_squeeze %dma_wait3A_40 : memref<1x10112xi32, #tpu.memory_space<hbm>> -> memref<10112xi32, #tpu.memory_space<hbm>>
      tpu.wait_dma2 semaphore(%run_scoped3A_29 : memref<!tpu.dma_semaphore, #tpu.memory_space<semaphore_mem>>) src(%dma_wait3A_41 : memref<10112xi32, #tpu.memory_space<hbm>>) dst(%arg7 : memref<10112xi32, #tpu.memory_space<vmem>>)
      tpu.yield
    }) : () -> ()
    "tpu.region"() ({
      %run_scoped3A_29 = tpu.sem_alloc : memref<!tpu.dma_semaphore, #tpu.memory_space<semaphore_mem>>
      %dma_start3A_30 = arith.constant 0 : i32
      %dma_start3A_31 = arith.constant 0 : i32
      %dma_start3A_32 = tpu.memref_slice %arg4[%add3A, %dma_start3A_30, %dma_start3A_31] : memref<32x79x128xi32, #tpu.memory_space<hbm>> -> memref<1x40x128xi32, #tpu.memory_space<hbm>>
      %dma_start3A_33 = tpu.memref_squeeze %dma_start3A_32 : memref<1x40x128xi32, #tpu.memory_space<hbm>> -> memref<40x128xi32, #tpu.memory_space<hbm>>
      %dma_start3A_34 = arith.constant 0 : i32
      %dma_start3A_35 = arith.constant 0 : i32
      %dma_start3A_36 = tpu.memref_slice %arg4[%add3A, %dma_start3A_34, %dma_start3A_35] : memref<32x79x128xi32, #tpu.memory_space<hbm>> -> memref<1x40x128xi32, #tpu.memory_space<hbm>>
      %dma_start3A_37 = tpu.memref_squeeze %dma_start3A_36 : memref<1x40x128xi32, #tpu.memory_space<hbm>> -> memref<40x128xi32, #tpu.memory_space<hbm>>
      tpu.enqueue_dma source(%dma_start3A_37 : memref<40x128xi32, #tpu.memory_space<hbm>>) target(%arg8 : memref<40x128xi32, #tpu.memory_space<vmem>>) target_semaphore(%run_scoped3A_29 : memref<!tpu.dma_semaphore, #tpu.memory_space<semaphore_mem>>)
      %dma_wait3A_38 = arith.constant 0 : i32
      %dma_wait3A_39 = arith.constant 0 : i32
      %dma_wait3A_40 = tpu.memref_slice %arg4[%add3A, %dma_wait3A_38, %dma_wait3A_39] : memref<32x79x128xi32, #tpu.memory_space<hbm>> -> memref<1x40x128xi32, #tpu.memory_space<hbm>>
      %dma_wait3A_41 = tpu.memref_squeeze %dma_wait3A_40 : memref<1x40x128xi32, #tpu.memory_space<hbm>> -> memref<40x128xi32, #tpu.memory_space<hbm>>
      %dma_wait3A_42 = arith.constant 0 : i32
      %dma_wait3A_43 = arith.constant 0 : i32
      %dma_wait3A_44 = tpu.memref_slice %arg4[%add3A, %dma_wait3A_42, %dma_wait3A_43] : memref<32x79x128xi32, #tpu.memory_space<hbm>> -> memref<1x40x128xi32, #tpu.memory_space<hbm>>
      %dma_wait3A_45 = tpu.memref_squeeze %dma_wait3A_44 : memref<1x40x128xi32, #tpu.memory_space<hbm>> -> memref<40x128xi32, #tpu.memory_space<hbm>>
      tpu.wait_dma2 semaphore(%run_scoped3A_29 : memref<!tpu.dma_semaphore, #tpu.memory_space<semaphore_mem>>) src(%dma_wait3A_45 : memref<40x128xi32, #tpu.memory_space<hbm>>) dst(%arg8 : memref<40x128xi32, #tpu.memory_space<vmem>>)
      tpu.yield
    }) : () -> ()
    %mul3A_1 = arith.constant 640 : i32
    %mul3A_2 = arith.muli %arg1, %mul3A_1 : i32
    "tpu.region"() ({
      %run_scoped3A_29 = tpu.sem_alloc : memref<!tpu.dma_semaphore, #tpu.memory_space<semaphore_mem>>
      %dma_start3A_30 = arith.constant 0 : i32
      %dma_start3A_31 = tpu.memref_slice %arg11[%mul3A_2, %dma_start3A_30] : memref<10240x128xf32, #tpu.memory_space<vmem_shared>> -> memref<640x128xf32, #tpu.memory_space<vmem_shared>>
      tpu.enqueue_dma source(%arg5 : memref<640x128xf32, #tpu.memory_space<hbm>>) target(%dma_start3A_31 : memref<640x128xf32, #tpu.memory_space<vmem_shared>>) target_semaphore(%run_scoped3A_29 : memref<!tpu.dma_semaphore, #tpu.memory_space<semaphore_mem>>)
      %dma_wait3A_32 = arith.constant 0 : i32
      %dma_wait3A_33 = tpu.memref_slice %arg11[%mul3A_2, %dma_wait3A_32] : memref<10240x128xf32, #tpu.memory_space<vmem_shared>> -> memref<640x128xf32, #tpu.memory_space<vmem_shared>>
      tpu.wait_dma2 semaphore(%run_scoped3A_29 : memref<!tpu.dma_semaphore, #tpu.memory_space<semaphore_mem>>) src(%arg5 : memref<640x128xf32, #tpu.memory_space<hbm>>) dst(%dma_wait3A_33 : memref<640x128xf32, #tpu.memory_space<vmem_shared>>)
      tpu.yield
    }) : () -> ()
    %barrier3A = arith.constant 0 : index
    tpu.barrier barrier_id(%barrier3A)
    %scan3A = arith.constant 0 : i32
    %scan3A_3 = arith.constant 0 : i32
    %scan3A_4 = arith.constant 20 : i32
    %scan3A_5 = arith.addi %scan3A_3, %scan3A_4 : i32
    %scan3A_6 = arith.constant 1 : i32
    %scan3A_7 = scf.for %scan3A_29 = %scan3A_3 to %scan3A_5 step %scan3A_6 iter_args(%scan3A_30 = %scan3A) -> (i32)  : i32 {
      %mul3A_31 = arith.constant 2 : i32
      %mul3A_32 = arith.muli %mul3A_31, %scan3A_29 : i32
      %add3A_33 = arith.constant 0 : i32
      %add3A_34 = arith.addi %add3A_33, %mul3A_32 : i32
      %mul3A_35 = arith.constant 128 : i32
      %mul3A_36 = arith.muli %add3A_34, %mul3A_35 : i32
      %dma_start3A_37 = tpu.memref_slice %arg7[%mul3A_36] : memref<10112xi32, #tpu.memory_space<vmem>> -> memref<128xi32, #tpu.memory_space<vmem>>
      %dma_start3A_38 = arith.constant 0 : i32
      %dma_start3A_39 = arith.constant 0 : i32
      %dma_start3A_40 = tpu.memref_slice %arg2[%dma_start3A_38, %dma_start3A_39] : memref<10240x128xf32, #tpu.memory_space<hbm>> -> memref<10240x128xf32, #tpu.memory_space<hbm>>
      tpu.enqueue_indirect_dma source(%dma_start3A_40 : memref<10240x128xf32, #tpu.memory_space<hbm>>) target(%arg9 : memref<128x128xf32, #tpu.memory_space<vmem>>) offsets(%dma_start3A_37 : memref<128xi32, #tpu.memory_space<vmem>>) semaphore(%arg12 : memref<!tpu.dma_semaphore, #tpu.memory_space<semaphore_mem>>)
      %add3A_41 = arith.constant 0 : i32
      %add3A_42 = arith.addi %add3A_41, %mul3A_32 : i32
      %add3A_43 = arith.constant 1 : i32
      %add3A_44 = arith.addi %add3A_42, %add3A_43 : i32
      %mul3A_45 = arith.constant 128 : i32
      %mul3A_46 = arith.muli %add3A_44, %mul3A_45 : i32
      %dma_start3A_47 = tpu.memref_slice %arg7[%mul3A_46] : memref<10112xi32, #tpu.memory_space<vmem>> -> memref<128xi32, #tpu.memory_space<vmem>>
      %dma_start3A_48 = arith.constant 0 : i32
      %dma_start3A_49 = arith.constant 0 : i32
      %dma_start3A_50 = tpu.memref_slice %arg2[%dma_start3A_48, %dma_start3A_49] : memref<10240x128xf32, #tpu.memory_space<hbm>> -> memref<10240x128xf32, #tpu.memory_space<hbm>>
      tpu.enqueue_indirect_dma source(%dma_start3A_50 : memref<10240x128xf32, #tpu.memory_space<hbm>>) target(%arg10 : memref<128x128xf32, #tpu.memory_space<vmem>>) offsets(%dma_start3A_47 : memref<128xi32, #tpu.memory_space<vmem>>) semaphore(%arg13 : memref<!tpu.dma_semaphore, #tpu.memory_space<semaphore_mem>>)
      %dma_wait3A_51 = tpu.memref_slice %arg7[%mul3A_36] : memref<10112xi32, #tpu.memory_space<vmem>> -> memref<128xi32, #tpu.memory_space<vmem>>
      %dma_wait3A_52 = arith.constant 0 : i32
      %dma_wait3A_53 = arith.constant 0 : i32
      %dma_wait3A_54 = tpu.memref_slice %arg2[%dma_wait3A_52, %dma_wait3A_53] : memref<10240x128xf32, #tpu.memory_space<hbm>> -> memref<10240x128xf32, #tpu.memory_space<hbm>>
      tpu.wait_indirect_dma semaphore(%arg12 : memref<!tpu.dma_semaphore, #tpu.memory_space<semaphore_mem>>) src(%dma_wait3A_54 : memref<10240x128xf32, #tpu.memory_space<hbm>>) dst(%arg9 : memref<128x128xf32, #tpu.memory_space<vmem>>)
      "tpu.region"() ({
        %run_scoped3A_62 = tpu.sem_alloc : memref<!tpu.dma_semaphore, #tpu.memory_space<semaphore_mem>>
        %dma_start3A_63 = arith.constant 0 : i32
        %dma_start3A_64 = tpu.memref_slice %arg8[%mul3A_32, %dma_start3A_63] : memref<40x128xi32, #tpu.memory_space<vmem>> -> memref<1x128xi32, #tpu.memory_space<vmem>>
        %dma_start3A_65 = tpu.memref_squeeze %dma_start3A_64 : memref<1x128xi32, #tpu.memory_space<vmem>> -> memref<128xi32, #tpu.memory_space<vmem>>
        %dma_start3A_66 = arith.constant 0 : i32
        %dma_start3A_67 = arith.constant 0 : i32
        %dma_start3A_68 = tpu.memref_slice %arg11[%dma_start3A_66, %dma_start3A_67] : memref<10240x128xf32, #tpu.memory_space<vmem_shared>> -> memref<10240x128xf32, #tpu.memory_space<vmem_shared>>
        tpu.enqueue_indirect_dma source(%arg9 : memref<128x128xf32, #tpu.memory_space<vmem>>) target(%dma_start3A_68 : memref<10240x128xf32, #tpu.memory_space<vmem_shared>>) offsets(%dma_start3A_65 : memref<128xi32, #tpu.memory_space<vmem>>) semaphore(%run_scoped3A_62 : memref<!tpu.dma_semaphore, #tpu.memory_space<semaphore_mem>>) {add = true}
        %dma_wait3A_69 = arith.constant 0 : i32
        %dma_wait3A_70 = tpu.memref_slice %arg8[%mul3A_32, %dma_wait3A_69] : memref<40x128xi32, #tpu.memory_space<vmem>> -> memref<1x128xi32, #tpu.memory_space<vmem>>
        %dma_wait3A_71 = tpu.memref_squeeze %dma_wait3A_70 : memref<1x128xi32, #tpu.memory_space<vmem>> -> memref<128xi32, #tpu.memory_space<vmem>>
        %dma_wait3A_72 = arith.constant 0 : i32
        %dma_wait3A_73 = arith.constant 0 : i32
        %dma_wait3A_74 = tpu.memref_slice %arg11[%dma_wait3A_72, %dma_wait3A_73] : memref<10240x128xf32, #tpu.memory_space<vmem_shared>> -> memref<10240x128xf32, #tpu.memory_space<vmem_shared>>
        tpu.wait_indirect_dma semaphore(%run_scoped3A_62 : memref<!tpu.dma_semaphore, #tpu.memory_space<semaphore_mem>>) src(%arg9 : memref<128x128xf32, #tpu.memory_space<vmem>>) dst(%dma_wait3A_74 : memref<10240x128xf32, #tpu.memory_space<vmem_shared>>)
        tpu.yield
      }) : () -> ()
      %dma_wait3A_55 = tpu.memref_slice %arg7[%mul3A_46] : memref<10112xi32, #tpu.memory_space<vmem>> -> memref<128xi32, #tpu.memory_space<vmem>>
      %dma_wait3A_56 = arith.constant 0 : i32
      %dma_wait3A_57 = arith.constant 0 : i32
      %dma_wait3A_58 = tpu.memref_slice %arg2[%dma_wait3A_56, %dma_wait3A_57] : memref<10240x128xf32, #tpu.memory_space<hbm>> -> memref<10240x128xf32, #tpu.memory_space<hbm>>
      tpu.wait_indirect_dma semaphore(%arg13 : memref<!tpu.dma_semaphore, #tpu.memory_space<semaphore_mem>>) src(%dma_wait3A_58 : memref<10240x128xf32, #tpu.memory_space<hbm>>) dst(%arg10 : memref<128x128xf32, #tpu.memory_space<vmem>>)
      %add3A_59 = arith.constant 1 : i32
      %add3A_60 = arith.addi %mul3A_32, %add3A_59 : i32
      "tpu.region"() ({
        %run_scoped3A_62 = tpu.sem_alloc : memref<!tpu.dma_semaphore, #tpu.memory_space<semaphore_mem>>
        %dma_start3A_63 = arith.constant 0 : i32
        %dma_start3A_64 = tpu.memref_slice %arg8[%add3A_60, %dma_start3A_63] : memref<40x128xi32, #tpu.memory_space<vmem>> -> memref<1x128xi32, #tpu.memory_space<vmem>>
        %dma_start3A_65 = tpu.memref_squeeze %dma_start3A_64 : memref<1x128xi32, #tpu.memory_space<vmem>> -> memref<128xi32, #tpu.memory_space<vmem>>
        %dma_start3A_66 = arith.constant 0 : i32
        %dma_start3A_67 = arith.constant 0 : i32
        %dma_start3A_68 = tpu.memref_slice %arg11[%dma_start3A_66, %dma_start3A_67] : memref<10240x128xf32, #tpu.memory_space<vmem_shared>> -> memref<10240x128xf32, #tpu.memory_space<vmem_shared>>
        tpu.enqueue_indirect_dma source(%arg10 : memref<128x128xf32, #tpu.memory_space<vmem>>) target(%dma_start3A_68 : memref<10240x128xf32, #tpu.memory_space<vmem_shared>>) offsets(%dma_start3A_65 : memref<128xi32, #tpu.memory_space<vmem>>) semaphore(%run_scoped3A_62 : memref<!tpu.dma_semaphore, #tpu.memory_space<semaphore_mem>>) {add = true}
        %dma_wait3A_69 = arith.constant 0 : i32
        %dma_wait3A_70 = tpu.memref_slice %arg8[%add3A_60, %dma_wait3A_69] : memref<40x128xi32, #tpu.memory_space<vmem>> -> memref<1x128xi32, #tpu.memory_space<vmem>>
        %dma_wait3A_71 = tpu.memref_squeeze %dma_wait3A_70 : memref<1x128xi32, #tpu.memory_space<vmem>> -> memref<128xi32, #tpu.memory_space<vmem>>
        %dma_wait3A_72 = arith.constant 0 : i32
        %dma_wait3A_73 = arith.constant 0 : i32
        %dma_wait3A_74 = tpu.memref_slice %arg11[%dma_wait3A_72, %dma_wait3A_73] : memref<10240x128xf32, #tpu.memory_space<vmem_shared>> -> memref<10240x128xf32, #tpu.memory_space<vmem_shared>>
        tpu.wait_indirect_dma semaphore(%run_scoped3A_62 : memref<!tpu.dma_semaphore, #tpu.memory_space<semaphore_mem>>) src(%arg10 : memref<128x128xf32, #tpu.memory_space<vmem>>) dst(%dma_wait3A_74 : memref<10240x128xf32, #tpu.memory_space<vmem_shared>>)
        tpu.yield
      }) : () -> ()
      %scan3A_61 = arith.constant 0 : i32
      scf.yield %scan3A_61 : i32
    }
    %scan3A_8 = arith.constant 20 : i32
    "tpu.region"() ({
      %run_scoped3A_29 = tpu.sem_alloc : memref<!tpu.dma_semaphore, #tpu.memory_space<semaphore_mem>>
      %dma_start3A_30 = arith.constant 0 : i32
      %dma_start3A_31 = arith.constant 0 : i32
      %dma_start3A_32 = tpu.memref_slice %arg8[%dma_start3A_30, %dma_start3A_31] : memref<40x128xi32, #tpu.memory_space<vmem>> -> memref<39x128xi32, #tpu.memory_space<vmem>>
      %dma_start3A_33 = arith.constant 40 : i32
      %dma_start3A_34 = arith.constant 0 : i32
      %dma_start3A_35 = tpu.memref_slice %arg4[%add3A, %dma_start3A_33, %dma_start3A_34] : memref<32x79x128xi32, #tpu.memory_space<hbm>> -> memref<1x39x128xi32, #tpu.memory_space<hbm>>
      %dma_start3A_36 = tpu.memref_squeeze %dma_start3A_35 : memref<1x39x128xi32, #tpu.memory_space<hbm>> -> memref<39x128xi32, #tpu.memory_space<hbm>>
      %dma_start3A_37 = arith.constant 0 : i32
      %dma_start3A_38 = arith.constant 0 : i32
      %dma_start3A_39 = tpu.memref_slice %arg8[%dma_start3A_37, %dma_start3A_38] : memref<40x128xi32, #tpu.memory_space<vmem>> -> memref<39x128xi32, #tpu.memory_space<vmem>>
      %dma_start3A_40 = arith.constant 40 : i32
      %dma_start3A_41 = arith.constant 0 : i32
      %dma_start3A_42 = tpu.memref_slice %arg4[%add3A, %dma_start3A_40, %dma_start3A_41] : memref<32x79x128xi32, #tpu.memory_space<hbm>> -> memref<1x39x128xi32, #tpu.memory_space<hbm>>
      %dma_start3A_43 = tpu.memref_squeeze %dma_start3A_42 : memref<1x39x128xi32, #tpu.memory_space<hbm>> -> memref<39x128xi32, #tpu.memory_space<hbm>>
      tpu.enqueue_dma source(%dma_start3A_43 : memref<39x128xi32, #tpu.memory_space<hbm>>) target(%dma_start3A_39 : memref<39x128xi32, #tpu.memory_space<vmem>>) target_semaphore(%run_scoped3A_29 : memref<!tpu.dma_semaphore, #tpu.memory_space<semaphore_mem>>)
      %dma_wait3A_44 = arith.constant 0 : i32
      %dma_wait3A_45 = arith.constant 0 : i32
      %dma_wait3A_46 = tpu.memref_slice %arg8[%dma_wait3A_44, %dma_wait3A_45] : memref<40x128xi32, #tpu.memory_space<vmem>> -> memref<39x128xi32, #tpu.memory_space<vmem>>
      %dma_wait3A_47 = arith.constant 40 : i32
      %dma_wait3A_48 = arith.constant 0 : i32
      %dma_wait3A_49 = tpu.memref_slice %arg4[%add3A, %dma_wait3A_47, %dma_wait3A_48] : memref<32x79x128xi32, #tpu.memory_space<hbm>> -> memref<1x39x128xi32, #tpu.memory_space<hbm>>
      %dma_wait3A_50 = tpu.memref_squeeze %dma_wait3A_49 : memref<1x39x128xi32, #tpu.memory_space<hbm>> -> memref<39x128xi32, #tpu.memory_space<hbm>>
      %dma_wait3A_51 = arith.constant 0 : i32
      %dma_wait3A_52 = arith.constant 0 : i32
      %dma_wait3A_53 = tpu.memref_slice %arg8[%dma_wait3A_51, %dma_wait3A_52] : memref<40x128xi32, #tpu.memory_space<vmem>> -> memref<39x128xi32, #tpu.memory_space<vmem>>
      %dma_wait3A_54 = arith.constant 40 : i32
      %dma_wait3A_55 = arith.constant 0 : i32
      %dma_wait3A_56 = tpu.memref_slice %arg4[%add3A, %dma_wait3A_54, %dma_wait3A_55] : memref<32x79x128xi32, #tpu.memory_space<hbm>> -> memref<1x39x128xi32, #tpu.memory_space<hbm>>
      %dma_wait3A_57 = tpu.memref_squeeze %dma_wait3A_56 : memref<1x39x128xi32, #tpu.memory_space<hbm>> -> memref<39x128xi32, #tpu.memory_space<hbm>>
      tpu.wait_dma2 semaphore(%run_scoped3A_29 : memref<!tpu.dma_semaphore, #tpu.memory_space<semaphore_mem>>) src(%dma_wait3A_57 : memref<39x128xi32, #tpu.memory_space<hbm>>) dst(%dma_wait3A_53 : memref<39x128xi32, #tpu.memory_space<vmem>>)
      tpu.yield
    }) : () -> ()
    %scan3A_9 = arith.constant 0 : i32
    %scan3A_10 = arith.constant 0 : i32
    %scan3A_11 = arith.constant 19 : i32
    %scan3A_12 = arith.addi %scan3A_10, %scan3A_11 : i32
    %scan3A_13 = arith.constant 1 : i32
    %scan3A_14 = scf.for %scan3A_29 = %scan3A_10 to %scan3A_12 step %scan3A_13 iter_args(%scan3A_30 = %scan3A_9) -> (i32)  : i32 {
      %mul3A_31 = arith.constant 2 : i32
      %mul3A_32 = arith.muli %mul3A_31, %scan3A_29 : i32
      %add3A_33 = arith.constant 40 : i32
      %add3A_34 = arith.addi %add3A_33, %mul3A_32 : i32
      %mul3A_35 = arith.constant 128 : i32
      %mul3A_36 = arith.muli %add3A_34, %mul3A_35 : i32
      %dma_start3A_37 = tpu.memref_slice %arg7[%mul3A_36] : memref<10112xi32, #tpu.memory_space<vmem>> -> memref<128xi32, #tpu.memory_space<vmem>>
      %dma_start3A_38 = arith.constant 0 : i32
      %dma_start3A_39 = arith.constant 0 : i32
      %dma_start3A_40 = tpu.memref_slice %arg2[%dma_start3A_38, %dma_start3A_39] : memref<10240x128xf32, #tpu.memory_space<hbm>> -> memref<10240x128xf32, #tpu.memory_space<hbm>>
      tpu.enqueue_indirect_dma source(%dma_start3A_40 : memref<10240x128xf32, #tpu.memory_space<hbm>>) target(%arg9 : memref<128x128xf32, #tpu.memory_space<vmem>>) offsets(%dma_start3A_37 : memref<128xi32, #tpu.memory_space<vmem>>) semaphore(%arg12 : memref<!tpu.dma_semaphore, #tpu.memory_space<semaphore_mem>>)
      %add3A_41 = arith.constant 40 : i32
      %add3A_42 = arith.addi %add3A_41, %mul3A_32 : i32
      %add3A_43 = arith.constant 1 : i32
      %add3A_44 = arith.addi %add3A_42, %add3A_43 : i32
      %mul3A_45 = arith.constant 128 : i32
      %mul3A_46 = arith.muli %add3A_44, %mul3A_45 : i32
      %dma_start3A_47 = tpu.memref_slice %arg7[%mul3A_46] : memref<10112xi32, #tpu.memory_space<vmem>> -> memref<128xi32, #tpu.memory_space<vmem>>
      %dma_start3A_48 = arith.constant 0 : i32
      %dma_start3A_49 = arith.constant 0 : i32
      %dma_start3A_50 = tpu.memref_slice %arg2[%dma_start3A_48, %dma_start3A_49] : memref<10240x128xf32, #tpu.memory_space<hbm>> -> memref<10240x128xf32, #tpu.memory_space<hbm>>
      tpu.enqueue_indirect_dma source(%dma_start3A_50 : memref<10240x128xf32, #tpu.memory_space<hbm>>) target(%arg10 : memref<128x128xf32, #tpu.memory_space<vmem>>) offsets(%dma_start3A_47 : memref<128xi32, #tpu.memory_space<vmem>>) semaphore(%arg13 : memref<!tpu.dma_semaphore, #tpu.memory_space<semaphore_mem>>)
      %dma_wait3A_51 = tpu.memref_slice %arg7[%mul3A_36] : memref<10112xi32, #tpu.memory_space<vmem>> -> memref<128xi32, #tpu.memory_space<vmem>>
      %dma_wait3A_52 = arith.constant 0 : i32
      %dma_wait3A_53 = arith.constant 0 : i32
      %dma_wait3A_54 = tpu.memref_slice %arg2[%dma_wait3A_52, %dma_wait3A_53] : memref<10240x128xf32, #tpu.memory_space<hbm>> -> memref<10240x128xf32, #tpu.memory_space<hbm>>
      tpu.wait_indirect_dma semaphore(%arg12 : memref<!tpu.dma_semaphore, #tpu.memory_space<semaphore_mem>>) src(%dma_wait3A_54 : memref<10240x128xf32, #tpu.memory_space<hbm>>) dst(%arg9 : memref<128x128xf32, #tpu.memory_space<vmem>>)
      "tpu.region"() ({
        %run_scoped3A_62 = tpu.sem_alloc : memref<!tpu.dma_semaphore, #tpu.memory_space<semaphore_mem>>
        %dma_start3A_63 = arith.constant 0 : i32
        %dma_start3A_64 = tpu.memref_slice %arg8[%mul3A_32, %dma_start3A_63] : memref<40x128xi32, #tpu.memory_space<vmem>> -> memref<1x128xi32, #tpu.memory_space<vmem>>
        %dma_start3A_65 = tpu.memref_squeeze %dma_start3A_64 : memref<1x128xi32, #tpu.memory_space<vmem>> -> memref<128xi32, #tpu.memory_space<vmem>>
        %dma_start3A_66 = arith.constant 0 : i32
        %dma_start3A_67 = arith.constant 0 : i32
        %dma_start3A_68 = tpu.memref_slice %arg11[%dma_start3A_66, %dma_start3A_67] : memref<10240x128xf32, #tpu.memory_space<vmem_shared>> -> memref<10240x128xf32, #tpu.memory_space<vmem_shared>>
        tpu.enqueue_indirect_dma source(%arg9 : memref<128x128xf32, #tpu.memory_space<vmem>>) target(%dma_start3A_68 : memref<10240x128xf32, #tpu.memory_space<vmem_shared>>) offsets(%dma_start3A_65 : memref<128xi32, #tpu.memory_space<vmem>>) semaphore(%run_scoped3A_62 : memref<!tpu.dma_semaphore, #tpu.memory_space<semaphore_mem>>) {add = true}
        %dma_wait3A_69 = arith.constant 0 : i32
        %dma_wait3A_70 = tpu.memref_slice %arg8[%mul3A_32, %dma_wait3A_69] : memref<40x128xi32, #tpu.memory_space<vmem>> -> memref<1x128xi32, #tpu.memory_space<vmem>>
        %dma_wait3A_71 = tpu.memref_squeeze %dma_wait3A_70 : memref<1x128xi32, #tpu.memory_space<vmem>> -> memref<128xi32, #tpu.memory_space<vmem>>
        %dma_wait3A_72 = arith.constant 0 : i32
        %dma_wait3A_73 = arith.constant 0 : i32
        %dma_wait3A_74 = tpu.memref_slice %arg11[%dma_wait3A_72, %dma_wait3A_73] : memref<10240x128xf32, #tpu.memory_space<vmem_shared>> -> memref<10240x128xf32, #tpu.memory_space<vmem_shared>>
        tpu.wait_indirect_dma semaphore(%run_scoped3A_62 : memref<!tpu.dma_semaphore, #tpu.memory_space<semaphore_mem>>) src(%arg9 : memref<128x128xf32, #tpu.memory_space<vmem>>) dst(%dma_wait3A_74 : memref<10240x128xf32, #tpu.memory_space<vmem_shared>>)
        tpu.yield
      }) : () -> ()
      %dma_wait3A_55 = tpu.memref_slice %arg7[%mul3A_46] : memref<10112xi32, #tpu.memory_space<vmem>> -> memref<128xi32, #tpu.memory_space<vmem>>
      %dma_wait3A_56 = arith.constant 0 : i32
      %dma_wait3A_57 = arith.constant 0 : i32
      %dma_wait3A_58 = tpu.memref_slice %arg2[%dma_wait3A_56, %dma_wait3A_57] : memref<10240x128xf32, #tpu.memory_space<hbm>> -> memref<10240x128xf32, #tpu.memory_space<hbm>>
      tpu.wait_indirect_dma semaphore(%arg13 : memref<!tpu.dma_semaphore, #tpu.memory_space<semaphore_mem>>) src(%dma_wait3A_58 : memref<10240x128xf32, #tpu.memory_space<hbm>>) dst(%arg10 : memref<128x128xf32, #tpu.memory_space<vmem>>)
      %add3A_59 = arith.constant 1 : i32
      %add3A_60 = arith.addi %mul3A_32, %add3A_59 : i32
      "tpu.region"() ({
        %run_scoped3A_62 = tpu.sem_alloc : memref<!tpu.dma_semaphore, #tpu.memory_space<semaphore_mem>>
        %dma_start3A_63 = arith.constant 0 : i32
        %dma_start3A_64 = tpu.memref_slice %arg8[%add3A_60, %dma_start3A_63] : memref<40x128xi32, #tpu.memory_space<vmem>> -> memref<1x128xi32, #tpu.memory_space<vmem>>
        %dma_start3A_65 = tpu.memref_squeeze %dma_start3A_64 : memref<1x128xi32, #tpu.memory_space<vmem>> -> memref<128xi32, #tpu.memory_space<vmem>>
        %dma_start3A_66 = arith.constant 0 : i32
        %dma_start3A_67 = arith.constant 0 : i32
        %dma_start3A_68 = tpu.memref_slice %arg11[%dma_start3A_66, %dma_start3A_67] : memref<10240x128xf32, #tpu.memory_space<vmem_shared>> -> memref<10240x128xf32, #tpu.memory_space<vmem_shared>>
        tpu.enqueue_indirect_dma source(%arg10 : memref<128x128xf32, #tpu.memory_space<vmem>>) target(%dma_start3A_68 : memref<10240x128xf32, #tpu.memory_space<vmem_shared>>) offsets(%dma_start3A_65 : memref<128xi32, #tpu.memory_space<vmem>>) semaphore(%run_scoped3A_62 : memref<!tpu.dma_semaphore, #tpu.memory_space<semaphore_mem>>) {add = true}
        %dma_wait3A_69 = arith.constant 0 : i32
        %dma_wait3A_70 = tpu.memref_slice %arg8[%add3A_60, %dma_wait3A_69] : memref<40x128xi32, #tpu.memory_space<vmem>> -> memref<1x128xi32, #tpu.memory_space<vmem>>
        %dma_wait3A_71 = tpu.memref_squeeze %dma_wait3A_70 : memref<1x128xi32, #tpu.memory_space<vmem>> -> memref<128xi32, #tpu.memory_space<vmem>>
        %dma_wait3A_72 = arith.constant 0 : i32
        %dma_wait3A_73 = arith.constant 0 : i32
        %dma_wait3A_74 = tpu.memref_slice %arg11[%dma_wait3A_72, %dma_wait3A_73] : memref<10240x128xf32, #tpu.memory_space<vmem_shared>> -> memref<10240x128xf32, #tpu.memory_space<vmem_shared>>
        tpu.wait_indirect_dma semaphore(%run_scoped3A_62 : memref<!tpu.dma_semaphore, #tpu.memory_space<semaphore_mem>>) src(%arg10 : memref<128x128xf32, #tpu.memory_space<vmem>>) dst(%dma_wait3A_74 : memref<10240x128xf32, #tpu.memory_space<vmem_shared>>)
        tpu.yield
      }) : () -> ()
      %scan3A_61 = arith.constant 0 : i32
      scf.yield %scan3A_61 : i32
    }
    %scan3A_15 = arith.constant 19 : i32
    %dma_start3A = arith.constant 9984 : i32
    %dma_start3A_16 = tpu.memref_slice %arg7[%dma_start3A] : memref<10112xi32, #tpu.memory_space<vmem>> -> memref<128xi32, #tpu.memory_space<vmem>>
    %dma_start3A_17 = arith.constant 0 : i32
    %dma_start3A_18 = arith.constant 0 : i32
    %dma_start3A_19 = tpu.memref_slice %arg2[%dma_start3A_17, %dma_start3A_18] : memref<10240x128xf32, #tpu.memory_space<hbm>> -> memref<10240x128xf32, #tpu.memory_space<hbm>>
    tpu.enqueue_indirect_dma source(%dma_start3A_19 : memref<10240x128xf32, #tpu.memory_space<hbm>>) target(%arg9 : memref<128x128xf32, #tpu.memory_space<vmem>>) offsets(%dma_start3A_16 : memref<128xi32, #tpu.memory_space<vmem>>) semaphore(%arg12 : memref<!tpu.dma_semaphore, #tpu.memory_space<semaphore_mem>>)
    %dma_wait3A = arith.constant 9984 : i32
    %dma_wait3A_20 = tpu.memref_slice %arg7[%dma_wait3A] : memref<10112xi32, #tpu.memory_space<vmem>> -> memref<128xi32, #tpu.memory_space<vmem>>
    %dma_wait3A_21 = arith.constant 0 : i32
    %dma_wait3A_22 = arith.constant 0 : i32
    %dma_wait3A_23 = tpu.memref_slice %arg2[%dma_wait3A_21, %dma_wait3A_22] : memref<10240x128xf32, #tpu.memory_space<hbm>> -> memref<10240x128xf32, #tpu.memory_space<hbm>>
    tpu.wait_indirect_dma semaphore(%arg12 : memref<!tpu.dma_semaphore, #tpu.memory_space<semaphore_mem>>) src(%dma_wait3A_23 : memref<10240x128xf32, #tpu.memory_space<hbm>>) dst(%arg9 : memref<128x128xf32, #tpu.memory_space<vmem>>)
    %run_scoped3A = arith.constant 38 : i32
    "tpu.region"() ({
      %run_scoped3A_29 = tpu.sem_alloc : memref<!tpu.dma_semaphore, #tpu.memory_space<semaphore_mem>>
      %dma_start3A_30 = arith.constant 0 : i32
      %dma_start3A_31 = tpu.memref_slice %arg8[%run_scoped3A, %dma_start3A_30] : memref<40x128xi32, #tpu.memory_space<vmem>> -> memref<1x128xi32, #tpu.memory_space<vmem>>
      %dma_start3A_32 = tpu.memref_squeeze %dma_start3A_31 : memref<1x128xi32, #tpu.memory_space<vmem>> -> memref<128xi32, #tpu.memory_space<vmem>>
      %dma_start3A_33 = arith.constant 0 : i32
      %dma_start3A_34 = arith.constant 0 : i32
      %dma_start3A_35 = tpu.memref_slice %arg11[%dma_start3A_33, %dma_start3A_34] : memref<10240x128xf32, #tpu.memory_space<vmem_shared>> -> memref<10240x128xf32, #tpu.memory_space<vmem_shared>>
      tpu.enqueue_indirect_dma source(%arg9 : memref<128x128xf32, #tpu.memory_space<vmem>>) target(%dma_start3A_35 : memref<10240x128xf32, #tpu.memory_space<vmem_shared>>) offsets(%dma_start3A_32 : memref<128xi32, #tpu.memory_space<vmem>>) semaphore(%run_scoped3A_29 : memref<!tpu.dma_semaphore, #tpu.memory_space<semaphore_mem>>) {add = true}
      %dma_wait3A_36 = arith.constant 0 : i32
      %dma_wait3A_37 = tpu.memref_slice %arg8[%run_scoped3A, %dma_wait3A_36] : memref<40x128xi32, #tpu.memory_space<vmem>> -> memref<1x128xi32, #tpu.memory_space<vmem>>
      %dma_wait3A_38 = tpu.memref_squeeze %dma_wait3A_37 : memref<1x128xi32, #tpu.memory_space<vmem>> -> memref<128xi32, #tpu.memory_space<vmem>>
      %dma_wait3A_39 = arith.constant 0 : i32
      %dma_wait3A_40 = arith.constant 0 : i32
      %dma_wait3A_41 = tpu.memref_slice %arg11[%dma_wait3A_39, %dma_wait3A_40] : memref<10240x128xf32, #tpu.memory_space<vmem_shared>> -> memref<10240x128xf32, #tpu.memory_space<vmem_shared>>
      tpu.wait_indirect_dma semaphore(%run_scoped3A_29 : memref<!tpu.dma_semaphore, #tpu.memory_space<semaphore_mem>>) src(%arg9 : memref<128x128xf32, #tpu.memory_space<vmem>>) dst(%dma_wait3A_41 : memref<10240x128xf32, #tpu.memory_space<vmem_shared>>)
      tpu.yield
    }) : () -> ()
    %barrier3A_24 = arith.constant 0 : index
    tpu.barrier barrier_id(%barrier3A_24)
    %mul3A_25 = arith.constant 640 : i32
    %mul3A_26 = arith.muli %arg1, %mul3A_25 : i32
    %mul3A_27 = arith.constant 640 : i32
    %mul3A_28 = arith.muli %arg1, %mul3A_27 : i32
    "tpu.region"() ({
      %run_scoped3A_29 = tpu.sem_alloc : memref<!tpu.dma_semaphore, #tpu.memory_space<semaphore_mem>>
      %dma_start3A_30 = arith.constant 0 : i32
      %dma_start3A_31 = tpu.memref_slice %arg6[%arg0, %mul3A_28, %dma_start3A_30] : memref<2x10240x128xf32, #tpu.memory_space<hbm>> -> memref<1x640x128xf32, #tpu.memory_space<hbm>>
      %dma_start3A_32 = tpu.memref_squeeze %dma_start3A_31 : memref<1x640x128xf32, #tpu.memory_space<hbm>> -> memref<640x128xf32, #tpu.memory_space<hbm>>
      %dma_start3A_33 = arith.constant 0 : i32
      %dma_start3A_34 = tpu.memref_slice %arg11[%mul3A_26, %dma_start3A_33] : memref<10240x128xf32, #tpu.memory_space<vmem_shared>> -> memref<640x128xf32, #tpu.memory_space<vmem_shared>>
      tpu.enqueue_dma source(%dma_start3A_34 : memref<640x128xf32, #tpu.memory_space<vmem_shared>>) target(%dma_start3A_32 : memref<640x128xf32, #tpu.memory_space<hbm>>) target_semaphore(%run_scoped3A_29 : memref<!tpu.dma_semaphore, #tpu.memory_space<semaphore_mem>>)
      %dma_wait3A_35 = arith.constant 0 : i32
      %dma_wait3A_36 = tpu.memref_slice %arg6[%arg0, %mul3A_28, %dma_wait3A_35] : memref<2x10240x128xf32, #tpu.memory_space<hbm>> -> memref<1x640x128xf32, #tpu.memory_space<hbm>>
      %dma_wait3A_37 = tpu.memref_squeeze %dma_wait3A_36 : memref<1x640x128xf32, #tpu.memory_space<hbm>> -> memref<640x128xf32, #tpu.memory_space<hbm>>
      %dma_wait3A_38 = arith.constant 0 : i32
      %dma_wait3A_39 = tpu.memref_slice %arg11[%mul3A_26, %dma_wait3A_38] : memref<10240x128xf32, #tpu.memory_space<vmem_shared>> -> memref<640x128xf32, #tpu.memory_space<vmem_shared>>
      tpu.wait_dma2 semaphore(%run_scoped3A_29 : memref<!tpu.dma_semaphore, #tpu.memory_space<semaphore_mem>>) src(%dma_wait3A_39 : memref<640x128xf32, #tpu.memory_space<vmem_shared>>) dst(%dma_wait3A_37 : memref<640x128xf32, #tpu.memory_space<hbm>>)
      tpu.yield
    }) : () -> ()
    return
  }
}

module attributes {stable_mosaic.version = 14 : i64} {
  func.func @_tc_b_body(%arg0: i32, %arg1: memref<512x128xf32, #tpu.memory_space<vmem>>, %arg2: memref<128x128xf32, #tpu.memory_space<vmem>>, %arg3: memref<1x128xf32, #tpu.memory_space<vmem>>, %arg4: memref<2x512x128xf32, #tpu.memory_space<vmem>>, %arg5: memref<512x128xf32, #tpu.memory_space<vmem>>, %arg6: memref<512x1xf32, #tpu.memory_space<vmem>>) attributes {dimension_semantics = [#tpu.dimension_semantics<arbitrary>], iteration_bounds = array<i64: 20>, scalar_prefetch = 0 : i64, scratch_operands = 0 : i64, tpu.core_type = #tpu.core_type<tc>, window_params = [{transform_indices = @transform_0, window_bounds = array<i64: 512, 128>}, {pipeline_mode = #tpu.pipeline_mode<synchronous>, transform_indices = @transform_1, window_bounds = array<i64: 128, 128>}, {pipeline_mode = #tpu.pipeline_mode<synchronous>, transform_indices = @transform_2, window_bounds = array<i64: 1, 128>}, {transform_indices = @transform_3, window_bounds = array<i64: 2, 512, 128>}, {transform_indices = @transform_4, window_bounds = array<i64: 512, 128>}, {transform_indices = @transform_5, window_bounds = array<i64: 512, 1>}]} {
    %get3A = arith.constant 0 : index
    %get3A_0 = arith.constant 0 : index
    %get3A_1 = vector.load %arg1[%get3A, %get3A_0] : memref<512x128xf32, #tpu.memory_space<vmem>>, vector<512x128xf32>
    %get3A_2 = arith.constant 0 : index
    %get3A_3 = arith.constant 0 : index
    %get3A_4 = vector.load %arg2[%get3A_2, %get3A_3] : memref<128x128xf32, #tpu.memory_space<vmem>>, vector<128x128xf32>
    %dot_general3A = arith.constant dense<0.000000e+00> : vector<512x128xf32>
    %dot_general3A_5 = tpu.matmul %get3A_1, %get3A_4, %dot_general3A {dimension_numbers = #tpu.dot_dimension_numbers<[1], [0], [0], [1], [0, 0, 1, 1], [], []>, transpose_lhs_hint = false} : vector<512x128xf32>, vector<128x128xf32>, vector<512x128xf32> -> vector<512x128xf32>
    %get3A_6 = arith.constant 0 : index
    %get3A_7 = arith.constant 0 : index
    %get3A_8 = vector.load %arg3[%get3A_6, %get3A_7] : memref<1x128xf32, #tpu.memory_space<vmem>>, vector<1x128xf32>
    %add3A = vector.broadcast %get3A_8 : vector<1x128xf32> to vector<512x128xf32>
    %add3A_9 = arith.addf %dot_general3A_5, %add3A : vector<512x128xf32>
    %swap3A = arith.constant 0 : index
    %swap3A_10 = arith.constant 0 : index
    %swap3A_11 = vector.load %arg5[%swap3A, %swap3A_10] : memref<512x128xf32, #tpu.memory_space<vmem>>, vector<512x128xf32>
    tpu.vector_store %arg5[%swap3A, %swap3A_10], %add3A_9 {strides = array<i32>} : memref<512x128xf32, #tpu.memory_space<vmem>>, vector<512x128xf32>,
    %get3A_12 = arith.constant 0 : index
    %get3A_13 = arith.constant 0 : index
    %get3A_14 = arith.constant 0 : index
    %get3A_15 = vector.load %arg4[%get3A_12, %get3A_13, %get3A_14] : memref<2x512x128xf32, #tpu.memory_space<vmem>>, vector<1x512x1xf32>
    %get3A_16 = vector.shape_cast %get3A_15 : vector<1x512x1xf32> to vector<512x1xf32>
    %get3A_17 = arith.constant 1 : index
    %get3A_18 = arith.constant 0 : index
    %get3A_19 = arith.constant 0 : index
    %get3A_20 = vector.load %arg4[%get3A_17, %get3A_18, %get3A_19] : memref<2x512x128xf32, #tpu.memory_space<vmem>>, vector<1x512x1xf32>
    %get3A_21 = vector.shape_cast %get3A_20 : vector<1x512x1xf32> to vector<512x1xf32>
    %add3A_22 = arith.addf %get3A_16, %get3A_21 : vector<512x1xf32>
    %max3A = arith.constant 1.000000e+00 : f32
    %max3A_23 = vector.broadcast %max3A : f32 to vector<512x1xf32>
    %max3A_24 = arith.maximumf %add3A_22, %max3A_23 : vector<512x1xf32>
    %div3A = arith.constant 1.000000e+00 : f32
    %div3A_25 = vector.broadcast %div3A : f32 to vector<512x1xf32>
    %div3A_26 = arith.divf %div3A_25, %max3A_24 : vector<512x1xf32>
    %swap3A_27 = arith.constant 0 : index
    %swap3A_28 = arith.constant 0 : index
    %swap3A_29 = vector.load %arg6[%swap3A_27, %swap3A_28] : memref<512x1xf32, #tpu.memory_space<vmem>>, vector<512x1xf32>
    tpu.vector_store %arg6[%swap3A_27, %swap3A_28], %div3A_26 {strides = array<i32>} : memref<512x1xf32, #tpu.memory_space<vmem>>, vector<512x1xf32>,
    return
  }
  func.func @transform_0(%arg0: i32) -> (i32, i32) {
    %c0_i32 = arith.constant 0 : i32
    %c0_i32_0 = arith.constant 0 : i32
    return %arg0, %c0_i32 : i32, i32
  }
  func.func @transform_1(%arg0: i32) -> (i32, i32) {
    %c0_i32 = arith.constant 0 : i32
    %c0_i32_0 = arith.constant 0 : i32
    %c0_i32_1 = arith.constant 0 : i32
    return %c0_i32, %c0_i32_0 : i32, i32
  }
  func.func @transform_2(%arg0: i32) -> (i32, i32) {
    %c0_i32 = arith.constant 0 : i32
    %c0_i32_0 = arith.constant 0 : i32
    %c0_i32_1 = arith.constant 0 : i32
    return %c0_i32, %c0_i32_0 : i32, i32
  }
  func.func @transform_3(%arg0: i32) -> (i32, i32, i32) {
    %c0_i32 = arith.constant 0 : i32
    %c0_i32_0 = arith.constant 0 : i32
    %c0_i32_1 = arith.constant 0 : i32
    return %c0_i32, %arg0, %c0_i32_0 : i32, i32, i32
  }
  func.func @transform_4(%arg0: i32) -> (i32, i32) {
    %c0_i32 = arith.constant 0 : i32
    %c0_i32_0 = arith.constant 0 : i32
    return %arg0, %c0_i32 : i32, i32
  }
  func.func @transform_5(%arg0: i32) -> (i32, i32) {
    %c0_i32 = arith.constant 0 : i32
    %c0_i32_0 = arith.constant 0 : i32
    return %arg0, %c0_i32 : i32, i32
  }
}

module attributes {stable_mosaic.version = 14 : i64} {
  func.func @_tc_layer_body(%arg0: i32, %arg1: memref<2x512x128xf32, #tpu.memory_space<vmem>>, %arg2: memref<512x1xf32, #tpu.memory_space<vmem>>, %arg3: memref<512x128xf32, #tpu.memory_space<vmem>>, %arg4: memref<128x128xf32, #tpu.memory_space<vmem>>, %arg5: memref<128x128xf32, #tpu.memory_space<vmem>>, %arg6: memref<1x128xf32, #tpu.memory_space<vmem>>, %arg7: memref<1x128xf32, #tpu.memory_space<vmem>>, %arg8: memref<1x128xf32, #tpu.memory_space<vmem>>, %arg9: memref<512x128xf32, #tpu.memory_space<vmem>>) attributes {dimension_semantics = [#tpu.dimension_semantics<arbitrary>], iteration_bounds = array<i64: 20>, scalar_prefetch = 0 : i64, scratch_operands = 0 : i64, tpu.core_type = #tpu.core_type<tc>, window_params = [{transform_indices = @transform_0, window_bounds = array<i64: 2, 512, 128>}, {transform_indices = @transform_1, window_bounds = array<i64: 512, 1>}, {transform_indices = @transform_2, window_bounds = array<i64: 512, 128>}, {pipeline_mode = #tpu.pipeline_mode<synchronous>, transform_indices = @transform_3, window_bounds = array<i64: 128, 128>}, {pipeline_mode = #tpu.pipeline_mode<synchronous>, transform_indices = @transform_4, window_bounds = array<i64: 128, 128>}, {pipeline_mode = #tpu.pipeline_mode<synchronous>, transform_indices = @transform_5, window_bounds = array<i64: 1, 128>}, {pipeline_mode = #tpu.pipeline_mode<synchronous>, transform_indices = @transform_6, window_bounds = array<i64: 1, 128>}, {pipeline_mode = #tpu.pipeline_mode<synchronous>, transform_indices = @transform_7, window_bounds = array<i64: 1, 128>}, {transform_indices = @transform_8, window_bounds = array<i64: 512, 128>}]} {
    %get3A = arith.constant 0 : index
    %get3A_0 = arith.constant 0 : index
    %get3A_1 = arith.constant 0 : index
    %get3A_2 = vector.load %arg1[%get3A, %get3A_0, %get3A_1] : memref<2x512x128xf32, #tpu.memory_space<vmem>>, vector<1x512x128xf32>
    %get3A_3 = vector.shape_cast %get3A_2 : vector<1x512x128xf32> to vector<512x128xf32>
    %get3A_4 = arith.constant 1 : index
    %get3A_5 = arith.constant 0 : index
    %get3A_6 = arith.constant 0 : index
    %get3A_7 = vector.load %arg1[%get3A_4, %get3A_5, %get3A_6] : memref<2x512x128xf32, #tpu.memory_space<vmem>>, vector<1x512x128xf32>
    %get3A_8 = vector.shape_cast %get3A_7 : vector<1x512x128xf32> to vector<512x128xf32>
    %add3A = arith.addf %get3A_3, %get3A_8 : vector<512x128xf32>
    %get3A_9 = arith.constant 0 : index
    %get3A_10 = arith.constant 0 : index
    %get3A_11 = vector.load %arg2[%get3A_9, %get3A_10] : memref<512x1xf32, #tpu.memory_space<vmem>>, vector<512x1xf32>
    %mul3A = vector.broadcast %get3A_11 : vector<512x1xf32> to vector<512x128xf32>
    %mul3A_12 = arith.mulf %add3A, %mul3A : vector<512x128xf32>
    %get3A_13 = arith.constant 0 : index
    %get3A_14 = arith.constant 0 : index
    %get3A_15 = vector.load %arg4[%get3A_13, %get3A_14] : memref<128x128xf32, #tpu.memory_space<vmem>>, vector<128x128xf32>
    %dot_general3A = arith.constant dense<0.000000e+00> : vector<512x128xf32>
    %dot_general3A_16 = tpu.matmul %mul3A_12, %get3A_15, %dot_general3A {dimension_numbers = #tpu.dot_dimension_numbers<[1], [0], [0], [1], [0, 0, 1, 1], [], []>, transpose_lhs_hint = false} : vector<512x128xf32>, vector<128x128xf32>, vector<512x128xf32> -> vector<512x128xf32>
    %get3A_17 = arith.constant 0 : index
    %get3A_18 = arith.constant 0 : index
    %get3A_19 = vector.load %arg3[%get3A_17, %get3A_18] : memref<512x128xf32, #tpu.memory_space<vmem>>, vector<512x128xf32>
    %get3A_20 = arith.constant 0 : index
    %get3A_21 = arith.constant 0 : index
    %get3A_22 = vector.load %arg5[%get3A_20, %get3A_21] : memref<128x128xf32, #tpu.memory_space<vmem>>, vector<128x128xf32>
    %dot_general3A_23 = arith.constant dense<0.000000e+00> : vector<512x128xf32>
    %dot_general3A_24 = tpu.matmul %get3A_19, %get3A_22, %dot_general3A_23 {dimension_numbers = #tpu.dot_dimension_numbers<[1], [0], [0], [1], [0, 0, 1, 1], [], []>, transpose_lhs_hint = false} : vector<512x128xf32>, vector<128x128xf32>, vector<512x128xf32> -> vector<512x128xf32>
    %add3A_25 = arith.addf %dot_general3A_16, %dot_general3A_24 : vector<512x128xf32>
    %get3A_26 = arith.constant 0 : index
    %get3A_27 = arith.constant 0 : index
    %get3A_28 = vector.load %arg6[%get3A_26, %get3A_27] : memref<1x128xf32, #tpu.memory_space<vmem>>, vector<1x128xf32>
    %add3A_29 = vector.broadcast %get3A_28 : vector<1x128xf32> to vector<512x128xf32>
    %add3A_30 = arith.addf %add3A_25, %add3A_29 : vector<512x128xf32>
    %max3A = arith.constant 0.000000e+00 : f32
    %max3A_31 = vector.broadcast %max3A : f32 to vector<512x128xf32>
    %max3A_32 = arith.maximumf %add3A_30, %max3A_31 : vector<512x128xf32>
    %reduce_sum3A = arith.constant dense<0.000000e+00> : vector<512xf32>
    %reduce_sum3A_33 = vector.multi_reduction <add>, %max3A_32, %reduce_sum3A [1] : vector<512x128xf32> to vector<512xf32>
    %broadcast_in_dim3A = vector.shape_cast %reduce_sum3A_33 : vector<512xf32> to vector<512x1xf32>
    %div3A = arith.constant 1.280000e+02 : f32
    %div3A_34 = vector.broadcast %div3A : f32 to vector<512x1xf32>
    %div3A_35 = arith.divf %broadcast_in_dim3A, %div3A_34 : vector<512x1xf32>
    %sub3A = vector.broadcast %div3A_35 : vector<512x1xf32> to vector<512x128xf32>
    %sub3A_36 = arith.subf %max3A_32, %sub3A : vector<512x128xf32>
    %integer_pow3A = arith.mulf %sub3A_36, %sub3A_36 : vector<512x128xf32>
    %reduce_sum3A_37 = arith.constant dense<0.000000e+00> : vector<512xf32>
    %reduce_sum3A_38 = vector.multi_reduction <add>, %integer_pow3A, %reduce_sum3A_37 [1] : vector<512x128xf32> to vector<512xf32>
    %broadcast_in_dim3A_39 = vector.shape_cast %reduce_sum3A_38 : vector<512xf32> to vector<512x1xf32>
    %div3A_40 = arith.constant 1.280000e+02 : f32
    %div3A_41 = vector.broadcast %div3A_40 : f32 to vector<512x1xf32>
    %div3A_42 = arith.divf %broadcast_in_dim3A_39, %div3A_41 : vector<512x1xf32>
    %sub3A_43 = vector.broadcast %div3A_35 : vector<512x1xf32> to vector<512x128xf32>
    %sub3A_44 = arith.subf %max3A_32, %sub3A_43 : vector<512x128xf32>
    %add3A_45 = arith.constant 9.99999974E-6 : f32
    %add3A_46 = vector.broadcast %add3A_45 : f32 to vector<512x1xf32>
    %add3A_47 = arith.addf %div3A_42, %add3A_46 : vector<512x1xf32>
    %rsqrt3A = math.rsqrt %add3A_47 : vector<512x1xf32>
    %mul3A_48 = vector.broadcast %rsqrt3A : vector<512x1xf32> to vector<512x128xf32>
    %mul3A_49 = arith.mulf %sub3A_44, %mul3A_48 : vector<512x128xf32>
    %get3A_50 = arith.constant 0 : index
    %get3A_51 = arith.constant 0 : index
    %get3A_52 = vector.load %arg7[%get3A_50, %get3A_51] : memref<1x128xf32, #tpu.memory_space<vmem>>, vector<1x128xf32>
    %mul3A_53 = vector.broadcast %get3A_52 : vector<1x128xf32> to vector<512x128xf32>
    %mul3A_54 = arith.mulf %mul3A_49, %mul3A_53 : vector<512x128xf32>
    %get3A_55 = arith.constant 0 : index
    %get3A_56 = arith.constant 0 : index
    %get3A_57 = vector.load %arg8[%get3A_55, %get3A_56] : memref<1x128xf32, #tpu.memory_space<vmem>>, vector<1x128xf32>
    %add3A_58 = vector.broadcast %get3A_57 : vector<1x128xf32> to vector<512x128xf32>
    %add3A_59 = arith.addf %mul3A_54, %add3A_58 : vector<512x128xf32>
    %swap3A = arith.constant 0 : index
    %swap3A_60 = arith.constant 0 : index
    %swap3A_61 = vector.load %arg9[%swap3A, %swap3A_60] : memref<512x128xf32, #tpu.memory_space<vmem>>, vector<512x128xf32>
    tpu.vector_store %arg9[%swap3A, %swap3A_60], %add3A_59 {strides = array<i32>} : memref<512x128xf32, #tpu.memory_space<vmem>>, vector<512x128xf32>,
    return
  }
  func.func @transform_0(%arg0: i32) -> (i32, i32, i32) {
    %c0_i32 = arith.constant 0 : i32
    %c0_i32_0 = arith.constant 0 : i32
    %c0_i32_1 = arith.constant 0 : i32
    return %c0_i32, %arg0, %c0_i32_0 : i32, i32, i32
  }
  func.func @transform_1(%arg0: i32) -> (i32, i32) {
    %c0_i32 = arith.constant 0 : i32
    %c0_i32_0 = arith.constant 0 : i32
    return %arg0, %c0_i32 : i32, i32
  }
  func.func @transform_2(%arg0: i32) -> (i32, i32) {
    %c0_i32 = arith.constant 0 : i32
    %c0_i32_0 = arith.constant 0 : i32
    return %arg0, %c0_i32 : i32, i32
  }
  func.func @transform_3(%arg0: i32) -> (i32, i32) {
    %c0_i32 = arith.constant 0 : i32
    %c0_i32_0 = arith.constant 0 : i32
    %c0_i32_1 = arith.constant 0 : i32
    return %c0_i32, %c0_i32_0 : i32, i32
  }
  func.func @transform_4(%arg0: i32) -> (i32, i32) {
    %c0_i32 = arith.constant 0 : i32
    %c0_i32_0 = arith.constant 0 : i32
    %c0_i32_1 = arith.constant 0 : i32
    return %c0_i32, %c0_i32_0 : i32, i32
  }
  func.func @transform_5(%arg0: i32) -> (i32, i32) {
    %c0_i32 = arith.constant 0 : i32
    %c0_i32_0 = arith.constant 0 : i32
    %c0_i32_1 = arith.constant 0 : i32
    return %c0_i32, %c0_i32_0 : i32, i32
  }
  func.func @transform_6(%arg0: i32) -> (i32, i32) {
    %c0_i32 = arith.constant 0 : i32
    %c0_i32_0 = arith.constant 0 : i32
    %c0_i32_1 = arith.constant 0 : i32
    return %c0_i32, %c0_i32_0 : i32, i32
  }
  func.func @transform_7(%arg0: i32) -> (i32, i32) {
    %c0_i32 = arith.constant 0 : i32
    %c0_i32_0 = arith.constant 0 : i32
    %c0_i32_1 = arith.constant 0 : i32
    return %c0_i32, %c0_i32_0 : i32, i32
  }
  func.func @transform_8(%arg0: i32) -> (i32, i32) {
    %c0_i32 = arith.constant 0 : i32
    %c0_i32_0 = arith.constant 0 : i32
    return %arg0, %c0_i32 : i32, i32
  }
}

module attributes {stable_mosaic.version = 14 : i64} {
  func.func @_tc_layer3_pool_body(%arg0: i32, %arg1: memref<2x512x128xf32, #tpu.memory_space<vmem>>, %arg2: memref<512x1xf32, #tpu.memory_space<vmem>>, %arg3: memref<512x128xf32, #tpu.memory_space<vmem>>, %arg4: memref<128x128xf32, #tpu.memory_space<vmem>>, %arg5: memref<128x128xf32, #tpu.memory_space<vmem>>, %arg6: memref<1x128xf32, #tpu.memory_space<vmem>>, %arg7: memref<1x128xf32, #tpu.memory_space<vmem>>, %arg8: memref<1x128xf32, #tpu.memory_space<vmem>>, %arg9: memref<128x64xf32, #tpu.memory_space<vmem>>, %arg10: memref<1x64xf32, #tpu.memory_space<vmem>>, %arg11: memref<512x1xi32, #tpu.memory_space<vmem>>, %arg12: memref<16x64xf32, #tpu.memory_space<vmem>>) attributes {dimension_semantics = [#tpu.dimension_semantics<arbitrary>], iteration_bounds = array<i64: 20>, scalar_prefetch = 0 : i64, scratch_operands = 0 : i64, tpu.core_type = #tpu.core_type<tc>, window_params = [{transform_indices = @transform_0, window_bounds = array<i64: 2, 512, 128>}, {transform_indices = @transform_1, window_bounds = array<i64: 512, 1>}, {transform_indices = @transform_2, window_bounds = array<i64: 512, 128>}, {pipeline_mode = #tpu.pipeline_mode<synchronous>, transform_indices = @transform_3, window_bounds = array<i64: 128, 128>}, {pipeline_mode = #tpu.pipeline_mode<synchronous>, transform_indices = @transform_4, window_bounds = array<i64: 128, 128>}, {pipeline_mode = #tpu.pipeline_mode<synchronous>, transform_indices = @transform_5, window_bounds = array<i64: 1, 128>}, {pipeline_mode = #tpu.pipeline_mode<synchronous>, transform_indices = @transform_6, window_bounds = array<i64: 1, 128>}, {pipeline_mode = #tpu.pipeline_mode<synchronous>, transform_indices = @transform_7, window_bounds = array<i64: 1, 128>}, {pipeline_mode = #tpu.pipeline_mode<synchronous>, transform_indices = @transform_8, window_bounds = array<i64: 128, 64>}, {pipeline_mode = #tpu.pipeline_mode<synchronous>, transform_indices = @transform_9, window_bounds = array<i64: 1, 64>}, {transform_indices = @transform_10, window_bounds = array<i64: 512, 1>}, {pipeline_mode = #tpu.pipeline_mode<synchronous>, transform_indices = @transform_11, window_bounds = array<i64: 16, 64>}]} {
    %get3A = arith.constant 0 : index
    %get3A_0 = arith.constant 0 : index
    %get3A_1 = arith.constant 0 : index
    %get3A_2 = vector.load %arg1[%get3A, %get3A_0, %get3A_1] : memref<2x512x128xf32, #tpu.memory_space<vmem>>, vector<1x512x128xf32>
    %get3A_3 = vector.shape_cast %get3A_2 : vector<1x512x128xf32> to vector<512x128xf32>
    %get3A_4 = arith.constant 1 : index
    %get3A_5 = arith.constant 0 : index
    %get3A_6 = arith.constant 0 : index
    %get3A_7 = vector.load %arg1[%get3A_4, %get3A_5, %get3A_6] : memref<2x512x128xf32, #tpu.memory_space<vmem>>, vector<1x512x128xf32>
    %get3A_8 = vector.shape_cast %get3A_7 : vector<1x512x128xf32> to vector<512x128xf32>
    %add3A = arith.addf %get3A_3, %get3A_8 : vector<512x128xf32>
    %get3A_9 = arith.constant 0 : index
    %get3A_10 = arith.constant 0 : index
    %get3A_11 = vector.load %arg2[%get3A_9, %get3A_10] : memref<512x1xf32, #tpu.memory_space<vmem>>, vector<512x1xf32>
    %mul3A = vector.broadcast %get3A_11 : vector<512x1xf32> to vector<512x128xf32>
    %mul3A_12 = arith.mulf %add3A, %mul3A : vector<512x128xf32>
    %get3A_13 = arith.constant 0 : index
    %get3A_14 = arith.constant 0 : index
    %get3A_15 = vector.load %arg4[%get3A_13, %get3A_14] : memref<128x128xf32, #tpu.memory_space<vmem>>, vector<128x128xf32>
    %dot_general3A = arith.constant dense<0.000000e+00> : vector<512x128xf32>
    %dot_general3A_16 = tpu.matmul %mul3A_12, %get3A_15, %dot_general3A {dimension_numbers = #tpu.dot_dimension_numbers<[1], [0], [0], [1], [0, 0, 1, 1], [], []>, transpose_lhs_hint = false} : vector<512x128xf32>, vector<128x128xf32>, vector<512x128xf32> -> vector<512x128xf32>
    %get3A_17 = arith.constant 0 : index
    %get3A_18 = arith.constant 0 : index
    %get3A_19 = vector.load %arg3[%get3A_17, %get3A_18] : memref<512x128xf32, #tpu.memory_space<vmem>>, vector<512x128xf32>
    %get3A_20 = arith.constant 0 : index
    %get3A_21 = arith.constant 0 : index
    %get3A_22 = vector.load %arg5[%get3A_20, %get3A_21] : memref<128x128xf32, #tpu.memory_space<vmem>>, vector<128x128xf32>
    %dot_general3A_23 = arith.constant dense<0.000000e+00> : vector<512x128xf32>
    %dot_general3A_24 = tpu.matmul %get3A_19, %get3A_22, %dot_general3A_23 {dimension_numbers = #tpu.dot_dimension_numbers<[1], [0], [0], [1], [0, 0, 1, 1], [], []>, transpose_lhs_hint = false} : vector<512x128xf32>, vector<128x128xf32>, vector<512x128xf32> -> vector<512x128xf32>
    %add3A_25 = arith.addf %dot_general3A_16, %dot_general3A_24 : vector<512x128xf32>
    %get3A_26 = arith.constant 0 : index
    %get3A_27 = arith.constant 0 : index
    %get3A_28 = vector.load %arg6[%get3A_26, %get3A_27] : memref<1x128xf32, #tpu.memory_space<vmem>>, vector<1x128xf32>
    %add3A_29 = vector.broadcast %get3A_28 : vector<1x128xf32> to vector<512x128xf32>
    %add3A_30 = arith.addf %add3A_25, %add3A_29 : vector<512x128xf32>
    %max3A = arith.constant 0.000000e+00 : f32
    %max3A_31 = vector.broadcast %max3A : f32 to vector<512x128xf32>
    %max3A_32 = arith.maximumf %add3A_30, %max3A_31 : vector<512x128xf32>
    %reduce_sum3A = arith.constant dense<0.000000e+00> : vector<512xf32>
    %reduce_sum3A_33 = vector.multi_reduction <add>, %max3A_32, %reduce_sum3A [1] : vector<512x128xf32> to vector<512xf32>
    %broadcast_in_dim3A = vector.shape_cast %reduce_sum3A_33 : vector<512xf32> to vector<512x1xf32>
    %div3A = arith.constant 1.280000e+02 : f32
    %div3A_34 = vector.broadcast %div3A : f32 to vector<512x1xf32>
    %div3A_35 = arith.divf %broadcast_in_dim3A, %div3A_34 : vector<512x1xf32>
    %sub3A = vector.broadcast %div3A_35 : vector<512x1xf32> to vector<512x128xf32>
    %sub3A_36 = arith.subf %max3A_32, %sub3A : vector<512x128xf32>
    %integer_pow3A = arith.mulf %sub3A_36, %sub3A_36 : vector<512x128xf32>
    %reduce_sum3A_37 = arith.constant dense<0.000000e+00> : vector<512xf32>
    %reduce_sum3A_38 = vector.multi_reduction <add>, %integer_pow3A, %reduce_sum3A_37 [1] : vector<512x128xf32> to vector<512xf32>
    %broadcast_in_dim3A_39 = vector.shape_cast %reduce_sum3A_38 : vector<512xf32> to vector<512x1xf32>
    %div3A_40 = arith.constant 1.280000e+02 : f32
    %div3A_41 = vector.broadcast %div3A_40 : f32 to vector<512x1xf32>
    %div3A_42 = arith.divf %broadcast_in_dim3A_39, %div3A_41 : vector<512x1xf32>
    %sub3A_43 = vector.broadcast %div3A_35 : vector<512x1xf32> to vector<512x128xf32>
    %sub3A_44 = arith.subf %max3A_32, %sub3A_43 : vector<512x128xf32>
    %add3A_45 = arith.constant 9.99999974E-6 : f32
    %add3A_46 = vector.broadcast %add3A_45 : f32 to vector<512x1xf32>
    %add3A_47 = arith.addf %div3A_42, %add3A_46 : vector<512x1xf32>
    %rsqrt3A = math.rsqrt %add3A_47 : vector<512x1xf32>
    %mul3A_48 = vector.broadcast %rsqrt3A : vector<512x1xf32> to vector<512x128xf32>
    %mul3A_49 = arith.mulf %sub3A_44, %mul3A_48 : vector<512x128xf32>
    %get3A_50 = arith.constant 0 : index
    %get3A_51 = arith.constant 0 : index
    %get3A_52 = vector.load %arg7[%get3A_50, %get3A_51] : memref<1x128xf32, #tpu.memory_space<vmem>>, vector<1x128xf32>
    %mul3A_53 = vector.broadcast %get3A_52 : vector<1x128xf32> to vector<512x128xf32>
    %mul3A_54 = arith.mulf %mul3A_49, %mul3A_53 : vector<512x128xf32>
    %get3A_55 = arith.constant 0 : index
    %get3A_56 = arith.constant 0 : index
    %get3A_57 = vector.load %arg8[%get3A_55, %get3A_56] : memref<1x128xf32, #tpu.memory_space<vmem>>, vector<1x128xf32>
    %add3A_58 = vector.broadcast %get3A_57 : vector<1x128xf32> to vector<512x128xf32>
    %add3A_59 = arith.addf %mul3A_54, %add3A_58 : vector<512x128xf32>
    %get3A_60 = arith.constant 0 : index
    %get3A_61 = arith.constant 0 : index
    %get3A_62 = vector.load %arg9[%get3A_60, %get3A_61] : memref<128x64xf32, #tpu.memory_space<vmem>>, vector<128x64xf32>
    %dot_general3A_63 = arith.constant dense<0.000000e+00> : vector<512x64xf32>
    %dot_general3A_64 = tpu.matmul %add3A_59, %get3A_62, %dot_general3A_63 {dimension_numbers = #tpu.dot_dimension_numbers<[1], [0], [0], [1], [0, 0, 1, 1], [], []>, transpose_lhs_hint = false} : vector<512x128xf32>, vector<128x64xf32>, vector<512x64xf32> -> vector<512x64xf32>
    %get3A_65 = arith.constant 0 : index
    %get3A_66 = arith.constant 0 : index
    %get3A_67 = vector.load %arg10[%get3A_65, %get3A_66] : memref<1x64xf32, #tpu.memory_space<vmem>>, vector<1x64xf32>
    %add3A_68 = vector.broadcast %get3A_67 : vector<1x64xf32> to vector<512x64xf32>
    %add3A_69 = arith.addf %dot_general3A_64, %add3A_68 : vector<512x64xf32>
    %mul3A_70 = arith.constant 512 : i32
    %mul3A_71 = arith.muli %arg0, %mul3A_70 : i32
    %iota3A = tpu.iota {dimensions = array<i32: 0>} : vector<512x1xi32>
    %add3A_72 = vector.broadcast %mul3A_71 : i32 to vector<512x1xi32>
    %add3A_73 = arith.addi %add3A_72, %iota3A : vector<512x1xi32>
    %lt3A = arith.constant 10000 : i32
    %lt3A_74 = vector.broadcast %lt3A : i32 to vector<512x1xi32>
    %lt3A_75 = arith.cmpi slt, %add3A_73, %lt3A_74 : vector<512x1xi32>
    %jit3A = arith.constant 0xFF800000 : f32
    %broadcast_in_dim3A_76 = vector.shape_cast %lt3A_75 : vector<512x1xi1> to vector<512x1xi1>
    %broadcast_in_dim3A_77 = vector.broadcast %broadcast_in_dim3A_76 : vector<512x1xi1> to vector<512x64xi1>
    %broadcast_in_dim3A_78 = vector.broadcast %jit3A : f32 to vector<512x64xf32>
    %select_n3A = arith.select %broadcast_in_dim3A_77, %add3A_69, %broadcast_in_dim3A_78 : vector<512x64xi1>, vector<512x64xf32>
    %get3A_79 = arith.constant 0 : index
    %get3A_80 = arith.constant 0 : index
    %get3A_81 = vector.load %arg11[%get3A_79, %get3A_80] : memref<512x1xi32, #tpu.memory_space<vmem>>, vector<512x1xi32>
    %eq3A = arith.constant 0 : i32
    %eq3A_82 = arith.cmpi eq, %arg0, %eq3A : i32
    %convert_element_type3A = arith.extui %eq3A_82 : i1 to i32
    %cond3A = arith.constant 0 : i32
    %cond3A_83 = arith.cmpi ne, %convert_element_type3A, %cond3A : i32
    scf.if %cond3A_83 {
      %broadcast_in_dim3A_270 = arith.constant 0xFF800000 : f32
      %broadcast_in_dim3A_271 = vector.broadcast %broadcast_in_dim3A_270 : f32 to vector<16x64xf32>
      %swap3A_272 = arith.constant 0 : index
      %swap3A_273 = arith.constant 0 : index
      %swap3A_274 = vector.load %arg12[%swap3A_272, %swap3A_273] : memref<16x64xf32, #tpu.memory_space<vmem>>, vector<16x64xf32>
      tpu.vector_store %arg12[%swap3A_272, %swap3A_273], %broadcast_in_dim3A_271 {strides = array<i32>} : memref<16x64xf32, #tpu.memory_space<vmem>>, vector<16x64xf32>,
    } else {
    }
    %eq3A_84 = arith.constant 0 : i32
    %eq3A_85 = vector.broadcast %eq3A_84 : i32 to vector<512x1xi32>
    %eq3A_86 = arith.cmpi eq, %get3A_81, %eq3A_85 : vector<512x1xi32>
    %jit3A_87 = arith.constant 0xFF800000 : f32
    %broadcast_in_dim3A_88 = vector.shape_cast %eq3A_86 : vector<512x1xi1> to vector<512x1xi1>
    %broadcast_in_dim3A_89 = vector.broadcast %broadcast_in_dim3A_88 : vector<512x1xi1> to vector<512x64xi1>
    %broadcast_in_dim3A_90 = vector.broadcast %jit3A_87 : f32 to vector<512x64xf32>
    %select_n3A_91 = arith.select %broadcast_in_dim3A_89, %select_n3A, %broadcast_in_dim3A_90 : vector<512x64xi1>, vector<512x64xf32>
    %reduce_max3A = arith.constant dense<0xFF800000> : vector<64xf32>
    %reduce_max3A_92 = vector.multi_reduction <maximumf>, %select_n3A_91, %reduce_max3A [0] : vector<512x64xf32> to vector<64xf32>
    %eq3A_93 = arith.constant 1 : i32
    %eq3A_94 = vector.broadcast %eq3A_93 : i32 to vector<512x1xi32>
    %eq3A_95 = arith.cmpi eq, %get3A_81, %eq3A_94 : vector<512x1xi32>
    %jit3A_96 = arith.constant 0xFF800000 : f32
    %broadcast_in_dim3A_97 = vector.shape_cast %eq3A_95 : vector<512x1xi1> to vector<512x1xi1>
    %broadcast_in_dim3A_98 = vector.broadcast %broadcast_in_dim3A_97 : vector<512x1xi1> to vector<512x64xi1>
    %broadcast_in_dim3A_99 = vector.broadcast %jit3A_96 : f32 to vector<512x64xf32>
    %select_n3A_100 = arith.select %broadcast_in_dim3A_98, %select_n3A, %broadcast_in_dim3A_99 : vector<512x64xi1>, vector<512x64xf32>
    %reduce_max3A_101 = arith.constant dense<0xFF800000> : vector<64xf32>
    %reduce_max3A_102 = vector.multi_reduction <maximumf>, %select_n3A_100, %reduce_max3A_101 [0] : vector<512x64xf32> to vector<64xf32>
    %eq3A_103 = arith.constant 2 : i32
    %eq3A_104 = vector.broadcast %eq3A_103 : i32 to vector<512x1xi32>
    %eq3A_105 = arith.cmpi eq, %get3A_81, %eq3A_104 : vector<512x1xi32>
    %jit3A_106 = arith.constant 0xFF800000 : f32
    %broadcast_in_dim3A_107 = vector.shape_cast %eq3A_105 : vector<512x1xi1> to vector<512x1xi1>
    %broadcast_in_dim3A_108 = vector.broadcast %broadcast_in_dim3A_107 : vector<512x1xi1> to vector<512x64xi1>
    %broadcast_in_dim3A_109 = vector.broadcast %jit3A_106 : f32 to vector<512x64xf32>
    %select_n3A_110 = arith.select %broadcast_in_dim3A_108, %select_n3A, %broadcast_in_dim3A_109 : vector<512x64xi1>, vector<512x64xf32>
    %reduce_max3A_111 = arith.constant dense<0xFF800000> : vector<64xf32>
    %reduce_max3A_112 = vector.multi_reduction <maximumf>, %select_n3A_110, %reduce_max3A_111 [0] : vector<512x64xf32> to vector<64xf32>
    %eq3A_113 = arith.constant 3 : i32
    %eq3A_114 = vector.broadcast %eq3A_113 : i32 to vector<512x1xi32>
    %eq3A_115 = arith.cmpi eq, %get3A_81, %eq3A_114 : vector<512x1xi32>
    %jit3A_116 = arith.constant 0xFF800000 : f32
    %broadcast_in_dim3A_117 = vector.shape_cast %eq3A_115 : vector<512x1xi1> to vector<512x1xi1>
    %broadcast_in_dim3A_118 = vector.broadcast %broadcast_in_dim3A_117 : vector<512x1xi1> to vector<512x64xi1>
    %broadcast_in_dim3A_119 = vector.broadcast %jit3A_116 : f32 to vector<512x64xf32>
    %select_n3A_120 = arith.select %broadcast_in_dim3A_118, %select_n3A, %broadcast_in_dim3A_119 : vector<512x64xi1>, vector<512x64xf32>
    %reduce_max3A_121 = arith.constant dense<0xFF800000> : vector<64xf32>
    %reduce_max3A_122 = vector.multi_reduction <maximumf>, %select_n3A_120, %reduce_max3A_121 [0] : vector<512x64xf32> to vector<64xf32>
    %eq3A_123 = arith.constant 4 : i32
    %eq3A_124 = vector.broadcast %eq3A_123 : i32 to vector<512x1xi32>
    %eq3A_125 = arith.cmpi eq, %get3A_81, %eq3A_124 : vector<512x1xi32>
    %jit3A_126 = arith.constant 0xFF800000 : f32
    %broadcast_in_dim3A_127 = vector.shape_cast %eq3A_125 : vector<512x1xi1> to vector<512x1xi1>
    %broadcast_in_dim3A_128 = vector.broadcast %broadcast_in_dim3A_127 : vector<512x1xi1> to vector<512x64xi1>
    %broadcast_in_dim3A_129 = vector.broadcast %jit3A_126 : f32 to vector<512x64xf32>
    %select_n3A_130 = arith.select %broadcast_in_dim3A_128, %select_n3A, %broadcast_in_dim3A_129 : vector<512x64xi1>, vector<512x64xf32>
    %reduce_max3A_131 = arith.constant dense<0xFF800000> : vector<64xf32>
    %reduce_max3A_132 = vector.multi_reduction <maximumf>, %select_n3A_130, %reduce_max3A_131 [0] : vector<512x64xf32> to vector<64xf32>
    %eq3A_133 = arith.constant 5 : i32
    %eq3A_134 = vector.broadcast %eq3A_133 : i32 to vector<512x1xi32>
    %eq3A_135 = arith.cmpi eq, %get3A_81, %eq3A_134 : vector<512x1xi32>
    %jit3A_136 = arith.constant 0xFF800000 : f32
    %broadcast_in_dim3A_137 = vector.shape_cast %eq3A_135 : vector<512x1xi1> to vector<512x1xi1>
    %broadcast_in_dim3A_138 = vector.broadcast %broadcast_in_dim3A_137 : vector<512x1xi1> to vector<512x64xi1>
    %broadcast_in_dim3A_139 = vector.broadcast %jit3A_136 : f32 to vector<512x64xf32>
    %select_n3A_140 = arith.select %broadcast_in_dim3A_138, %select_n3A, %broadcast_in_dim3A_139 : vector<512x64xi1>, vector<512x64xf32>
    %reduce_max3A_141 = arith.constant dense<0xFF800000> : vector<64xf32>
    %reduce_max3A_142 = vector.multi_reduction <maximumf>, %select_n3A_140, %reduce_max3A_141 [0] : vector<512x64xf32> to vector<64xf32>
    %eq3A_143 = arith.constant 6 : i32
    %eq3A_144 = vector.broadcast %eq3A_143 : i32 to vector<512x1xi32>
    %eq3A_145 = arith.cmpi eq, %get3A_81, %eq3A_144 : vector<512x1xi32>
    %jit3A_146 = arith.constant 0xFF800000 : f32
    %broadcast_in_dim3A_147 = vector.shape_cast %eq3A_145 : vector<512x1xi1> to vector<512x1xi1>
    %broadcast_in_dim3A_148 = vector.broadcast %broadcast_in_dim3A_147 : vector<512x1xi1> to vector<512x64xi1>
    %broadcast_in_dim3A_149 = vector.broadcast %jit3A_146 : f32 to vector<512x64xf32>
    %select_n3A_150 = arith.select %broadcast_in_dim3A_148, %select_n3A, %broadcast_in_dim3A_149 : vector<512x64xi1>, vector<512x64xf32>
    %reduce_max3A_151 = arith.constant dense<0xFF800000> : vector<64xf32>
    %reduce_max3A_152 = vector.multi_reduction <maximumf>, %select_n3A_150, %reduce_max3A_151 [0] : vector<512x64xf32> to vector<64xf32>
    %eq3A_153 = arith.constant 7 : i32
    %eq3A_154 = vector.broadcast %eq3A_153 : i32 to vector<512x1xi32>
    %eq3A_155 = arith.cmpi eq, %get3A_81, %eq3A_154 : vector<512x1xi32>
    %jit3A_156 = arith.constant 0xFF800000 : f32
    %broadcast_in_dim3A_157 = vector.shape_cast %eq3A_155 : vector<512x1xi1> to vector<512x1xi1>
    %broadcast_in_dim3A_158 = vector.broadcast %broadcast_in_dim3A_157 : vector<512x1xi1> to vector<512x64xi1>
    %broadcast_in_dim3A_159 = vector.broadcast %jit3A_156 : f32 to vector<512x64xf32>
    %select_n3A_160 = arith.select %broadcast_in_dim3A_158, %select_n3A, %broadcast_in_dim3A_159 : vector<512x64xi1>, vector<512x64xf32>
    %reduce_max3A_161 = arith.constant dense<0xFF800000> : vector<64xf32>
    %reduce_max3A_162 = vector.multi_reduction <maximumf>, %select_n3A_160, %reduce_max3A_161 [0] : vector<512x64xf32> to vector<64xf32>
    %eq3A_163 = arith.constant 8 : i32
    %eq3A_164 = vector.broadcast %eq3A_163 : i32 to vector<512x1xi32>
    %eq3A_165 = arith.cmpi eq, %get3A_81, %eq3A_164 : vector<512x1xi32>
    %jit3A_166 = arith.constant 0xFF800000 : f32
    %broadcast_in_dim3A_167 = vector.shape_cast %eq3A_165 : vector<512x1xi1> to vector<512x1xi1>
    %broadcast_in_dim3A_168 = vector.broadcast %broadcast_in_dim3A_167 : vector<512x1xi1> to vector<512x64xi1>
    %broadcast_in_dim3A_169 = vector.broadcast %jit3A_166 : f32 to vector<512x64xf32>
    %select_n3A_170 = arith.select %broadcast_in_dim3A_168, %select_n3A, %broadcast_in_dim3A_169 : vector<512x64xi1>, vector<512x64xf32>
    %reduce_max3A_171 = arith.constant dense<0xFF800000> : vector<64xf32>
    %reduce_max3A_172 = vector.multi_reduction <maximumf>, %select_n3A_170, %reduce_max3A_171 [0] : vector<512x64xf32> to vector<64xf32>
    %eq3A_173 = arith.constant 9 : i32
    %eq3A_174 = vector.broadcast %eq3A_173 : i32 to vector<512x1xi32>
    %eq3A_175 = arith.cmpi eq, %get3A_81, %eq3A_174 : vector<512x1xi32>
    %jit3A_176 = arith.constant 0xFF800000 : f32
    %broadcast_in_dim3A_177 = vector.shape_cast %eq3A_175 : vector<512x1xi1> to vector<512x1xi1>
    %broadcast_in_dim3A_178 = vector.broadcast %broadcast_in_dim3A_177 : vector<512x1xi1> to vector<512x64xi1>
    %broadcast_in_dim3A_179 = vector.broadcast %jit3A_176 : f32 to vector<512x64xf32>
    %select_n3A_180 = arith.select %broadcast_in_dim3A_178, %select_n3A, %broadcast_in_dim3A_179 : vector<512x64xi1>, vector<512x64xf32>
    %reduce_max3A_181 = arith.constant dense<0xFF800000> : vector<64xf32>
    %reduce_max3A_182 = vector.multi_reduction <maximumf>, %select_n3A_180, %reduce_max3A_181 [0] : vector<512x64xf32> to vector<64xf32>
    %eq3A_183 = arith.constant 10 : i32
    %eq3A_184 = vector.broadcast %eq3A_183 : i32 to vector<512x1xi32>
    %eq3A_185 = arith.cmpi eq, %get3A_81, %eq3A_184 : vector<512x1xi32>
    %jit3A_186 = arith.constant 0xFF800000 : f32
    %broadcast_in_dim3A_187 = vector.shape_cast %eq3A_185 : vector<512x1xi1> to vector<512x1xi1>
    %broadcast_in_dim3A_188 = vector.broadcast %broadcast_in_dim3A_187 : vector<512x1xi1> to vector<512x64xi1>
    %broadcast_in_dim3A_189 = vector.broadcast %jit3A_186 : f32 to vector<512x64xf32>
    %select_n3A_190 = arith.select %broadcast_in_dim3A_188, %select_n3A, %broadcast_in_dim3A_189 : vector<512x64xi1>, vector<512x64xf32>
    %reduce_max3A_191 = arith.constant dense<0xFF800000> : vector<64xf32>
    %reduce_max3A_192 = vector.multi_reduction <maximumf>, %select_n3A_190, %reduce_max3A_191 [0] : vector<512x64xf32> to vector<64xf32>
    %eq3A_193 = arith.constant 11 : i32
    %eq3A_194 = vector.broadcast %eq3A_193 : i32 to vector<512x1xi32>
    %eq3A_195 = arith.cmpi eq, %get3A_81, %eq3A_194 : vector<512x1xi32>
    %jit3A_196 = arith.constant 0xFF800000 : f32
    %broadcast_in_dim3A_197 = vector.shape_cast %eq3A_195 : vector<512x1xi1> to vector<512x1xi1>
    %broadcast_in_dim3A_198 = vector.broadcast %broadcast_in_dim3A_197 : vector<512x1xi1> to vector<512x64xi1>
    %broadcast_in_dim3A_199 = vector.broadcast %jit3A_196 : f32 to vector<512x64xf32>
    %select_n3A_200 = arith.select %broadcast_in_dim3A_198, %select_n3A, %broadcast_in_dim3A_199 : vector<512x64xi1>, vector<512x64xf32>
    %reduce_max3A_201 = arith.constant dense<0xFF800000> : vector<64xf32>
    %reduce_max3A_202 = vector.multi_reduction <maximumf>, %select_n3A_200, %reduce_max3A_201 [0] : vector<512x64xf32> to vector<64xf32>
    %eq3A_203 = arith.constant 12 : i32
    %eq3A_204 = vector.broadcast %eq3A_203 : i32 to vector<512x1xi32>
    %eq3A_205 = arith.cmpi eq, %get3A_81, %eq3A_204 : vector<512x1xi32>
    %jit3A_206 = arith.constant 0xFF800000 : f32
    %broadcast_in_dim3A_207 = vector.shape_cast %eq3A_205 : vector<512x1xi1> to vector<512x1xi1>
    %broadcast_in_dim3A_208 = vector.broadcast %broadcast_in_dim3A_207 : vector<512x1xi1> to vector<512x64xi1>
    %broadcast_in_dim3A_209 = vector.broadcast %jit3A_206 : f32 to vector<512x64xf32>
    %select_n3A_210 = arith.select %broadcast_in_dim3A_208, %select_n3A, %broadcast_in_dim3A_209 : vector<512x64xi1>, vector<512x64xf32>
    %reduce_max3A_211 = arith.constant dense<0xFF800000> : vector<64xf32>
    %reduce_max3A_212 = vector.multi_reduction <maximumf>, %select_n3A_210, %reduce_max3A_211 [0] : vector<512x64xf32> to vector<64xf32>
    %eq3A_213 = arith.constant 13 : i32
    %eq3A_214 = vector.broadcast %eq3A_213 : i32 to vector<512x1xi32>
    %eq3A_215 = arith.cmpi eq, %get3A_81, %eq3A_214 : vector<512x1xi32>
    %jit3A_216 = arith.constant 0xFF800000 : f32
    %broadcast_in_dim3A_217 = vector.shape_cast %eq3A_215 : vector<512x1xi1> to vector<512x1xi1>
    %broadcast_in_dim3A_218 = vector.broadcast %broadcast_in_dim3A_217 : vector<512x1xi1> to vector<512x64xi1>
    %broadcast_in_dim3A_219 = vector.broadcast %jit3A_216 : f32 to vector<512x64xf32>
    %select_n3A_220 = arith.select %broadcast_in_dim3A_218, %select_n3A, %broadcast_in_dim3A_219 : vector<512x64xi1>, vector<512x64xf32>
    %reduce_max3A_221 = arith.constant dense<0xFF800000> : vector<64xf32>
    %reduce_max3A_222 = vector.multi_reduction <maximumf>, %select_n3A_220, %reduce_max3A_221 [0] : vector<512x64xf32> to vector<64xf32>
    %eq3A_223 = arith.constant 14 : i32
    %eq3A_224 = vector.broadcast %eq3A_223 : i32 to vector<512x1xi32>
    %eq3A_225 = arith.cmpi eq, %get3A_81, %eq3A_224 : vector<512x1xi32>
    %jit3A_226 = arith.constant 0xFF800000 : f32
    %broadcast_in_dim3A_227 = vector.shape_cast %eq3A_225 : vector<512x1xi1> to vector<512x1xi1>
    %broadcast_in_dim3A_228 = vector.broadcast %broadcast_in_dim3A_227 : vector<512x1xi1> to vector<512x64xi1>
    %broadcast_in_dim3A_229 = vector.broadcast %jit3A_226 : f32 to vector<512x64xf32>
    %select_n3A_230 = arith.select %broadcast_in_dim3A_228, %select_n3A, %broadcast_in_dim3A_229 : vector<512x64xi1>, vector<512x64xf32>
    %reduce_max3A_231 = arith.constant dense<0xFF800000> : vector<64xf32>
    %reduce_max3A_232 = vector.multi_reduction <maximumf>, %select_n3A_230, %reduce_max3A_231 [0] : vector<512x64xf32> to vector<64xf32>
    %eq3A_233 = arith.constant 15 : i32
    %eq3A_234 = vector.broadcast %eq3A_233 : i32 to vector<512x1xi32>
    %eq3A_235 = arith.cmpi eq, %get3A_81, %eq3A_234 : vector<512x1xi32>
    %jit3A_236 = arith.constant 0xFF800000 : f32
    %broadcast_in_dim3A_237 = vector.shape_cast %eq3A_235 : vector<512x1xi1> to vector<512x1xi1>
    %broadcast_in_dim3A_238 = vector.broadcast %broadcast_in_dim3A_237 : vector<512x1xi1> to vector<512x64xi1>
    %broadcast_in_dim3A_239 = vector.broadcast %jit3A_236 : f32 to vector<512x64xf32>
    %select_n3A_240 = arith.select %broadcast_in_dim3A_238, %select_n3A, %broadcast_in_dim3A_239 : vector<512x64xi1>, vector<512x64xf32>
    %reduce_max3A_241 = arith.constant dense<0xFF800000> : vector<64xf32>
    %reduce_max3A_242 = vector.multi_reduction <maximumf>, %select_n3A_240, %reduce_max3A_241 [0] : vector<512x64xf32> to vector<64xf32>
    %stack3A = vector.shape_cast %reduce_max3A_92 : vector<64xf32> to vector<1x64xf32>
    %stack3A_243 = vector.shape_cast %reduce_max3A_102 : vector<64xf32> to vector<1x64xf32>
    %stack3A_244 = vector.shape_cast %reduce_max3A_112 : vector<64xf32> to vector<1x64xf32>
    %stack3A_245 = vector.shape_cast %reduce_max3A_122 : vector<64xf32> to vector<1x64xf32>
    %stack3A_246 = vector.shape_cast %reduce_max3A_132 : vector<64xf32> to vector<1x64xf32>
    %stack3A_247 = vector.shape_cast %reduce_max3A_142 : vector<64xf32> to vector<1x64xf32>
    %stack3A_248 = vector.shape_cast %reduce_max3A_152 : vector<64xf32> to vector<1x64xf32>
    %stack3A_249 = vector.shape_cast %reduce_max3A_162 : vector<64xf32> to vector<1x64xf32>
    %stack3A_250 = vector.shape_cast %reduce_max3A_172 : vector<64xf32> to vector<1x64xf32>
    %stack3A_251 = vector.shape_cast %reduce_max3A_182 : vector<64xf32> to vector<1x64xf32>
    %stack3A_252 = vector.shape_cast %reduce_max3A_192 : vector<64xf32> to vector<1x64xf32>
    %stack3A_253 = vector.shape_cast %reduce_max3A_202 : vector<64xf32> to vector<1x64xf32>
    %stack3A_254 = vector.shape_cast %reduce_max3A_212 : vector<64xf32> to vector<1x64xf32>
    %stack3A_255 = vector.shape_cast %reduce_max3A_222 : vector<64xf32> to vector<1x64xf32>
    %stack3A_256 = vector.shape_cast %reduce_max3A_232 : vector<64xf32> to vector<1x64xf32>
    %stack3A_257 = vector.shape_cast %reduce_max3A_242 : vector<64xf32> to vector<1x64xf32>
    %stack3A_258 = tpu.concatenate %stack3A, %stack3A_243, %stack3A_244, %stack3A_245, %stack3A_246, %stack3A_247, %stack3A_248, %stack3A_249, %stack3A_250, %stack3A_251, %stack3A_252, %stack3A_253, %stack3A_254, %stack3A_255, %stack3A_256, %stack3A_257 in 0 : vector<1x64xf32>, vector<1x64xf32>, vector<1x64xf32>, vector<1x64xf32>, vector<1x64xf32>, vector<1x64xf32>, vector<1x64xf32>, vector<1x64xf32>, vector<1x64xf32>, vector<1x64xf32>, vector<1x64xf32>, vector<1x64xf32>, vector<1x64xf32>, vector<1x64xf32>, vector<1x64xf32>, vector<1x64xf32> -> vector<16x64xf32>
    %get3A_259 = arith.constant 0 : index
    %get3A_260 = arith.constant 0 : index
    %get3A_261 = vector.load %arg12[%get3A_259, %get3A_260] : memref<16x64xf32, #tpu.memory_space<vmem>>, vector<16x64xf32>
    %max3A_262 = arith.maximumf %get3A_261, %stack3A_258 : vector<16x64xf32>
    %swap3A = arith.constant 0 : index
    %swap3A_263 = arith.constant 0 : index
    %swap3A_264 = vector.load %arg12[%swap3A, %swap3A_263] : memref<16x64xf32, #tpu.memory_space<vmem>>, vector<16x64xf32>
    tpu.vector_store %arg12[%swap3A, %swap3A_263], %max3A_262 {strides = array<i32>} : memref<16x64xf32, #tpu.memory_space<vmem>>, vector<16x64xf32>,
    %eq3A_265 = arith.constant 19 : i32
    %eq3A_266 = arith.cmpi eq, %arg0, %eq3A_265 : i32
    %convert_element_type3A_267 = arith.extui %eq3A_266 : i1 to i32
    %cond3A_268 = arith.constant 0 : i32
    %cond3A_269 = arith.cmpi ne, %convert_element_type3A_267, %cond3A_268 : i32
    scf.if %cond3A_269 {
      %get3A_270 = arith.constant 0 : index
      %get3A_271 = arith.constant 0 : index
      %get3A_272 = vector.load %arg12[%get3A_270, %get3A_271] : memref<16x64xf32, #tpu.memory_space<vmem>>, vector<16x64xf32>
      %neg3A = arith.constant 0.000000e+00 : f32
      %neg3A_273 = vector.broadcast %neg3A : f32 to vector<16x64xf32>
      %neg3A_274 = arith.subf %neg3A_273, %get3A_272 : vector<16x64xf32>
      %exp3A = math.exp %neg3A_274 : vector<16x64xf32>
      %add3A_275 = arith.constant 1.000000e+00 : f32
      %add3A_276 = vector.broadcast %add3A_275 : f32 to vector<16x64xf32>
      %add3A_277 = arith.addf %add3A_276, %exp3A : vector<16x64xf32>
      %div3A_278 = arith.constant 1.000000e+00 : f32
      %div3A_279 = vector.broadcast %div3A_278 : f32 to vector<16x64xf32>
      %div3A_280 = arith.divf %div3A_279, %add3A_277 : vector<16x64xf32>
      %swap3A_281 = arith.constant 0 : index
      %swap3A_282 = arith.constant 0 : index
      %swap3A_283 = vector.load %arg12[%swap3A_281, %swap3A_282] : memref<16x64xf32, #tpu.memory_space<vmem>>, vector<16x64xf32>
      tpu.vector_store %arg12[%swap3A_281, %swap3A_282], %div3A_280 {strides = array<i32>} : memref<16x64xf32, #tpu.memory_space<vmem>>, vector<16x64xf32>,
    } else {
    }
    return
  }
  func.func @transform_0(%arg0: i32) -> (i32, i32, i32) {
    %c0_i32 = arith.constant 0 : i32
    %c0_i32_0 = arith.constant 0 : i32
    %c0_i32_1 = arith.constant 0 : i32
    return %c0_i32, %arg0, %c0_i32_0 : i32, i32, i32
  }
  func.func @transform_1(%arg0: i32) -> (i32, i32) {
    %c0_i32 = arith.constant 0 : i32
    %c0_i32_0 = arith.constant 0 : i32
    return %arg0, %c0_i32 : i32, i32
  }
  func.func @transform_2(%arg0: i32) -> (i32, i32) {
    %c0_i32 = arith.constant 0 : i32
    %c0_i32_0 = arith.constant 0 : i32
    return %arg0, %c0_i32 : i32, i32
  }
  func.func @transform_3(%arg0: i32) -> (i32, i32) {
    %c0_i32 = arith.constant 0 : i32
    %c0_i32_0 = arith.constant 0 : i32
    %c0_i32_1 = arith.constant 0 : i32
    return %c0_i32, %c0_i32_0 : i32, i32
  }
  func.func @transform_4(%arg0: i32) -> (i32, i32) {
    %c0_i32 = arith.constant 0 : i32
    %c0_i32_0 = arith.constant 0 : i32
    %c0_i32_1 = arith.constant 0 : i32
    return %c0_i32, %c0_i32_0 : i32, i32
  }
  func.func @transform_5(%arg0: i32) -> (i32, i32) {
    %c0_i32 = arith.constant 0 : i32
    %c0_i32_0 = arith.constant 0 : i32
    %c0_i32_1 = arith.constant 0 : i32
    return %c0_i32, %c0_i32_0 : i32, i32
  }
  func.func @transform_6(%arg0: i32) -> (i32, i32) {
    %c0_i32 = arith.constant 0 : i32
    %c0_i32_0 = arith.constant 0 : i32
    %c0_i32_1 = arith.constant 0 : i32
    return %c0_i32, %c0_i32_0 : i32, i32
  }
  func.func @transform_7(%arg0: i32) -> (i32, i32) {
    %c0_i32 = arith.constant 0 : i32
    %c0_i32_0 = arith.constant 0 : i32
    %c0_i32_1 = arith.constant 0 : i32
    return %c0_i32, %c0_i32_0 : i32, i32
  }
  func.func @transform_8(%arg0: i32) -> (i32, i32) {
    %c0_i32 = arith.constant 0 : i32
    %c0_i32_0 = arith.constant 0 : i32
    %c0_i32_1 = arith.constant 0 : i32
    return %c0_i32, %c0_i32_0 : i32, i32
  }
  func.func @transform_9(%arg0: i32) -> (i32, i32) {
    %c0_i32 = arith.constant 0 : i32
    %c0_i32_0 = arith.constant 0 : i32
    %c0_i32_1 = arith.constant 0 : i32
    return %c0_i32, %c0_i32_0 : i32, i32
  }
  func.func @transform_10(%arg0: i32) -> (i32, i32) {
    %c0_i32 = arith.constant 0 : i32
    %c0_i32_0 = arith.constant 0 : i32
    return %arg0, %c0_i32 : i32, i32
  }
  func.func @transform_11(%arg0: i32) -> (i32, i32) {
    %c0_i32 = arith.constant 0 : i32
    %c0_i32_0 = arith.constant 0 : i32
    %c0_i32_1 = arith.constant 0 : i32
    return %c0_i32, %c0_i32_0 : i32, i32
  }
}

</mosaic_0001>

<sc_bundles>
// kernel: kernel.11.cloned.1.call-start
scs
__scs_entry_jumppad:
0x0: {  	(pc) =	sbr.rel $0x88, $3  }
0x1: {  	(tag) =	ssettag $0x0;
	lr =	simm.s32 $0x1  }
0x2: {  	[smem:$0x3F93] =	sst lr;
	_ =	strace $0xD0000000  }
0x3: {  	_ = 	snop  }
0x4: {  	_ = 	snop  }
0x5: {  	_ = 	snop  }
0x6: {  	_ = 	snop  }
0x7: {  	_ = 	snop  }
__scs_overlays_trampoline_lowered:
0x8: {  	[smem:$0x3FA2] =	sst s0  }
0x9: {  	[smem:$0x3FA3] =	sst s1  }
0xa: {  	[smem:$0x3FA4] =	sst s2  }
0xb: {  	[smem:$0x3FA5] =	sst s3  }
0xc: {  	[smem:$0x3FA6] =	sst s4  }
0xd: {  	[smem:$0x3FA7] =	sst s5  }
0xe: {  	[smem:$0x3FA8] =	sst s6  }
0xf: {  	[smem:$0x3FA9] =	sst s7  }
0x10: {  	[smem:$0x3FAA] =	sst s8  }
0x11: {  	[smem:$0x3FAB] =	sst s9;
	s0 =	simm.s32 @!p0 $0x0  }
0x12: {  	s1 =	sld [smem:$0x3F91];
	s0 =	simm.s32 @p0 $0x1  }
0x13: {  	[smem:$0x3FAC] =	sst s0;
	s0 =	simm.s32 @!p1 $0x0  }
0x14: {  	s2 =	sld [smem:$0x3F90];
	s0 =	simm.s32 @p1 $0x1  }
0x15: {  	[smem:$0x3FAD] =	sst s0;
	s0 =	simm.s32 @!p2 $0x0  }
0x16: {  	s3 =	sld [smem:$0x3FDB];
	s0 =	simm.s32 @p2 $0x1  }
0x17: {  	s4 =	simm.s32 $0x1BF5;
	[smem:$0x3FAF] =	sst s0  }
0x18: {  	s0 =	sld [smem:$0x3F92];
	_ =	swait.ge [sflag:s4], $0x0  }
0x19: {  	s7 =	sld [smem:$0x3F93]  }
0x1a: {  	s8 =	sadd.s32 $0xFFFFE003, lr  }
0x1b: {  	s9 =	sadd.s32 $0xFFFFFEF7, lr;
	s5 =	simm.s32 $0xFFFFFFFF;
	p2 =	slt.u32 s8, $0xFFFFF086  }
0x1c: {  	p1 =	slt.u32 s9, $0xF7A;
	s5 =	simm.s32 @!p2 $0x0  }
0x1d: {  	s5 =	simm.s32 @p1 $0x1;
	p0 =	seq.s32 s7, s2  }
0x1e: {  	s7 =	smul.u32 @!p0 $0xF7A, s2;
	p2 =	seq.s32 @!p0 s5, $0x0  }
0x1f: {  	s9 =	smul.u32 $0xF7A, s1;
	s8 =	simm.s32 @!p0 $0x1BF5;
	p2 =	por !p2, p0  }
0x20: {  	[sflag:s8] =	ssyncset.s32 @!p0 $0xFFFFF086;
	s6 =	sadd.s32 @!p0 s3, s7;
	s7 =	simm.s32 @!p0 $0x108  }
0x21: {  	s3 =	sadd.s32 s3, s9;
	s6 =	sadd.s32 @!p0 $0x88, s6;
	s7 =	simm.s32 @p2 $0x1082  }
0x22: {  	[simem:s7], [sflag:s8] =	dma.local @!p0 [hbm:s6], $0xF7A  }
0x23: {  	s9 =	sor.u32 $0xD0000000, s2;
	s6 =	simm.s32 $0x108;
	_ =	swait.ge @!p0 [sflag:s8], $0x0  }
0x24: {  	s3 =	sadd.s32 $0x88, s3;
	s6 =	simm.s32 @!p1 $0x1082;
	[sflag:s4] =	ssyncset.s32 $0xFFFFF086  }
0x25: {  	[simem:s6], [sflag:s4] =	dma.local [hbm:s3], $0xF7A  }
0x26: {  	[smem:$0x3F93] =	sst s1;
	(tag) =	ssettag s2;
	_ =	strace s9  }
0x27: {  	s1 =	sld [smem:$0x3FA3]  }
0x28: {  	s2 =	sld [smem:$0x3FA4]  }
0x29: {  	s4 =	sld [smem:$0x3FA6]  }
0x2a: {  	p0 =	seq.s32 s5, $0x0;
	s5 =	sld [smem:$0x3FA7]  }
0x2b: {  	s6 =	sld [smem:$0x3FA8]  }
0x2c: {  	s7 =	sld [smem:$0x3FA9]  }
0x2d: {  	s3 =	simm.s32 $0x108;
	s8 =	sld [smem:$0x3FAA]  }
0x2e: {  	s3 =	simm.s32 @!p0 $0x1082;
	s9 =	sld [smem:$0x3FAB]  }
0x2f: {  	lr =	sadd.s32 s0, s3;
	s0 =	sld [smem:$0x3FA2]  }
0x30: {  	s3 =	sld [smem:$0x3FA5]  }
0x31: {  	[smem:$0x3FAE] =	sst s10  }
0x32: {  	s10 =	sld [smem:$0x3FAC];
	_ =	sdelay $0x3  }
0x33: {  	p0 =	seq.s32 s10, $0x1;
	s10 =	sld [smem:$0x3FAE];
	_ =	sdelay $0x3  }
0x34: {  	[smem:$0x3FAE] =	sst s10  }
0x35: {  	s10 =	sld [smem:$0x3FAD];
	_ =	sdelay $0x3  }
0x36: {  	p1 =	seq.s32 s10, $0x1;
	s10 =	sld [smem:$0x3FAE];
	_ =	sdelay $0x3  }
0x37: {  	[smem:$0x3FAE] =	sst s10  }
0x38: {  	s10 =	sld [smem:$0x3FAF]  }
0x39: {  	_ = 	snop;
	(pc) =	sbr.ind lr, $3  }
0x3a: {  	_ = 	snop  }
0x3b: {  	_ = 	snop  }
0x3c: {  	p2 =	seq.s32 s10, $0x1;
	s10 =	sld [smem:$0x3FAE]  }
0x3d: {  	_ =	shalt  }
0x3e: {  	_ =	shalt  }
0x3f: {  	_ =	shalt  }
0x40: {  	_ =	shalt  }
0x41: {  	_ =	shalt  }
0x42: {  	_ =	shalt  }
0x43: {  	_ =	shalt  }
0x44: {  	_ =	shalt  }
0x45: {  	_ =	shalt  }
0x46: {  	_ =	shalt  }
0x47: {  	_ =	shalt  }
0x48: {  	_ =	shalt  }
0x49: {  	_ =	shalt  }
0x4a: {  	_ =	shalt  }
0x4b: {  	_ =	shalt  }
0x4c: {  	_ =	shalt  }
0x4d: {  	_ =	shalt  }
0x4e: {  	_ =	shalt  }
0x4f: {  	_ =	shalt  }
0x50: {  	_ =	shalt  }
0x51: {  	_ =	shalt  }
0x52: {  	_ =	shalt  }
0x53: {  	_ =	shalt  }
0x54: {  	_ =	shalt  }
0x55: {  	_ =	shalt  }
0x56: {  	_ =	shalt  }
0x57: {  	_ =	shalt  }
0x58: {  	_ =	shalt  }
0x59: {  	_ =	shalt  }
0x5a: {  	_ =	shalt  }
0x5b: {  	_ =	shalt  }
0x5c: {  	_ =	shalt  }
0x5d: {  	_ =	shalt  }
0x5e: {  	_ =	shalt  }
0x5f: {  	_ =	shalt  }
0x60: {  	_ =	shalt  }
0x61: {  	_ =	shalt  }
0x62: {  	_ =	shalt  }
0x63: {  	_ =	shalt  }
0x64: {  	_ =	shalt  }
0x65: {  	_ =	shalt  }
0x66: {  	_ =	shalt  }
0x67: {  	_ =	shalt  }
0x68: {  	_ =	shalt  }
0x69: {  	_ =	shalt  }
0x6a: {  	_ =	shalt  }
0x6b: {  	_ =	shalt  }
0x6c: {  	_ =	shalt  }
0x6d: {  	_ =	shalt  }
0x6e: {  	_ =	shalt  }
0x6f: {  	_ =	shalt  }
0x70: {  	_ =	shalt  }
0x71: {  	_ =	shalt  }
0x72: {  	_ =	shalt  }
0x73: {  	_ =	shalt  }
0x74: {  	_ =	shalt  }
0x75: {  	_ =	shalt  }
0x76: {  	_ =	shalt  }
0x77: {  	_ =	shalt  }
0x78: {  	_ =	shalt  }
0x79: {  	_ =	shalt  }
0x7a: {  	_ =	shalt  }
0x7b: {  	_ =	shalt  }
0x7c: {  	_ =	shalt  }
0x7d: {  	_ =	shalt  }
0x7e: {  	_ =	shalt  }
0x7f: {  	_ =	shalt  }
0x80: {  	_ =	shalt  }
0x81: {  	_ =	shalt  }
0x82: {  	_ =	shalt  }
0x83: {  	_ =	shalt  }
0x84: {  	_ =	shalt  }
0x85: {  	_ =	shalt  }
0x86: {  	_ =	shalt  }
0x87: {  	_ =	shalt  }
.Lfunc_end0:
.L_simem_size_0:
called_computation_lowered:
.L_overlay_start_0:
0x88: {  	s2 =	sld [smem:$0x3FD9]  }
0x89: {  	s3 =	sld [smem:$0x3FFE];
	_ =	sdelay $0x1  }
0x8a: {  	s1 =	srdreg.scid  }
0x8b: {  	s0 =	sand.u32 $0x1, s1  }
0x8c: {  	s16 =	sshll.u32 s0, $0xA;
	s2 =	sadd.s32 s3, s2  }
0x8d: {  	s2 =	sadd.s32 s2, s16  }
0x8e: {  	[smem:$0x3FBA] =	sst s2  }
0x8f: {  	_ = 	snop  }
0x90: {  	(tm) =	ssettm $0x1  }
0x91: {  	s17 =	sld [smem:$0x3FFB];
	_ =	sdelay $0x3  }
0x92: {  	_ =	strace s17  }
0x93: {  	s2 =	sld [smem:$0x3FFC];
	_ =	sdelay $0x3  }
0x94: {  	_ =	strace s2  }
0x95: {  	s2 =	sld [smem:$0x3FFD];
	_ =	sdelay $0x3  }
0x96: {  	_ =	strace s2  }
0x97: {  	_ =	strace $0x8FFFFFFF  }
0x98: {  	s18 =	sld [smem:$0x3FDB];
	_ =	sdelay $0x1  }
0x99: {  	s19 =	simm.s32 $_scs_section_size  }
0x9a: {  	s4 =	simm.s32 $_size__tile_overlayer_lowered;
	s5 =	simm.s32 $_tile_overlayer_lowered  }
0x9b: {  	s22 =	simm.s32 $0x1BFF;
	s21 =	sshll.u32 s5, $0x1;
	s2 =	sadd.s32 s19, s18  }
0x9c: {  	s6 =	simm.s32 $0x0;
	s20 =	sshll.u32 s4, $0x1;
	s4 =	sadd.s32 s21, s2  }
0x9d: {  	[timem:s6], [sflag:s22] =	dma.local [hbm:s4], s20  }
0x9e: {  	_ =	swait.ge [sflag:s22], s20  }
0x9f: {  	s3 =	ssub.s32 $0x0, s20;
	[sflag:s22] =	ssyncset.done $0x0  }
0xa0: {  	[sflag:s22] =	ssyncadd.s32 s3;
	_ =	sdelay $0x1  }
0xa1: {  	s23 =	simm.s32 $0x1B8B  }
0xa2: {  	_ =	swait.ge [sflag:s23], $0x1  }
0xa3: {  	[sflag:s23] =	ssyncset.done $0x0  }
0xa4: {  	s25 =	simm.s32 $0x1B8E;
	s24 =	sld [smem:$0x3FFE];
	[sflag:s23] =	ssyncadd.s32 $0xFFFFFFFF  }
0xa5: {  	s26 =	simm.s32 $execute0_lowered;
	[smem:$0x3FD2] =	sst s25  }
0xa6: {  	s4 =	sshll.u32 s26, $0x1;
	_ =	strace $0x80000046;
	[dreg:$0x1] =	wrdreg $0xFFFFFFFF  }
0xa7: {  	s28 =	simm.s32 $_size_execute0_lowered;
	s2 =	sadd.s32 s2, s4;
	[dreg:$0x0] =	wrdreg $0x0  }
0xa8: {  	s4 =	sshll.u32 s28, $0x1;
	[dreg:$0x2] =	wrdreg s2  }
0xa9: {  	[dreg:$0x3] =	wrdreg s4  }
0xaa: {  	[dreg:$0x4] =	wrdreg $0xC0  }
0xab: {  	_ =	task [dreg:s6], $0x5FFFF  }
0xac: {  	[dreg:$0x1] =	wrdreg $0xFFFFFFFF  }
0xad: {  	[dreg:$0x0] =	wrdreg $0x60  }
0xae: {  	[dreg:$0x2] =	wrdreg s24  }
0xaf: {  	[dreg:$0x3] =	wrdreg $0x68000  }
0xb0: {  	[dreg:$0x4] =	wrdreg $0x9  }
0xb1: {  	_ =	task.clear_ibuf [dreg:s6], $0x5FFFF;
	_ =	strace $0x90000046  }
0xb2: {  	s29 =	simm.s32 $0x9;
	_ =	strace $0x80000048  }
0xb3: {  	_ =	swait.ge [sflag:s29], $0x1  }
0xb4: {  	[sflag:s29] =	ssyncadd.s32 $0xFFFFFFFF  }
0xb5: {  	_ =	strace $0x90000048  }
0xb6: {  	_ =	sfence  }
0xb7: {  	s30 =	sld [smem:$0x0];
	_ =	sdelay $0x2  }
0xb8: {  	s31 =	sshll.u32 s1, $0xD;
	s1 =	sshrl.u32 s1, $0x2  }
0xb9: {  	s3 =	sand.u32 $0x4000, s31;
	s1 =	sadd.s32 s1, s30  }
0xba: {  	s0 =	sor.u32 s3, s0;
	s1 =	sshll.u32 s1, $0x11  }
0xbb: {  	s0 =	sor.u32 s1, s0  }
0xbc: {  	s0 =	sadd.s32 $0x8F2B, s0  }
0xbd: {  	[sflag:s0] =	ssyncadd.remote.s32 $0x1  }
0xbe: {  	_ =	sfence.sel $0xFFFF  }
0xbf: {  	[dreg:$0x0] =	wrdreg $0xFFFFFFFF;
	(pc) =	sbr.abs _section_cstart, $3  }
0xc0: {  	[dreg:$0x1] =	wrdreg $0xFFFFFFFF  }
0xc1: {  	_ =	task.clear_ibuf [dreg:s6], $0x2FFFF;
	_ =	strace $0x9FFFFFFF  }
0xc2: {  	(tm) =	ssettm $0x7FFFFFFF  }
0xc3: {  	_ =	shalt  }
tec
execute0_lowered:
.L_overlay_start_1:
0x0: {  	(tag) =	ssettag $0x1  }
0x1: {  	s1 =	srdreg.scid  }
0x2: {  	s0 =	stileid.u32;
	s7 =	rddreg [dreg:$0x0]  }
0x3: {  	s2 =	rddreg [dreg:$0x1];
	s3 =	simm.s32 $0x0;
	s12 =	simm.s32 $0x2800  }
0x4: {  	s13 =	simm.s32 $0x80;
	s14 =	simm.s32 $0x0;
	s8 =	smul.u32 $0x14000, s0  }
0x5: {  	s6 =	sand.u32 $0x1, s1;
	s29 =	sshll.u32 s0, $0x1;
	s10 =	smul.u32 $0x50000, s0  }
0x6: {  	[smem:$0x7FF] =	sst s3;
	s1 =	sor.u32 s6, s29;
	s5 =	smul.u32 $0x140000, s6  }
0x7: {  	s31 =	sshll.u32 s0, $0x6;
	s6 =	ssub.s32 $0x2, s6;
	s4 =	smul.u32 $0x500, s1  }
0x8: {  	s1 =	rddreg [dreg:$0x2];
	_ =	strace $0x80000047;
	s30 =	sshrl.u32 s6, $0x1  }
0x9: {  	s10 =	sshrl.u32 s10, $0x2;
	s8 =	sadd.s32 s8, s5;
	s5 =	sadd.s32 $0x10A00, s7  }
0xa: {  	s11 =	sadd.s32 s10, s2;
	s10 =	sor.u32 $0x1C01, s31;
	s9 =	sadd.s32 s4, s7  }
0xb: {  	s4 =	sadd.s32 $0xE200, s7;
	s8 =	sshrl.u32 s8, $0x3;
	s11 =	sshrl.u32 s11, $0x3  }
0xc: {  	s7 =	sadd.s32 s8, s7;
	s8 =	ssub.s32 s6, s30;
	s6 =	sadd.s32 $0x4200, s9  }
0xd: {  	s9 =	simm.s32 $0x1;
	s7 =	sadd.s32 $0x11200, s7;
	s8 =	smax.u32 s8, $0x1  }
.LBB2_1:
0xe: {  	[tilespmem:s3], [sflag:$0x1] =	stream.linear.gather [hbm4b:s6+s3], $0x2780, $0x38;
	[tilespmem:$0x1A800] =	vst v63  }
0xf: {  	_ =	swait.ge [sflag:s9], $0x2780  }
0x10: {  	[sflag:s9] =	ssyncset.done $0x0  }
0x11: {  	[sflag:s9] =	ssyncadd.s32 $0xFFFFD880  }
0x12: {  	[spmem:s11], [sflag:s10] =	dma.local [hbm:s4], $0x2800  }
0x13: {  	_ =	swait.ge [sflag:s9], $0x2800  }
0x14: {  	[sflag:s9] =	ssyncset.done $0x0  }
0x15: {  	[sflag:s9] =	ssyncadd.s32 $0xFFFFD800  }
0x16: {  	[tilespmem:s12], [sflag:$0x1] =	stream.linear.gather [hbm4b:s5+s3], $0x4000, $0x38;
	[tilespmem:$0x1A800] =	vst v63  }
0x17: {  	_ =	swait.ge [sflag:s9], $0x4000  }
0x18: {  	[sflag:s9] =	ssyncset.done $0x0  }
0x19: {  	[sflag:s9] =	ssyncadd.s32 $0xFFFFC000  }
0x1a: {  	s15 =	simm.s32 $0x0;
	[bflag:$0x0] =	sbarrier.arrive $0xFFFF  }
0x1b: {  	[spmem:s2] =	stream.indirect.scatter.add.f32 [tilespmem:s12], [sflag:$0x1], $0x80, s15, s13, $0xb8;
	[tilespmem:$0x1A800] =	vst v63  }
0x1c: {  	_ =	swait.ge [sflag:s9], $0x4000  }
0x1d: {  	s15 =	simm.s32 $0x200;
	[sflag:s9] =	ssyncset.done $0x0  }
.LBB2_2:
0x1e: {  	s16 =	sshra.s32 s15, $0x2;
	[sflag:s9] =	ssyncadd.s32 $0xFFFFC000;
	p0 =	sne.s32 s15, $0x9C00  }
0x1f: {  	[spmem:s2] =	stream.indirect.scatter.add.f32 [tilespmem:s12], [sflag:$0x1], $0x80, s16, s13, $0xb8;
	[tilespmem:$0x1A800] =	vst v63  }
.Ltmp0:
0x20: {  	_ = 	snop;
	(pc) =	sbr.rel @p0 .LBB2_2-.Ltmp0, $4  }
0x21: {  	_ = 	snop  }
0x22: {  	s15 =	sadd.s32 $0x200, s15  }
0x23: {  	_ =	swait.ge [sflag:s9], $0x4000  }
0x24: {  	[sflag:s9] =	ssyncset.done $0x0  }
0x25: {  	s14 =	sadd.s32 $0x1, s14  }
0x26: {  	[sflag:s9] =	ssyncadd.s32 $0xFFFFC000;
	p0 =	sne.s32 s14, s8  }
.Ltmp1:
0x27: {  	[bflag:$0x0] =	sbarrier.arrive $0xFFFF;
	(pc) =	sbr.rel @p0 .LBB2_1-.Ltmp1, $4  }
0x28: {  	[hbm:s7], [sflag:s10] =	dma.local [spmem:s11], $0x2800  }
0x29: {  	_ =	swait.ge [sflag:s9], $0x2800  }
0x2a: {  	[sflag:s9] =	ssyncset.done $0x0  }
0x2b: {  	[sflag:s9] =	ssyncadd.s32 $0xFFFFD800  }
0x2c: {  	_ =	sfence.sel $0x180000  }
0x2d: {  	[bflag:$0x0] =	sbarrier.arrive $0xFFFF  }
0x2e: {  	p0 =	sne.s32 s0, $0x0;
	_ =	strace $0x90000047  }
0x2f: {  	s0 =	sadd.s32 @!p0 $0x100000, s1;
	[bflag:$0x2] =	sbarrier.arrive $0xFFFF  }
0x30: {  	[sflag:s0] =	ssyncadd.tile.s32 @!p0 $0x1;
	_ =	shalt  }
.Lfunc_end2:
_tile_overlayer_lowered:
.L_overlay_start_2:
0x31: {  	(tag) =	ssettag $0x2  }
0x32: {  	s0 =	rddreg [dreg:$0x0];
	s2 =	stileid.u32  }
0x33: {  	s1 =	rddreg [dreg:$0x1];
	p0 =	sne.s32 s2, $0x0  }
0x34: {  	s3 =	rddreg [dreg:$0x2];
	[bflag:$0x3] =	sbarrier.arrive $0xFFFF;
	s2 =	simm.s32 @!p0 $0x1C01  }
0x35: {  	[timem:s3], [sflag:s2] =	dma.local @!p0 [hbm:s0], s1  }
0x36: {  	s0 =	simm.s32 @!p0 $0x1  }
0x37: {  	_ =	swait.ge @!p0 [sflag:s0], s1  }
0x38: {  	s1 =	ssub.s32 @!p0 $0x0, s1;
	[sflag:s0] =	ssyncset.done @!p0 $0x0  }
0x39: {  	[sflag:s0] =	ssyncadd.s32 @!p0 s1  }
0x3a: {  	[bflag:$0x3] =	sbarrier.arrive $0xFFFF  }
0x3b: {  	_ =	shalt  }

// kernel: kernel.14.cloned.1.call-start
scs
__scs_entry_jumppad:
0x0: {  	(pc) =	sbr.rel $0x88, $3  }
0x1: {  	(tag) =	ssettag $0x0;
	lr =	simm.s32 $0x1  }
0x2: {  	[smem:$0x3F93] =	sst lr;
	_ =	strace $0xD0000000  }
0x3: {  	_ = 	snop  }
0x4: {  	_ = 	snop  }
0x5: {  	_ = 	snop  }
0x6: {  	_ = 	snop  }
0x7: {  	_ = 	snop  }
__scs_overlays_trampoline_lowered:
0x8: {  	[smem:$0x3FA2] =	sst s0  }
0x9: {  	[smem:$0x3FA3] =	sst s1  }
0xa: {  	[smem:$0x3FA4] =	sst s2  }
0xb: {  	[smem:$0x3FA5] =	sst s3  }
0xc: {  	[smem:$0x3FA6] =	sst s4  }
0xd: {  	[smem:$0x3FA7] =	sst s5  }
0xe: {  	[smem:$0x3FA8] =	sst s6  }
0xf: {  	[smem:$0x3FA9] =	sst s7  }
0x10: {  	[smem:$0x3FAA] =	sst s8  }
0x11: {  	[smem:$0x3FAB] =	sst s9;
	s0 =	simm.s32 @!p0 $0x0  }
0x12: {  	s1 =	sld [smem:$0x3F91];
	s0 =	simm.s32 @p0 $0x1  }
0x13: {  	[smem:$0x3FAC] =	sst s0;
	s0 =	simm.s32 @!p1 $0x0  }
0x14: {  	s2 =	sld [smem:$0x3F90];
	s0 =	simm.s32 @p1 $0x1  }
0x15: {  	[smem:$0x3FAD] =	sst s0;
	s0 =	simm.s32 @!p2 $0x0  }
0x16: {  	s3 =	sld [smem:$0x3FDB];
	s0 =	simm.s32 @p2 $0x1  }
0x17: {  	s4 =	simm.s32 $0x1BF5;
	[smem:$0x3FAF] =	sst s0  }
0x18: {  	s0 =	sld [smem:$0x3F92];
	_ =	swait.ge [sflag:s4], $0x0  }
0x19: {  	s7 =	sld [smem:$0x3F93]  }
0x1a: {  	s8 =	sadd.s32 $0xFFFFE003, lr  }
0x1b: {  	s9 =	sadd.s32 $0xFFFFFEF7, lr;
	s5 =	simm.s32 $0xFFFFFFFF;
	p2 =	slt.u32 s8, $0xFFFFF086  }
0x1c: {  	p1 =	slt.u32 s9, $0xF7A;
	s5 =	simm.s32 @!p2 $0x0  }
0x1d: {  	s5 =	simm.s32 @p1 $0x1;
	p0 =	seq.s32 s7, s2  }
0x1e: {  	s7 =	smul.u32 @!p0 $0xF7A, s2;
	p2 =	seq.s32 @!p0 s5, $0x0  }
0x1f: {  	s9 =	smul.u32 $0xF7A, s1;
	s8 =	simm.s32 @!p0 $0x1BF5;
	p2 =	por !p2, p0  }
0x20: {  	[sflag:s8] =	ssyncset.s32 @!p0 $0xFFFFF086;
	s6 =	sadd.s32 @!p0 s3, s7;
	s7 =	simm.s32 @!p0 $0x108  }
0x21: {  	s3 =	sadd.s32 s3, s9;
	s6 =	sadd.s32 @!p0 $0x88, s6;
	s7 =	simm.s32 @p2 $0x1082  }
0x22: {  	[simem:s7], [sflag:s8] =	dma.local @!p0 [hbm:s6], $0xF7A  }
0x23: {  	s9 =	sor.u32 $0xD0000000, s2;
	s6 =	simm.s32 $0x108;
	_ =	swait.ge @!p0 [sflag:s8], $0x0  }
0x24: {  	s3 =	sadd.s32 $0x88, s3;
	s6 =	simm.s32 @!p1 $0x1082;
	[sflag:s4] =	ssyncset.s32 $0xFFFFF086  }
0x25: {  	[simem:s6], [sflag:s4] =	dma.local [hbm:s3], $0xF7A  }
0x26: {  	[smem:$0x3F93] =	sst s1;
	(tag) =	ssettag s2;
	_ =	strace s9  }
0x27: {  	s1 =	sld [smem:$0x3FA3]  }
0x28: {  	s2 =	sld [smem:$0x3FA4]  }
0x29: {  	s4 =	sld [smem:$0x3FA6]  }
0x2a: {  	p0 =	seq.s32 s5, $0x0;
	s5 =	sld [smem:$0x3FA7]  }
0x2b: {  	s6 =	sld [smem:$0x3FA8]  }
0x2c: {  	s7 =	sld [smem:$0x3FA9]  }
0x2d: {  	s3 =	simm.s32 $0x108;
	s8 =	sld [smem:$0x3FAA]  }
0x2e: {  	s3 =	simm.s32 @!p0 $0x1082;
	s9 =	sld [smem:$0x3FAB]  }
0x2f: {  	lr =	sadd.s32 s0, s3;
	s0 =	sld [smem:$0x3FA2]  }
0x30: {  	s3 =	sld [smem:$0x3FA5]  }
0x31: {  	[smem:$0x3FAE] =	sst s10  }
0x32: {  	s10 =	sld [smem:$0x3FAC];
	_ =	sdelay $0x3  }
0x33: {  	p0 =	seq.s32 s10, $0x1;
	s10 =	sld [smem:$0x3FAE];
	_ =	sdelay $0x3  }
0x34: {  	[smem:$0x3FAE] =	sst s10  }
0x35: {  	s10 =	sld [smem:$0x3FAD];
	_ =	sdelay $0x3  }
0x36: {  	p1 =	seq.s32 s10, $0x1;
	s10 =	sld [smem:$0x3FAE];
	_ =	sdelay $0x3  }
0x37: {  	[smem:$0x3FAE] =	sst s10  }
0x38: {  	s10 =	sld [smem:$0x3FAF]  }
0x39: {  	_ = 	snop;
	(pc) =	sbr.ind lr, $3  }
0x3a: {  	_ = 	snop  }
0x3b: {  	_ = 	snop  }
0x3c: {  	p2 =	seq.s32 s10, $0x1;
	s10 =	sld [smem:$0x3FAE]  }
0x3d: {  	_ =	shalt  }
0x3e: {  	_ =	shalt  }
0x3f: {  	_ =	shalt  }
0x40: {  	_ =	shalt  }
0x41: {  	_ =	shalt  }
0x42: {  	_ =	shalt  }
0x43: {  	_ =	shalt  }
0x44: {  	_ =	shalt  }
0x45: {  	_ =	shalt  }
0x46: {  	_ =	shalt  }
0x47: {  	_ =	shalt  }
0x48: {  	_ =	shalt  }
0x49: {  	_ =	shalt  }
0x4a: {  	_ =	shalt  }
0x4b: {  	_ =	shalt  }
0x4c: {  	_ =	shalt  }
0x4d: {  	_ =	shalt  }
0x4e: {  	_ =	shalt  }
0x4f: {  	_ =	shalt  }
0x50: {  	_ =	shalt  }
0x51: {  	_ =	shalt  }
0x52: {  	_ =	shalt  }
0x53: {  	_ =	shalt  }
0x54: {  	_ =	shalt  }
0x55: {  	_ =	shalt  }
0x56: {  	_ =	shalt  }
0x57: {  	_ =	shalt  }
0x58: {  	_ =	shalt  }
0x59: {  	_ =	shalt  }
0x5a: {  	_ =	shalt  }
0x5b: {  	_ =	shalt  }
0x5c: {  	_ =	shalt  }
0x5d: {  	_ =	shalt  }
0x5e: {  	_ =	shalt  }
0x5f: {  	_ =	shalt  }
0x60: {  	_ =	shalt  }
0x61: {  	_ =	shalt  }
0x62: {  	_ =	shalt  }
0x63: {  	_ =	shalt  }
0x64: {  	_ =	shalt  }
0x65: {  	_ =	shalt  }
0x66: {  	_ =	shalt  }
0x67: {  	_ =	shalt  }
0x68: {  	_ =	shalt  }
0x69: {  	_ =	shalt  }
0x6a: {  	_ =	shalt  }
0x6b: {  	_ =	shalt  }
0x6c: {  	_ =	shalt  }
0x6d: {  	_ =	shalt  }
0x6e: {  	_ =	shalt  }
0x6f: {  	_ =	shalt  }
0x70: {  	_ =	shalt  }
0x71: {  	_ =	shalt  }
0x72: {  	_ =	shalt  }
0x73: {  	_ =	shalt  }
0x74: {  	_ =	shalt  }
0x75: {  	_ =	shalt  }
0x76: {  	_ =	shalt  }
0x77: {  	_ =	shalt  }
0x78: {  	_ =	shalt  }
0x79: {  	_ =	shalt  }
0x7a: {  	_ =	shalt  }
0x7b: {  	_ =	shalt  }
0x7c: {  	_ =	shalt  }
0x7d: {  	_ =	shalt  }
0x7e: {  	_ =	shalt  }
0x7f: {  	_ =	shalt  }
0x80: {  	_ =	shalt  }
0x81: {  	_ =	shalt  }
0x82: {  	_ =	shalt  }
0x83: {  	_ =	shalt  }
0x84: {  	_ =	shalt  }
0x85: {  	_ =	shalt  }
0x86: {  	_ =	shalt  }
0x87: {  	_ =	shalt  }
.Lfunc_end0:
.L_simem_size_0:
called_computation.1_lowered:
.L_overlay_start_0:
0x88: {  	s2 =	sld [smem:$0x3FD9]  }
0x89: {  	s3 =	sld [smem:$0x3FFE];
	_ =	sdelay $0x1  }
0x8a: {  	s1 =	srdreg.scid  }
0x8b: {  	s0 =	sand.u32 $0x1, s1  }
0x8c: {  	s17 =	sshll.u32 s0, $0xA;
	s2 =	sadd.s32 s3, s2  }
0x8d: {  	s2 =	sadd.s32 s2, s17  }
0x8e: {  	[smem:$0x3FBA] =	sst s2  }
0x8f: {  	_ = 	snop  }
0x90: {  	(tm) =	ssettm $0x1  }
0x91: {  	s18 =	sld [smem:$0x3FFB];
	_ =	sdelay $0x3  }
0x92: {  	_ =	strace s18  }
0x93: {  	s2 =	sld [smem:$0x3FFC];
	_ =	sdelay $0x3  }
0x94: {  	_ =	strace s2  }
0x95: {  	s2 =	sld [smem:$0x3FFD];
	_ =	sdelay $0x3  }
0x96: {  	_ =	strace s2  }
0x97: {  	_ =	strace $0x8FFFFFFF  }
0x98: {  	s19 =	sld [smem:$0x3FDB];
	_ =	sdelay $0x1  }
0x99: {  	s20 =	simm.s32 $_scs_section_size  }
0x9a: {  	s4 =	simm.s32 $_size__tile_overlayer_lowered;
	s5 =	simm.s32 $_tile_overlayer_lowered  }
0x9b: {  	s6 =	simm.s32 $0x1BFF;
	s21 =	sshll.u32 s5, $0x1;
	s3 =	sadd.s32 s20, s19  }
0x9c: {  	s22 =	simm.s32 $0x0;
	s4 =	sshll.u32 s4, $0x1;
	s5 =	sadd.s32 s21, s3  }
0x9d: {  	[timem:s22], [sflag:s6] =	dma.local [hbm:s5], s4  }
0x9e: {  	_ =	swait.ge [sflag:s6], s4  }
0x9f: {  	s4 =	ssub.s32 $0x0, s4;
	[sflag:s6] =	ssyncset.done $0x0  }
0xa0: {  	[sflag:s6] =	ssyncadd.s32 s4;
	_ =	sdelay $0x1  }
0xa1: {  	s23 =	simm.s32 $0x1B8B  }
0xa2: {  	_ =	swait.ge [sflag:s23], $0x1  }
0xa3: {  	[sflag:s23] =	ssyncset.done $0x0  }
0xa4: {  	[sflag:s23] =	ssyncadd.s32 $0xFFFFFFFF  }
0xa5: {  	s4 =	sld [smem:$0x0]  }
0xa6: {  	s5 =	sand.u32 $0xFFFFFFFE, s1  }
0xa7: {  	p0 =	sne.s32 s1, s5  }
0xa8: {  	s5 =	sshll.u32 @p0 s5, $0xE  }
0xa9: {  	s5 =	sadd.s32 @p0 $0x11B8D, s5;
	s6 =	sshll.u32 @p0 s4, $0x11  }
0xaa: {  	s5 =	sor.u32 @p0 s6, s5  }
0xab: {  	[sflag:s5] =	ssyncadd.remote.s32 @p0 $0x1;
	_ =	sdelay $0x1  }
0xac: {  	s5 =	simm.s32 @p0 $0x1B8D  }
0xad: {  	_ =	swait.eq @p0 [sflag:s5], $0x1  }
0xae: {  	[sflag:s5] =	ssyncadd.s32 @p0 $0xFFFFFFFF  }
0xaf: {  	s6 =	sshll.u32 @!p0 s1, $0xE  }
0xb0: {  	s6 =	sor.u32 @!p0 $0x4000, s6;
	s5 =	simm.s32 @!p0 $0x1B8D  }
0xb1: {  	s4 =	sshll.u32 @!p0 s4, $0x11;
	s6 =	sadd.s32 @!p0 $0x11B8D, s6;
	_ =	swait.eq @!p0 [sflag:s5], $0x1  }
0xb2: {  	s4 =	sor.u32 @!p0 s4, s6;
	[sflag:s5] =	ssyncadd.s32 @!p0 $0xFFFFFFFF  }
0xb3: {  	s25 =	simm.s32 $0x1B8E;
	s24 =	sld [smem:$0x3FFE];
	[sflag:s4] =	ssyncadd.remote.s32 @!p0 $0x1  }
0xb4: {  	s26 =	simm.s32 $execute0_lowered;
	[smem:$0x3FD2] =	sst s25  }
0xb5: {  	s5 =	sshll.u32 s26, $0x1;
	_ =	strace $0x80000049;
	[dreg:$0x1] =	wrdreg $0xFFFFFFFF  }
0xb6: {  	s28 =	simm.s32 $_size_execute0_lowered;
	s3 =	sadd.s32 s3, s5;
	[dreg:$0x0] =	wrdreg $0x0  }
0xb7: {  	s5 =	sshll.u32 s28, $0x1;
	[dreg:$0x2] =	wrdreg s3  }
0xb8: {  	[dreg:$0x3] =	wrdreg s5  }
0xb9: {  	[dreg:$0x4] =	wrdreg $0xC0  }
0xba: {  	_ =	task [dreg:s22], $0x5FFFF  }
0xbb: {  	[dreg:$0x1] =	wrdreg $0xFFFFFFFF  }
0xbc: {  	[dreg:$0x0] =	wrdreg $0x60  }
0xbd: {  	[dreg:$0x2] =	wrdreg s24  }
0xbe: {  	[dreg:$0x3] =	wrdreg $0x58800  }
0xbf: {  	[dreg:$0x4] =	wrdreg $0x78800  }
0xc0: {  	[dreg:$0x5] =	wrdreg $0xA  }
0xc1: {  	_ =	task.clear_ibuf [dreg:s22], $0x6FFFF;
	_ =	strace $0x90000049  }
0xc2: {  	s29 =	simm.s32 $0xA;
	_ =	strace $0x8000004B  }
0xc3: {  	_ =	swait.ge [sflag:s29], $0x1  }
0xc4: {  	[sflag:s29] =	ssyncadd.s32 $0xFFFFFFFF  }
0xc5: {  	_ =	strace $0x9000004B  }
0xc6: {  	_ =	sfence  }
0xc7: {  	s30 =	sld [smem:$0x0];
	_ =	sdelay $0x2  }
0xc8: {  	s31 =	sshll.u32 s1, $0xD;
	s1 =	sshrl.u32 s1, $0x2  }
0xc9: {  	s4 =	sand.u32 $0x4000, s31;
	s1 =	sadd.s32 s1, s30  }
0xca: {  	s0 =	sor.u32 s4, s0;
	s1 =	sshll.u32 s1, $0x11  }
0xcb: {  	s0 =	sor.u32 s1, s0  }
0xcc: {  	s0 =	sadd.s32 $0x8F2B, s0  }
0xcd: {  	[sflag:s0] =	ssyncadd.remote.s32 $0x1  }
0xce: {  	_ =	sfence.sel $0xFFFF  }
0xcf: {  	[dreg:$0x0] =	wrdreg $0xFFFFFFFF;
	(pc) =	sbr.abs _section_cstart, $3  }
0xd0: {  	[dreg:$0x1] =	wrdreg $0xFFFFFFFF  }
0xd1: {  	_ =	task.clear_ibuf [dreg:s22], $0x2FFFF;
	_ =	strace $0x9FFFFFFF  }
0xd2: {  	(tm) =	ssettm $0x7FFFFFFF  }
0xd3: {  	_ =	shalt  }
tec
execute0_lowered:
.L_overlay_start_1:
0x0: {  	(tag) =	ssettag $0x1  }
0x1: {  	s5 =	rddreg [dreg:$0x0]  }
0x2: {  	s2 =	rddreg [dreg:$0x1]  }
0x3: {  	s3 =	rddreg [dreg:$0x2];
	s4 =	simm.s32 $0x0  }
0x4: {  	s11 =	simm.s32 $0x80;
	[smem:$0x7FF] =	sst s4  }
0x5: {  	s12 =	simm.s32 $0x100;
	_ =	strace $0x8000004A;
	[dreg:$0xc] =	wrdreg s11  }
0x6: {  	s13 =	simm.s32 $0x180;
	[dreg:$0xd] =	wrdreg s12  }
0x7: {  	s14 =	simm.s32 $0x200;
	[dreg:$0xe] =	wrdreg s13  }
0x8: {  	s15 =	simm.s32 $0x280;
	[dreg:$0xf] =	wrdreg s14  }
0x9: {  	s16 =	simm.s32 $0x300;
	[dreg:$0x10] =	wrdreg s15  }
0xa: {  	s17 =	simm.s32 $0x380;
	[dreg:$0x11] =	wrdreg s16  }
0xb: {  	s18 =	simm.s32 $0xC00;
	[dreg:$0x12] =	wrdreg s17  }
0xc: {  	s19 =	simm.s32 $0xC0;
	[dreg:$0x13] =	wrdreg s18  }
0xd: {  	s1 =	srdreg.scid;
	s20 =	simm.s32 $0x140;
	[dreg:$0x14] =	wrdreg s19  }
0xe: {  	s0 =	stileid.u32;
	s21 =	simm.s32 $0x1C0;
	[dreg:$0x15] =	wrdreg s20  }
0xf: {  	s22 =	simm.s32 $0x240;
	s23 =	simm.s32 $0x2C0;
	[dreg:$0x16] =	wrdreg s21  }
0x10: {  	s31 =	sand.u32 $0x1, s1;
	s9 =	sshll.u32 s0, $0xD;
	[dreg:$0x17] =	wrdreg s22  }
0x11: {  	s24 =	sshll.u32 s0, $0x1;
	s26 =	sadd.s32 s9, s2;
	[dreg:$0x18] =	wrdreg s23  }
0x12: {  	s1 =	sor.u32 s31, s24;
	s24 =	simm.s32 $0x340;
	[dreg:$0x6] =	wrdreg s26  }
0x13: {  	s11 =	simm.s32 $0x680;
	[dreg:$0x19] =	wrdreg s24  }
0x14: {  	s12 =	simm.s32 $0x700;
	[smem:$0x7F7] =	sst s11  }
0x15: {  	s13 =	simm.s32 $0x780;
	[smem:$0x7F8] =	sst s12  }
0x16: {  	s7 =	sshll.u32 s0, $0xA;
	s14 =	simm.s32 $0x1000;
	[smem:$0x7F9] =	sst s13  }
0x17: {  	s7 =	sadd.s32 s7, s5;
	s15 =	simm.s32 $0x440;
	[smem:$0x7FA] =	sst s14  }
0x18: {  	s16 =	simm.s32 $0x4C0;
	s6 =	smul.u32 $0x300, s1;
	[smem:$0x7FB] =	sst s15  }
0x19: {  	s18 =	simm.s32 $0x540;
	s25 =	smul.u32 $0xA000, s1;
	[smem:$0x7FC] =	sst s16  }
0x1a: {  	s7 =	sadd.s32 $0x67200, s7;
	s1 =	smul.u32 $0x1400, s1;
	[smem:$0x7FD] =	sst s18  }
0x1b: {  	s26 =	simm.s32 $0xC40;
	[dreg:$0x5] =	wrdreg s7;
	s6 =	sadd.s32 s6, s5  }
0x1c: {  	[dreg:$0x1b] =	wrdreg s26;
	s5 =	sadd.s32 $0x6B200, s5;
	s6 =	sadd.s32 $0x61200, s6  }
0x1d: {  	s1 =	sadd.s32 s5, s1;
	[dreg:$0x4] =	wrdreg s6  }
0x1e: {  	s6 =	sshrl.u32 s25, $0x3;
	[dreg:$0x7] =	wrdreg s1;
	s25 =	simm.s32 $0x3C0  }
0x1f: {  	s5 =	sadd.s32 s5, s6;
	[dreg:$0x1a] =	wrdreg s25  }
0x20: {  	s17 =	rddreg [dreg:$0x4];
	s6 =	sadd.s32 $0x400, s5  }
0x21: {  	[tilespmem:s4], [sflag:$0x3] =	stream.linear.gather [hbm4b:s17+s4], $0x1800, $0x38;
	[tilespmem:$0x9880] =	vst v63  }
0x22: {  	s7 =	sadd.s32 $0x800, s5;
	[dreg:$0x8] =	wrdreg s6  }
0x23: {  	s8 =	sadd.s32 $0xC00, s5;
	[dreg:$0x9] =	wrdreg s7  }
0x24: {  	s10 =	sadd.s32 $0x1000, s5;
	[dreg:$0xa] =	wrdreg s8  }
0x25: {  	s5 =	simm.s32 $0x400;
	[dreg:$0xb] =	wrdreg s10  }
0x26: {  	[dreg:$0x1c] =	wrdreg s5;
	s6 =	simm.s32 $0x480  }
0x27: {  	s7 =	simm.s32 $0x500;
	[dreg:$0x1d] =	wrdreg s6  }
0x28: {  	s8 =	simm.s32 $0x580;
	[dreg:$0x1e] =	wrdreg s7  }
0x29: {  	s10 =	simm.s32 $0x600;
	[dreg:$0x1f] =	wrdreg s8  }
0x2a: {  	s5 =	simm.s32 $0x3;
	[smem:$0x7F6] =	sst s10  }
0x2b: {  	_ =	swait.ge [sflag:s5], $0x1800  }
0x2c: {  	[sflag:s5] =	ssyncset.done $0x0  }
0x2d: {  	s6 =	simm.s32 $0x1880;
	s19 =	rddreg [dreg:$0x5];
	[sflag:s5] =	ssyncadd.s32 $0xFFFFE800  }
0x2e: {  	[tilespmem:s6], [sflag:$0x3] =	stream.linear.gather [hbm4b:s19+s4], $0x2000, $0x38;
	[tilespmem:$0x9880] =	vst v63  }
0x2f: {  	_ =	swait.ge [sflag:s5], $0x2000  }
0x30: {  	[sflag:s5] =	ssyncset.done $0x0  }
0x31: {  	s20 =	rddreg [dreg:$0x6];
	[sflag:s5] =	ssyncadd.s32 $0xFFFFE000  }
0x32: {  	[spmem:s20] =	stream.linear.scatter [tilespmem:s6], [sflag:$0x3], $0x2000, $0x38;
	[tilespmem:$0x9880] =	vst v63  }
0x33: {  	_ =	swait.ge [sflag:s5], $0x2000  }
0x34: {  	s13 =	sshll.u32 s0, $0x6;
	[sflag:s5] =	ssyncset.done $0x0  }
0x35: {  	v3 =	vlaneseq.u32;
	s21 =	sor.u32 $0x30, s13;
	[sflag:s5] =	ssyncadd.s32 $0xFFFFE000  }
0x36: {  	s22 =	sor.u32 $0x20, s13;
	v0 =	vor.u32 s21, v3;
	[bflag:$0x0] =	sbarrier.arrive $0xFFFF  }
0x37: {  	v1 =	vor.u32 s22, v3;
	[tilespmem:$0x1830] =	vst v0  }
0x38: {  	v2 =	vor.u32 s13, v3;
	s23 =	sor.u32 $0x10, s13;
	[tilespmem:$0x1820] =	vst v1  }
0x39: {  	v3 =	vor.u32 s23, v3;
	[tilespmem:$0x1800] =	vst v2  }
0x3a: {  	s7 =	simm.s32 $0x40;
	s8 =	simm.s32 $0x1;
	[tilespmem:$0x1810] =	vst v3  }
0x3b: {  	[tilespmem:s6], [sflag:$0x1] =	stream.indirect.gather [spmem:s2], $0x80, s4, s7, $0xb8;
	[tilespmem:$0x9880] =	vst v63  }
0x3c: {  	_ =	swait.ge [sflag:s8], $0x2000  }
0x3d: {  	[sflag:s8] =	ssyncset.done $0x0  }
0x3e: {  	s9 =	sadd.s32 s9, s3;
	[sflag:s8] =	ssyncadd.s32 $0xFFFFE000  }
0x3f: {  	[spmem:s9] =	stream.linear.scatter [tilespmem:s6], [sflag:$0x3], $0x2000, $0x38;
	[tilespmem:$0x9880] =	vst v63  }
0x40: {  	_ =	swait.ge [sflag:s5], $0x2000  }
0x41: {  	[sflag:s5] =	ssyncset.done $0x0  }
0x42: {  	s24 =	rddreg [dreg:$0xc];
	[sflag:s5] =	ssyncadd.s32 $0xFFFFE000  }
0x43: {  	[tilespmem:s6], [sflag:$0x1] =	stream.indirect.gather [spmem:s2], $0x80, s24, s7, $0xb8;
	[tilespmem:$0x9880] =	vst v63  }
0x44: {  	s10 =	simm.s32 $0x3880;
	s11 =	rddreg [dreg:$0xd]  }
0x45: {  	[tilespmem:s10], [sflag:$0x2] =	stream.indirect.gather [spmem:s2], $0x80, s11, s7, $0xb8;
	[tilespmem:$0x9880] =	vst v63  }
0x46: {  	_ =	swait.ge [sflag:s8], $0x2000  }
0x47: {  	[sflag:s8] =	ssyncset.done $0x0  }
0x48: {  	s11 =	simm.s32 $0x1800;
	[sflag:s8] =	ssyncadd.s32 $0xFFFFE000  }
0x49: {  	[spmem:s3] =	stream.indirect.scatter.add.f32 [tilespmem:s6], [sflag:$0x3], $0x80, s11, s7, $0xb8;
	[tilespmem:$0x9880] =	vst v63  }
0x4a: {  	_ =	swait.ge [sflag:s5], $0x2000  }
0x4b: {  	[sflag:s5] =	ssyncset.done $0x0  }
0x4c: {  	s12 =	simm.s32 $0x2;
	[sflag:s5] =	ssyncadd.s32 $0xFFFFE000  }
0x4d: {  	_ =	swait.ge [sflag:s12], $0x2000  }
0x4e: {  	[sflag:s12] =	ssyncset.done $0x0  }
0x4f: {  	[sflag:s12] =	ssyncadd.s32 $0xFFFFE000  }
0x50: {  	[spmem:s3] =	stream.indirect.scatter.add.f32 [tilespmem:s10], [sflag:$0x3], $0x80, s11, s7, $0xb8;
	[tilespmem:$0x9880] =	vst v63  }
0x51: {  	_ =	swait.ge [sflag:s5], $0x2000  }
0x52: {  	[sflag:s5] =	ssyncset.done $0x0  }
0x53: {  	s25 =	rddreg [dreg:$0xe];
	[sflag:s5] =	ssyncadd.s32 $0xFFFFE000  }
0x54: {  	[tilespmem:s6], [sflag:$0x1] =	stream.indirect.gather [spmem:s2], $0x80, s25, s7, $0xb8;
	[tilespmem:$0x9880] =	vst v63  }
0x55: {  	s14 =	rddreg [dreg:$0xf]  }
0x56: {  	[tilespmem:s10], [sflag:$0x2] =	stream.indirect.gather [spmem:s2], $0x80, s14, s7, $0xb8;
	[tilespmem:$0x9880] =	vst v63  }
0x57: {  	_ =	swait.ge [sflag:s8], $0x2000  }
0x58: {  	[sflag:s8] =	ssyncset.done $0x0  }
0x59: {  	[sflag:s8] =	ssyncadd.s32 $0xFFFFE000  }
0x5a: {  	[spmem:s3] =	stream.indirect.scatter.add.f32 [tilespmem:s6], [sflag:$0x3], $0x80, s11, s7, $0xb8;
	[tilespmem:$0x9880] =	vst v63  }
0x5b: {  	_ =	swait.ge [sflag:s5], $0x2000  }
0x5c: {  	[sflag:s5] =	ssyncset.done $0x0  }
0x5d: {  	[sflag:s5] =	ssyncadd.s32 $0xFFFFE000  }
0x5e: {  	_ =	swait.ge [sflag:s12], $0x2000  }
0x5f: {  	[sflag:s12] =	ssyncset.done $0x0  }
0x60: {  	[sflag:s12] =	ssyncadd.s32 $0xFFFFE000  }
0x61: {  	[spmem:s3] =	stream.indirect.scatter.add.f32 [tilespmem:s10], [sflag:$0x3], $0x80, s11, s7, $0xb8;
	[tilespmem:$0x9880] =	vst v63  }
0x62: {  	_ =	swait.ge [sflag:s5], $0x2000  }
0x63: {  	[sflag:s5] =	ssyncset.done $0x0  }
0x64: {  	s26 =	rddreg [dreg:$0x10];
	[sflag:s5] =	ssyncadd.s32 $0xFFFFE000  }
0x65: {  	[tilespmem:s6], [sflag:$0x1] =	stream.indirect.gather [spmem:s2], $0x80, s26, s7, $0xb8;
	[tilespmem:$0x9880] =	vst v63  }
0x66: {  	s0 =	rddreg [dreg:$0x11]  }
0x67: {  	[tilespmem:s10], [sflag:$0x2] =	stream.indirect.gather [spmem:s2], $0x80, s0, s7, $0xb8;
	[tilespmem:$0x9880] =	vst v63  }
0x68: {  	_ =	swait.ge [sflag:s8], $0x2000  }
0x69: {  	[sflag:s8] =	ssyncset.done $0x0  }
0x6a: {  	[sflag:s8] =	ssyncadd.s32 $0xFFFFE000  }
0x6b: {  	[spmem:s3] =	stream.indirect.scatter.add.f32 [tilespmem:s6], [sflag:$0x3], $0x80, s11, s7, $0xb8;
	[tilespmem:$0x9880] =	vst v63  }
0x6c: {  	_ =	swait.ge [sflag:s5], $0x2000  }
0x6d: {  	[sflag:s5] =	ssyncset.done $0x0  }
0x6e: {  	[sflag:s5] =	ssyncadd.s32 $0xFFFFE000  }
0x6f: {  	_ =	swait.ge [sflag:s12], $0x2000  }
0x70: {  	[sflag:s12] =	ssyncset.done $0x0  }
0x71: {  	[sflag:s12] =	ssyncadd.s32 $0xFFFFE000  }
0x72: {  	[spmem:s3] =	stream.indirect.scatter.add.f32 [tilespmem:s10], [sflag:$0x3], $0x80, s11, s7, $0xb8;
	[tilespmem:$0x9880] =	vst v63  }
0x73: {  	_ =	swait.ge [sflag:s5], $0x2000  }
0x74: {  	[sflag:s5] =	ssyncset.done $0x0  }
0x75: {  	s14 =	rddreg [dreg:$0x12];
	[sflag:s5] =	ssyncadd.s32 $0xFFFFE000  }
0x76: {  	[tilespmem:s6], [sflag:$0x1] =	stream.indirect.gather [spmem:s2], $0x80, s14, s7, $0xb8;
	[tilespmem:$0x9880] =	vst v63  }
0x77: {  	s15 =	rddreg [dreg:$0x13]  }
0x78: {  	[tilespmem:s10], [sflag:$0x2] =	stream.indirect.gather [spmem:s2], $0x80, s15, s7, $0xb8;
	[tilespmem:$0x9880] =	vst v63  }
0x79: {  	_ =	swait.ge [sflag:s8], $0x2000  }
0x7a: {  	[sflag:s8] =	ssyncset.done $0x0  }
0x7b: {  	[sflag:s8] =	ssyncadd.s32 $0xFFFFE000  }
0x7c: {  	[spmem:s3] =	stream.indirect.scatter.add.f32 [tilespmem:s6], [sflag:$0x3], $0x80, s11, s7, $0xb8;
	[tilespmem:$0x9880] =	vst v63  }
0x7d: {  	_ =	swait.ge [sflag:s5], $0x2000  }
0x7e: {  	[sflag:s5] =	ssyncset.done $0x0  }
0x7f: {  	[sflag:s5] =	ssyncadd.s32 $0xFFFFE000  }
0x80: {  	_ =	swait.ge [sflag:s12], $0x2000  }
0x81: {  	[sflag:s12] =	ssyncset.done $0x0  }
0x82: {  	[sflag:s12] =	ssyncadd.s32 $0xFFFFE000  }
0x83: {  	[spmem:s3] =	stream.indirect.scatter.add.f32 [tilespmem:s10], [sflag:$0x3], $0x80, s11, s7, $0xb8;
	[tilespmem:$0x9880] =	vst v63  }
0x84: {  	_ =	swait.ge [sflag:s5], $0x2000  }
0x85: {  	s13 =	sor.u32 $0x1C03, s13;
	[sflag:s5] =	ssyncset.done $0x0  }
0x86: {  	s14 =	sshrl.u32 s9, $0x3;
	s16 =	rddreg [dreg:$0x7];
	[sflag:s5] =	ssyncadd.s32 $0xFFFFE000  }
0x87: {  	[hbm:s16], [sflag:s13] =	dma.local [spmem:s14], $0x400  }
0x88: {  	_ =	swait.ge [sflag:s5], $0x400  }
0x89: {  	[sflag:s5] =	ssyncset.done $0x0  }
0x8a: {  	[sflag:s5] =	ssyncadd.s32 $0xFFFFFC00  }
0x8b: {  	[tilespmem:s6], [sflag:$0x1] =	stream.indirect.gather [spmem:s2], $0x80, s7, s7, $0xb8;
	[tilespmem:$0x9880] =	vst v63  }
0x8c: {  	_ =	swait.ge [sflag:s8], $0x2000  }
0x8d: {  	[sflag:s8] =	ssyncset.done $0x0  }
0x8e: {  	[sflag:s8] =	ssyncadd.s32 $0xFFFFE000  }
0x8f: {  	[spmem:s9] =	stream.linear.scatter [tilespmem:s6], [sflag:$0x3], $0x2000, $0x38;
	[tilespmem:$0x9880] =	vst v63  }
0x90: {  	_ =	swait.ge [sflag:s5], $0x2000  }
0x91: {  	[sflag:s5] =	ssyncset.done $0x0  }
0x92: {  	s17 =	rddreg [dreg:$0x14];
	[sflag:s5] =	ssyncadd.s32 $0xFFFFE000  }
0x93: {  	[tilespmem:s6], [sflag:$0x1] =	stream.indirect.gather [spmem:s2], $0x80, s17, s7, $0xb8;
	[tilespmem:$0x9880] =	vst v63  }
0x94: {  	s15 =	rddreg [dreg:$0x15]  }
0x95: {  	[tilespmem:s10], [sflag:$0x2] =	stream.indirect.gather [spmem:s2], $0x80, s15, s7, $0xb8;
	[tilespmem:$0x9880] =	vst v63  }
0x96: {  	_ =	swait.ge [sflag:s8], $0x2000  }
0x97: {  	[sflag:s8] =	ssyncset.done $0x0  }
0x98: {  	[sflag:s8] =	ssyncadd.s32 $0xFFFFE000  }
0x99: {  	[spmem:s3] =	stream.indirect.scatter.add.f32 [tilespmem:s6], [sflag:$0x3], $0x80, s11, s7, $0xb8;
	[tilespmem:$0x9880] =	vst v63  }
0x9a: {  	_ =	swait.ge [sflag:s5], $0x2000  }
0x9b: {  	[sflag:s5] =	ssyncset.done $0x0  }
0x9c: {  	[sflag:s5] =	ssyncadd.s32 $0xFFFFE000  }
0x9d: {  	_ =	swait.ge [sflag:s12], $0x2000  }
0x9e: {  	[sflag:s12] =	ssyncset.done $0x0  }
0x9f: {  	[sflag:s12] =	ssyncadd.s32 $0xFFFFE000  }
0xa0: {  	[spmem:s3] =	stream.indirect.scatter.add.f32 [tilespmem:s10], [sflag:$0x3], $0x80, s11, s7, $0xb8;
	[tilespmem:$0x9880] =	vst v63  }
0xa1: {  	_ =	swait.ge [sflag:s5], $0x2000  }
0xa2: {  	[sflag:s5] =	ssyncset.done $0x0  }
0xa3: {  	s18 =	rddreg [dreg:$0x16];
	[sflag:s5] =	ssyncadd.s32 $0xFFFFE000  }
0xa4: {  	[tilespmem:s6], [sflag:$0x1] =	stream.indirect.gather [spmem:s2], $0x80, s18, s7, $0xb8;
	[tilespmem:$0x9880] =	vst v63  }
0xa5: {  	s19 =	rddreg [dreg:$0x17]  }
0xa6: {  	[tilespmem:s10], [sflag:$0x2] =	stream.indirect.gather [spmem:s2], $0x80, s19, s7, $0xb8;
	[tilespmem:$0x9880] =	vst v63  }
0xa7: {  	_ =	swait.ge [sflag:s8], $0x2000  }
0xa8: {  	[sflag:s8] =	ssyncset.done $0x0  }
0xa9: {  	[sflag:s8] =	ssyncadd.s32 $0xFFFFE000  }
0xaa: {  	[spmem:s3] =	stream.indirect.scatter.add.f32 [tilespmem:s6], [sflag:$0x3], $0x80, s11, s7, $0xb8;
	[tilespmem:$0x9880] =	vst v63  }
0xab: {  	_ =	swait.ge [sflag:s5], $0x2000  }
0xac: {  	[sflag:s5] =	ssyncset.done $0x0  }
0xad: {  	[sflag:s5] =	ssyncadd.s32 $0xFFFFE000  }
0xae: {  	_ =	swait.ge [sflag:s12], $0x2000  }
0xaf: {  	[sflag:s12] =	ssyncset.done $0x0  }
0xb0: {  	[sflag:s12] =	ssyncadd.s32 $0xFFFFE000  }
0xb1: {  	[spmem:s3] =	stream.indirect.scatter.add.f32 [tilespmem:s10], [sflag:$0x3], $0x80, s11, s7, $0xb8;
	[tilespmem:$0x9880] =	vst v63  }
0xb2: {  	_ =	swait.ge [sflag:s5], $0x2000  }
0xb3: {  	[sflag:s5] =	ssyncset.done $0x0  }
0xb4: {  	s20 =	rddreg [dreg:$0x18];
	[sflag:s5] =	ssyncadd.s32 $0xFFFFE000  }
0xb5: {  	[tilespmem:s6], [sflag:$0x1] =	stream.indirect.gather [spmem:s2], $0x80, s20, s7, $0xb8;
	[tilespmem:$0x9880] =	vst v63  }
0xb6: {  	s21 =	rddreg [dreg:$0x19]  }
0xb7: {  	[tilespmem:s10], [sflag:$0x2] =	stream.indirect.gather [spmem:s2], $0x80, s21, s7, $0xb8;
	[tilespmem:$0x9880] =	vst v63  }
0xb8: {  	_ =	swait.ge [sflag:s8], $0x2000  }
0xb9: {  	[sflag:s8] =	ssyncset.done $0x0  }
0xba: {  	[sflag:s8] =	ssyncadd.s32 $0xFFFFE000  }
0xbb: {  	[spmem:s3] =	stream.indirect.scatter.add.f32 [tilespmem:s6], [sflag:$0x3], $0x80, s11, s7, $0xb8;
	[tilespmem:$0x9880] =	vst v63  }
0xbc: {  	_ =	swait.ge [sflag:s5], $0x2000  }
0xbd: {  	[sflag:s5] =	ssyncset.done $0x0  }
0xbe: {  	[sflag:s5] =	ssyncadd.s32 $0xFFFFE000  }
0xbf: {  	_ =	swait.ge [sflag:s12], $0x2000  }
0xc0: {  	[sflag:s12] =	ssyncset.done $0x0  }
0xc1: {  	[sflag:s12] =	ssyncadd.s32 $0xFFFFE000  }
0xc2: {  	[spmem:s3] =	stream.indirect.scatter.add.f32 [tilespmem:s10], [sflag:$0x3], $0x80, s11, s7, $0xb8;
	[tilespmem:$0x9880] =	vst v63  }
0xc3: {  	_ =	swait.ge [sflag:s5], $0x2000  }
0xc4: {  	[sflag:s5] =	ssyncset.done $0x0  }
0xc5: {  	s22 =	rddreg [dreg:$0x1a];
	[sflag:s5] =	ssyncadd.s32 $0xFFFFE000  }
0xc6: {  	[tilespmem:s6], [sflag:$0x1] =	stream.indirect.gather [spmem:s2], $0x80, s22, s7, $0xb8;
	[tilespmem:$0x9880] =	vst v63  }
0xc7: {  	s23 =	rddreg [dreg:$0x1b]  }
0xc8: {  	[tilespmem:s10], [sflag:$0x2] =	stream.indirect.gather [spmem:s2], $0x80, s23, s7, $0xb8;
	[tilespmem:$0x9880] =	vst v63  }
0xc9: {  	_ =	swait.ge [sflag:s8], $0x2000  }
0xca: {  	[sflag:s8] =	ssyncset.done $0x0  }
0xcb: {  	[sflag:s8] =	ssyncadd.s32 $0xFFFFE000  }
0xcc: {  	[spmem:s3] =	stream.indirect.scatter.add.f32 [tilespmem:s6], [sflag:$0x3], $0x80, s11, s7, $0xb8;
	[tilespmem:$0x9880] =	vst v63  }
0xcd: {  	_ =	swait.ge [sflag:s5], $0x2000  }
0xce: {  	[sflag:s5] =	ssyncset.done $0x0  }
0xcf: {  	[sflag:s5] =	ssyncadd.s32 $0xFFFFE000  }
0xd0: {  	_ =	swait.ge [sflag:s12], $0x2000  }
0xd1: {  	[sflag:s12] =	ssyncset.done $0x0  }
0xd2: {  	[sflag:s12] =	ssyncadd.s32 $0xFFFFE000  }
0xd3: {  	[spmem:s3] =	stream.indirect.scatter.add.f32 [tilespmem:s10], [sflag:$0x3], $0x80, s11, s7, $0xb8;
	[tilespmem:$0x9880] =	vst v63  }
0xd4: {  	_ =	swait.ge [sflag:s5], $0x2000  }
0xd5: {  	[sflag:s5] =	ssyncset.done $0x0  }
0xd6: {  	s24 =	rddreg [dreg:$0x8];
	[sflag:s5] =	ssyncadd.s32 $0xFFFFE000  }
0xd7: {  	[hbm:s24], [sflag:s13] =	dma.local [spmem:s14], $0x400  }
0xd8: {  	_ =	swait.ge [sflag:s5], $0x400  }
0xd9: {  	[sflag:s5] =	ssyncset.done $0x0  }
0xda: {  	s25 =	rddreg [dreg:$0x1c];
	[sflag:s5] =	ssyncadd.s32 $0xFFFFFC00  }
0xdb: {  	[tilespmem:s6], [sflag:$0x1] =	stream.indirect.gather [spmem:s2], $0x80, s25, s7, $0xb8;
	[tilespmem:$0x9880] =	vst v63  }
0xdc: {  	_ =	swait.ge [sflag:s8], $0x2000  }
0xdd: {  	[sflag:s8] =	ssyncset.done $0x0  }
0xde: {  	[sflag:s8] =	ssyncadd.s32 $0xFFFFE000  }
0xdf: {  	[spmem:s9] =	stream.linear.scatter [tilespmem:s6], [sflag:$0x3], $0x2000, $0x38;
	[tilespmem:$0x9880] =	vst v63  }
0xe0: {  	_ =	swait.ge [sflag:s5], $0x2000  }
0xe1: {  	[sflag:s5] =	ssyncset.done $0x0  }
0xe2: {  	s26 =	rddreg [dreg:$0x1d];
	[sflag:s5] =	ssyncadd.s32 $0xFFFFE000  }
0xe3: {  	[tilespmem:s6], [sflag:$0x1] =	stream.indirect.gather [spmem:s2], $0x80, s26, s7, $0xb8;
	[tilespmem:$0x9880] =	vst v63  }
0xe4: {  	s0 =	rddreg [dreg:$0x1e]  }
0xe5: {  	[tilespmem:s10], [sflag:$0x2] =	stream.indirect.gather [spmem:s2], $0x80, s0, s7, $0xb8;
	[tilespmem:$0x9880] =	vst v63  }
0xe6: {  	_ =	swait.ge [sflag:s8], $0x2000  }
0xe7: {  	[sflag:s8] =	ssyncset.done $0x0  }
0xe8: {  	[sflag:s8] =	ssyncadd.s32 $0xFFFFE000  }
0xe9: {  	[spmem:s3] =	stream.indirect.scatter.add.f32 [tilespmem:s6], [sflag:$0x3], $0x80, s11, s7, $0xb8;
	[tilespmem:$0x9880] =	vst v63  }
0xea: {  	_ =	swait.ge [sflag:s5], $0x2000  }
0xeb: {  	[sflag:s5] =	ssyncset.done $0x0  }
0xec: {  	[sflag:s5] =	ssyncadd.s32 $0xFFFFE000  }
0xed: {  	_ =	swait.ge [sflag:s12], $0x2000  }
0xee: {  	[sflag:s12] =	ssyncset.done $0x0  }
0xef: {  	[sflag:s12] =	ssyncadd.s32 $0xFFFFE000  }
0xf0: {  	[spmem:s3] =	stream.indirect.scatter.add.f32 [tilespmem:s10], [sflag:$0x3], $0x80, s11, s7, $0xb8;
	[tilespmem:$0x9880] =	vst v63  }
0xf1: {  	_ =	swait.ge [sflag:s5], $0x2000  }
0xf2: {  	s16 =	rddreg [dreg:$0x1f];
	[sflag:s5] =	ssyncset.done $0x0  }
0xf3: {  	s17 =	sld [smem:$0x7F6];
	[sflag:s5] =	ssyncadd.s32 $0xFFFFE000  }
0xf4: {  	[tilespmem:s6], [sflag:$0x1] =	stream.indirect.gather [spmem:s2], $0x80, s16, s7, $0xb8;
	[tilespmem:$0x9880] =	vst v63  }
0xf5: {  	_ = 	snop  }
0xf6: {  	[tilespmem:s10], [sflag:$0x2] =	stream.indirect.gather [spmem:s2], $0x80, s17, s7, $0xb8;
	[tilespmem:$0x9880] =	vst v63  }
0xf7: {  	_ =	swait.ge [sflag:s8], $0x2000  }
0xf8: {  	[sflag:s8] =	ssyncset.done $0x0  }
0xf9: {  	[sflag:s8] =	ssyncadd.s32 $0xFFFFE000  }
0xfa: {  	[spmem:s3] =	stream.indirect.scatter.add.f32 [tilespmem:s6], [sflag:$0x3], $0x80, s11, s7, $0xb8;
	[tilespmem:$0x9880] =	vst v63  }
0xfb: {  	_ =	swait.ge [sflag:s5], $0x2000  }
0xfc: {  	[sflag:s5] =	ssyncset.done $0x0  }
0xfd: {  	[sflag:s5] =	ssyncadd.s32 $0xFFFFE000  }
0xfe: {  	_ =	swait.ge [sflag:s12], $0x2000  }
0xff: {  	[sflag:s12] =	ssyncset.done $0x0  }
0x100: {  	[sflag:s12] =	ssyncadd.s32 $0xFFFFE000  }
0x101: {  	[spmem:s3] =	stream.indirect.scatter.add.f32 [tilespmem:s10], [sflag:$0x3], $0x80, s11, s7, $0xb8;
	[tilespmem:$0x9880] =	vst v63  }
0x102: {  	_ =	swait.ge [sflag:s5], $0x2000  }
0x103: {  	s18 =	sld [smem:$0x7F7]  }
0x104: {  	[sflag:s5] =	ssyncset.done $0x0  }
0x105: {  	s19 =	sld [smem:$0x7F8];
	[sflag:s5] =	ssyncadd.s32 $0xFFFFE000  }
0x106: {  	[tilespmem:s6], [sflag:$0x1] =	stream.indirect.gather [spmem:s2], $0x80, s18, s7, $0xb8;
	[tilespmem:$0x9880] =	vst v63  }
0x107: {  	_ = 	snop  }
0x108: {  	[tilespmem:s10], [sflag:$0x2] =	stream.indirect.gather [spmem:s2], $0x80, s19, s7, $0xb8;
	[tilespmem:$0x9880] =	vst v63  }
0x109: {  	_ =	swait.ge [sflag:s8], $0x2000  }
0x10a: {  	[sflag:s8] =	ssyncset.done $0x0  }
0x10b: {  	[sflag:s8] =	ssyncadd.s32 $0xFFFFE000  }
0x10c: {  	[spmem:s3] =	stream.indirect.scatter.add.f32 [tilespmem:s6], [sflag:$0x3], $0x80, s11, s7, $0xb8;
	[tilespmem:$0x9880] =	vst v63  }
0x10d: {  	_ =	swait.ge [sflag:s5], $0x2000  }
0x10e: {  	[sflag:s5] =	ssyncset.done $0x0  }
0x10f: {  	[sflag:s5] =	ssyncadd.s32 $0xFFFFE000  }
0x110: {  	_ =	swait.ge [sflag:s12], $0x2000  }
0x111: {  	[sflag:s12] =	ssyncset.done $0x0  }
0x112: {  	[sflag:s12] =	ssyncadd.s32 $0xFFFFE000  }
0x113: {  	[spmem:s3] =	stream.indirect.scatter.add.f32 [tilespmem:s10], [sflag:$0x3], $0x80, s11, s7, $0xb8;
	[tilespmem:$0x9880] =	vst v63  }
0x114: {  	_ =	swait.ge [sflag:s5], $0x2000  }
0x115: {  	s20 =	sld [smem:$0x7F9]  }
0x116: {  	[sflag:s5] =	ssyncset.done $0x0  }
0x117: {  	s21 =	sld [smem:$0x7FA];
	[sflag:s5] =	ssyncadd.s32 $0xFFFFE000  }
0x118: {  	[tilespmem:s6], [sflag:$0x1] =	stream.indirect.gather [spmem:s2], $0x80, s20, s7, $0xb8;
	[tilespmem:$0x9880] =	vst v63  }
0x119: {  	_ = 	snop  }
0x11a: {  	[tilespmem:s10], [sflag:$0x2] =	stream.indirect.gather [spmem:s2], $0x80, s21, s7, $0xb8;
	[tilespmem:$0x9880] =	vst v63  }
0x11b: {  	_ =	swait.ge [sflag:s8], $0x2000  }
0x11c: {  	[sflag:s8] =	ssyncset.done $0x0  }
0x11d: {  	[sflag:s8] =	ssyncadd.s32 $0xFFFFE000  }
0x11e: {  	[spmem:s3] =	stream.indirect.scatter.add.f32 [tilespmem:s6], [sflag:$0x3], $0x80, s11, s7, $0xb8;
	[tilespmem:$0x9880] =	vst v63  }
0x11f: {  	_ =	swait.ge [sflag:s5], $0x2000  }
0x120: {  	[sflag:s5] =	ssyncset.done $0x0  }
0x121: {  	[sflag:s5] =	ssyncadd.s32 $0xFFFFE000  }
0x122: {  	_ =	swait.ge [sflag:s12], $0x2000  }
0x123: {  	[sflag:s12] =	ssyncset.done $0x0  }
0x124: {  	[sflag:s12] =	ssyncadd.s32 $0xFFFFE000  }
0x125: {  	[spmem:s3] =	stream.indirect.scatter.add.f32 [tilespmem:s10], [sflag:$0x3], $0x80, s11, s7, $0xb8;
	[tilespmem:$0x9880] =	vst v63  }
0x126: {  	_ =	swait.ge [sflag:s5], $0x2000  }
0x127: {  	[sflag:s5] =	ssyncset.done $0x0  }
0x128: {  	s22 =	rddreg [dreg:$0x9];
	[sflag:s5] =	ssyncadd.s32 $0xFFFFE000  }
0x129: {  	[hbm:s22], [sflag:s13] =	dma.local [spmem:s14], $0x400  }
0x12a: {  	_ =	swait.ge [sflag:s5], $0x400  }
0x12b: {  	s23 =	sld [smem:$0x7FB]  }
0x12c: {  	[sflag:s5] =	ssyncset.done $0x0  }
0x12d: {  	[sflag:s5] =	ssyncadd.s32 $0xFFFFFC00  }
0x12e: {  	[tilespmem:s6], [sflag:$0x1] =	stream.indirect.gather [spmem:s2], $0x80, s23, s7, $0xb8;
	[tilespmem:$0x9880] =	vst v63  }
0x12f: {  	_ =	swait.ge [sflag:s8], $0x2000  }
0x130: {  	[sflag:s8] =	ssyncset.done $0x0  }
0x131: {  	[sflag:s8] =	ssyncadd.s32 $0xFFFFE000  }
0x132: {  	[spmem:s9] =	stream.linear.scatter [tilespmem:s6], [sflag:$0x3], $0x2000, $0x38;
	[tilespmem:$0x9880] =	vst v63  }
0x133: {  	_ =	swait.ge [sflag:s5], $0x2000  }
0x134: {  	s24 =	sld [smem:$0x7FC]  }
0x135: {  	[sflag:s5] =	ssyncset.done $0x0  }
0x136: {  	s25 =	sld [smem:$0x7FD];
	[sflag:s5] =	ssyncadd.s32 $0xFFFFE000  }
0x137: {  	[tilespmem:s6], [sflag:$0x1] =	stream.indirect.gather [spmem:s2], $0x80, s24, s7, $0xb8;
	[tilespmem:$0x9880] =	vst v63  }
0x138: {  	_ = 	snop  }
0x139: {  	[tilespmem:s10], [sflag:$0x2] =	stream.indirect.gather [spmem:s2], $0x80, s25, s7, $0xb8;
	[tilespmem:$0x9880] =	vst v63  }
0x13a: {  	_ =	swait.ge [sflag:s8], $0x2000  }
0x13b: {  	[sflag:s8] =	ssyncset.done $0x0  }
0x13c: {  	[sflag:s8] =	ssyncadd.s32 $0xFFFFE000  }
0x13d: {  	[spmem:s3] =	stream.indirect.scatter.add.f32 [tilespmem:s6], [sflag:$0x3], $0x80, s11, s7, $0xb8;
	[tilespmem:$0x9880] =	vst v63  }
0x13e: {  	_ =	swait.ge [sflag:s5], $0x2000  }
0x13f: {  	[sflag:s5] =	ssyncset.done $0x0  }
0x140: {  	[sflag:s5] =	ssyncadd.s32 $0xFFFFE000  }
0x141: {  	_ =	swait.ge [sflag:s12], $0x2000  }
0x142: {  	[sflag:s12] =	ssyncset.done $0x0  }
0x143: {  	[sflag:s12] =	ssyncadd.s32 $0xFFFFE000  }
0x144: {  	[spmem:s3] =	stream.indirect.scatter.add.f32 [tilespmem:s10], [sflag:$0x3], $0x80, s11, s7, $0xb8;
	[tilespmem:$0x9880] =	vst v63  }
0x145: {  	_ =	swait.ge [sflag:s5], $0x2000  }
0x146: {  	[sflag:s5] =	ssyncset.done $0x0  }
0x147: {  	s15 =	simm.s32 $0x5C0;
	[sflag:s5] =	ssyncadd.s32 $0xFFFFE000  }
0x148: {  	[tilespmem:s6], [sflag:$0x1] =	stream.indirect.gather [spmem:s2], $0x80, s15, s7, $0xb8;
	[tilespmem:$0x9880] =	vst v63  }
0x149: {  	s16 =	simm.s32 $0x640  }
0x14a: {  	[tilespmem:s10], [sflag:$0x2] =	stream.indirect.gather [spmem:s2], $0x80, s16, s7, $0xb8;
	[tilespmem:$0x9880] =	vst v63  }
0x14b: {  	_ =	swait.ge [sflag:s8], $0x2000  }
0x14c: {  	[sflag:s8] =	ssyncset.done $0x0  }
0x14d: {  	[sflag:s8] =	ssyncadd.s32 $0xFFFFE000  }
0x14e: {  	[spmem:s3] =	stream.indirect.scatter.add.f32 [tilespmem:s6], [sflag:$0x3], $0x80, s11, s7, $0xb8;
	[tilespmem:$0x9880] =	vst v63  }
0x14f: {  	_ =	swait.ge [sflag:s5], $0x2000  }
0x150: {  	[sflag:s5] =	ssyncset.done $0x0  }
0x151: {  	[sflag:s5] =	ssyncadd.s32 $0xFFFFE000  }
0x152: {  	_ =	swait.ge [sflag:s12], $0x2000  }
0x153: {  	[sflag:s12] =	ssyncset.done $0x0  }
0x154: {  	[sflag:s12] =	ssyncadd.s32 $0xFFFFE000  }
0x155: {  	[spmem:s3] =	stream.indirect.scatter.add.f32 [tilespmem:s10], [sflag:$0x3], $0x80, s11, s7, $0xb8;
	[tilespmem:$0x9880] =	vst v63  }
0x156: {  	_ =	swait.ge [sflag:s5], $0x2000  }
0x157: {  	[sflag:s5] =	ssyncset.done $0x0  }
0x158: {  	s17 =	simm.s32 $0x6C0;
	[sflag:s5] =	ssyncadd.s32 $0xFFFFE000  }
0x159: {  	[tilespmem:s6], [sflag:$0x1] =	stream.indirect.gather [spmem:s2], $0x80, s17, s7, $0xb8;
	[tilespmem:$0x9880] =	vst v63  }
0x15a: {  	s18 =	simm.s32 $0x740  }
0x15b: {  	[tilespmem:s10], [sflag:$0x2] =	stream.indirect.gather [spmem:s2], $0x80, s18, s7, $0xb8;
	[tilespmem:$0x9880] =	vst v63  }
0x15c: {  	_ =	swait.ge [sflag:s8], $0x2000  }
0x15d: {  	[sflag:s8] =	ssyncset.done $0x0  }
0x15e: {  	[sflag:s8] =	ssyncadd.s32 $0xFFFFE000  }
0x15f: {  	[spmem:s3] =	stream.indirect.scatter.add.f32 [tilespmem:s6], [sflag:$0x3], $0x80, s11, s7, $0xb8;
	[tilespmem:$0x9880] =	vst v63  }
0x160: {  	_ =	swait.ge [sflag:s5], $0x2000  }
0x161: {  	[sflag:s5] =	ssyncset.done $0x0  }
0x162: {  	[sflag:s5] =	ssyncadd.s32 $0xFFFFE000  }
0x163: {  	_ =	swait.ge [sflag:s12], $0x2000  }
0x164: {  	[sflag:s12] =	ssyncset.done $0x0  }
0x165: {  	[sflag:s12] =	ssyncadd.s32 $0xFFFFE000  }
0x166: {  	[spmem:s3] =	stream.indirect.scatter.add.f32 [tilespmem:s10], [sflag:$0x3], $0x80, s11, s7, $0xb8;
	[tilespmem:$0x9880] =	vst v63  }
0x167: {  	_ =	swait.ge [sflag:s5], $0x2000  }
0x168: {  	[sflag:s5] =	ssyncset.done $0x0  }
0x169: {  	s19 =	simm.s32 $0x7C0;
	[sflag:s5] =	ssyncadd.s32 $0xFFFFE000  }
0x16a: {  	[tilespmem:s6], [sflag:$0x1] =	stream.indirect.gather [spmem:s2], $0x80, s19, s7, $0xb8;
	[tilespmem:$0x9880] =	vst v63  }
0x16b: {  	s20 =	simm.s32 $0x1040  }
0x16c: {  	[tilespmem:s10], [sflag:$0x2] =	stream.indirect.gather [spmem:s2], $0x80, s20, s7, $0xb8;
	[tilespmem:$0x9880] =	vst v63  }
0x16d: {  	_ =	swait.ge [sflag:s8], $0x2000  }
0x16e: {  	[sflag:s8] =	ssyncset.done $0x0  }
0x16f: {  	[sflag:s8] =	ssyncadd.s32 $0xFFFFE000  }
0x170: {  	[spmem:s3] =	stream.indirect.scatter.add.f32 [tilespmem:s6], [sflag:$0x3], $0x80, s11, s7, $0xb8;
	[tilespmem:$0x9880] =	vst v63  }
0x171: {  	_ =	swait.ge [sflag:s5], $0x2000  }
0x172: {  	[sflag:s5] =	ssyncset.done $0x0  }
0x173: {  	[sflag:s5] =	ssyncadd.s32 $0xFFFFE000  }
0x174: {  	_ =	swait.ge [sflag:s12], $0x2000  }
0x175: {  	[sflag:s12] =	ssyncset.done $0x0  }
0x176: {  	[sflag:s12] =	ssyncadd.s32 $0xFFFFE000  }
0x177: {  	[spmem:s3] =	stream.indirect.scatter.add.f32 [tilespmem:s10], [sflag:$0x3], $0x80, s11, s7, $0xb8;
	[tilespmem:$0x9880] =	vst v63  }
0x178: {  	_ =	swait.ge [sflag:s5], $0x2000  }
0x179: {  	[sflag:s5] =	ssyncset.done $0x0  }
0x17a: {  	s26 =	rddreg [dreg:$0xa];
	[sflag:s5] =	ssyncadd.s32 $0xFFFFE000  }
0x17b: {  	[hbm:s26], [sflag:s13] =	dma.local [spmem:s14], $0x400  }
0x17c: {  	_ =	swait.ge [sflag:s5], $0x400  }
0x17d: {  	[sflag:s5] =	ssyncset.done $0x0  }
0x17e: {  	s21 =	simm.s32 $0x800;
	[sflag:s5] =	ssyncadd.s32 $0xFFFFFC00  }
0x17f: {  	[tilespmem:s6], [sflag:$0x1] =	stream.indirect.gather [spmem:s2], $0x80, s21, s7, $0xb8;
	[tilespmem:$0x9880] =	vst v63  }
0x180: {  	_ =	swait.ge [sflag:s8], $0x2000  }
0x181: {  	[sflag:s8] =	ssyncset.done $0x0  }
0x182: {  	[sflag:s8] =	ssyncadd.s32 $0xFFFFE000  }
0x183: {  	[spmem:s9] =	stream.linear.scatter [tilespmem:s6], [sflag:$0x3], $0x2000, $0x38;
	[tilespmem:$0x9880] =	vst v63  }
0x184: {  	_ =	swait.ge [sflag:s5], $0x2000  }
0x185: {  	[sflag:s5] =	ssyncset.done $0x0  }
0x186: {  	s22 =	simm.s32 $0x880;
	[sflag:s5] =	ssyncadd.s32 $0xFFFFE000  }
0x187: {  	[tilespmem:s6], [sflag:$0x1] =	stream.indirect.gather [spmem:s2], $0x80, s22, s7, $0xb8;
	[tilespmem:$0x9880] =	vst v63  }
0x188: {  	s23 =	simm.s32 $0x900  }
0x189: {  	[tilespmem:s10], [sflag:$0x2] =	stream.indirect.gather [spmem:s2], $0x80, s23, s7, $0xb8;
	[tilespmem:$0x9880] =	vst v63  }
0x18a: {  	_ =	swait.ge [sflag:s8], $0x2000  }
0x18b: {  	[sflag:s8] =	ssyncset.done $0x0  }
0x18c: {  	[sflag:s8] =	ssyncadd.s32 $0xFFFFE000  }
0x18d: {  	[spmem:s3] =	stream.indirect.scatter.add.f32 [tilespmem:s6], [sflag:$0x3], $0x80, s11, s7, $0xb8;
	[tilespmem:$0x9880] =	vst v63  }
0x18e: {  	_ =	swait.ge [sflag:s5], $0x2000  }
0x18f: {  	[sflag:s5] =	ssyncset.done $0x0  }
0x190: {  	[sflag:s5] =	ssyncadd.s32 $0xFFFFE000  }
0x191: {  	_ =	swait.ge [sflag:s12], $0x2000  }
0x192: {  	[sflag:s12] =	ssyncset.done $0x0  }
0x193: {  	[sflag:s12] =	ssyncadd.s32 $0xFFFFE000  }
0x194: {  	[spmem:s3] =	stream.indirect.scatter.add.f32 [tilespmem:s10], [sflag:$0x3], $0x80, s11, s7, $0xb8;
	[tilespmem:$0x9880] =	vst v63  }
0x195: {  	_ =	swait.ge [sflag:s5], $0x2000  }
0x196: {  	[sflag:s5] =	ssyncset.done $0x0  }
0x197: {  	s24 =	simm.s32 $0x980;
	[sflag:s5] =	ssyncadd.s32 $0xFFFFE000  }
0x198: {  	[tilespmem:s6], [sflag:$0x1] =	stream.indirect.gather [spmem:s2], $0x80, s24, s7, $0xb8;
	[tilespmem:$0x9880] =	vst v63  }
0x199: {  	s25 =	simm.s32 $0xA00  }
0x19a: {  	[tilespmem:s10], [sflag:$0x2] =	stream.indirect.gather [spmem:s2], $0x80, s25, s7, $0xb8;
	[tilespmem:$0x9880] =	vst v63  }
0x19b: {  	_ =	swait.ge [sflag:s8], $0x2000  }
0x19c: {  	[sflag:s8] =	ssyncset.done $0x0  }
0x19d: {  	[sflag:s8] =	ssyncadd.s32 $0xFFFFE000  }
0x19e: {  	[spmem:s3] =	stream.indirect.scatter.add.f32 [tilespmem:s6], [sflag:$0x3], $0x80, s11, s7, $0xb8;
	[tilespmem:$0x9880] =	vst v63  }
0x19f: {  	_ =	swait.ge [sflag:s5], $0x2000  }
0x1a0: {  	[sflag:s5] =	ssyncset.done $0x0  }
0x1a1: {  	[sflag:s5] =	ssyncadd.s32 $0xFFFFE000  }
0x1a2: {  	_ =	swait.ge [sflag:s12], $0x2000  }
0x1a3: {  	[sflag:s12] =	ssyncset.done $0x0  }
0x1a4: {  	[sflag:s12] =	ssyncadd.s32 $0xFFFFE000  }
0x1a5: {  	[spmem:s3] =	stream.indirect.scatter.add.f32 [tilespmem:s10], [sflag:$0x3], $0x80, s11, s7, $0xb8;
	[tilespmem:$0x9880] =	vst v63  }
0x1a6: {  	_ =	swait.ge [sflag:s5], $0x2000  }
0x1a7: {  	[sflag:s5] =	ssyncset.done $0x0  }
0x1a8: {  	s26 =	simm.s32 $0xA80;
	[sflag:s5] =	ssyncadd.s32 $0xFFFFE000  }
0x1a9: {  	[tilespmem:s6], [sflag:$0x1] =	stream.indirect.gather [spmem:s2], $0x80, s26, s7, $0xb8;
	[tilespmem:$0x9880] =	vst v63  }
0x1aa: {  	s28 =	simm.s32 $0xB00  }
0x1ab: {  	[tilespmem:s10], [sflag:$0x2] =	stream.indirect.gather [spmem:s2], $0x80, s28, s7, $0xb8;
	[tilespmem:$0x9880] =	vst v63  }
0x1ac: {  	_ =	swait.ge [sflag:s8], $0x2000  }
0x1ad: {  	[sflag:s8] =	ssyncset.done $0x0  }
0x1ae: {  	[sflag:s8] =	ssyncadd.s32 $0xFFFFE000  }
0x1af: {  	[spmem:s3] =	stream.indirect.scatter.add.f32 [tilespmem:s6], [sflag:$0x3], $0x80, s11, s7, $0xb8;
	[tilespmem:$0x9880] =	vst v63  }
0x1b0: {  	_ =	swait.ge [sflag:s5], $0x2000  }
0x1b1: {  	[sflag:s5] =	ssyncset.done $0x0  }
0x1b2: {  	[sflag:s5] =	ssyncadd.s32 $0xFFFFE000  }
0x1b3: {  	_ =	swait.ge [sflag:s12], $0x2000  }
0x1b4: {  	[sflag:s12] =	ssyncset.done $0x0  }
0x1b5: {  	[sflag:s12] =	ssyncadd.s32 $0xFFFFE000  }
0x1b6: {  	[spmem:s3] =	stream.indirect.scatter.add.f32 [tilespmem:s10], [sflag:$0x3], $0x80, s11, s7, $0xb8;
	[tilespmem:$0x9880] =	vst v63  }
0x1b7: {  	_ =	swait.ge [sflag:s5], $0x2000  }
0x1b8: {  	[sflag:s5] =	ssyncset.done $0x0  }
0x1b9: {  	s29 =	simm.s32 $0xB80;
	[sflag:s5] =	ssyncadd.s32 $0xFFFFE000  }
0x1ba: {  	[tilespmem:s6], [sflag:$0x1] =	stream.indirect.gather [spmem:s2], $0x80, s29, s7, $0xb8;
	[tilespmem:$0x9880] =	vst v63  }
0x1bb: {  	s30 =	simm.s32 $0x1400  }
0x1bc: {  	[tilespmem:s10], [sflag:$0x2] =	stream.indirect.gather [spmem:s2], $0x80, s30, s7, $0xb8;
	[tilespmem:$0x9880] =	vst v63  }
0x1bd: {  	_ =	swait.ge [sflag:s8], $0x2000  }
0x1be: {  	[sflag:s8] =	ssyncset.done $0x0  }
0x1bf: {  	[sflag:s8] =	ssyncadd.s32 $0xFFFFE000  }
0x1c0: {  	[spmem:s3] =	stream.indirect.scatter.add.f32 [tilespmem:s6], [sflag:$0x3], $0x80, s11, s7, $0xb8;
	[tilespmem:$0x9880] =	vst v63  }
0x1c1: {  	s0 =	ssub.s32 $0x2, s31;
	_ =	swait.ge [sflag:s5], $0x2000  }
0x1c2: {  	s31 =	sshrl.u32 s0, $0x1;
	[sflag:s5] =	ssyncset.done $0x0  }
0x1c3: {  	s1 =	ssub.s32 s0, s31;
	[sflag:s5] =	ssyncadd.s32 $0xFFFFE000  }
0x1c4: {  	s1 =	smax.u32 s1, $0x1;
	_ =	swait.ge [sflag:s12], $0x2000  }
0x1c5: {  	p0 =	sne.s32 s1, $0x1;
	[sflag:s12] =	ssyncset.done $0x0  }
.Ltmp0:
0x1c6: {  	[sflag:s12] =	ssyncadd.s32 $0xFFFFE000;
	(pc) =	sbr.rel @!p0 .LBB2_2-.Ltmp0, $4  }
0x1c7: {  	[spmem:s3] =	stream.indirect.scatter.add.f32 [tilespmem:s10], [sflag:$0x3], $0x80, s11, s7, $0xb8;
	[tilespmem:$0x9880] =	vst v63  }
0x1c8: {  	_ =	swait.ge [sflag:s5], $0x2000  }
0x1c9: {  	[sflag:s5] =	ssyncset.done $0x0  }
0x1ca: {  	s31 =	sadd.s32 $0xFFFFFFFF, s1;
	s1 =	rddreg [dreg:$0xb];
	[sflag:s5] =	ssyncadd.s32 $0xFFFFE000  }
.LBB2_1:
0x1cb: {  	[hbm:s1], [sflag:s13] =	dma.local [spmem:s14], $0x400  }
0x1cc: {  	_ =	swait.ge [sflag:s5], $0x400  }
0x1cd: {  	[sflag:s5] =	ssyncset.done $0x0  }
0x1ce: {  	s0 =	rddreg [dreg:$0x4];
	[sflag:s5] =	ssyncadd.s32 $0xFFFFFC00  }
0x1cf: {  	[tilespmem:s4], [sflag:$0x3] =	stream.linear.gather [hbm4b:s0+s4], $0x1800, $0x38;
	[tilespmem:$0x9880] =	vst v63  }
0x1d0: {  	_ =	swait.ge [sflag:s5], $0x1800  }
0x1d1: {  	[sflag:s5] =	ssyncset.done $0x0  }
0x1d2: {  	s0 =	rddreg [dreg:$0x5];
	[sflag:s5] =	ssyncadd.s32 $0xFFFFE800  }
0x1d3: {  	[tilespmem:s6], [sflag:$0x3] =	stream.linear.gather [hbm4b:s0+s4], $0x2000, $0x38;
	[tilespmem:$0x9880] =	vst v63  }
0x1d4: {  	_ =	swait.ge [sflag:s5], $0x2000  }
0x1d5: {  	[sflag:s5] =	ssyncset.done $0x0  }
0x1d6: {  	s0 =	rddreg [dreg:$0x6];
	[sflag:s5] =	ssyncadd.s32 $0xFFFFE000  }
0x1d7: {  	[spmem:s0] =	stream.linear.scatter [tilespmem:s6], [sflag:$0x3], $0x2000, $0x38;
	[tilespmem:$0x9880] =	vst v63  }
0x1d8: {  	_ =	swait.ge [sflag:s5], $0x2000  }
0x1d9: {  	[sflag:s5] =	ssyncset.done $0x0  }
0x1da: {  	[sflag:s5] =	ssyncadd.s32 $0xFFFFE000  }
0x1db: {  	[bflag:$0x0] =	sbarrier.arrive $0xFFFF  }
0x1dc: {  	[tilespmem:$0x1830] =	vst v0  }
0x1dd: {  	[tilespmem:$0x1820] =	vst v1  }
0x1de: {  	[tilespmem:$0x1800] =	vst v2  }
0x1df: {  	[tilespmem:$0x1810] =	vst v3  }
0x1e0: {  	[tilespmem:s6], [sflag:$0x1] =	stream.indirect.gather [spmem:s2], $0x80, s4, s7, $0xb8;
	[tilespmem:$0x9880] =	vst v63  }
0x1e1: {  	_ =	swait.ge [sflag:s8], $0x2000  }
0x1e2: {  	[sflag:s8] =	ssyncset.done $0x0  }
0x1e3: {  	[sflag:s8] =	ssyncadd.s32 $0xFFFFE000  }
0x1e4: {  	[spmem:s9] =	stream.linear.scatter [tilespmem:s6], [sflag:$0x3], $0x2000, $0x38;
	[tilespmem:$0x9880] =	vst v63  }
0x1e5: {  	_ =	swait.ge [sflag:s5], $0x2000  }
0x1e6: {  	[sflag:s5] =	ssyncset.done $0x0  }
0x1e7: {  	s1 =	rddreg [dreg:$0xc];
	[sflag:s5] =	ssyncadd.s32 $0xFFFFE000  }
0x1e8: {  	[tilespmem:s6], [sflag:$0x1] =	stream.indirect.gather [spmem:s2], $0x80, s1, s7, $0xb8;
	[tilespmem:$0x9880] =	vst v63  }
0x1e9: {  	s0 =	rddreg [dreg:$0xd]  }
0x1ea: {  	[tilespmem:s10], [sflag:$0x2] =	stream.indirect.gather [spmem:s2], $0x80, s0, s7, $0xb8;
	[tilespmem:$0x9880] =	vst v63  }
0x1eb: {  	_ =	swait.ge [sflag:s8], $0x2000  }
0x1ec: {  	[sflag:s8] =	ssyncset.done $0x0  }
0x1ed: {  	[sflag:s8] =	ssyncadd.s32 $0xFFFFE000  }
0x1ee: {  	[spmem:s3] =	stream.indirect.scatter.add.f32 [tilespmem:s6], [sflag:$0x3], $0x80, s11, s7, $0xb8;
	[tilespmem:$0x9880] =	vst v63  }
0x1ef: {  	_ =	swait.ge [sflag:s5], $0x2000  }
0x1f0: {  	[sflag:s5] =	ssyncset.done $0x0  }
0x1f1: {  	[sflag:s5] =	ssyncadd.s32 $0xFFFFE000  }
0x1f2: {  	_ =	swait.ge [sflag:s12], $0x2000  }
0x1f3: {  	[sflag:s12] =	ssyncset.done $0x0  }
0x1f4: {  	[sflag:s12] =	ssyncadd.s32 $0xFFFFE000  }
0x1f5: {  	[spmem:s3] =	stream.indirect.scatter.add.f32 [tilespmem:s10], [sflag:$0x3], $0x80, s11, s7, $0xb8;
	[tilespmem:$0x9880] =	vst v63  }
0x1f6: {  	_ =	swait.ge [sflag:s5], $0x2000  }
0x1f7: {  	[sflag:s5] =	ssyncset.done $0x0  }
0x1f8: {  	s0 =	rddreg [dreg:$0xe];
	[sflag:s5] =	ssyncadd.s32 $0xFFFFE000  }
0x1f9: {  	[tilespmem:s6], [sflag:$0x1] =	stream.indirect.gather [spmem:s2], $0x80, s0, s7, $0xb8;
	[tilespmem:$0x9880] =	vst v63  }
0x1fa: {  	s1 =	rddreg [dreg:$0xf]  }
0x1fb: {  	[tilespmem:s10], [sflag:$0x2] =	stream.indirect.gather [spmem:s2], $0x80, s1, s7, $0xb8;
	[tilespmem:$0x9880] =	vst v63  }
0x1fc: {  	_ =	swait.ge [sflag:s8], $0x2000  }
0x1fd: {  	[sflag:s8] =	ssyncset.done $0x0  }
0x1fe: {  	[sflag:s8] =	ssyncadd.s32 $0xFFFFE000  }
0x1ff: {  	[spmem:s3] =	stream.indirect.scatter.add.f32 [tilespmem:s6], [sflag:$0x3], $0x80, s11, s7, $0xb8;
	[tilespmem:$0x9880] =	vst v63  }
0x200: {  	_ =	swait.ge [sflag:s5], $0x2000  }
0x201: {  	[sflag:s5] =	ssyncset.done $0x0  }
0x202: {  	[sflag:s5] =	ssyncadd.s32 $0xFFFFE000  }
0x203: {  	_ =	swait.ge [sflag:s12], $0x2000  }
0x204: {  	[sflag:s12] =	ssyncset.done $0x0  }
0x205: {  	[sflag:s12] =	ssyncadd.s32 $0xFFFFE000  }
0x206: {  	[spmem:s3] =	stream.indirect.scatter.add.f32 [tilespmem:s10], [sflag:$0x3], $0x80, s11, s7, $0xb8;
	[tilespmem:$0x9880] =	vst v63  }
0x207: {  	_ =	swait.ge [sflag:s5], $0x2000  }
0x208: {  	[sflag:s5] =	ssyncset.done $0x0  }
0x209: {  	s0 =	rddreg [dreg:$0x10];
	[sflag:s5] =	ssyncadd.s32 $0xFFFFE000  }
0x20a: {  	[tilespmem:s6], [sflag:$0x1] =	stream.indirect.gather [spmem:s2], $0x80, s0, s7, $0xb8;
	[tilespmem:$0x9880] =	vst v63  }
0x20b: {  	s1 =	rddreg [dreg:$0x11]  }
0x20c: {  	[tilespmem:s10], [sflag:$0x2] =	stream.indirect.gather [spmem:s2], $0x80, s1, s7, $0xb8;
	[tilespmem:$0x9880] =	vst v63  }
0x20d: {  	_ =	swait.ge [sflag:s8], $0x2000  }
0x20e: {  	[sflag:s8] =	ssyncset.done $0x0  }
0x20f: {  	[sflag:s8] =	ssyncadd.s32 $0xFFFFE000  }
0x210: {  	[spmem:s3] =	stream.indirect.scatter.add.f32 [tilespmem:s6], [sflag:$0x3], $0x80, s11, s7, $0xb8;
	[tilespmem:$0x9880] =	vst v63  }
0x211: {  	_ =	swait.ge [sflag:s5], $0x2000  }
0x212: {  	[sflag:s5] =	ssyncset.done $0x0  }
0x213: {  	[sflag:s5] =	ssyncadd.s32 $0xFFFFE000  }
0x214: {  	_ =	swait.ge [sflag:s12], $0x2000  }
0x215: {  	[sflag:s12] =	ssyncset.done $0x0  }
0x216: {  	[sflag:s12] =	ssyncadd.s32 $0xFFFFE000  }
0x217: {  	[spmem:s3] =	stream.indirect.scatter.add.f32 [tilespmem:s10], [sflag:$0x3], $0x80, s11, s7, $0xb8;
	[tilespmem:$0x9880] =	vst v63  }
0x218: {  	_ =	swait.ge [sflag:s5], $0x2000  }
0x219: {  	[sflag:s5] =	ssyncset.done $0x0  }
0x21a: {  	s0 =	rddreg [dreg:$0x12];
	[sflag:s5] =	ssyncadd.s32 $0xFFFFE000  }
0x21b: {  	[tilespmem:s6], [sflag:$0x1] =	stream.indirect.gather [spmem:s2], $0x80, s0, s7, $0xb8;
	[tilespmem:$0x9880] =	vst v63  }
0x21c: {  	s1 =	rddreg [dreg:$0x13]  }
0x21d: {  	[tilespmem:s10], [sflag:$0x2] =	stream.indirect.gather [spmem:s2], $0x80, s1, s7, $0xb8;
	[tilespmem:$0x9880] =	vst v63  }
0x21e: {  	_ =	swait.ge [sflag:s8], $0x2000  }
0x21f: {  	[sflag:s8] =	ssyncset.done $0x0  }
0x220: {  	[sflag:s8] =	ssyncadd.s32 $0xFFFFE000  }
0x221: {  	[spmem:s3] =	stream.indirect.scatter.add.f32 [tilespmem:s6], [sflag:$0x3], $0x80, s11, s7, $0xb8;
	[tilespmem:$0x9880] =	vst v63  }
0x222: {  	_ =	swait.ge [sflag:s5], $0x2000  }
0x223: {  	[sflag:s5] =	ssyncset.done $0x0  }
0x224: {  	[sflag:s5] =	ssyncadd.s32 $0xFFFFE000  }
0x225: {  	_ =	swait.ge [sflag:s12], $0x2000  }
0x226: {  	[sflag:s12] =	ssyncset.done $0x0  }
0x227: {  	[sflag:s12] =	ssyncadd.s32 $0xFFFFE000  }
0x228: {  	[spmem:s3] =	stream.indirect.scatter.add.f32 [tilespmem:s10], [sflag:$0x3], $0x80, s11, s7, $0xb8;
	[tilespmem:$0x9880] =	vst v63  }
0x229: {  	_ =	swait.ge [sflag:s5], $0x2000  }
0x22a: {  	[sflag:s5] =	ssyncset.done $0x0  }
0x22b: {  	s1 =	rddreg [dreg:$0x7];
	[sflag:s5] =	ssyncadd.s32 $0xFFFFE000  }
0x22c: {  	[hbm:s1], [sflag:s13] =	dma.local [spmem:s14], $0x400  }
0x22d: {  	_ =	swait.ge [sflag:s5], $0x400  }
0x22e: {  	[sflag:s5] =	ssyncset.done $0x0  }
0x22f: {  	[sflag:s5] =	ssyncadd.s32 $0xFFFFFC00  }
0x230: {  	[tilespmem:s6], [sflag:$0x1] =	stream.indirect.gather [spmem:s2], $0x80, s7, s7, $0xb8;
	[tilespmem:$0x9880] =	vst v63  }
0x231: {  	_ =	swait.ge [sflag:s8], $0x2000  }
0x232: {  	[sflag:s8] =	ssyncset.done $0x0  }
0x233: {  	[sflag:s8] =	ssyncadd.s32 $0xFFFFE000  }
0x234: {  	[spmem:s9] =	stream.linear.scatter [tilespmem:s6], [sflag:$0x3], $0x2000, $0x38;
	[tilespmem:$0x9880] =	vst v63  }
0x235: {  	_ =	swait.ge [sflag:s5], $0x2000  }
0x236: {  	[sflag:s5] =	ssyncset.done $0x0  }
0x237: {  	s0 =	rddreg [dreg:$0x14];
	[sflag:s5] =	ssyncadd.s32 $0xFFFFE000  }
0x238: {  	[tilespmem:s6], [sflag:$0x1] =	stream.indirect.gather [spmem:s2], $0x80, s0, s7, $0xb8;
	[tilespmem:$0x9880] =	vst v63  }
0x239: {  	s1 =	rddreg [dreg:$0x15]  }
0x23a: {  	[tilespmem:s10], [sflag:$0x2] =	stream.indirect.gather [spmem:s2], $0x80, s1, s7, $0xb8;
	[tilespmem:$0x9880] =	vst v63  }
0x23b: {  	_ =	swait.ge [sflag:s8], $0x2000  }
0x23c: {  	[sflag:s8] =	ssyncset.done $0x0  }
0x23d: {  	[sflag:s8] =	ssyncadd.s32 $0xFFFFE000  }
0x23e: {  	[spmem:s3] =	stream.indirect.scatter.add.f32 [tilespmem:s6], [sflag:$0x3], $0x80, s11, s7, $0xb8;
	[tilespmem:$0x9880] =	vst v63  }
0x23f: {  	_ =	swait.ge [sflag:s5], $0x2000  }
0x240: {  	[sflag:s5] =	ssyncset.done $0x0  }
0x241: {  	[sflag:s5] =	ssyncadd.s32 $0xFFFFE000  }
0x242: {  	_ =	swait.ge [sflag:s12], $0x2000  }
0x243: {  	[sflag:s12] =	ssyncset.done $0x0  }
0x244: {  	[sflag:s12] =	ssyncadd.s32 $0xFFFFE000  }
0x245: {  	[spmem:s3] =	stream.indirect.scatter.add.f32 [tilespmem:s10], [sflag:$0x3], $0x80, s11, s7, $0xb8;
	[tilespmem:$0x9880] =	vst v63  }
0x246: {  	_ =	swait.ge [sflag:s5], $0x2000  }
0x247: {  	[sflag:s5] =	ssyncset.done $0x0  }
0x248: {  	s0 =	rddreg [dreg:$0x16];
	[sflag:s5] =	ssyncadd.s32 $0xFFFFE000  }
0x249: {  	[tilespmem:s6], [sflag:$0x1] =	stream.indirect.gather [spmem:s2], $0x80, s0, s7, $0xb8;
	[tilespmem:$0x9880] =	vst v63  }
0x24a: {  	s1 =	rddreg [dreg:$0x17]  }
0x24b: {  	[tilespmem:s10], [sflag:$0x2] =	stream.indirect.gather [spmem:s2], $0x80, s1, s7, $0xb8;
	[tilespmem:$0x9880] =	vst v63  }
0x24c: {  	_ =	swait.ge [sflag:s8], $0x2000  }
0x24d: {  	[sflag:s8] =	ssyncset.done $0x0  }
0x24e: {  	[sflag:s8] =	ssyncadd.s32 $0xFFFFE000  }
0x24f: {  	[spmem:s3] =	stream.indirect.scatter.add.f32 [tilespmem:s6], [sflag:$0x3], $0x80, s11, s7, $0xb8;
	[tilespmem:$0x9880] =	vst v63  }
0x250: {  	_ =	swait.ge [sflag:s5], $0x2000  }
0x251: {  	[sflag:s5] =	ssyncset.done $0x0  }
0x252: {  	[sflag:s5] =	ssyncadd.s32 $0xFFFFE000  }
0x253: {  	_ =	swait.ge [sflag:s12], $0x2000  }
0x254: {  	[sflag:s12] =	ssyncset.done $0x0  }
0x255: {  	[sflag:s12] =	ssyncadd.s32 $0xFFFFE000  }
0x256: {  	[spmem:s3] =	stream.indirect.scatter.add.f32 [tilespmem:s10], [sflag:$0x3], $0x80, s11, s7, $0xb8;
	[tilespmem:$0x9880] =	vst v63  }
0x257: {  	_ =	swait.ge [sflag:s5], $0x2000  }
0x258: {  	[sflag:s5] =	ssyncset.done $0x0  }
0x259: {  	s0 =	rddreg [dreg:$0x18];
	[sflag:s5] =	ssyncadd.s32 $0xFFFFE000  }
0x25a: {  	[tilespmem:s6], [sflag:$0x1] =	stream.indirect.gather [spmem:s2], $0x80, s0, s7, $0xb8;
	[tilespmem:$0x9880] =	vst v63  }
0x25b: {  	s1 =	rddreg [dreg:$0x19]  }
0x25c: {  	[tilespmem:s10], [sflag:$0x2] =	stream.indirect.gather [spmem:s2], $0x80, s1, s7, $0xb8;
	[tilespmem:$0x9880] =	vst v63  }
0x25d: {  	_ =	swait.ge [sflag:s8], $0x2000  }
0x25e: {  	[sflag:s8] =	ssyncset.done $0x0  }
0x25f: {  	[sflag:s8] =	ssyncadd.s32 $0xFFFFE000  }
0x260: {  	[spmem:s3] =	stream.indirect.scatter.add.f32 [tilespmem:s6], [sflag:$0x3], $0x80, s11, s7, $0xb8;
	[tilespmem:$0x9880] =	vst v63  }
0x261: {  	_ =	swait.ge [sflag:s5], $0x2000  }
0x262: {  	[sflag:s5] =	ssyncset.done $0x0  }
0x263: {  	[sflag:s5] =	ssyncadd.s32 $0xFFFFE000  }
0x264: {  	_ =	swait.ge [sflag:s12], $0x2000  }
0x265: {  	[sflag:s12] =	ssyncset.done $0x0  }
0x266: {  	[sflag:s12] =	ssyncadd.s32 $0xFFFFE000  }
0x267: {  	[spmem:s3] =	stream.indirect.scatter.add.f32 [tilespmem:s10], [sflag:$0x3], $0x80, s11, s7, $0xb8;
	[tilespmem:$0x9880] =	vst v63  }
0x268: {  	_ =	swait.ge [sflag:s5], $0x2000  }
0x269: {  	[sflag:s5] =	ssyncset.done $0x0  }
0x26a: {  	s0 =	rddreg [dreg:$0x1a];
	[sflag:s5] =	ssyncadd.s32 $0xFFFFE000  }
0x26b: {  	[tilespmem:s6], [sflag:$0x1] =	stream.indirect.gather [spmem:s2], $0x80, s0, s7, $0xb8;
	[tilespmem:$0x9880] =	vst v63  }
0x26c: {  	s1 =	rddreg [dreg:$0x1b]  }
0x26d: {  	[tilespmem:s10], [sflag:$0x2] =	stream.indirect.gather [spmem:s2], $0x80, s1, s7, $0xb8;
	[tilespmem:$0x9880] =	vst v63  }
0x26e: {  	_ =	swait.ge [sflag:s8], $0x2000  }
0x26f: {  	[sflag:s8] =	ssyncset.done $0x0  }
0x270: {  	[sflag:s8] =	ssyncadd.s32 $0xFFFFE000  }
0x271: {  	[spmem:s3] =	stream.indirect.scatter.add.f32 [tilespmem:s6], [sflag:$0x3], $0x80, s11, s7, $0xb8;
	[tilespmem:$0x9880] =	vst v63  }
0x272: {  	_ =	swait.ge [sflag:s5], $0x2000  }
0x273: {  	[sflag:s5] =	ssyncset.done $0x0  }
0x274: {  	[sflag:s5] =	ssyncadd.s32 $0xFFFFE000  }
0x275: {  	_ =	swait.ge [sflag:s12], $0x2000  }
0x276: {  	[sflag:s12] =	ssyncset.done $0x0  }
0x277: {  	[sflag:s12] =	ssyncadd.s32 $0xFFFFE000  }
0x278: {  	[spmem:s3] =	stream.indirect.scatter.add.f32 [tilespmem:s10], [sflag:$0x3], $0x80, s11, s7, $0xb8;
	[tilespmem:$0x9880] =	vst v63  }
0x279: {  	_ =	swait.ge [sflag:s5], $0x2000  }
0x27a: {  	[sflag:s5] =	ssyncset.done $0x0  }
0x27b: {  	s1 =	rddreg [dreg:$0x8];
	[sflag:s5] =	ssyncadd.s32 $0xFFFFE000  }
0x27c: {  	[hbm:s1], [sflag:s13] =	dma.local [spmem:s14], $0x400  }
0x27d: {  	_ =	swait.ge [sflag:s5], $0x400  }
0x27e: {  	[sflag:s5] =	ssyncset.done $0x0  }
0x27f: {  	s1 =	rddreg [dreg:$0x1c];
	[sflag:s5] =	ssyncadd.s32 $0xFFFFFC00  }
0x280: {  	[tilespmem:s6], [sflag:$0x1] =	stream.indirect.gather [spmem:s2], $0x80, s1, s7, $0xb8;
	[tilespmem:$0x9880] =	vst v63  }
0x281: {  	_ =	swait.ge [sflag:s8], $0x2000  }
0x282: {  	[sflag:s8] =	ssyncset.done $0x0  }
0x283: {  	[sflag:s8] =	ssyncadd.s32 $0xFFFFE000  }
0x284: {  	[spmem:s9] =	stream.linear.scatter [tilespmem:s6], [sflag:$0x3], $0x2000, $0x38;
	[tilespmem:$0x9880] =	vst v63  }
0x285: {  	_ =	swait.ge [sflag:s5], $0x2000  }
0x286: {  	[sflag:s5] =	ssyncset.done $0x0  }
0x287: {  	s0 =	rddreg [dreg:$0x1d];
	[sflag:s5] =	ssyncadd.s32 $0xFFFFE000  }
0x288: {  	[tilespmem:s6], [sflag:$0x1] =	stream.indirect.gather [spmem:s2], $0x80, s0, s7, $0xb8;
	[tilespmem:$0x9880] =	vst v63  }
0x289: {  	s1 =	rddreg [dreg:$0x1e]  }
0x28a: {  	[tilespmem:s10], [sflag:$0x2] =	stream.indirect.gather [spmem:s2], $0x80, s1, s7, $0xb8;
	[tilespmem:$0x9880] =	vst v63  }
0x28b: {  	_ =	swait.ge [sflag:s8], $0x2000  }
0x28c: {  	[sflag:s8] =	ssyncset.done $0x0  }
0x28d: {  	[sflag:s8] =	ssyncadd.s32 $0xFFFFE000  }
0x28e: {  	[spmem:s3] =	stream.indirect.scatter.add.f32 [tilespmem:s6], [sflag:$0x3], $0x80, s11, s7, $0xb8;
	[tilespmem:$0x9880] =	vst v63  }
0x28f: {  	_ =	swait.ge [sflag:s5], $0x2000  }
0x290: {  	[sflag:s5] =	ssyncset.done $0x0  }
0x291: {  	[sflag:s5] =	ssyncadd.s32 $0xFFFFE000  }
0x292: {  	_ =	swait.ge [sflag:s12], $0x2000  }
0x293: {  	[sflag:s12] =	ssyncset.done $0x0  }
0x294: {  	[sflag:s12] =	ssyncadd.s32 $0xFFFFE000  }
0x295: {  	[spmem:s3] =	stream.indirect.scatter.add.f32 [tilespmem:s10], [sflag:$0x3], $0x80, s11, s7, $0xb8;
	[tilespmem:$0x9880] =	vst v63  }
0x296: {  	_ =	swait.ge [sflag:s5], $0x2000  }
0x297: {  	[sflag:s5] =	ssyncset.done $0x0;
	s0 =	rddreg [dreg:$0x1f]  }
0x298: {  	s1 =	sld [smem:$0x7F6];
	[sflag:s5] =	ssyncadd.s32 $0xFFFFE000  }
0x299: {  	[tilespmem:s6], [sflag:$0x1] =	stream.indirect.gather [spmem:s2], $0x80, s0, s7, $0xb8;
	[tilespmem:$0x9880] =	vst v63  }
0x29a: {  	_ = 	snop  }
0x29b: {  	[tilespmem:s10], [sflag:$0x2] =	stream.indirect.gather [spmem:s2], $0x80, s1, s7, $0xb8;
	[tilespmem:$0x9880] =	vst v63  }
0x29c: {  	_ =	swait.ge [sflag:s8], $0x2000  }
0x29d: {  	[sflag:s8] =	ssyncset.done $0x0  }
0x29e: {  	[sflag:s8] =	ssyncadd.s32 $0xFFFFE000  }
0x29f: {  	[spmem:s3] =	stream.indirect.scatter.add.f32 [tilespmem:s6], [sflag:$0x3], $0x80, s11, s7, $0xb8;
	[tilespmem:$0x9880] =	vst v63  }
0x2a0: {  	_ =	swait.ge [sflag:s5], $0x2000  }
0x2a1: {  	[sflag:s5] =	ssyncset.done $0x0  }
0x2a2: {  	[sflag:s5] =	ssyncadd.s32 $0xFFFFE000  }
0x2a3: {  	_ =	swait.ge [sflag:s12], $0x2000  }
0x2a4: {  	[sflag:s12] =	ssyncset.done $0x0  }
0x2a5: {  	[sflag:s12] =	ssyncadd.s32 $0xFFFFE000  }
0x2a6: {  	[spmem:s3] =	stream.indirect.scatter.add.f32 [tilespmem:s10], [sflag:$0x3], $0x80, s11, s7, $0xb8;
	[tilespmem:$0x9880] =	vst v63  }
0x2a7: {  	_ =	swait.ge [sflag:s5], $0x2000  }
0x2a8: {  	s0 =	sld [smem:$0x7F7]  }
0x2a9: {  	[sflag:s5] =	ssyncset.done $0x0  }
0x2aa: {  	s1 =	sld [smem:$0x7F8];
	[sflag:s5] =	ssyncadd.s32 $0xFFFFE000  }
0x2ab: {  	[tilespmem:s6], [sflag:$0x1] =	stream.indirect.gather [spmem:s2], $0x80, s0, s7, $0xb8;
	[tilespmem:$0x9880] =	vst v63  }
0x2ac: {  	_ = 	snop  }
0x2ad: {  	[tilespmem:s10], [sflag:$0x2] =	stream.indirect.gather [spmem:s2], $0x80, s1, s7, $0xb8;
	[tilespmem:$0x9880] =	vst v63  }
0x2ae: {  	_ =	swait.ge [sflag:s8], $0x2000  }
0x2af: {  	[sflag:s8] =	ssyncset.done $0x0  }
0x2b0: {  	[sflag:s8] =	ssyncadd.s32 $0xFFFFE000  }
0x2b1: {  	[spmem:s3] =	stream.indirect.scatter.add.f32 [tilespmem:s6], [sflag:$0x3], $0x80, s11, s7, $0xb8;
	[tilespmem:$0x9880] =	vst v63  }
0x2b2: {  	_ =	swait.ge [sflag:s5], $0x2000  }
0x2b3: {  	[sflag:s5] =	ssyncset.done $0x0  }
0x2b4: {  	[sflag:s5] =	ssyncadd.s32 $0xFFFFE000  }
0x2b5: {  	_ =	swait.ge [sflag:s12], $0x2000  }
0x2b6: {  	[sflag:s12] =	ssyncset.done $0x0  }
0x2b7: {  	[sflag:s12] =	ssyncadd.s32 $0xFFFFE000  }
0x2b8: {  	[spmem:s3] =	stream.indirect.scatter.add.f32 [tilespmem:s10], [sflag:$0x3], $0x80, s11, s7, $0xb8;
	[tilespmem:$0x9880] =	vst v63  }
0x2b9: {  	_ =	swait.ge [sflag:s5], $0x2000  }
0x2ba: {  	s0 =	sld [smem:$0x7F9]  }
0x2bb: {  	[sflag:s5] =	ssyncset.done $0x0  }
0x2bc: {  	s1 =	sld [smem:$0x7FA];
	[sflag:s5] =	ssyncadd.s32 $0xFFFFE000  }
0x2bd: {  	[tilespmem:s6], [sflag:$0x1] =	stream.indirect.gather [spmem:s2], $0x80, s0, s7, $0xb8;
	[tilespmem:$0x9880] =	vst v63  }
0x2be: {  	_ = 	snop  }
0x2bf: {  	[tilespmem:s10], [sflag:$0x2] =	stream.indirect.gather [spmem:s2], $0x80, s1, s7, $0xb8;
	[tilespmem:$0x9880] =	vst v63  }
0x2c0: {  	_ =	swait.ge [sflag:s8], $0x2000  }
0x2c1: {  	[sflag:s8] =	ssyncset.done $0x0  }
0x2c2: {  	[sflag:s8] =	ssyncadd.s32 $0xFFFFE000  }
0x2c3: {  	[spmem:s3] =	stream.indirect.scatter.add.f32 [tilespmem:s6], [sflag:$0x3], $0x80, s11, s7, $0xb8;
	[tilespmem:$0x9880] =	vst v63  }
0x2c4: {  	_ =	swait.ge [sflag:s5], $0x2000  }
0x2c5: {  	[sflag:s5] =	ssyncset.done $0x0  }
0x2c6: {  	[sflag:s5] =	ssyncadd.s32 $0xFFFFE000  }
0x2c7: {  	_ =	swait.ge [sflag:s12], $0x2000  }
0x2c8: {  	[sflag:s12] =	ssyncset.done $0x0  }
0x2c9: {  	[sflag:s12] =	ssyncadd.s32 $0xFFFFE000  }
0x2ca: {  	[spmem:s3] =	stream.indirect.scatter.add.f32 [tilespmem:s10], [sflag:$0x3], $0x80, s11, s7, $0xb8;
	[tilespmem:$0x9880] =	vst v63  }
0x2cb: {  	_ =	swait.ge [sflag:s5], $0x2000  }
0x2cc: {  	[sflag:s5] =	ssyncset.done $0x0  }
0x2cd: {  	s1 =	rddreg [dreg:$0x9];
	[sflag:s5] =	ssyncadd.s32 $0xFFFFE000  }
0x2ce: {  	[hbm:s1], [sflag:s13] =	dma.local [spmem:s14], $0x400  }
0x2cf: {  	_ =	swait.ge [sflag:s5], $0x400  }
0x2d0: {  	s1 =	sld [smem:$0x7FB]  }
0x2d1: {  	[sflag:s5] =	ssyncset.done $0x0  }
0x2d2: {  	[sflag:s5] =	ssyncadd.s32 $0xFFFFFC00  }
0x2d3: {  	[tilespmem:s6], [sflag:$0x1] =	stream.indirect.gather [spmem:s2], $0x80, s1, s7, $0xb8;
	[tilespmem:$0x9880] =	vst v63  }
0x2d4: {  	_ =	swait.ge [sflag:s8], $0x2000  }
0x2d5: {  	[sflag:s8] =	ssyncset.done $0x0  }
0x2d6: {  	[sflag:s8] =	ssyncadd.s32 $0xFFFFE000  }
0x2d7: {  	[spmem:s9] =	stream.linear.scatter [tilespmem:s6], [sflag:$0x3], $0x2000, $0x38;
	[tilespmem:$0x9880] =	vst v63  }
0x2d8: {  	_ =	swait.ge [sflag:s5], $0x2000  }
0x2d9: {  	s0 =	sld [smem:$0x7FC]  }
0x2da: {  	[sflag:s5] =	ssyncset.done $0x0  }
0x2db: {  	s1 =	sld [smem:$0x7FD];
	[sflag:s5] =	ssyncadd.s32 $0xFFFFE000  }
0x2dc: {  	[tilespmem:s6], [sflag:$0x1] =	stream.indirect.gather [spmem:s2], $0x80, s0, s7, $0xb8;
	[tilespmem:$0x9880] =	vst v63  }
0x2dd: {  	_ = 	snop  }
0x2de: {  	[tilespmem:s10], [sflag:$0x2] =	stream.indirect.gather [spmem:s2], $0x80, s1, s7, $0xb8;
	[tilespmem:$0x9880] =	vst v63  }
0x2df: {  	_ =	swait.ge [sflag:s8], $0x2000  }
0x2e0: {  	[sflag:s8] =	ssyncset.done $0x0  }
0x2e1: {  	[sflag:s8] =	ssyncadd.s32 $0xFFFFE000  }
0x2e2: {  	[spmem:s3] =	stream.indirect.scatter.add.f32 [tilespmem:s6], [sflag:$0x3], $0x80, s11, s7, $0xb8;
	[tilespmem:$0x9880] =	vst v63  }
0x2e3: {  	_ =	swait.ge [sflag:s5], $0x2000  }
0x2e4: {  	[sflag:s5] =	ssyncset.done $0x0  }
0x2e5: {  	[sflag:s5] =	ssyncadd.s32 $0xFFFFE000  }
0x2e6: {  	_ =	swait.ge [sflag:s12], $0x2000  }
0x2e7: {  	[sflag:s12] =	ssyncset.done $0x0  }
0x2e8: {  	[sflag:s12] =	ssyncadd.s32 $0xFFFFE000  }
0x2e9: {  	[spmem:s3] =	stream.indirect.scatter.add.f32 [tilespmem:s10], [sflag:$0x3], $0x80, s11, s7, $0xb8;
	[tilespmem:$0x9880] =	vst v63  }
0x2ea: {  	_ =	swait.ge [sflag:s5], $0x2000  }
0x2eb: {  	[sflag:s5] =	ssyncset.done $0x0  }
0x2ec: {  	[sflag:s5] =	ssyncadd.s32 $0xFFFFE000  }
0x2ed: {  	[tilespmem:s6], [sflag:$0x1] =	stream.indirect.gather [spmem:s2], $0x80, s15, s7, $0xb8;
	[tilespmem:$0x9880] =	vst v63  }
0x2ee: {  	_ = 	snop  }
0x2ef: {  	[tilespmem:s10], [sflag:$0x2] =	stream.indirect.gather [spmem:s2], $0x80, s16, s7, $0xb8;
	[tilespmem:$0x9880] =	vst v63  }
0x2f0: {  	_ =	swait.ge [sflag:s8], $0x2000  }
0x2f1: {  	[sflag:s8] =	ssyncset.done $0x0  }
0x2f2: {  	[sflag:s8] =	ssyncadd.s32 $0xFFFFE000  }
0x2f3: {  	[spmem:s3] =	stream.indirect.scatter.add.f32 [tilespmem:s6], [sflag:$0x3], $0x80, s11, s7, $0xb8;
	[tilespmem:$0x9880] =	vst v63  }
0x2f4: {  	_ =	swait.ge [sflag:s5], $0x2000  }
0x2f5: {  	[sflag:s5] =	ssyncset.done $0x0  }
0x2f6: {  	[sflag:s5] =	ssyncadd.s32 $0xFFFFE000  }
0x2f7: {  	_ =	swait.ge [sflag:s12], $0x2000  }
0x2f8: {  	[sflag:s12] =	ssyncset.done $0x0  }
0x2f9: {  	[sflag:s12] =	ssyncadd.s32 $0xFFFFE000  }
0x2fa: {  	[spmem:s3] =	stream.indirect.scatter.add.f32 [tilespmem:s10], [sflag:$0x3], $0x80, s11, s7, $0xb8;
	[tilespmem:$0x9880] =	vst v63  }
0x2fb: {  	_ =	swait.ge [sflag:s5], $0x2000  }
0x2fc: {  	[sflag:s5] =	ssyncset.done $0x0  }
0x2fd: {  	[sflag:s5] =	ssyncadd.s32 $0xFFFFE000  }
0x2fe: {  	[tilespmem:s6], [sflag:$0x1] =	stream.indirect.gather [spmem:s2], $0x80, s17, s7, $0xb8;
	[tilespmem:$0x9880] =	vst v63  }
0x2ff: {  	_ = 	snop  }
0x300: {  	[tilespmem:s10], [sflag:$0x2] =	stream.indirect.gather [spmem:s2], $0x80, s18, s7, $0xb8;
	[tilespmem:$0x9880] =	vst v63  }
0x301: {  	_ =	swait.ge [sflag:s8], $0x2000  }
0x302: {  	[sflag:s8] =	ssyncset.done $0x0  }
0x303: {  	[sflag:s8] =	ssyncadd.s32 $0xFFFFE000  }
0x304: {  	[spmem:s3] =	stream.indirect.scatter.add.f32 [tilespmem:s6], [sflag:$0x3], $0x80, s11, s7, $0xb8;
	[tilespmem:$0x9880] =	vst v63  }
0x305: {  	_ =	swait.ge [sflag:s5], $0x2000  }
0x306: {  	[sflag:s5] =	ssyncset.done $0x0  }
0x307: {  	[sflag:s5] =	ssyncadd.s32 $0xFFFFE000  }
0x308: {  	_ =	swait.ge [sflag:s12], $0x2000  }
0x309: {  	[sflag:s12] =	ssyncset.done $0x0  }
0x30a: {  	[sflag:s12] =	ssyncadd.s32 $0xFFFFE000  }
0x30b: {  	[spmem:s3] =	stream.indirect.scatter.add.f32 [tilespmem:s10], [sflag:$0x3], $0x80, s11, s7, $0xb8;
	[tilespmem:$0x9880] =	vst v63  }
0x30c: {  	_ =	swait.ge [sflag:s5], $0x2000  }
0x30d: {  	[sflag:s5] =	ssyncset.done $0x0  }
0x30e: {  	[sflag:s5] =	ssyncadd.s32 $0xFFFFE000  }
0x30f: {  	[tilespmem:s6], [sflag:$0x1] =	stream.indirect.gather [spmem:s2], $0x80, s19, s7, $0xb8;
	[tilespmem:$0x9880] =	vst v63  }
0x310: {  	_ = 	snop  }
0x311: {  	[tilespmem:s10], [sflag:$0x2] =	stream.indirect.gather [spmem:s2], $0x80, s20, s7, $0xb8;
	[tilespmem:$0x9880] =	vst v63  }
0x312: {  	_ =	swait.ge [sflag:s8], $0x2000  }
0x313: {  	[sflag:s8] =	ssyncset.done $0x0  }
0x314: {  	[sflag:s8] =	ssyncadd.s32 $0xFFFFE000  }
0x315: {  	[spmem:s3] =	stream.indirect.scatter.add.f32 [tilespmem:s6], [sflag:$0x3], $0x80, s11, s7, $0xb8;
	[tilespmem:$0x9880] =	vst v63  }
0x316: {  	_ =	swait.ge [sflag:s5], $0x2000  }
0x317: {  	[sflag:s5] =	ssyncset.done $0x0  }
0x318: {  	[sflag:s5] =	ssyncadd.s32 $0xFFFFE000  }
0x319: {  	_ =	swait.ge [sflag:s12], $0x2000  }
0x31a: {  	[sflag:s12] =	ssyncset.done $0x0  }
0x31b: {  	[sflag:s12] =	ssyncadd.s32 $0xFFFFE000  }
0x31c: {  	[spmem:s3] =	stream.indirect.scatter.add.f32 [tilespmem:s10], [sflag:$0x3], $0x80, s11, s7, $0xb8;
	[tilespmem:$0x9880] =	vst v63  }
0x31d: {  	_ =	swait.ge [sflag:s5], $0x2000  }
0x31e: {  	[sflag:s5] =	ssyncset.done $0x0  }
0x31f: {  	s1 =	rddreg [dreg:$0xa];
	[sflag:s5] =	ssyncadd.s32 $0xFFFFE000  }
0x320: {  	[hbm:s1], [sflag:s13] =	dma.local [spmem:s14], $0x400  }
0x321: {  	_ =	swait.ge [sflag:s5], $0x400  }
0x322: {  	[sflag:s5] =	ssyncset.done $0x0  }
0x323: {  	[sflag:s5] =	ssyncadd.s32 $0xFFFFFC00  }
0x324: {  	[tilespmem:s6], [sflag:$0x1] =	stream.indirect.gather [spmem:s2], $0x80, s21, s7, $0xb8;
	[tilespmem:$0x9880] =	vst v63  }
0x325: {  	_ =	swait.ge [sflag:s8], $0x2000  }
0x326: {  	[sflag:s8] =	ssyncset.done $0x0  }
0x327: {  	[sflag:s8] =	ssyncadd.s32 $0xFFFFE000  }
0x328: {  	[spmem:s9] =	stream.linear.scatter [tilespmem:s6], [sflag:$0x3], $0x2000, $0x38;
	[tilespmem:$0x9880] =	vst v63  }
0x329: {  	_ =	swait.ge [sflag:s5], $0x2000  }
0x32a: {  	[sflag:s5] =	ssyncset.done $0x0  }
0x32b: {  	[sflag:s5] =	ssyncadd.s32 $0xFFFFE000  }
0x32c: {  	[tilespmem:s6], [sflag:$0x1] =	stream.indirect.gather [spmem:s2], $0x80, s22, s7, $0xb8;
	[tilespmem:$0x9880] =	vst v63  }
0x32d: {  	_ = 	snop  }
0x32e: {  	[tilespmem:s10], [sflag:$0x2] =	stream.indirect.gather [spmem:s2], $0x80, s23, s7, $0xb8;
	[tilespmem:$0x9880] =	vst v63  }
0x32f: {  	_ =	swait.ge [sflag:s8], $0x2000  }
0x330: {  	[sflag:s8] =	ssyncset.done $0x0  }
0x331: {  	[sflag:s8] =	ssyncadd.s32 $0xFFFFE000  }
0x332: {  	[spmem:s3] =	stream.indirect.scatter.add.f32 [tilespmem:s6], [sflag:$0x3], $0x80, s11, s7, $0xb8;
	[tilespmem:$0x9880] =	vst v63  }
0x333: {  	_ =	swait.ge [sflag:s5], $0x2000  }
0x334: {  	[sflag:s5] =	ssyncset.done $0x0  }
0x335: {  	[sflag:s5] =	ssyncadd.s32 $0xFFFFE000  }
0x336: {  	_ =	swait.ge [sflag:s12], $0x2000  }
0x337: {  	[sflag:s12] =	ssyncset.done $0x0  }
0x338: {  	[sflag:s12] =	ssyncadd.s32 $0xFFFFE000  }
0x339: {  	[spmem:s3] =	stream.indirect.scatter.add.f32 [tilespmem:s10], [sflag:$0x3], $0x80, s11, s7, $0xb8;
	[tilespmem:$0x9880] =	vst v63  }
0x33a: {  	_ =	swait.ge [sflag:s5], $0x2000  }
0x33b: {  	[sflag:s5] =	ssyncset.done $0x0  }
0x33c: {  	[sflag:s5] =	ssyncadd.s32 $0xFFFFE000  }
0x33d: {  	[tilespmem:s6], [sflag:$0x1] =	stream.indirect.gather [spmem:s2], $0x80, s24, s7, $0xb8;
	[tilespmem:$0x9880] =	vst v63  }
0x33e: {  	_ = 	snop  }
0x33f: {  	[tilespmem:s10], [sflag:$0x2] =	stream.indirect.gather [spmem:s2], $0x80, s25, s7, $0xb8;
	[tilespmem:$0x9880] =	vst v63  }
0x340: {  	_ =	swait.ge [sflag:s8], $0x2000  }
0x341: {  	[sflag:s8] =	ssyncset.done $0x0  }
0x342: {  	[sflag:s8] =	ssyncadd.s32 $0xFFFFE000  }
0x343: {  	[spmem:s3] =	stream.indirect.scatter.add.f32 [tilespmem:s6], [sflag:$0x3], $0x80, s11, s7, $0xb8;
	[tilespmem:$0x9880] =	vst v63  }
0x344: {  	_ =	swait.ge [sflag:s5], $0x2000  }
0x345: {  	[sflag:s5] =	ssyncset.done $0x0  }
0x346: {  	[sflag:s5] =	ssyncadd.s32 $0xFFFFE000  }
0x347: {  	_ =	swait.ge [sflag:s12], $0x2000  }
0x348: {  	[sflag:s12] =	ssyncset.done $0x0  }
0x349: {  	[sflag:s12] =	ssyncadd.s32 $0xFFFFE000  }
0x34a: {  	[spmem:s3] =	stream.indirect.scatter.add.f32 [tilespmem:s10], [sflag:$0x3], $0x80, s11, s7, $0xb8;
	[tilespmem:$0x9880] =	vst v63  }
0x34b: {  	_ =	swait.ge [sflag:s5], $0x2000  }
0x34c: {  	[sflag:s5] =	ssyncset.done $0x0  }
0x34d: {  	[sflag:s5] =	ssyncadd.s32 $0xFFFFE000  }
0x34e: {  	[tilespmem:s6], [sflag:$0x1] =	stream.indirect.gather [spmem:s2], $0x80, s26, s7, $0xb8;
	[tilespmem:$0x9880] =	vst v63  }
0x34f: {  	_ = 	snop  }
0x350: {  	[tilespmem:s10], [sflag:$0x2] =	stream.indirect.gather [spmem:s2], $0x80, s28, s7, $0xb8;
	[tilespmem:$0x9880] =	vst v63  }
0x351: {  	_ =	swait.ge [sflag:s8], $0x2000  }
0x352: {  	[sflag:s8] =	ssyncset.done $0x0  }
0x353: {  	[sflag:s8] =	ssyncadd.s32 $0xFFFFE000  }
0x354: {  	[spmem:s3] =	stream.indirect.scatter.add.f32 [tilespmem:s6], [sflag:$0x3], $0x80, s11, s7, $0xb8;
	[tilespmem:$0x9880] =	vst v63  }
0x355: {  	_ =	swait.ge [sflag:s5], $0x2000  }
0x356: {  	[sflag:s5] =	ssyncset.done $0x0  }
0x357: {  	[sflag:s5] =	ssyncadd.s32 $0xFFFFE000  }
0x358: {  	_ =	swait.ge [sflag:s12], $0x2000  }
0x359: {  	[sflag:s12] =	ssyncset.done $0x0  }
0x35a: {  	[sflag:s12] =	ssyncadd.s32 $0xFFFFE000  }
0x35b: {  	[spmem:s3] =	stream.indirect.scatter.add.f32 [tilespmem:s10], [sflag:$0x3], $0x80, s11, s7, $0xb8;
	[tilespmem:$0x9880] =	vst v63  }
0x35c: {  	_ =	swait.ge [sflag:s5], $0x2000  }
0x35d: {  	[sflag:s5] =	ssyncset.done $0x0  }
0x35e: {  	[sflag:s5] =	ssyncadd.s32 $0xFFFFE000  }
0x35f: {  	[tilespmem:s6], [sflag:$0x1] =	stream.indirect.gather [spmem:s2], $0x80, s29, s7, $0xb8;
	[tilespmem:$0x9880] =	vst v63  }
0x360: {  	_ = 	snop  }
0x361: {  	[tilespmem:s10], [sflag:$0x2] =	stream.indirect.gather [spmem:s2], $0x80, s30, s7, $0xb8;
	[tilespmem:$0x9880] =	vst v63  }
0x362: {  	_ =	swait.ge [sflag:s8], $0x2000  }
0x363: {  	[sflag:s8] =	ssyncset.done $0x0  }
0x364: {  	[sflag:s8] =	ssyncadd.s32 $0xFFFFE000  }
0x365: {  	[spmem:s3] =	stream.indirect.scatter.add.f32 [tilespmem:s6], [sflag:$0x3], $0x80, s11, s7, $0xb8;
	[tilespmem:$0x9880] =	vst v63  }
0x366: {  	_ =	swait.ge [sflag:s5], $0x2000  }
0x367: {  	[sflag:s5] =	ssyncset.done $0x0  }
0x368: {  	[sflag:s5] =	ssyncadd.s32 $0xFFFFE000  }
0x369: {  	_ =	swait.ge [sflag:s12], $0x2000  }
0x36a: {  	p0 =	sne.s32 s31, $0x1;
	[sflag:s12] =	ssyncset.done $0x0  }
.Ltmp1:
0x36b: {  	[sflag:s12] =	ssyncadd.s32 $0xFFFFE000;
	(pc) =	sbr.rel @p0 .LBB2_1-.Ltmp1, $4  }
0x36c: {  	[spmem:s3] =	stream.indirect.scatter.add.f32 [tilespmem:s10], [sflag:$0x3], $0x80, s11, s7, $0xb8;
	[tilespmem:$0x9880] =	vst v63  }
0x36d: {  	_ =	swait.ge [sflag:s5], $0x2000  }
0x36e: {  	[sflag:s5] =	ssyncset.done $0x0  }
0x36f: {  	s31 =	sadd.s32 $0xFFFFFFFF, s31;
	s1 =	rddreg [dreg:$0xb];
	[sflag:s5] =	ssyncadd.s32 $0xFFFFE000  }
.LBB2_2:
0x370: {  	[hbm:s1], [sflag:s13] =	dma.local [spmem:s14], $0x400  }
0x371: {  	_ =	swait.ge [sflag:s5], $0x400  }
0x372: {  	[sflag:s5] =	ssyncset.done $0x0  }
0x373: {  	[sflag:s5] =	ssyncadd.s32 $0xFFFFFC00  }
0x374: {  	_ =	sfence.sel $0x180000  }
0x375: {  	[bflag:$0x0] =	sbarrier.arrive $0xFFFF  }
0x376: {  	_ =	strace $0x9000004A  }
0x377: {  	s0 =	stileid.u32;
	[bflag:$0x2] =	sbarrier.arrive $0xFFFF  }
0x378: {  	p0 =	sne.s32 s0, $0x0;
	s0 =	rddreg [dreg:$0x3]  }
0x379: {  	s0 =	sadd.s32 @!p0 $0x100000, s0  }
0x37a: {  	[sflag:s0] =	ssyncadd.tile.s32 @!p0 $0x1;
	_ =	shalt  }
.Lfunc_end2:
_tile_overlayer_lowered:
.L_overlay_start_2:
0x37b: {  	(tag) =	ssettag $0x2  }
0x37c: {  	s0 =	rddreg [dreg:$0x0];
	s2 =	stileid.u32  }
0x37d: {  	s1 =	rddreg [dreg:$0x1];
	p0 =	sne.s32 s2, $0x0  }
0x37e: {  	s3 =	rddreg [dreg:$0x2];
	[bflag:$0x3] =	sbarrier.arrive $0xFFFF;
	s2 =	simm.s32 @!p0 $0x1C03  }
0x37f: {  	[timem:s3], [sflag:s2] =	dma.local @!p0 [hbm:s0], s1  }
0x380: {  	s0 =	simm.s32 @!p0 $0x3  }
0x381: {  	_ =	swait.ge @!p0 [sflag:s0], s1  }
0x382: {  	s1 =	ssub.s32 @!p0 $0x0, s1;
	[sflag:s0] =	ssyncset.done @!p0 $0x0  }
0x383: {  	[sflag:s0] =	ssyncadd.s32 @!p0 s1  }
0x384: {  	[bflag:$0x3] =	sbarrier.arrive $0xFFFF  }
0x385: {  	_ =	shalt  }

// kernel: kernel.17.cloned.1.call-start
scs
__scs_entry_jumppad:
0x0: {  	(pc) =	sbr.rel $0x88, $3  }
0x1: {  	(tag) =	ssettag $0x0;
	lr =	simm.s32 $0x1  }
0x2: {  	[smem:$0x3F93] =	sst lr;
	_ =	strace $0xD0000000  }
0x3: {  	_ = 	snop  }
0x4: {  	_ = 	snop  }
0x5: {  	_ = 	snop  }
0x6: {  	_ = 	snop  }
0x7: {  	_ = 	snop  }
__scs_overlays_trampoline_lowered:
0x8: {  	[smem:$0x3FA2] =	sst s0  }
0x9: {  	[smem:$0x3FA3] =	sst s1  }
0xa: {  	[smem:$0x3FA4] =	sst s2  }
0xb: {  	[smem:$0x3FA5] =	sst s3  }
0xc: {  	[smem:$0x3FA6] =	sst s4  }
0xd: {  	[smem:$0x3FA7] =	sst s5  }
0xe: {  	[smem:$0x3FA8] =	sst s6  }
0xf: {  	[smem:$0x3FA9] =	sst s7  }
0x10: {  	[smem:$0x3FAA] =	sst s8  }
0x11: {  	[smem:$0x3FAB] =	sst s9;
	s0 =	simm.s32 @!p0 $0x0  }
0x12: {  	s1 =	sld [smem:$0x3F91];
	s0 =	simm.s32 @p0 $0x1  }
0x13: {  	[smem:$0x3FAC] =	sst s0;
	s0 =	simm.s32 @!p1 $0x0  }
0x14: {  	s2 =	sld [smem:$0x3F90];
	s0 =	simm.s32 @p1 $0x1  }
0x15: {  	[smem:$0x3FAD] =	sst s0;
	s0 =	simm.s32 @!p2 $0x0  }
0x16: {  	s3 =	sld [smem:$0x3FDB];
	s0 =	simm.s32 @p2 $0x1  }
0x17: {  	s4 =	simm.s32 $0x1BF5;
	[smem:$0x3FAF] =	sst s0  }
0x18: {  	s0 =	sld [smem:$0x3F92];
	_ =	swait.ge [sflag:s4], $0x0  }
0x19: {  	s7 =	sld [smem:$0x3F93]  }
0x1a: {  	s8 =	sadd.s32 $0xFFFFE003, lr  }
0x1b: {  	s9 =	sadd.s32 $0xFFFFFEF7, lr;
	s5 =	simm.s32 $0xFFFFFFFF;
	p2 =	slt.u32 s8, $0xFFFFF086  }
0x1c: {  	p1 =	slt.u32 s9, $0xF7A;
	s5 =	simm.s32 @!p2 $0x0  }
0x1d: {  	s5 =	simm.s32 @p1 $0x1;
	p0 =	seq.s32 s7, s2  }
0x1e: {  	s7 =	smul.u32 @!p0 $0xF7A, s2;
	p2 =	seq.s32 @!p0 s5, $0x0  }
0x1f: {  	s9 =	smul.u32 $0xF7A, s1;
	s8 =	simm.s32 @!p0 $0x1BF5;
	p2 =	por !p2, p0  }
0x20: {  	[sflag:s8] =	ssyncset.s32 @!p0 $0xFFFFF086;
	s6 =	sadd.s32 @!p0 s3, s7;
	s7 =	simm.s32 @!p0 $0x108  }
0x21: {  	s3 =	sadd.s32 s3, s9;
	s6 =	sadd.s32 @!p0 $0x88, s6;
	s7 =	simm.s32 @p2 $0x1082  }
0x22: {  	[simem:s7], [sflag:s8] =	dma.local @!p0 [hbm:s6], $0xF7A  }
0x23: {  	s9 =	sor.u32 $0xD0000000, s2;
	s6 =	simm.s32 $0x108;
	_ =	swait.ge @!p0 [sflag:s8], $0x0  }
0x24: {  	s3 =	sadd.s32 $0x88, s3;
	s6 =	simm.s32 @!p1 $0x1082;
	[sflag:s4] =	ssyncset.s32 $0xFFFFF086  }
0x25: {  	[simem:s6], [sflag:s4] =	dma.local [hbm:s3], $0xF7A  }
0x26: {  	[smem:$0x3F93] =	sst s1;
	(tag) =	ssettag s2;
	_ =	strace s9  }
0x27: {  	s1 =	sld [smem:$0x3FA3]  }
0x28: {  	s2 =	sld [smem:$0x3FA4]  }
0x29: {  	s4 =	sld [smem:$0x3FA6]  }
0x2a: {  	p0 =	seq.s32 s5, $0x0;
	s5 =	sld [smem:$0x3FA7]  }
0x2b: {  	s6 =	sld [smem:$0x3FA8]  }
0x2c: {  	s7 =	sld [smem:$0x3FA9]  }
0x2d: {  	s3 =	simm.s32 $0x108;
	s8 =	sld [smem:$0x3FAA]  }
0x2e: {  	s3 =	simm.s32 @!p0 $0x1082;
	s9 =	sld [smem:$0x3FAB]  }
0x2f: {  	lr =	sadd.s32 s0, s3;
	s0 =	sld [smem:$0x3FA2]  }
0x30: {  	s3 =	sld [smem:$0x3FA5]  }
0x31: {  	[smem:$0x3FAE] =	sst s10  }
0x32: {  	s10 =	sld [smem:$0x3FAC];
	_ =	sdelay $0x3  }
0x33: {  	p0 =	seq.s32 s10, $0x1;
	s10 =	sld [smem:$0x3FAE];
	_ =	sdelay $0x3  }
0x34: {  	[smem:$0x3FAE] =	sst s10  }
0x35: {  	s10 =	sld [smem:$0x3FAD];
	_ =	sdelay $0x3  }
0x36: {  	p1 =	seq.s32 s10, $0x1;
	s10 =	sld [smem:$0x3FAE];
	_ =	sdelay $0x3  }
0x37: {  	[smem:$0x3FAE] =	sst s10  }
0x38: {  	s10 =	sld [smem:$0x3FAF]  }
0x39: {  	_ = 	snop;
	(pc) =	sbr.ind lr, $3  }
0x3a: {  	_ = 	snop  }
0x3b: {  	_ = 	snop  }
0x3c: {  	p2 =	seq.s32 s10, $0x1;
	s10 =	sld [smem:$0x3FAE]  }
0x3d: {  	_ =	shalt  }
0x3e: {  	_ =	shalt  }
0x3f: {  	_ =	shalt  }
0x40: {  	_ =	shalt  }
0x41: {  	_ =	shalt  }
0x42: {  	_ =	shalt  }
0x43: {  	_ =	shalt  }
0x44: {  	_ =	shalt  }
0x45: {  	_ =	shalt  }
0x46: {  	_ =	shalt  }
0x47: {  	_ =	shalt  }
0x48: {  	_ =	shalt  }
0x49: {  	_ =	shalt  }
0x4a: {  	_ =	shalt  }
0x4b: {  	_ =	shalt  }
0x4c: {  	_ =	shalt  }
0x4d: {  	_ =	shalt  }
0x4e: {  	_ =	shalt  }
0x4f: {  	_ =	shalt  }
0x50: {  	_ =	shalt  }
0x51: {  	_ =	shalt  }
0x52: {  	_ =	shalt  }
0x53: {  	_ =	shalt  }
0x54: {  	_ =	shalt  }
0x55: {  	_ =	shalt  }
0x56: {  	_ =	shalt  }
0x57: {  	_ =	shalt  }
0x58: {  	_ =	shalt  }
0x59: {  	_ =	shalt  }
0x5a: {  	_ =	shalt  }
0x5b: {  	_ =	shalt  }
0x5c: {  	_ =	shalt  }
0x5d: {  	_ =	shalt  }
0x5e: {  	_ =	shalt  }
0x5f: {  	_ =	shalt  }
0x60: {  	_ =	shalt  }
0x61: {  	_ =	shalt  }
0x62: {  	_ =	shalt  }
0x63: {  	_ =	shalt  }
0x64: {  	_ =	shalt  }
0x65: {  	_ =	shalt  }
0x66: {  	_ =	shalt  }
0x67: {  	_ =	shalt  }
0x68: {  	_ =	shalt  }
0x69: {  	_ =	shalt  }
0x6a: {  	_ =	shalt  }
0x6b: {  	_ =	shalt  }
0x6c: {  	_ =	shalt  }
0x6d: {  	_ =	shalt  }
0x6e: {  	_ =	shalt  }
0x6f: {  	_ =	shalt  }
0x70: {  	_ =	shalt  }
0x71: {  	_ =	shalt  }
0x72: {  	_ =	shalt  }
0x73: {  	_ =	shalt  }
0x74: {  	_ =	shalt  }
0x75: {  	_ =	shalt  }
0x76: {  	_ =	shalt  }
0x77: {  	_ =	shalt  }
0x78: {  	_ =	shalt  }
0x79: {  	_ =	shalt  }
0x7a: {  	_ =	shalt  }
0x7b: {  	_ =	shalt  }
0x7c: {  	_ =	shalt  }
0x7d: {  	_ =	shalt  }
0x7e: {  	_ =	shalt  }
0x7f: {  	_ =	shalt  }
0x80: {  	_ =	shalt  }
0x81: {  	_ =	shalt  }
0x82: {  	_ =	shalt  }
0x83: {  	_ =	shalt  }
0x84: {  	_ =	shalt  }
0x85: {  	_ =	shalt  }
0x86: {  	_ =	shalt  }
0x87: {  	_ =	shalt  }
.Lfunc_end0:
.L_simem_size_0:
called_computation.2_lowered:
.L_overlay_start_0:
0x88: {  	s2 =	sld [smem:$0x3FD9]  }
0x89: {  	s3 =	sld [smem:$0x3FFE];
	_ =	sdelay $0x1  }
0x8a: {  	s1 =	srdreg.scid  }
0x8b: {  	s0 =	sand.u32 $0x1, s1  }
0x8c: {  	s16 =	sshll.u32 s0, $0xA;
	s2 =	sadd.s32 s3, s2  }
0x8d: {  	s2 =	sadd.s32 s2, s16  }
0x8e: {  	[smem:$0x3FBA] =	sst s2  }
0x8f: {  	_ = 	snop  }
0x90: {  	(tm) =	ssettm $0x1  }
0x91: {  	s17 =	sld [smem:$0x3FFB];
	_ =	sdelay $0x3  }
0x92: {  	_ =	strace s17  }
0x93: {  	s2 =	sld [smem:$0x3FFC];
	_ =	sdelay $0x3  }
0x94: {  	_ =	strace s2  }
0x95: {  	s2 =	sld [smem:$0x3FFD];
	_ =	sdelay $0x3  }
0x96: {  	_ =	strace s2  }
0x97: {  	_ =	strace $0x8FFFFFFF  }
0x98: {  	s18 =	sld [smem:$0x3FDB];
	_ =	sdelay $0x1  }
0x99: {  	s19 =	simm.s32 $_scs_section_size  }
0x9a: {  	s4 =	simm.s32 $_size__tile_overlayer_lowered;
	s5 =	simm.s32 $_tile_overlayer_lowered  }
0x9b: {  	s22 =	simm.s32 $0x1BFF;
	s21 =	sshll.u32 s5, $0x1;
	s2 =	sadd.s32 s19, s18  }
0x9c: {  	s6 =	simm.s32 $0x0;
	s20 =	sshll.u32 s4, $0x1;
	s4 =	sadd.s32 s21, s2  }
0x9d: {  	[timem:s6], [sflag:s22] =	dma.local [hbm:s4], s20  }
0x9e: {  	_ =	swait.ge [sflag:s22], s20  }
0x9f: {  	s3 =	ssub.s32 $0x0, s20;
	[sflag:s22] =	ssyncset.done $0x0  }
0xa0: {  	[sflag:s22] =	ssyncadd.s32 s3;
	_ =	sdelay $0x1  }
0xa1: {  	s23 =	simm.s32 $0x1B8B  }
0xa2: {  	_ =	swait.ge [sflag:s23], $0x1  }
0xa3: {  	[sflag:s23] =	ssyncset.done $0x0  }
0xa4: {  	s25 =	simm.s32 $0x1B8E;
	s24 =	sld [smem:$0x3FFE];
	[sflag:s23] =	ssyncadd.s32 $0xFFFFFFFF  }
0xa5: {  	s26 =	simm.s32 $execute0_lowered;
	[smem:$0x3FD2] =	sst s25  }
0xa6: {  	s4 =	sshll.u32 s26, $0x1;
	_ =	strace $0x8000004C;
	[dreg:$0x1] =	wrdreg $0xFFFFFFFF  }
0xa7: {  	s28 =	simm.s32 $_size_execute0_lowered;
	s2 =	sadd.s32 s2, s4;
	[dreg:$0x0] =	wrdreg $0x0  }
0xa8: {  	s4 =	sshll.u32 s28, $0x1;
	[dreg:$0x2] =	wrdreg s2  }
0xa9: {  	[dreg:$0x3] =	wrdreg s4  }
0xaa: {  	[dreg:$0x4] =	wrdreg $0xC0  }
0xab: {  	_ =	task [dreg:s6], $0x5FFFF  }
0xac: {  	[dreg:$0x1] =	wrdreg $0xFFFFFFFF  }
0xad: {  	[dreg:$0x0] =	wrdreg $0x60  }
0xae: {  	[dreg:$0x2] =	wrdreg s24  }
0xaf: {  	[dreg:$0x3] =	wrdreg $0xBB800  }
0xb0: {  	[dreg:$0x4] =	wrdreg $0x9  }
0xb1: {  	_ =	task.clear_ibuf [dreg:s6], $0x5FFFF;
	_ =	strace $0x9000004C  }
0xb2: {  	s29 =	simm.s32 $0x9;
	_ =	strace $0x8000004E  }
0xb3: {  	_ =	swait.ge [sflag:s29], $0x1  }
0xb4: {  	[sflag:s29] =	ssyncadd.s32 $0xFFFFFFFF  }
0xb5: {  	_ =	strace $0x9000004E  }
0xb6: {  	_ =	sfence  }
0xb7: {  	s30 =	sld [smem:$0x0];
	_ =	sdelay $0x2  }
0xb8: {  	s31 =	sshll.u32 s1, $0xD;
	s1 =	sshrl.u32 s1, $0x2  }
0xb9: {  	s3 =	sand.u32 $0x4000, s31;
	s1 =	sadd.s32 s1, s30  }
0xba: {  	s0 =	sor.u32 s3, s0;
	s1 =	sshll.u32 s1, $0x11  }
0xbb: {  	s0 =	sor.u32 s1, s0  }
0xbc: {  	s0 =	sadd.s32 $0x8F2B, s0  }
0xbd: {  	[sflag:s0] =	ssyncadd.remote.s32 $0x1  }
0xbe: {  	_ =	sfence.sel $0xFFFF  }
0xbf: {  	[dreg:$0x0] =	wrdreg $0xFFFFFFFF;
	(pc) =	sbr.abs _section_cstart, $3  }
0xc0: {  	[dreg:$0x1] =	wrdreg $0xFFFFFFFF  }
0xc1: {  	_ =	task.clear_ibuf [dreg:s6], $0x2FFFF;
	_ =	strace $0x9FFFFFFF  }
0xc2: {  	(tm) =	ssettm $0x7FFFFFFF  }
0xc3: {  	_ =	shalt  }
tec
execute0_lowered:
.L_overlay_start_1:
0x0: {  	(tag) =	ssettag $0x1  }
0x1: {  	s1 =	srdreg.scid;
	s6 =	rddreg [dreg:$0x0]  }
0x2: {  	s0 =	stileid.u32;
	s2 =	rddreg [dreg:$0x1];
	s14 =	simm.s32 $0x2780  }
0x3: {  	s17 =	simm.s32 $0x3B80;
	s18 =	simm.s32 $0x7B80;
	s19 =	simm.s32 $0x1  }
0x4: {  	s20 =	simm.s32 $0x2;
	s21 =	simm.s32 $0x2700;
	s22 =	simm.s32 $0x3A80  }
0x5: {  	s23 =	simm.s32 $0x0;
	s5 =	sand.u32 $0x1, s1;
	s10 =	smul.u32 $0x14000, s0  }
0x6: {  	s26 =	sshll.u32 s0, $0x1;
	s3 =	sshrl.u32 s0, $0x2;
	s12 =	smul.u32 $0x50000, s0  }
0x7: {  	s1 =	rddreg [dreg:$0x2];
	s15 =	sshll.u32 s0, $0x6;
	s7 =	smul.u32 $0x13C00, s3  }
0x8: {  	s4 =	sor.u32 s5, s26;
	s3 =	simm.s32 $0x0;
	s29 =	smul.u32 $0x140000, s5  }
0x9: {  	s30 =	ssub.s32 $0x2, s5;
	s5 =	sadd.s32 $0xE200, s6;
	s15 =	sor.u32 $0x1C03, s15  }
0xa: {  	s8 =	sshll.u32 s4, $0x7;
	s9 =	smul.u32 $0x2800, s4;
	[smem:$0x7FF] =	sst s3  }
0xb: {  	s4 =	sadd.s32 $0x10A00, s6;
	s11 =	sshrl.u32 s30, $0x1;
	s31 =	sshrl.u32 s12, $0x2  }
0xc: {  	s12 =	simm.s32 $0x400;
	s8 =	sand.u32 $0x380, s8;
	_ =	strace $0x8000004D  }
0xd: {  	s16 =	sadd.s32 s31, s2;
	s28 =	sor.u32 s7, s8;
	s9 =	sshrl.u32 s9, $0x3  }
0xe: {  	s7 =	sadd.s32 s10, s29;
	s10 =	ssub.s32 s30, s11;
	s11 =	simm.s32 $0x80  }
0xf: {  	s16 =	sshrl.u32 s16, $0x3;
	s8 =	sshrl.u32 s28, $0x3;
	s9 =	sadd.s32 s9, s6  }
0x10: {  	s7 =	sshrl.u32 s7, $0x3;
	s10 =	smax.u32 s10, $0x1;
	s8 =	sadd.s32 s8, s6  }
0x11: {  	s13 =	sadd.s32 s7, s6;
	s7 =	sadd.s32 $0x4200, s9;
	s6 =	sadd.s32 $0x93200, s8  }
0x12: {  	s8 =	sadd.s32 $0x4480, s9;
	s9 =	sadd.s32 $0x38A00, s13;
	s13 =	simm.s32 $0x3  }
.LBB2_1:
0x13: {  	[tilespmem:s3], [sflag:$0x3] =	stream.strided.gather [hbm4b:s6+s11], $0x2780, s12, s11, $0x38;
	[tilespmem:$0x1FB80] =	vst v63  }
0x14: {  	_ =	swait.ge [sflag:s13], $0x2780  }
0x15: {  	[sflag:s13] =	ssyncset.done $0x0  }
0x16: {  	[sflag:s13] =	ssyncadd.s32 $0xFFFFD880  }
0x17: {  	[tilespmem:s14], [sflag:$0x3] =	stream.linear.gather [hbm4b:s7+s3], $0x1400, $0x38;
	[tilespmem:$0x1FB80] =	vst v63  }
0x18: {  	_ =	swait.ge [sflag:s13], $0x1400  }
0x19: {  	[sflag:s13] =	ssyncset.done $0x0  }
0x1a: {  	[sflag:s13] =	ssyncadd.s32 $0xFFFFEC00  }
0x1b: {  	[spmem:s16], [sflag:s15] =	dma.local [hbm:s5], $0x2800  }
0x1c: {  	_ =	swait.ge [sflag:s13], $0x2800  }
0x1d: {  	[sflag:s13] =	ssyncset.done $0x0  }
0x1e: {  	[sflag:s13] =	ssyncadd.s32 $0xFFFFD800  }
0x1f: {  	s24 =	simm.s32 $0x0;
	[bflag:$0x0] =	sbarrier.arrive $0xFFFF  }
0x20: {  	[tilespmem:s17], [sflag:$0x1] =	stream.indirect.gather [hbm4b:s4+s11], $0x80, s24, s11, $0xb8;
	[tilespmem:$0x1FB80] =	vst v63  }
0x21: {  	s29 =	simm.s32 $0x80  }
0x22: {  	[tilespmem:s18], [sflag:$0x2] =	stream.indirect.gather [hbm4b:s4+s11], $0x80, s29, s11, $0xb8;
	[tilespmem:$0x1FB80] =	vst v63  }
0x23: {  	_ =	swait.ge [sflag:s19], $0x4000  }
0x24: {  	[sflag:s19] =	ssyncset.done $0x0  }
0x25: {  	s30 =	simm.s32 $0x2780;
	[sflag:s19] =	ssyncadd.s32 $0xFFFFC000  }
0x26: {  	[spmem:s2] =	stream.indirect.scatter.add.f32 [tilespmem:s17], [sflag:$0x3], $0x80, s30, s11, $0xb8;
	[tilespmem:$0x1FB80] =	vst v63  }
0x27: {  	_ =	swait.ge [sflag:s13], $0x4000  }
0x28: {  	[sflag:s13] =	ssyncset.done $0x0  }
0x29: {  	[sflag:s13] =	ssyncadd.s32 $0xFFFFC000  }
0x2a: {  	_ =	swait.ge [sflag:s20], $0x4000  }
0x2b: {  	[sflag:s20] =	ssyncset.done $0x0  }
0x2c: {  	s31 =	simm.s32 $0x2800;
	[sflag:s20] =	ssyncadd.s32 $0xFFFFC000  }
0x2d: {  	[spmem:s2] =	stream.indirect.scatter.add.f32 [tilespmem:s18], [sflag:$0x3], $0x80, s31, s11, $0xb8;
	[tilespmem:$0x1FB80] =	vst v63  }
0x2e: {  	_ =	swait.ge [sflag:s13], $0x4000  }
0x2f: {  	s25 =	simm.s32 $0x800;
	s24 =	simm.s32 $0x400;
	[sflag:s13] =	ssyncset.done $0x0  }
.LBB2_2:
0x30: {  	s26 =	sshra.s32 s24, $0x2  }
0x31: {  	[sflag:s13] =	ssyncadd.s32 $0xFFFFC000;
	s24 =	smov.u32 s25;
	s28 =	sadd.s32 $0x400, s25  }
0x32: {  	[tilespmem:s17], [sflag:$0x1] =	stream.indirect.gather [hbm4b:s4+s11], $0x80, s26, s11, $0xb8;
	[tilespmem:$0x1FB80] =	vst v63  }
0x33: {  	p0 =	sne.s32 s25, $0x4C00;
	s25 =	sadd.s32 $0x80, s26  }
0x34: {  	[tilespmem:s18], [sflag:$0x2] =	stream.indirect.gather [hbm4b:s4+s11], $0x80, s25, s11, $0xb8;
	[tilespmem:$0x1FB80] =	vst v63  }
0x35: {  	_ =	swait.ge [sflag:s19], $0x4000  }
0x36: {  	[sflag:s19] =	ssyncset.done $0x0  }
0x37: {  	s25 =	sadd.s32 $0x2780, s26;
	[sflag:s19] =	ssyncadd.s32 $0xFFFFC000  }
0x38: {  	[spmem:s2] =	stream.indirect.scatter.add.f32 [tilespmem:s17], [sflag:$0x3], $0x80, s25, s11, $0xb8;
	[tilespmem:$0x1FB80] =	vst v63  }
0x39: {  	_ =	swait.ge [sflag:s13], $0x4000  }
0x3a: {  	[sflag:s13] =	ssyncset.done $0x0  }
0x3b: {  	[sflag:s13] =	ssyncadd.s32 $0xFFFFC000  }
0x3c: {  	_ =	swait.ge [sflag:s20], $0x4000  }
.Ltmp0:
0x3d: {  	[sflag:s20] =	ssyncset.done $0x0;
	(pc) =	sbr.rel @p0 .LBB2_2-.Ltmp0, $4  }
0x3e: {  	s25 =	sadd.s32 $0x2800, s26;
	[sflag:s20] =	ssyncadd.s32 $0xFFFFC000  }
0x3f: {  	[spmem:s2] =	stream.indirect.scatter.add.f32 [tilespmem:s18], [sflag:$0x3], $0x80, s25, s11, $0xb8;
	[tilespmem:$0x1FB80] =	vst v63  }
0x40: {  	_ =	swait.ge [sflag:s13], $0x4000  }
0x41: {  	s25 =	smov.u32 s28;
	[sflag:s13] =	ssyncset.done $0x0  }
0x42: {  	s24 =	sshra.s32 s24, $0x2;
	[sflag:s13] =	ssyncadd.s32 $0xFFFFC000  }
0x43: {  	[tilespmem:s17], [sflag:$0x1] =	stream.indirect.gather [hbm4b:s4+s11], $0x80, s24, s11, $0xb8;
	[tilespmem:$0x1FB80] =	vst v63  }
0x44: {  	s25 =	sadd.s32 $0x80, s24  }
0x45: {  	[tilespmem:s18], [sflag:$0x2] =	stream.indirect.gather [hbm4b:s4+s11], $0x80, s25, s11, $0xb8;
	[tilespmem:$0x1FB80] =	vst v63  }
0x46: {  	_ =	swait.ge [sflag:s19], $0x4000  }
0x47: {  	[sflag:s19] =	ssyncset.done $0x0  }
0x48: {  	s31 =	sadd.s32 $0x2780, s24;
	[sflag:s19] =	ssyncadd.s32 $0xFFFFC000  }
0x49: {  	[spmem:s2] =	stream.indirect.scatter.add.f32 [tilespmem:s17], [sflag:$0x3], $0x80, s31, s11, $0xb8;
	[tilespmem:$0x1FB80] =	vst v63  }
0x4a: {  	_ =	swait.ge [sflag:s13], $0x4000  }
0x4b: {  	[sflag:s13] =	ssyncset.done $0x0  }
0x4c: {  	[sflag:s13] =	ssyncadd.s32 $0xFFFFC000  }
0x4d: {  	_ =	swait.ge [sflag:s20], $0x4000  }
0x4e: {  	[sflag:s20] =	ssyncset.done $0x0  }
0x4f: {  	s24 =	sadd.s32 $0x2800, s24;
	[sflag:s20] =	ssyncadd.s32 $0xFFFFC000  }
0x50: {  	[spmem:s2] =	stream.indirect.scatter.add.f32 [tilespmem:s18], [sflag:$0x3], $0x80, s24, s11, $0xb8;
	[tilespmem:$0x1FB80] =	vst v63  }
0x51: {  	_ =	swait.ge [sflag:s13], $0x4000  }
0x52: {  	[sflag:s13] =	ssyncset.done $0x0  }
0x53: {  	s26 =	simm.s32 $0x0;
	[sflag:s13] =	ssyncadd.s32 $0xFFFFC000  }
0x54: {  	[tilespmem:s14], [sflag:$0x3] =	stream.linear.gather [hbm4b:s8+s26], $0x1380, $0x38;
	[tilespmem:$0x1FB80] =	vst v63  }
0x55: {  	_ =	swait.ge [sflag:s13], $0x1380  }
0x56: {  	[sflag:s13] =	ssyncset.done $0x0  }
0x57: {  	s28 =	simm.s32 $0x1400;
	[sflag:s13] =	ssyncadd.s32 $0xFFFFEC80  }
0x58: {  	[tilespmem:s17], [sflag:$0x1] =	stream.indirect.gather [hbm4b:s4+s11], $0x80, s28, s11, $0xb8;
	[tilespmem:$0x1FB80] =	vst v63  }
0x59: {  	s29 =	simm.s32 $0x1480  }
0x5a: {  	[tilespmem:s18], [sflag:$0x2] =	stream.indirect.gather [hbm4b:s4+s11], $0x80, s29, s11, $0xb8;
	[tilespmem:$0x1FB80] =	vst v63  }
0x5b: {  	_ =	swait.ge [sflag:s19], $0x4000  }
0x5c: {  	[sflag:s19] =	ssyncset.done $0x0  }
0x5d: {  	s30 =	simm.s32 $0x2780;
	[sflag:s19] =	ssyncadd.s32 $0xFFFFC000  }
0x5e: {  	[spmem:s2] =	stream.indirect.scatter.add.f32 [tilespmem:s17], [sflag:$0x3], $0x80, s30, s11, $0xb8;
	[tilespmem:$0x1FB80] =	vst v63  }
0x5f: {  	_ =	swait.ge [sflag:s13], $0x4000  }
0x60: {  	[sflag:s13] =	ssyncset.done $0x0  }
0x61: {  	[sflag:s13] =	ssyncadd.s32 $0xFFFFC000  }
0x62: {  	_ =	swait.ge [sflag:s20], $0x4000  }
0x63: {  	[sflag:s20] =	ssyncset.done $0x0  }
0x64: {  	s31 =	simm.s32 $0x2800;
	[sflag:s20] =	ssyncadd.s32 $0xFFFFC000  }
0x65: {  	[spmem:s2] =	stream.indirect.scatter.add.f32 [tilespmem:s18], [sflag:$0x3], $0x80, s31, s11, $0xb8;
	[tilespmem:$0x1FB80] =	vst v63  }
0x66: {  	_ =	swait.ge [sflag:s13], $0x4000  }
0x67: {  	s25 =	simm.s32 $0x800;
	s24 =	simm.s32 $0x100;
	[sflag:s13] =	ssyncset.done $0x0  }
.LBB2_4:
0x68: {  	s26 =	sadd.s32 $0x1400, s24  }
0x69: {  	[sflag:s13] =	ssyncadd.s32 $0xFFFFC000;
	s28 =	smov.u32 s25;
	s29 =	sadd.s32 $0x400, s25  }
0x6a: {  	[tilespmem:s17], [sflag:$0x1] =	stream.indirect.gather [hbm4b:s4+s11], $0x80, s26, s11, $0xb8;
	[tilespmem:$0x1FB80] =	vst v63  }
0x6b: {  	p0 =	sne.s32 s25, $0x4800;
	s25 =	sadd.s32 $0x1480, s24  }
0x6c: {  	[tilespmem:s18], [sflag:$0x2] =	stream.indirect.gather [hbm4b:s4+s11], $0x80, s25, s11, $0xb8;
	[tilespmem:$0x1FB80] =	vst v63  }
0x6d: {  	_ =	swait.ge [sflag:s19], $0x4000  }
0x6e: {  	[sflag:s19] =	ssyncset.done $0x0  }
0x6f: {  	s25 =	sadd.s32 $0x2780, s24;
	[sflag:s19] =	ssyncadd.s32 $0xFFFFC000  }
0x70: {  	[spmem:s2] =	stream.indirect.scatter.add.f32 [tilespmem:s17], [sflag:$0x3], $0x80, s25, s11, $0xb8;
	[tilespmem:$0x1FB80] =	vst v63  }
0x71: {  	_ =	swait.ge [sflag:s13], $0x4000  }
0x72: {  	[sflag:s13] =	ssyncset.done $0x0  }
0x73: {  	[sflag:s13] =	ssyncadd.s32 $0xFFFFC000  }
0x74: {  	_ =	swait.ge [sflag:s20], $0x4000  }
.Ltmp1:
0x75: {  	[sflag:s20] =	ssyncset.done $0x0;
	(pc) =	sbr.rel @p0 .LBB2_4-.Ltmp1, $4  }
0x76: {  	s24 =	sadd.s32 $0x2800, s24;
	[sflag:s20] =	ssyncadd.s32 $0xFFFFC000  }
0x77: {  	[spmem:s2] =	stream.indirect.scatter.add.f32 [tilespmem:s18], [sflag:$0x3], $0x80, s24, s11, $0xb8;
	[tilespmem:$0x1FB80] =	vst v63  }
0x78: {  	_ =	swait.ge [sflag:s13], $0x4000  }
0x79: {  	s25 =	smov.u32 s29;
	s24 =	sshra.s32 s28, $0x2;
	[sflag:s13] =	ssyncset.done $0x0  }
0x7a: {  	s25 =	sadd.s32 $0x1400, s24;
	[sflag:s13] =	ssyncadd.s32 $0xFFFFC000  }
0x7b: {  	[tilespmem:s17], [sflag:$0x1] =	stream.indirect.gather [hbm4b:s4+s11], $0x80, s25, s11, $0xb8;
	[tilespmem:$0x1FB80] =	vst v63  }
0x7c: {  	s29 =	sadd.s32 $0x1480, s24  }
0x7d: {  	[tilespmem:s18], [sflag:$0x2] =	stream.indirect.gather [hbm4b:s4+s11], $0x80, s29, s11, $0xb8;
	[tilespmem:$0x1FB80] =	vst v63  }
0x7e: {  	_ =	swait.ge [sflag:s19], $0x4000  }
0x7f: {  	[sflag:s19] =	ssyncset.done $0x0  }
0x80: {  	s30 =	sadd.s32 $0x2780, s24;
	[sflag:s19] =	ssyncadd.s32 $0xFFFFC000  }
0x81: {  	[spmem:s2] =	stream.indirect.scatter.add.f32 [tilespmem:s17], [sflag:$0x3], $0x80, s30, s11, $0xb8;
	[tilespmem:$0x1FB80] =	vst v63  }
0x82: {  	_ =	swait.ge [sflag:s13], $0x4000  }
0x83: {  	[sflag:s13] =	ssyncset.done $0x0  }
0x84: {  	[sflag:s13] =	ssyncadd.s32 $0xFFFFC000  }
0x85: {  	_ =	swait.ge [sflag:s20], $0x4000  }
0x86: {  	[sflag:s20] =	ssyncset.done $0x0  }
0x87: {  	s31 =	sadd.s32 $0x2800, s24;
	[sflag:s20] =	ssyncadd.s32 $0xFFFFC000  }
0x88: {  	[spmem:s2] =	stream.indirect.scatter.add.f32 [tilespmem:s18], [sflag:$0x3], $0x80, s31, s11, $0xb8;
	[tilespmem:$0x1FB80] =	vst v63  }
0x89: {  	_ =	swait.ge [sflag:s13], $0x4000  }
0x8a: {  	[sflag:s13] =	ssyncset.done $0x0  }
0x8b: {  	[sflag:s13] =	ssyncadd.s32 $0xFFFFC000  }
0x8c: {  	[tilespmem:s17], [sflag:$0x1] =	stream.indirect.gather [hbm4b:s4+s11], $0x80, s21, s11, $0xb8;
	[tilespmem:$0x1FB80] =	vst v63  }
0x8d: {  	_ =	swait.ge [sflag:s19], $0x4000  }
0x8e: {  	[sflag:s19] =	ssyncset.done $0x0  }
0x8f: {  	[sflag:s19] =	ssyncadd.s32 $0xFFFFC000  }
0x90: {  	[spmem:s2] =	stream.indirect.scatter.add.f32 [tilespmem:s17], [sflag:$0x3], $0x80, s22, s11, $0xb8;
	[tilespmem:$0x1FB80] =	vst v63  }
0x91: {  	_ =	swait.ge [sflag:s13], $0x4000  }
0x92: {  	s23 =	sadd.s32 $0x1, s23;
	[sflag:s13] =	ssyncset.done $0x0  }
0x93: {  	p0 =	sne.s32 s23, s10;
	[sflag:s13] =	ssyncadd.s32 $0xFFFFC000  }
.Ltmp2:
0x94: {  	[bflag:$0x0] =	sbarrier.arrive $0xFFFF;
	(pc) =	sbr.rel @p0 .LBB2_1-.Ltmp2, $4  }
0x95: {  	[hbm:s9], [sflag:s15] =	dma.local [spmem:s16], $0x2800  }
0x96: {  	_ =	swait.ge [sflag:s13], $0x2800  }
0x97: {  	[sflag:s13] =	ssyncset.done $0x0  }
0x98: {  	[sflag:s13] =	ssyncadd.s32 $0xFFFFD800  }
0x99: {  	_ =	sfence.sel $0x180000  }
0x9a: {  	[bflag:$0x0] =	sbarrier.arrive $0xFFFF  }
0x9b: {  	p0 =	sne.s32 s0, $0x0;
	_ =	strace $0x9000004D  }
0x9c: {  	s0 =	sadd.s32 @!p0 $0x100000, s1;
	[bflag:$0x2] =	sbarrier.arrive $0xFFFF  }
0x9d: {  	[sflag:s0] =	ssyncadd.tile.s32 @!p0 $0x1;
	_ =	shalt  }
.Lfunc_end2:
_tile_overlayer_lowered:
.L_overlay_start_2:
0x9e: {  	(tag) =	ssettag $0x2  }
0x9f: {  	s0 =	rddreg [dreg:$0x0];
	s2 =	stileid.u32  }
0xa0: {  	s1 =	rddreg [dreg:$0x1];
	p0 =	sne.s32 s2, $0x0  }
0xa1: {  	s3 =	rddreg [dreg:$0x2];
	[bflag:$0x3] =	sbarrier.arrive $0xFFFF;
	s2 =	simm.s32 @!p0 $0x1C03  }
0xa2: {  	[timem:s3], [sflag:s2] =	dma.local @!p0 [hbm:s0], s1  }
0xa3: {  	s0 =	simm.s32 @!p0 $0x3  }
0xa4: {  	_ =	swait.ge @!p0 [sflag:s0], s1  }
0xa5: {  	s1 =	ssub.s32 @!p0 $0x0, s1;
	[sflag:s0] =	ssyncset.done @!p0 $0x0  }
0xa6: {  	[sflag:s0] =	ssyncadd.s32 @!p0 s1  }
0xa7: {  	[bflag:$0x3] =	sbarrier.arrive $0xFFFF  }
0xa8: {  	_ =	shalt  }

// kernel: kernel.20.cloned.1.call-start
scs
__scs_entry_jumppad:
0x0: {  	(pc) =	sbr.rel $0x88, $3  }
0x1: {  	(tag) =	ssettag $0x0;
	lr =	simm.s32 $0x1  }
0x2: {  	[smem:$0x3F93] =	sst lr;
	_ =	strace $0xD0000000  }
0x3: {  	_ = 	snop  }
0x4: {  	_ = 	snop  }
0x5: {  	_ = 	snop  }
0x6: {  	_ = 	snop  }
0x7: {  	_ = 	snop  }
__scs_overlays_trampoline_lowered:
0x8: {  	[smem:$0x3FA2] =	sst s0  }
0x9: {  	[smem:$0x3FA3] =	sst s1  }
0xa: {  	[smem:$0x3FA4] =	sst s2  }
0xb: {  	[smem:$0x3FA5] =	sst s3  }
0xc: {  	[smem:$0x3FA6] =	sst s4  }
0xd: {  	[smem:$0x3FA7] =	sst s5  }
0xe: {  	[smem:$0x3FA8] =	sst s6  }
0xf: {  	[smem:$0x3FA9] =	sst s7  }
0x10: {  	[smem:$0x3FAA] =	sst s8  }
0x11: {  	[smem:$0x3FAB] =	sst s9;
	s0 =	simm.s32 @!p0 $0x0  }
0x12: {  	s1 =	sld [smem:$0x3F91];
	s0 =	simm.s32 @p0 $0x1  }
0x13: {  	[smem:$0x3FAC] =	sst s0;
	s0 =	simm.s32 @!p1 $0x0  }
0x14: {  	s2 =	sld [smem:$0x3F90];
	s0 =	simm.s32 @p1 $0x1  }
0x15: {  	[smem:$0x3FAD] =	sst s0;
	s0 =	simm.s32 @!p2 $0x0  }
0x16: {  	s3 =	sld [smem:$0x3FDB];
	s0 =	simm.s32 @p2 $0x1  }
0x17: {  	s4 =	simm.s32 $0x1BF5;
	[smem:$0x3FAF] =	sst s0  }
0x18: {  	s0 =	sld [smem:$0x3F92];
	_ =	swait.ge [sflag:s4], $0x0  }
0x19: {  	s7 =	sld [smem:$0x3F93]  }
0x1a: {  	s8 =	sadd.s32 $0xFFFFE003, lr  }
0x1b: {  	s9 =	sadd.s32 $0xFFFFFEF7, lr;
	s5 =	simm.s32 $0xFFFFFFFF;
	p2 =	slt.u32 s8, $0xFFFFF086  }
0x1c: {  	p1 =	slt.u32 s9, $0xF7A;
	s5 =	simm.s32 @!p2 $0x0  }
0x1d: {  	s5 =	simm.s32 @p1 $0x1;
	p0 =	seq.s32 s7, s2  }
0x1e: {  	s7 =	smul.u32 @!p0 $0xF7A, s2;
	p2 =	seq.s32 @!p0 s5, $0x0  }
0x1f: {  	s9 =	smul.u32 $0xF7A, s1;
	s8 =	simm.s32 @!p0 $0x1BF5;
	p2 =	por !p2, p0  }
0x20: {  	[sflag:s8] =	ssyncset.s32 @!p0 $0xFFFFF086;
	s6 =	sadd.s32 @!p0 s3, s7;
	s7 =	simm.s32 @!p0 $0x108  }
0x21: {  	s3 =	sadd.s32 s3, s9;
	s6 =	sadd.s32 @!p0 $0x88, s6;
	s7 =	simm.s32 @p2 $0x1082  }
0x22: {  	[simem:s7], [sflag:s8] =	dma.local @!p0 [hbm:s6], $0xF7A  }
0x23: {  	s9 =	sor.u32 $0xD0000000, s2;
	s6 =	simm.s32 $0x108;
	_ =	swait.ge @!p0 [sflag:s8], $0x0  }
0x24: {  	s3 =	sadd.s32 $0x88, s3;
	s6 =	simm.s32 @!p1 $0x1082;
	[sflag:s4] =	ssyncset.s32 $0xFFFFF086  }
0x25: {  	[simem:s6], [sflag:s4] =	dma.local [hbm:s3], $0xF7A  }
0x26: {  	[smem:$0x3F93] =	sst s1;
	(tag) =	ssettag s2;
	_ =	strace s9  }
0x27: {  	s1 =	sld [smem:$0x3FA3]  }
0x28: {  	s2 =	sld [smem:$0x3FA4]  }
0x29: {  	s4 =	sld [smem:$0x3FA6]  }
0x2a: {  	p0 =	seq.s32 s5, $0x0;
	s5 =	sld [smem:$0x3FA7]  }
0x2b: {  	s6 =	sld [smem:$0x3FA8]  }
0x2c: {  	s7 =	sld [smem:$0x3FA9]  }
0x2d: {  	s3 =	simm.s32 $0x108;
	s8 =	sld [smem:$0x3FAA]  }
0x2e: {  	s3 =	simm.s32 @!p0 $0x1082;
	s9 =	sld [smem:$0x3FAB]  }
0x2f: {  	lr =	sadd.s32 s0, s3;
	s0 =	sld [smem:$0x3FA2]  }
0x30: {  	s3 =	sld [smem:$0x3FA5]  }
0x31: {  	[smem:$0x3FAE] =	sst s10  }
0x32: {  	s10 =	sld [smem:$0x3FAC];
	_ =	sdelay $0x3  }
0x33: {  	p0 =	seq.s32 s10, $0x1;
	s10 =	sld [smem:$0x3FAE];
	_ =	sdelay $0x3  }
0x34: {  	[smem:$0x3FAE] =	sst s10  }
0x35: {  	s10 =	sld [smem:$0x3FAD];
	_ =	sdelay $0x3  }
0x36: {  	p1 =	seq.s32 s10, $0x1;
	s10 =	sld [smem:$0x3FAE];
	_ =	sdelay $0x3  }
0x37: {  	[smem:$0x3FAE] =	sst s10  }
0x38: {  	s10 =	sld [smem:$0x3FAF]  }
0x39: {  	_ = 	snop;
	(pc) =	sbr.ind lr, $3  }
0x3a: {  	_ = 	snop  }
0x3b: {  	_ = 	snop  }
0x3c: {  	p2 =	seq.s32 s10, $0x1;
	s10 =	sld [smem:$0x3FAE]  }
0x3d: {  	_ =	shalt  }
0x3e: {  	_ =	shalt  }
0x3f: {  	_ =	shalt  }
0x40: {  	_ =	shalt  }
0x41: {  	_ =	shalt  }
0x42: {  	_ =	shalt  }
0x43: {  	_ =	shalt  }
0x44: {  	_ =	shalt  }
0x45: {  	_ =	shalt  }
0x46: {  	_ =	shalt  }
0x47: {  	_ =	shalt  }
0x48: {  	_ =	shalt  }
0x49: {  	_ =	shalt  }
0x4a: {  	_ =	shalt  }
0x4b: {  	_ =	shalt  }
0x4c: {  	_ =	shalt  }
0x4d: {  	_ =	shalt  }
0x4e: {  	_ =	shalt  }
0x4f: {  	_ =	shalt  }
0x50: {  	_ =	shalt  }
0x51: {  	_ =	shalt  }
0x52: {  	_ =	shalt  }
0x53: {  	_ =	shalt  }
0x54: {  	_ =	shalt  }
0x55: {  	_ =	shalt  }
0x56: {  	_ =	shalt  }
0x57: {  	_ =	shalt  }
0x58: {  	_ =	shalt  }
0x59: {  	_ =	shalt  }
0x5a: {  	_ =	shalt  }
0x5b: {  	_ =	shalt  }
0x5c: {  	_ =	shalt  }
0x5d: {  	_ =	shalt  }
0x5e: {  	_ =	shalt  }
0x5f: {  	_ =	shalt  }
0x60: {  	_ =	shalt  }
0x61: {  	_ =	shalt  }
0x62: {  	_ =	shalt  }
0x63: {  	_ =	shalt  }
0x64: {  	_ =	shalt  }
0x65: {  	_ =	shalt  }
0x66: {  	_ =	shalt  }
0x67: {  	_ =	shalt  }
0x68: {  	_ =	shalt  }
0x69: {  	_ =	shalt  }
0x6a: {  	_ =	shalt  }
0x6b: {  	_ =	shalt  }
0x6c: {  	_ =	shalt  }
0x6d: {  	_ =	shalt  }
0x6e: {  	_ =	shalt  }
0x6f: {  	_ =	shalt  }
0x70: {  	_ =	shalt  }
0x71: {  	_ =	shalt  }
0x72: {  	_ =	shalt  }
0x73: {  	_ =	shalt  }
0x74: {  	_ =	shalt  }
0x75: {  	_ =	shalt  }
0x76: {  	_ =	shalt  }
0x77: {  	_ =	shalt  }
0x78: {  	_ =	shalt  }
0x79: {  	_ =	shalt  }
0x7a: {  	_ =	shalt  }
0x7b: {  	_ =	shalt  }
0x7c: {  	_ =	shalt  }
0x7d: {  	_ =	shalt  }
0x7e: {  	_ =	shalt  }
0x7f: {  	_ =	shalt  }
0x80: {  	_ =	shalt  }
0x81: {  	_ =	shalt  }
0x82: {  	_ =	shalt  }
0x83: {  	_ =	shalt  }
0x84: {  	_ =	shalt  }
0x85: {  	_ =	shalt  }
0x86: {  	_ =	shalt  }
0x87: {  	_ =	shalt  }
.Lfunc_end0:
.L_simem_size_0:
called_computation.3_lowered:
.L_overlay_start_0:
0x88: {  	s2 =	sld [smem:$0x3FD9]  }
0x89: {  	s3 =	sld [smem:$0x3FFE];
	_ =	sdelay $0x1  }
0x8a: {  	s1 =	srdreg.scid  }
0x8b: {  	s0 =	sand.u32 $0x1, s1  }
0x8c: {  	s16 =	sshll.u32 s0, $0xA;
	s2 =	sadd.s32 s3, s2  }
0x8d: {  	s2 =	sadd.s32 s2, s16  }
0x8e: {  	[smem:$0x3FBA] =	sst s2  }
0x8f: {  	_ = 	snop  }
0x90: {  	(tm) =	ssettm $0x1  }
0x91: {  	s17 =	sld [smem:$0x3FFB];
	_ =	sdelay $0x3  }
0x92: {  	_ =	strace s17  }
0x93: {  	s2 =	sld [smem:$0x3FFC];
	_ =	sdelay $0x3  }
0x94: {  	_ =	strace s2  }
0x95: {  	s2 =	sld [smem:$0x3FFD];
	_ =	sdelay $0x3  }
0x96: {  	_ =	strace s2  }
0x97: {  	_ =	strace $0x8FFFFFFF  }
0x98: {  	s18 =	sld [smem:$0x3FDB];
	_ =	sdelay $0x1  }
0x99: {  	s19 =	simm.s32 $_scs_section_size  }
0x9a: {  	s4 =	simm.s32 $_size__tile_overlayer_lowered;
	s5 =	simm.s32 $_tile_overlayer_lowered  }
0x9b: {  	s22 =	simm.s32 $0x1BFF;
	s21 =	sshll.u32 s5, $0x1;
	s2 =	sadd.s32 s19, s18  }
0x9c: {  	s6 =	simm.s32 $0x0;
	s20 =	sshll.u32 s4, $0x1;
	s4 =	sadd.s32 s21, s2  }
0x9d: {  	[timem:s6], [sflag:s22] =	dma.local [hbm:s4], s20  }
0x9e: {  	_ =	swait.ge [sflag:s22], s20  }
0x9f: {  	s3 =	ssub.s32 $0x0, s20;
	[sflag:s22] =	ssyncset.done $0x0  }
0xa0: {  	[sflag:s22] =	ssyncadd.s32 s3;
	_ =	sdelay $0x1  }
0xa1: {  	s23 =	simm.s32 $0x1B8B  }
0xa2: {  	_ =	swait.ge [sflag:s23], $0x1  }
0xa3: {  	[sflag:s23] =	ssyncset.done $0x0  }
0xa4: {  	s25 =	simm.s32 $0x1B8E;
	s24 =	sld [smem:$0x3FFE];
	[sflag:s23] =	ssyncadd.s32 $0xFFFFFFFF  }
0xa5: {  	s26 =	simm.s32 $execute0_lowered;
	[smem:$0x3FD2] =	sst s25  }
0xa6: {  	s4 =	sshll.u32 s26, $0x1;
	_ =	strace $0x8000004F;
	[dreg:$0x1] =	wrdreg $0xFFFFFFFF  }
0xa7: {  	s28 =	simm.s32 $_size_execute0_lowered;
	s2 =	sadd.s32 s2, s4;
	[dreg:$0x0] =	wrdreg $0x0  }
0xa8: {  	s4 =	sshll.u32 s28, $0x1;
	[dreg:$0x2] =	wrdreg s2  }
0xa9: {  	[dreg:$0x3] =	wrdreg s4  }
0xaa: {  	[dreg:$0x4] =	wrdreg $0xC0  }
0xab: {  	_ =	task [dreg:s6], $0x5FFFF  }
0xac: {  	[dreg:$0x1] =	wrdreg $0xFFFFFFFF  }
0xad: {  	[dreg:$0x0] =	wrdreg $0x60  }
0xae: {  	[dreg:$0x2] =	wrdreg s24  }
0xaf: {  	[dreg:$0x3] =	wrdreg $0xBB800  }
0xb0: {  	[dreg:$0x4] =	wrdreg $0x9  }
0xb1: {  	_ =	task.clear_ibuf [dreg:s6], $0x5FFFF;
	_ =	strace $0x9000004F  }
0xb2: {  	s29 =	simm.s32 $0x9;
	_ =	strace $0x80000051  }
0xb3: {  	_ =	swait.ge [sflag:s29], $0x1  }
0xb4: {  	[sflag:s29] =	ssyncadd.s32 $0xFFFFFFFF  }
0xb5: {  	_ =	strace $0x90000051  }
0xb6: {  	_ =	sfence  }
0xb7: {  	s30 =	sld [smem:$0x0];
	_ =	sdelay $0x2  }
0xb8: {  	s31 =	sshll.u32 s1, $0xD;
	s1 =	sshrl.u32 s1, $0x2  }
0xb9: {  	s3 =	sand.u32 $0x4000, s31;
	s1 =	sadd.s32 s1, s30  }
0xba: {  	s0 =	sor.u32 s3, s0;
	s1 =	sshll.u32 s1, $0x11  }
0xbb: {  	s0 =	sor.u32 s1, s0  }
0xbc: {  	s0 =	sadd.s32 $0x8F2B, s0  }
0xbd: {  	[sflag:s0] =	ssyncadd.remote.s32 $0x1  }
0xbe: {  	_ =	sfence.sel $0xFFFF  }
0xbf: {  	[dreg:$0x0] =	wrdreg $0xFFFFFFFF;
	(pc) =	sbr.abs _section_cstart, $3  }
0xc0: {  	[dreg:$0x1] =	wrdreg $0xFFFFFFFF  }
0xc1: {  	_ =	task.clear_ibuf [dreg:s6], $0x2FFFF;
	_ =	strace $0x9FFFFFFF  }
0xc2: {  	(tm) =	ssettm $0x7FFFFFFF  }
0xc3: {  	_ =	shalt  }
tec
execute0_lowered:
.L_overlay_start_1:
0x0: {  	(tag) =	ssettag $0x1  }
0x1: {  	s1 =	srdreg.scid;
	s6 =	rddreg [dreg:$0x0]  }
0x2: {  	s0 =	stileid.u32;
	s2 =	rddreg [dreg:$0x1];
	s14 =	simm.s32 $0x2780  }
0x3: {  	s17 =	simm.s32 $0x3B80;
	s18 =	simm.s32 $0x7B80;
	s19 =	simm.s32 $0x1  }
0x4: {  	s20 =	simm.s32 $0x2;
	s21 =	simm.s32 $0x2700;
	s22 =	simm.s32 $0x3A80  }
0x5: {  	s23 =	simm.s32 $0x0;
	s5 =	sand.u32 $0x1, s1;
	s10 =	smul.u32 $0x14000, s0  }
0x6: {  	s26 =	sshll.u32 s0, $0x1;
	s3 =	sshrl.u32 s0, $0x2;
	s12 =	smul.u32 $0x50000, s0  }
0x7: {  	s1 =	rddreg [dreg:$0x2];
	s15 =	sshll.u32 s0, $0x6;
	s7 =	smul.u32 $0x13C00, s3  }
0x8: {  	s4 =	sor.u32 s5, s26;
	s3 =	simm.s32 $0x0;
	s29 =	smul.u32 $0x140000, s5  }
0x9: {  	s30 =	ssub.s32 $0x2, s5;
	s5 =	sadd.s32 $0xE200, s6;
	s15 =	sor.u32 $0x1C03, s15  }
0xa: {  	s8 =	sshll.u32 s4, $0x7;
	s9 =	smul.u32 $0x2800, s4;
	[smem:$0x7FF] =	sst s3  }
0xb: {  	s4 =	sadd.s32 $0x10A00, s6;
	s11 =	sshrl.u32 s30, $0x1;
	s31 =	sshrl.u32 s12, $0x2  }
0xc: {  	s12 =	simm.s32 $0x400;
	s8 =	sand.u32 $0x380, s8;
	_ =	strace $0x80000050  }
0xd: {  	s16 =	sadd.s32 s31, s2;
	s28 =	sor.u32 s7, s8;
	s9 =	sshrl.u32 s9, $0x3  }
0xe: {  	s7 =	sadd.s32 s10, s29;
	s10 =	ssub.s32 s30, s11;
	s11 =	simm.s32 $0x80  }
0xf: {  	s16 =	sshrl.u32 s16, $0x3;
	s8 =	sshrl.u32 s28, $0x3;
	s9 =	sadd.s32 s9, s6  }
0x10: {  	s7 =	sshrl.u32 s7, $0x3;
	s10 =	smax.u32 s10, $0x1;
	s8 =	sadd.s32 s8, s6  }
0x11: {  	s13 =	sadd.s32 s7, s6;
	s7 =	sadd.s32 $0x4200, s9;
	s6 =	sadd.s32 $0x93200, s8  }
0x12: {  	s8 =	sadd.s32 $0x4480, s9;
	s9 =	sadd.s32 $0x38A00, s13;
	s13 =	simm.s32 $0x3  }
.LBB2_1:
0x13: {  	[tilespmem:s3], [sflag:$0x3] =	stream.strided.gather [hbm4b:s6+s11], $0x2780, s12, s11, $0x38;
	[tilespmem:$0x1FB80] =	vst v63  }
0x14: {  	_ =	swait.ge [sflag:s13], $0x2780  }
0x15: {  	[sflag:s13] =	ssyncset.done $0x0  }
0x16: {  	[sflag:s13] =	ssyncadd.s32 $0xFFFFD880  }
0x17: {  	[tilespmem:s14], [sflag:$0x3] =	stream.linear.gather [hbm4b:s7+s3], $0x1400, $0x38;
	[tilespmem:$0x1FB80] =	vst v63  }
0x18: {  	_ =	swait.ge [sflag:s13], $0x1400  }
0x19: {  	[sflag:s13] =	ssyncset.done $0x0  }
0x1a: {  	[sflag:s13] =	ssyncadd.s32 $0xFFFFEC00  }
0x1b: {  	[spmem:s16], [sflag:s15] =	dma.local [hbm:s5], $0x2800  }
0x1c: {  	_ =	swait.ge [sflag:s13], $0x2800  }
0x1d: {  	[sflag:s13] =	ssyncset.done $0x0  }
0x1e: {  	[sflag:s13] =	ssyncadd.s32 $0xFFFFD800  }
0x1f: {  	s24 =	simm.s32 $0x0;
	[bflag:$0x0] =	sbarrier.arrive $0xFFFF  }
0x20: {  	[tilespmem:s17], [sflag:$0x1] =	stream.indirect.gather [hbm4b:s4+s11], $0x80, s24, s11, $0xb8;
	[tilespmem:$0x1FB80] =	vst v63  }
0x21: {  	s29 =	simm.s32 $0x80  }
0x22: {  	[tilespmem:s18], [sflag:$0x2] =	stream.indirect.gather [hbm4b:s4+s11], $0x80, s29, s11, $0xb8;
	[tilespmem:$0x1FB80] =	vst v63  }
0x23: {  	_ =	swait.ge [sflag:s19], $0x4000  }
0x24: {  	[sflag:s19] =	ssyncset.done $0x0  }
0x25: {  	s30 =	simm.s32 $0x2780;
	[sflag:s19] =	ssyncadd.s32 $0xFFFFC000  }
0x26: {  	[spmem:s2] =	stream.indirect.scatter.add.f32 [tilespmem:s17], [sflag:$0x3], $0x80, s30, s11, $0xb8;
	[tilespmem:$0x1FB80] =	vst v63  }
0x27: {  	_ =	swait.ge [sflag:s13], $0x4000  }
0x28: {  	[sflag:s13] =	ssyncset.done $0x0  }
0x29: {  	[sflag:s13] =	ssyncadd.s32 $0xFFFFC000  }
0x2a: {  	_ =	swait.ge [sflag:s20], $0x4000  }
0x2b: {  	[sflag:s20] =	ssyncset.done $0x0  }
0x2c: {  	s31 =	simm.s32 $0x2800;
	[sflag:s20] =	ssyncadd.s32 $0xFFFFC000  }
0x2d: {  	[spmem:s2] =	stream.indirect.scatter.add.f32 [tilespmem:s18], [sflag:$0x3], $0x80, s31, s11, $0xb8;
	[tilespmem:$0x1FB80] =	vst v63  }
0x2e: {  	_ =	swait.ge [sflag:s13], $0x4000  }
0x2f: {  	s25 =	simm.s32 $0x800;
	s24 =	simm.s32 $0x400;
	[sflag:s13] =	ssyncset.done $0x0  }
.LBB2_2:
0x30: {  	s26 =	sshra.s32 s24, $0x2  }
0x31: {  	[sflag:s13] =	ssyncadd.s32 $0xFFFFC000;
	s24 =	smov.u32 s25;
	s28 =	sadd.s32 $0x400, s25  }
0x32: {  	[tilespmem:s17], [sflag:$0x1] =	stream.indirect.gather [hbm4b:s4+s11], $0x80, s26, s11, $0xb8;
	[tilespmem:$0x1FB80] =	vst v63  }
0x33: {  	p0 =	sne.s32 s25, $0x4C00;
	s25 =	sadd.s32 $0x80, s26  }
0x34: {  	[tilespmem:s18], [sflag:$0x2] =	stream.indirect.gather [hbm4b:s4+s11], $0x80, s25, s11, $0xb8;
	[tilespmem:$0x1FB80] =	vst v63  }
0x35: {  	_ =	swait.ge [sflag:s19], $0x4000  }
0x36: {  	[sflag:s19] =	ssyncset.done $0x0  }
0x37: {  	s25 =	sadd.s32 $0x2780, s26;
	[sflag:s19] =	ssyncadd.s32 $0xFFFFC000  }
0x38: {  	[spmem:s2] =	stream.indirect.scatter.add.f32 [tilespmem:s17], [sflag:$0x3], $0x80, s25, s11, $0xb8;
	[tilespmem:$0x1FB80] =	vst v63  }
0x39: {  	_ =	swait.ge [sflag:s13], $0x4000  }
0x3a: {  	[sflag:s13] =	ssyncset.done $0x0  }
0x3b: {  	[sflag:s13] =	ssyncadd.s32 $0xFFFFC000  }
0x3c: {  	_ =	swait.ge [sflag:s20], $0x4000  }
.Ltmp0:
0x3d: {  	[sflag:s20] =	ssyncset.done $0x0;
	(pc) =	sbr.rel @p0 .LBB2_2-.Ltmp0, $4  }
0x3e: {  	s25 =	sadd.s32 $0x2800, s26;
	[sflag:s20] =	ssyncadd.s32 $0xFFFFC000  }
0x3f: {  	[spmem:s2] =	stream.indirect.scatter.add.f32 [tilespmem:s18], [sflag:$0x3], $0x80, s25, s11, $0xb8;
	[tilespmem:$0x1FB80] =	vst v63  }
0x40: {  	_ =	swait.ge [sflag:s13], $0x4000  }
0x41: {  	s25 =	smov.u32 s28;
	[sflag:s13] =	ssyncset.done $0x0  }
0x42: {  	s24 =	sshra.s32 s24, $0x2;
	[sflag:s13] =	ssyncadd.s32 $0xFFFFC000  }
0x43: {  	[tilespmem:s17], [sflag:$0x1] =	stream.indirect.gather [hbm4b:s4+s11], $0x80, s24, s11, $0xb8;
	[tilespmem:$0x1FB80] =	vst v63  }
0x44: {  	s25 =	sadd.s32 $0x80, s24  }
0x45: {  	[tilespmem:s18], [sflag:$0x2] =	stream.indirect.gather [hbm4b:s4+s11], $0x80, s25, s11, $0xb8;
	[tilespmem:$0x1FB80] =	vst v63  }
0x46: {  	_ =	swait.ge [sflag:s19], $0x4000  }
0x47: {  	[sflag:s19] =	ssyncset.done $0x0  }
0x48: {  	s31 =	sadd.s32 $0x2780, s24;
	[sflag:s19] =	ssyncadd.s32 $0xFFFFC000  }
0x49: {  	[spmem:s2] =	stream.indirect.scatter.add.f32 [tilespmem:s17], [sflag:$0x3], $0x80, s31, s11, $0xb8;
	[tilespmem:$0x1FB80] =	vst v63  }
0x4a: {  	_ =	swait.ge [sflag:s13], $0x4000  }
0x4b: {  	[sflag:s13] =	ssyncset.done $0x0  }
0x4c: {  	[sflag:s13] =	ssyncadd.s32 $0xFFFFC000  }
0x4d: {  	_ =	swait.ge [sflag:s20], $0x4000  }
0x4e: {  	[sflag:s20] =	ssyncset.done $0x0  }
0x4f: {  	s24 =	sadd.s32 $0x2800, s24;
	[sflag:s20] =	ssyncadd.s32 $0xFFFFC000  }
0x50: {  	[spmem:s2] =	stream.indirect.scatter.add.f32 [tilespmem:s18], [sflag:$0x3], $0x80, s24, s11, $0xb8;
	[tilespmem:$0x1FB80] =	vst v63  }
0x51: {  	_ =	swait.ge [sflag:s13], $0x4000  }
0x52: {  	[sflag:s13] =	ssyncset.done $0x0  }
0x53: {  	s26 =	simm.s32 $0x0;
	[sflag:s13] =	ssyncadd.s32 $0xFFFFC000  }
0x54: {  	[tilespmem:s14], [sflag:$0x3] =	stream.linear.gather [hbm4b:s8+s26], $0x1380, $0x38;
	[tilespmem:$0x1FB80] =	vst v63  }
0x55: {  	_ =	swait.ge [sflag:s13], $0x1380  }
0x56: {  	[sflag:s13] =	ssyncset.done $0x0  }
0x57: {  	s28 =	simm.s32 $0x1400;
	[sflag:s13] =	ssyncadd.s32 $0xFFFFEC80  }
0x58: {  	[tilespmem:s17], [sflag:$0x1] =	stream.indirect.gather [hbm4b:s4+s11], $0x80, s28, s11, $0xb8;
	[tilespmem:$0x1FB80] =	vst v63  }
0x59: {  	s29 =	simm.s32 $0x1480  }
0x5a: {  	[tilespmem:s18], [sflag:$0x2] =	stream.indirect.gather [hbm4b:s4+s11], $0x80, s29, s11, $0xb8;
	[tilespmem:$0x1FB80] =	vst v63  }
0x5b: {  	_ =	swait.ge [sflag:s19], $0x4000  }
0x5c: {  	[sflag:s19] =	ssyncset.done $0x0  }
0x5d: {  	s30 =	simm.s32 $0x2780;
	[sflag:s19] =	ssyncadd.s32 $0xFFFFC000  }
0x5e: {  	[spmem:s2] =	stream.indirect.scatter.add.f32 [tilespmem:s17], [sflag:$0x3], $0x80, s30, s11, $0xb8;
	[tilespmem:$0x1FB80] =	vst v63  }
0x5f: {  	_ =	swait.ge [sflag:s13], $0x4000  }
0x60: {  	[sflag:s13] =	ssyncset.done $0x0  }
0x61: {  	[sflag:s13] =	ssyncadd.s32 $0xFFFFC000  }
0x62: {  	_ =	swait.ge [sflag:s20], $0x4000  }
0x63: {  	[sflag:s20] =	ssyncset.done $0x0  }
0x64: {  	s31 =	simm.s32 $0x2800;
	[sflag:s20] =	ssyncadd.s32 $0xFFFFC000  }
0x65: {  	[spmem:s2] =	stream.indirect.scatter.add.f32 [tilespmem:s18], [sflag:$0x3], $0x80, s31, s11, $0xb8;
	[tilespmem:$0x1FB80] =	vst v63  }
0x66: {  	_ =	swait.ge [sflag:s13], $0x4000  }
0x67: {  	s25 =	simm.s32 $0x800;
	s24 =	simm.s32 $0x100;
	[sflag:s13] =	ssyncset.done $0x0  }
.LBB2_4:
0x68: {  	s26 =	sadd.s32 $0x1400, s24  }
0x69: {  	[sflag:s13] =	ssyncadd.s32 $0xFFFFC000;
	s28 =	smov.u32 s25;
	s29 =	sadd.s32 $0x400, s25  }
0x6a: {  	[tilespmem:s17], [sflag:$0x1] =	stream.indirect.gather [hbm4b:s4+s11], $0x80, s26, s11, $0xb8;
	[tilespmem:$0x1FB80] =	vst v63  }
0x6b: {  	p0 =	sne.s32 s25, $0x4800;
	s25 =	sadd.s32 $0x1480, s24  }
0x6c: {  	[tilespmem:s18], [sflag:$0x2] =	stream.indirect.gather [hbm4b:s4+s11], $0x80, s25, s11, $0xb8;
	[tilespmem:$0x1FB80] =	vst v63  }
0x6d: {  	_ =	swait.ge [sflag:s19], $0x4000  }
0x6e: {  	[sflag:s19] =	ssyncset.done $0x0  }
0x6f: {  	s25 =	sadd.s32 $0x2780, s24;
	[sflag:s19] =	ssyncadd.s32 $0xFFFFC000  }
0x70: {  	[spmem:s2] =	stream.indirect.scatter.add.f32 [tilespmem:s17], [sflag:$0x3], $0x80, s25, s11, $0xb8;
	[tilespmem:$0x1FB80] =	vst v63  }
0x71: {  	_ =	swait.ge [sflag:s13], $0x4000  }
0x72: {  	[sflag:s13] =	ssyncset.done $0x0  }
0x73: {  	[sflag:s13] =	ssyncadd.s32 $0xFFFFC000  }
0x74: {  	_ =	swait.ge [sflag:s20], $0x4000  }
.Ltmp1:
0x75: {  	[sflag:s20] =	ssyncset.done $0x0;
	(pc) =	sbr.rel @p0 .LBB2_4-.Ltmp1, $4  }
0x76: {  	s24 =	sadd.s32 $0x2800, s24;
	[sflag:s20] =	ssyncadd.s32 $0xFFFFC000  }
0x77: {  	[spmem:s2] =	stream.indirect.scatter.add.f32 [tilespmem:s18], [sflag:$0x3], $0x80, s24, s11, $0xb8;
	[tilespmem:$0x1FB80] =	vst v63  }
0x78: {  	_ =	swait.ge [sflag:s13], $0x4000  }
0x79: {  	s25 =	smov.u32 s29;
	s24 =	sshra.s32 s28, $0x2;
	[sflag:s13] =	ssyncset.done $0x0  }
0x7a: {  	s25 =	sadd.s32 $0x1400, s24;
	[sflag:s13] =	ssyncadd.s32 $0xFFFFC000  }
0x7b: {  	[tilespmem:s17], [sflag:$0x1] =	stream.indirect.gather [hbm4b:s4+s11], $0x80, s25, s11, $0xb8;
	[tilespmem:$0x1FB80] =	vst v63  }
0x7c: {  	s29 =	sadd.s32 $0x1480, s24  }
0x7d: {  	[tilespmem:s18], [sflag:$0x2] =	stream.indirect.gather [hbm4b:s4+s11], $0x80, s29, s11, $0xb8;
	[tilespmem:$0x1FB80] =	vst v63  }
0x7e: {  	_ =	swait.ge [sflag:s19], $0x4000  }
0x7f: {  	[sflag:s19] =	ssyncset.done $0x0  }
0x80: {  	s30 =	sadd.s32 $0x2780, s24;
	[sflag:s19] =	ssyncadd.s32 $0xFFFFC000  }
0x81: {  	[spmem:s2] =	stream.indirect.scatter.add.f32 [tilespmem:s17], [sflag:$0x3], $0x80, s30, s11, $0xb8;
	[tilespmem:$0x1FB80] =	vst v63  }
0x82: {  	_ =	swait.ge [sflag:s13], $0x4000  }
0x83: {  	[sflag:s13] =	ssyncset.done $0x0  }
0x84: {  	[sflag:s13] =	ssyncadd.s32 $0xFFFFC000  }
0x85: {  	_ =	swait.ge [sflag:s20], $0x4000  }
0x86: {  	[sflag:s20] =	ssyncset.done $0x0  }
0x87: {  	s31 =	sadd.s32 $0x2800, s24;
	[sflag:s20] =	ssyncadd.s32 $0xFFFFC000  }
0x88: {  	[spmem:s2] =	stream.indirect.scatter.add.f32 [tilespmem:s18], [sflag:$0x3], $0x80, s31, s11, $0xb8;
	[tilespmem:$0x1FB80] =	vst v63  }
0x89: {  	_ =	swait.ge [sflag:s13], $0x4000  }
0x8a: {  	[sflag:s13] =	ssyncset.done $0x0  }
0x8b: {  	[sflag:s13] =	ssyncadd.s32 $0xFFFFC000  }
0x8c: {  	[tilespmem:s17], [sflag:$0x1] =	stream.indirect.gather [hbm4b:s4+s11], $0x80, s21, s11, $0xb8;
	[tilespmem:$0x1FB80] =	vst v63  }
0x8d: {  	_ =	swait.ge [sflag:s19], $0x4000  }
0x8e: {  	[sflag:s19] =	ssyncset.done $0x0  }
0x8f: {  	[sflag:s19] =	ssyncadd.s32 $0xFFFFC000  }
0x90: {  	[spmem:s2] =	stream.indirect.scatter.add.f32 [tilespmem:s17], [sflag:$0x3], $0x80, s22, s11, $0xb8;
	[tilespmem:$0x1FB80] =	vst v63  }
0x91: {  	_ =	swait.ge [sflag:s13], $0x4000  }
0x92: {  	s23 =	sadd.s32 $0x1, s23;
	[sflag:s13] =	ssyncset.done $0x0  }
0x93: {  	p0 =	sne.s32 s23, s10;
	[sflag:s13] =	ssyncadd.s32 $0xFFFFC000  }
.Ltmp2:
0x94: {  	[bflag:$0x0] =	sbarrier.arrive $0xFFFF;
	(pc) =	sbr.rel @p0 .LBB2_1-.Ltmp2, $4  }
0x95: {  	[hbm:s9], [sflag:s15] =	dma.local [spmem:s16], $0x2800  }
0x96: {  	_ =	swait.ge [sflag:s13], $0x2800  }
0x97: {  	[sflag:s13] =	ssyncset.done $0x0  }
0x98: {  	[sflag:s13] =	ssyncadd.s32 $0xFFFFD800  }
0x99: {  	_ =	sfence.sel $0x180000  }
0x9a: {  	[bflag:$0x0] =	sbarrier.arrive $0xFFFF  }
0x9b: {  	p0 =	sne.s32 s0, $0x0;
	_ =	strace $0x90000050  }
0x9c: {  	s0 =	sadd.s32 @!p0 $0x100000, s1;
	[bflag:$0x2] =	sbarrier.arrive $0xFFFF  }
0x9d: {  	[sflag:s0] =	ssyncadd.tile.s32 @!p0 $0x1;
	_ =	shalt  }
.Lfunc_end2:
_tile_overlayer_lowered:
.L_overlay_start_2:
0x9e: {  	(tag) =	ssettag $0x2  }
0x9f: {  	s0 =	rddreg [dreg:$0x0];
	s2 =	stileid.u32  }
0xa0: {  	s1 =	rddreg [dreg:$0x1];
	p0 =	sne.s32 s2, $0x0  }
0xa1: {  	s3 =	rddreg [dreg:$0x2];
	[bflag:$0x3] =	sbarrier.arrive $0xFFFF;
	s2 =	simm.s32 @!p0 $0x1C03  }
0xa2: {  	[timem:s3], [sflag:s2] =	dma.local @!p0 [hbm:s0], s1  }
0xa3: {  	s0 =	simm.s32 @!p0 $0x3  }
0xa4: {  	_ =	swait.ge @!p0 [sflag:s0], s1  }
0xa5: {  	s1 =	ssub.s32 @!p0 $0x0, s1;
	[sflag:s0] =	ssyncset.done @!p0 $0x0  }
0xa6: {  	[sflag:s0] =	ssyncadd.s32 @!p0 s1  }
0xa7: {  	[bflag:$0x3] =	sbarrier.arrive $0xFFFF  }
0xa8: {  	_ =	shalt  }

// kernel: kernel.23.cloned.1.call-start
scs
__scs_entry_jumppad:
0x0: {  	(pc) =	sbr.rel $0x88, $3  }
0x1: {  	(tag) =	ssettag $0x0;
	lr =	simm.s32 $0x1  }
0x2: {  	[smem:$0x3F93] =	sst lr;
	_ =	strace $0xD0000000  }
0x3: {  	_ = 	snop  }
0x4: {  	_ = 	snop  }
0x5: {  	_ = 	snop  }
0x6: {  	_ = 	snop  }
0x7: {  	_ = 	snop  }
__scs_overlays_trampoline_lowered:
0x8: {  	[smem:$0x3FA2] =	sst s0  }
0x9: {  	[smem:$0x3FA3] =	sst s1  }
0xa: {  	[smem:$0x3FA4] =	sst s2  }
0xb: {  	[smem:$0x3FA5] =	sst s3  }
0xc: {  	[smem:$0x3FA6] =	sst s4  }
0xd: {  	[smem:$0x3FA7] =	sst s5  }
0xe: {  	[smem:$0x3FA8] =	sst s6  }
0xf: {  	[smem:$0x3FA9] =	sst s7  }
0x10: {  	[smem:$0x3FAA] =	sst s8  }
0x11: {  	[smem:$0x3FAB] =	sst s9;
	s0 =	simm.s32 @!p0 $0x0  }
0x12: {  	s1 =	sld [smem:$0x3F91];
	s0 =	simm.s32 @p0 $0x1  }
0x13: {  	[smem:$0x3FAC] =	sst s0;
	s0 =	simm.s32 @!p1 $0x0  }
0x14: {  	s2 =	sld [smem:$0x3F90];
	s0 =	simm.s32 @p1 $0x1  }
0x15: {  	[smem:$0x3FAD] =	sst s0;
	s0 =	simm.s32 @!p2 $0x0  }
0x16: {  	s3 =	sld [smem:$0x3FDB];
	s0 =	simm.s32 @p2 $0x1  }
0x17: {  	s4 =	simm.s32 $0x1BF5;
	[smem:$0x3FAF] =	sst s0  }
0x18: {  	s0 =	sld [smem:$0x3F92];
	_ =	swait.ge [sflag:s4], $0x0  }
0x19: {  	s7 =	sld [smem:$0x3F93]  }
0x1a: {  	s8 =	sadd.s32 $0xFFFFE003, lr  }
0x1b: {  	s9 =	sadd.s32 $0xFFFFFEF7, lr;
	s5 =	simm.s32 $0xFFFFFFFF;
	p2 =	slt.u32 s8, $0xFFFFF086  }
0x1c: {  	p1 =	slt.u32 s9, $0xF7A;
	s5 =	simm.s32 @!p2 $0x0  }
0x1d: {  	s5 =	simm.s32 @p1 $0x1;
	p0 =	seq.s32 s7, s2  }
0x1e: {  	s7 =	smul.u32 @!p0 $0xF7A, s2;
	p2 =	seq.s32 @!p0 s5, $0x0  }
0x1f: {  	s9 =	smul.u32 $0xF7A, s1;
	s8 =	simm.s32 @!p0 $0x1BF5;
	p2 =	por !p2, p0  }
0x20: {  	[sflag:s8] =	ssyncset.s32 @!p0 $0xFFFFF086;
	s6 =	sadd.s32 @!p0 s3, s7;
	s7 =	simm.s32 @!p0 $0x108  }
0x21: {  	s3 =	sadd.s32 s3, s9;
	s6 =	sadd.s32 @!p0 $0x88, s6;
	s7 =	simm.s32 @p2 $0x1082  }
0x22: {  	[simem:s7], [sflag:s8] =	dma.local @!p0 [hbm:s6], $0xF7A  }
0x23: {  	s9 =	sor.u32 $0xD0000000, s2;
	s6 =	simm.s32 $0x108;
	_ =	swait.ge @!p0 [sflag:s8], $0x0  }
0x24: {  	s3 =	sadd.s32 $0x88, s3;
	s6 =	simm.s32 @!p1 $0x1082;
	[sflag:s4] =	ssyncset.s32 $0xFFFFF086  }
0x25: {  	[simem:s6], [sflag:s4] =	dma.local [hbm:s3], $0xF7A  }
0x26: {  	[smem:$0x3F93] =	sst s1;
	(tag) =	ssettag s2;
	_ =	strace s9  }
0x27: {  	s1 =	sld [smem:$0x3FA3]  }
0x28: {  	s2 =	sld [smem:$0x3FA4]  }
0x29: {  	s4 =	sld [smem:$0x3FA6]  }
0x2a: {  	p0 =	seq.s32 s5, $0x0;
	s5 =	sld [smem:$0x3FA7]  }
0x2b: {  	s6 =	sld [smem:$0x3FA8]  }
0x2c: {  	s7 =	sld [smem:$0x3FA9]  }
0x2d: {  	s3 =	simm.s32 $0x108;
	s8 =	sld [smem:$0x3FAA]  }
0x2e: {  	s3 =	simm.s32 @!p0 $0x1082;
	s9 =	sld [smem:$0x3FAB]  }
0x2f: {  	lr =	sadd.s32 s0, s3;
	s0 =	sld [smem:$0x3FA2]  }
0x30: {  	s3 =	sld [smem:$0x3FA5]  }
0x31: {  	[smem:$0x3FAE] =	sst s10  }
0x32: {  	s10 =	sld [smem:$0x3FAC];
	_ =	sdelay $0x3  }
0x33: {  	p0 =	seq.s32 s10, $0x1;
	s10 =	sld [smem:$0x3FAE];
	_ =	sdelay $0x3  }
0x34: {  	[smem:$0x3FAE] =	sst s10  }
0x35: {  	s10 =	sld [smem:$0x3FAD];
	_ =	sdelay $0x3  }
0x36: {  	p1 =	seq.s32 s10, $0x1;
	s10 =	sld [smem:$0x3FAE];
	_ =	sdelay $0x3  }
0x37: {  	[smem:$0x3FAE] =	sst s10  }
0x38: {  	s10 =	sld [smem:$0x3FAF]  }
0x39: {  	_ = 	snop;
	(pc) =	sbr.ind lr, $3  }
0x3a: {  	_ = 	snop  }
0x3b: {  	_ = 	snop  }
0x3c: {  	p2 =	seq.s32 s10, $0x1;
	s10 =	sld [smem:$0x3FAE]  }
0x3d: {  	_ =	shalt  }
0x3e: {  	_ =	shalt  }
0x3f: {  	_ =	shalt  }
0x40: {  	_ =	shalt  }
0x41: {  	_ =	shalt  }
0x42: {  	_ =	shalt  }
0x43: {  	_ =	shalt  }
0x44: {  	_ =	shalt  }
0x45: {  	_ =	shalt  }
0x46: {  	_ =	shalt  }
0x47: {  	_ =	shalt  }
0x48: {  	_ =	shalt  }
0x49: {  	_ =	shalt  }
0x4a: {  	_ =	shalt  }
0x4b: {  	_ =	shalt  }
0x4c: {  	_ =	shalt  }
0x4d: {  	_ =	shalt  }
0x4e: {  	_ =	shalt  }
0x4f: {  	_ =	shalt  }
0x50: {  	_ =	shalt  }
0x51: {  	_ =	shalt  }
0x52: {  	_ =	shalt  }
0x53: {  	_ =	shalt  }
0x54: {  	_ =	shalt  }
0x55: {  	_ =	shalt  }
0x56: {  	_ =	shalt  }
0x57: {  	_ =	shalt  }
0x58: {  	_ =	shalt  }
0x59: {  	_ =	shalt  }
0x5a: {  	_ =	shalt  }
0x5b: {  	_ =	shalt  }
0x5c: {  	_ =	shalt  }
0x5d: {  	_ =	shalt  }
0x5e: {  	_ =	shalt  }
0x5f: {  	_ =	shalt  }
0x60: {  	_ =	shalt  }
0x61: {  	_ =	shalt  }
0x62: {  	_ =	shalt  }
0x63: {  	_ =	shalt  }
0x64: {  	_ =	shalt  }
0x65: {  	_ =	shalt  }
0x66: {  	_ =	shalt  }
0x67: {  	_ =	shalt  }
0x68: {  	_ =	shalt  }
0x69: {  	_ =	shalt  }
0x6a: {  	_ =	shalt  }
0x6b: {  	_ =	shalt  }
0x6c: {  	_ =	shalt  }
0x6d: {  	_ =	shalt  }
0x6e: {  	_ =	shalt  }
0x6f: {  	_ =	shalt  }
0x70: {  	_ =	shalt  }
0x71: {  	_ =	shalt  }
0x72: {  	_ =	shalt  }
0x73: {  	_ =	shalt  }
0x74: {  	_ =	shalt  }
0x75: {  	_ =	shalt  }
0x76: {  	_ =	shalt  }
0x77: {  	_ =	shalt  }
0x78: {  	_ =	shalt  }
0x79: {  	_ =	shalt  }
0x7a: {  	_ =	shalt  }
0x7b: {  	_ =	shalt  }
0x7c: {  	_ =	shalt  }
0x7d: {  	_ =	shalt  }
0x7e: {  	_ =	shalt  }
0x7f: {  	_ =	shalt  }
0x80: {  	_ =	shalt  }
0x81: {  	_ =	shalt  }
0x82: {  	_ =	shalt  }
0x83: {  	_ =	shalt  }
0x84: {  	_ =	shalt  }
0x85: {  	_ =	shalt  }
0x86: {  	_ =	shalt  }
0x87: {  	_ =	shalt  }
.Lfunc_end0:
.L_simem_size_0:
called_computation.4_lowered:
.L_overlay_start_0:
0x88: {  	s2 =	sld [smem:$0x3FD9]  }
0x89: {  	s3 =	sld [smem:$0x3FFE];
	_ =	sdelay $0x1  }
0x8a: {  	s1 =	srdreg.scid  }
0x8b: {  	s0 =	sand.u32 $0x1, s1  }
0x8c: {  	s16 =	sshll.u32 s0, $0xA;
	s2 =	sadd.s32 s3, s2  }
0x8d: {  	s2 =	sadd.s32 s2, s16  }
0x8e: {  	[smem:$0x3FBA] =	sst s2  }
0x8f: {  	_ = 	snop  }
0x90: {  	(tm) =	ssettm $0x1  }
0x91: {  	s17 =	sld [smem:$0x3FFB];
	_ =	sdelay $0x3  }
0x92: {  	_ =	strace s17  }
0x93: {  	s2 =	sld [smem:$0x3FFC];
	_ =	sdelay $0x3  }
0x94: {  	_ =	strace s2  }
0x95: {  	s2 =	sld [smem:$0x3FFD];
	_ =	sdelay $0x3  }
0x96: {  	_ =	strace s2  }
0x97: {  	_ =	strace $0x8FFFFFFF  }
0x98: {  	s18 =	sld [smem:$0x3FDB];
	_ =	sdelay $0x1  }
0x99: {  	s19 =	simm.s32 $_scs_section_size  }
0x9a: {  	s4 =	simm.s32 $_size__tile_overlayer_lowered;
	s5 =	simm.s32 $_tile_overlayer_lowered  }
0x9b: {  	s22 =	simm.s32 $0x1BFF;
	s21 =	sshll.u32 s5, $0x1;
	s2 =	sadd.s32 s19, s18  }
0x9c: {  	s6 =	simm.s32 $0x0;
	s20 =	sshll.u32 s4, $0x1;
	s4 =	sadd.s32 s21, s2  }
0x9d: {  	[timem:s6], [sflag:s22] =	dma.local [hbm:s4], s20  }
0x9e: {  	_ =	swait.ge [sflag:s22], s20  }
0x9f: {  	s3 =	ssub.s32 $0x0, s20;
	[sflag:s22] =	ssyncset.done $0x0  }
0xa0: {  	[sflag:s22] =	ssyncadd.s32 s3;
	_ =	sdelay $0x1  }
0xa1: {  	s23 =	simm.s32 $0x1B8B  }
0xa2: {  	_ =	swait.ge [sflag:s23], $0x1  }
0xa3: {  	[sflag:s23] =	ssyncset.done $0x0  }
0xa4: {  	s25 =	simm.s32 $0x1B8E;
	s24 =	sld [smem:$0x3FFE];
	[sflag:s23] =	ssyncadd.s32 $0xFFFFFFFF  }
0xa5: {  	s26 =	simm.s32 $execute0_lowered;
	[smem:$0x3FD2] =	sst s25  }
0xa6: {  	s4 =	sshll.u32 s26, $0x1;
	_ =	strace $0x80000052;
	[dreg:$0x1] =	wrdreg $0xFFFFFFFF  }
0xa7: {  	s28 =	simm.s32 $_size_execute0_lowered;
	s2 =	sadd.s32 s2, s4;
	[dreg:$0x0] =	wrdreg $0x0  }
0xa8: {  	s4 =	sshll.u32 s28, $0x1;
	[dreg:$0x2] =	wrdreg s2  }
0xa9: {  	[dreg:$0x3] =	wrdreg s4  }
0xaa: {  	[dreg:$0x4] =	wrdreg $0xC0  }
0xab: {  	_ =	task [dreg:s6], $0x5FFFF  }
0xac: {  	[dreg:$0x1] =	wrdreg $0xFFFFFFFF  }
0xad: {  	[dreg:$0x0] =	wrdreg $0x60  }
0xae: {  	[dreg:$0x2] =	wrdreg s24  }
0xaf: {  	[dreg:$0x3] =	wrdreg $0xBB800  }
0xb0: {  	[dreg:$0x4] =	wrdreg $0x9  }
0xb1: {  	_ =	task.clear_ibuf [dreg:s6], $0x5FFFF;
	_ =	strace $0x90000052  }
0xb2: {  	s29 =	simm.s32 $0x9;
	_ =	strace $0x80000054  }
0xb3: {  	_ =	swait.ge [sflag:s29], $0x1  }
0xb4: {  	[sflag:s29] =	ssyncadd.s32 $0xFFFFFFFF  }
0xb5: {  	_ =	strace $0x90000054  }
0xb6: {  	_ =	sfence  }
0xb7: {  	s30 =	sld [smem:$0x0];
	_ =	sdelay $0x2  }
0xb8: {  	s31 =	sshll.u32 s1, $0xD;
	s1 =	sshrl.u32 s1, $0x2  }
0xb9: {  	s3 =	sand.u32 $0x4000, s31;
	s1 =	sadd.s32 s1, s30  }
0xba: {  	s0 =	sor.u32 s3, s0;
	s1 =	sshll.u32 s1, $0x11  }
0xbb: {  	s0 =	sor.u32 s1, s0  }
0xbc: {  	s0 =	sadd.s32 $0x8F2B, s0  }
0xbd: {  	[sflag:s0] =	ssyncadd.remote.s32 $0x1  }
0xbe: {  	_ =	sfence.sel $0xFFFF  }
0xbf: {  	[dreg:$0x0] =	wrdreg $0xFFFFFFFF;
	(pc) =	sbr.abs _section_cstart, $3  }
0xc0: {  	[dreg:$0x1] =	wrdreg $0xFFFFFFFF  }
0xc1: {  	_ =	task.clear_ibuf [dreg:s6], $0x2FFFF;
	_ =	strace $0x9FFFFFFF  }
0xc2: {  	(tm) =	ssettm $0x7FFFFFFF  }
0xc3: {  	_ =	shalt  }
tec
execute0_lowered:
.L_overlay_start_1:
0x0: {  	(tag) =	ssettag $0x1  }
0x1: {  	s1 =	srdreg.scid;
	s6 =	rddreg [dreg:$0x0]  }
0x2: {  	s0 =	stileid.u32;
	s2 =	rddreg [dreg:$0x1];
	s14 =	simm.s32 $0x2780  }
0x3: {  	s17 =	simm.s32 $0x3B80;
	s18 =	simm.s32 $0x7B80;
	s19 =	simm.s32 $0x1  }
0x4: {  	s20 =	simm.s32 $0x2;
	s21 =	simm.s32 $0x2700;
	s22 =	simm.s32 $0x3A80  }
0x5: {  	s23 =	simm.s32 $0x0;
	s5 =	sand.u32 $0x1, s1;
	s10 =	smul.u32 $0x14000, s0  }
0x6: {  	s26 =	sshll.u32 s0, $0x1;
	s3 =	sshrl.u32 s0, $0x2;
	s12 =	smul.u32 $0x50000, s0  }
0x7: {  	s1 =	rddreg [dreg:$0x2];
	s15 =	sshll.u32 s0, $0x6;
	s7 =	smul.u32 $0x13C00, s3  }
0x8: {  	s4 =	sor.u32 s5, s26;
	s3 =	simm.s32 $0x0;
	s29 =	smul.u32 $0x140000, s5  }
0x9: {  	s30 =	ssub.s32 $0x2, s5;
	s5 =	sadd.s32 $0xE200, s6;
	s15 =	sor.u32 $0x1C03, s15  }
0xa: {  	s8 =	sshll.u32 s4, $0x7;
	s9 =	smul.u32 $0x2800, s4;
	[smem:$0x7FF] =	sst s3  }
0xb: {  	s4 =	sadd.s32 $0x10A00, s6;
	s11 =	sshrl.u32 s30, $0x1;
	s31 =	sshrl.u32 s12, $0x2  }
0xc: {  	s12 =	simm.s32 $0x400;
	s8 =	sand.u32 $0x380, s8;
	_ =	strace $0x80000053  }
0xd: {  	s16 =	sadd.s32 s31, s2;
	s28 =	sor.u32 s7, s8;
	s9 =	sshrl.u32 s9, $0x3  }
0xe: {  	s7 =	sadd.s32 s10, s29;
	s10 =	ssub.s32 s30, s11;
	s11 =	simm.s32 $0x80  }
0xf: {  	s16 =	sshrl.u32 s16, $0x3;
	s8 =	sshrl.u32 s28, $0x3;
	s9 =	sadd.s32 s9, s6  }
0x10: {  	s7 =	sshrl.u32 s7, $0x3;
	s10 =	smax.u32 s10, $0x1;
	s8 =	sadd.s32 s8, s6  }
0x11: {  	s13 =	sadd.s32 s7, s6;
	s7 =	sadd.s32 $0x4200, s9;
	s6 =	sadd.s32 $0x93200, s8  }
0x12: {  	s8 =	sadd.s32 $0x4480, s9;
	s9 =	sadd.s32 $0x38A00, s13;
	s13 =	simm.s32 $0x3  }
.LBB2_1:
0x13: {  	[tilespmem:s3], [sflag:$0x3] =	stream.strided.gather [hbm4b:s6+s11], $0x2780, s12, s11, $0x38;
	[tilespmem:$0x1FB80] =	vst v63  }
0x14: {  	_ =	swait.ge [sflag:s13], $0x2780  }
0x15: {  	[sflag:s13] =	ssyncset.done $0x0  }
0x16: {  	[sflag:s13] =	ssyncadd.s32 $0xFFFFD880  }
0x17: {  	[tilespmem:s14], [sflag:$0x3] =	stream.linear.gather [hbm4b:s7+s3], $0x1400, $0x38;
	[tilespmem:$0x1FB80] =	vst v63  }
0x18: {  	_ =	swait.ge [sflag:s13], $0x1400  }
0x19: {  	[sflag:s13] =	ssyncset.done $0x0  }
0x1a: {  	[sflag:s13] =	ssyncadd.s32 $0xFFFFEC00  }
0x1b: {  	[spmem:s16], [sflag:s15] =	dma.local [hbm:s5], $0x2800  }
0x1c: {  	_ =	swait.ge [sflag:s13], $0x2800  }
0x1d: {  	[sflag:s13] =	ssyncset.done $0x0  }
0x1e: {  	[sflag:s13] =	ssyncadd.s32 $0xFFFFD800  }
0x1f: {  	s24 =	simm.s32 $0x0;
	[bflag:$0x0] =	sbarrier.arrive $0xFFFF  }
0x20: {  	[tilespmem:s17], [sflag:$0x1] =	stream.indirect.gather [hbm4b:s4+s11], $0x80, s24, s11, $0xb8;
	[tilespmem:$0x1FB80] =	vst v63  }
0x21: {  	s29 =	simm.s32 $0x80  }
0x22: {  	[tilespmem:s18], [sflag:$0x2] =	stream.indirect.gather [hbm4b:s4+s11], $0x80, s29, s11, $0xb8;
	[tilespmem:$0x1FB80] =	vst v63  }
0x23: {  	_ =	swait.ge [sflag:s19], $0x4000  }
0x24: {  	[sflag:s19] =	ssyncset.done $0x0  }
0x25: {  	s30 =	simm.s32 $0x2780;
	[sflag:s19] =	ssyncadd.s32 $0xFFFFC000  }
0x26: {  	[spmem:s2] =	stream.indirect.scatter.add.f32 [tilespmem:s17], [sflag:$0x3], $0x80, s30, s11, $0xb8;
	[tilespmem:$0x1FB80] =	vst v63  }
0x27: {  	_ =	swait.ge [sflag:s13], $0x4000  }
0x28: {  	[sflag:s13] =	ssyncset.done $0x0  }
0x29: {  	[sflag:s13] =	ssyncadd.s32 $0xFFFFC000  }
0x2a: {  	_ =	swait.ge [sflag:s20], $0x4000  }
0x2b: {  	[sflag:s20] =	ssyncset.done $0x0  }
0x2c: {  	s31 =	simm.s32 $0x2800;
	[sflag:s20] =	ssyncadd.s32 $0xFFFFC000  }
0x2d: {  	[spmem:s2] =	stream.indirect.scatter.add.f32 [tilespmem:s18], [sflag:$0x3], $0x80, s31, s11, $0xb8;
	[tilespmem:$0x1FB80] =	vst v63  }
0x2e: {  	_ =	swait.ge [sflag:s13], $0x4000  }
0x2f: {  	s25 =	simm.s32 $0x800;
	s24 =	simm.s32 $0x400;
	[sflag:s13] =	ssyncset.done $0x0  }
.LBB2_2:
0x30: {  	s26 =	sshra.s32 s24, $0x2  }
0x31: {  	[sflag:s13] =	ssyncadd.s32 $0xFFFFC000;
	s24 =	smov.u32 s25;
	s28 =	sadd.s32 $0x400, s25  }
0x32: {  	[tilespmem:s17], [sflag:$0x1] =	stream.indirect.gather [hbm4b:s4+s11], $0x80, s26, s11, $0xb8;
	[tilespmem:$0x1FB80] =	vst v63  }
0x33: {  	p0 =	sne.s32 s25, $0x4C00;
	s25 =	sadd.s32 $0x80, s26  }
0x34: {  	[tilespmem:s18], [sflag:$0x2] =	stream.indirect.gather [hbm4b:s4+s11], $0x80, s25, s11, $0xb8;
	[tilespmem:$0x1FB80] =	vst v63  }
0x35: {  	_ =	swait.ge [sflag:s19], $0x4000  }
0x36: {  	[sflag:s19] =	ssyncset.done $0x0  }
0x37: {  	s25 =	sadd.s32 $0x2780, s26;
	[sflag:s19] =	ssyncadd.s32 $0xFFFFC000  }
0x38: {  	[spmem:s2] =	stream.indirect.scatter.add.f32 [tilespmem:s17], [sflag:$0x3], $0x80, s25, s11, $0xb8;
	[tilespmem:$0x1FB80] =	vst v63  }
0x39: {  	_ =	swait.ge [sflag:s13], $0x4000  }
0x3a: {  	[sflag:s13] =	ssyncset.done $0x0  }
0x3b: {  	[sflag:s13] =	ssyncadd.s32 $0xFFFFC000  }
0x3c: {  	_ =	swait.ge [sflag:s20], $0x4000  }
.Ltmp0:
0x3d: {  	[sflag:s20] =	ssyncset.done $0x0;
	(pc) =	sbr.rel @p0 .LBB2_2-.Ltmp0, $4  }
0x3e: {  	s25 =	sadd.s32 $0x2800, s26;
	[sflag:s20] =	ssyncadd.s32 $0xFFFFC000  }
0x3f: {  	[spmem:s2] =	stream.indirect.scatter.add.f32 [tilespmem:s18], [sflag:$0x3], $0x80, s25, s11, $0xb8;
	[tilespmem:$0x1FB80] =	vst v63  }
0x40: {  	_ =	swait.ge [sflag:s13], $0x4000  }
0x41: {  	s25 =	smov.u32 s28;
	[sflag:s13] =	ssyncset.done $0x0  }
0x42: {  	s24 =	sshra.s32 s24, $0x2;
	[sflag:s13] =	ssyncadd.s32 $0xFFFFC000  }
0x43: {  	[tilespmem:s17], [sflag:$0x1] =	stream.indirect.gather [hbm4b:s4+s11], $0x80, s24, s11, $0xb8;
	[tilespmem:$0x1FB80] =	vst v63  }
0x44: {  	s25 =	sadd.s32 $0x80, s24  }
0x45: {  	[tilespmem:s18], [sflag:$0x2] =	stream.indirect.gather [hbm4b:s4+s11], $0x80, s25, s11, $0xb8;
	[tilespmem:$0x1FB80] =	vst v63  }
0x46: {  	_ =	swait.ge [sflag:s19], $0x4000  }
0x47: {  	[sflag:s19] =	ssyncset.done $0x0  }
0x48: {  	s31 =	sadd.s32 $0x2780, s24;
	[sflag:s19] =	ssyncadd.s32 $0xFFFFC000  }
0x49: {  	[spmem:s2] =	stream.indirect.scatter.add.f32 [tilespmem:s17], [sflag:$0x3], $0x80, s31, s11, $0xb8;
	[tilespmem:$0x1FB80] =	vst v63  }
0x4a: {  	_ =	swait.ge [sflag:s13], $0x4000  }
0x4b: {  	[sflag:s13] =	ssyncset.done $0x0  }
0x4c: {  	[sflag:s13] =	ssyncadd.s32 $0xFFFFC000  }
0x4d: {  	_ =	swait.ge [sflag:s20], $0x4000  }
0x4e: {  	[sflag:s20] =	ssyncset.done $0x0  }
0x4f: {  	s24 =	sadd.s32 $0x2800, s24;
	[sflag:s20] =	ssyncadd.s32 $0xFFFFC000  }
0x50: {  	[spmem:s2] =	stream.indirect.scatter.add.f32 [tilespmem:s18], [sflag:$0x3], $0x80, s24, s11, $0xb8;
	[tilespmem:$0x1FB80] =	vst v63  }
0x51: {  	_ =	swait.ge [sflag:s13], $0x4000  }
0x52: {  	[sflag:s13] =	ssyncset.done $0x0  }
0x53: {  	s26 =	simm.s32 $0x0;
	[sflag:s13] =	ssyncadd.s32 $0xFFFFC000  }
0x54: {  	[tilespmem:s14], [sflag:$0x3] =	stream.linear.gather [hbm4b:s8+s26], $0x1380, $0x38;
	[tilespmem:$0x1FB80] =	vst v63  }
0x55: {  	_ =	swait.ge [sflag:s13], $0x1380  }
0x56: {  	[sflag:s13] =	ssyncset.done $0x0  }
0x57: {  	s28 =	simm.s32 $0x1400;
	[sflag:s13] =	ssyncadd.s32 $0xFFFFEC80  }
0x58: {  	[tilespmem:s17], [sflag:$0x1] =	stream.indirect.gather [hbm4b:s4+s11], $0x80, s28, s11, $0xb8;
	[tilespmem:$0x1FB80] =	vst v63  }
0x59: {  	s29 =	simm.s32 $0x1480  }
0x5a: {  	[tilespmem:s18], [sflag:$0x2] =	stream.indirect.gather [hbm4b:s4+s11], $0x80, s29, s11, $0xb8;
	[tilespmem:$0x1FB80] =	vst v63  }
0x5b: {  	_ =	swait.ge [sflag:s19], $0x4000  }
0x5c: {  	[sflag:s19] =	ssyncset.done $0x0  }
0x5d: {  	s30 =	simm.s32 $0x2780;
	[sflag:s19] =	ssyncadd.s32 $0xFFFFC000  }
0x5e: {  	[spmem:s2] =	stream.indirect.scatter.add.f32 [tilespmem:s17], [sflag:$0x3], $0x80, s30, s11, $0xb8;
	[tilespmem:$0x1FB80] =	vst v63  }
0x5f: {  	_ =	swait.ge [sflag:s13], $0x4000  }
0x60: {  	[sflag:s13] =	ssyncset.done $0x0  }
0x61: {  	[sflag:s13] =	ssyncadd.s32 $0xFFFFC000  }
0x62: {  	_ =	swait.ge [sflag:s20], $0x4000  }
0x63: {  	[sflag:s20] =	ssyncset.done $0x0  }
0x64: {  	s31 =	simm.s32 $0x2800;
	[sflag:s20] =	ssyncadd.s32 $0xFFFFC000  }
0x65: {  	[spmem:s2] =	stream.indirect.scatter.add.f32 [tilespmem:s18], [sflag:$0x3], $0x80, s31, s11, $0xb8;
	[tilespmem:$0x1FB80] =	vst v63  }
0x66: {  	_ =	swait.ge [sflag:s13], $0x4000  }
0x67: {  	s25 =	simm.s32 $0x800;
	s24 =	simm.s32 $0x100;
	[sflag:s13] =	ssyncset.done $0x0  }
.LBB2_4:
0x68: {  	s26 =	sadd.s32 $0x1400, s24  }
0x69: {  	[sflag:s13] =	ssyncadd.s32 $0xFFFFC000;
	s28 =	smov.u32 s25;
	s29 =	sadd.s32 $0x400, s25  }
0x6a: {  	[tilespmem:s17], [sflag:$0x1] =	stream.indirect.gather [hbm4b:s4+s11], $0x80, s26, s11, $0xb8;
	[tilespmem:$0x1FB80] =	vst v63  }
0x6b: {  	p0 =	sne.s32 s25, $0x4800;
	s25 =	sadd.s32 $0x1480, s24  }
0x6c: {  	[tilespmem:s18], [sflag:$0x2] =	stream.indirect.gather [hbm4b:s4+s11], $0x80, s25, s11, $0xb8;
	[tilespmem:$0x1FB80] =	vst v63  }
0x6d: {  	_ =	swait.ge [sflag:s19], $0x4000  }
0x6e: {  	[sflag:s19] =	ssyncset.done $0x0  }
0x6f: {  	s25 =	sadd.s32 $0x2780, s24;
	[sflag:s19] =	ssyncadd.s32 $0xFFFFC000  }
0x70: {  	[spmem:s2] =	stream.indirect.scatter.add.f32 [tilespmem:s17], [sflag:$0x3], $0x80, s25, s11, $0xb8;
	[tilespmem:$0x1FB80] =	vst v63  }
0x71: {  	_ =	swait.ge [sflag:s13], $0x4000  }
0x72: {  	[sflag:s13] =	ssyncset.done $0x0  }
0x73: {  	[sflag:s13] =	ssyncadd.s32 $0xFFFFC000  }
0x74: {  	_ =	swait.ge [sflag:s20], $0x4000  }
.Ltmp1:
0x75: {  	[sflag:s20] =	ssyncset.done $0x0;
	(pc) =	sbr.rel @p0 .LBB2_4-.Ltmp1, $4  }
0x76: {  	s24 =	sadd.s32 $0x2800, s24;
	[sflag:s20] =	ssyncadd.s32 $0xFFFFC000  }
0x77: {  	[spmem:s2] =	stream.indirect.scatter.add.f32 [tilespmem:s18], [sflag:$0x3], $0x80, s24, s11, $0xb8;
	[tilespmem:$0x1FB80] =	vst v63  }
0x78: {  	_ =	swait.ge [sflag:s13], $0x4000  }
0x79: {  	s25 =	smov.u32 s29;
	s24 =	sshra.s32 s28, $0x2;
	[sflag:s13] =	ssyncset.done $0x0  }
0x7a: {  	s25 =	sadd.s32 $0x1400, s24;
	[sflag:s13] =	ssyncadd.s32 $0xFFFFC000  }
0x7b: {  	[tilespmem:s17], [sflag:$0x1] =	stream.indirect.gather [hbm4b:s4+s11], $0x80, s25, s11, $0xb8;
	[tilespmem:$0x1FB80] =	vst v63  }
0x7c: {  	s29 =	sadd.s32 $0x1480, s24  }
0x7d: {  	[tilespmem:s18], [sflag:$0x2] =	stream.indirect.gather [hbm4b:s4+s11], $0x80, s29, s11, $0xb8;
	[tilespmem:$0x1FB80] =	vst v63  }
0x7e: {  	_ =	swait.ge [sflag:s19], $0x4000  }
0x7f: {  	[sflag:s19] =	ssyncset.done $0x0  }
0x80: {  	s30 =	sadd.s32 $0x2780, s24;
	[sflag:s19] =	ssyncadd.s32 $0xFFFFC000  }
0x81: {  	[spmem:s2] =	stream.indirect.scatter.add.f32 [tilespmem:s17], [sflag:$0x3], $0x80, s30, s11, $0xb8;
	[tilespmem:$0x1FB80] =	vst v63  }
0x82: {  	_ =	swait.ge [sflag:s13], $0x4000  }
0x83: {  	[sflag:s13] =	ssyncset.done $0x0  }
0x84: {  	[sflag:s13] =	ssyncadd.s32 $0xFFFFC000  }
0x85: {  	_ =	swait.ge [sflag:s20], $0x4000  }
0x86: {  	[sflag:s20] =	ssyncset.done $0x0  }
0x87: {  	s31 =	sadd.s32 $0x2800, s24;
	[sflag:s20] =	ssyncadd.s32 $0xFFFFC000  }
0x88: {  	[spmem:s2] =	stream.indirect.scatter.add.f32 [tilespmem:s18], [sflag:$0x3], $0x80, s31, s11, $0xb8;
	[tilespmem:$0x1FB80] =	vst v63  }
0x89: {  	_ =	swait.ge [sflag:s13], $0x4000  }
0x8a: {  	[sflag:s13] =	ssyncset.done $0x0  }
0x8b: {  	[sflag:s13] =	ssyncadd.s32 $0xFFFFC000  }
0x8c: {  	[tilespmem:s17], [sflag:$0x1] =	stream.indirect.gather [hbm4b:s4+s11], $0x80, s21, s11, $0xb8;
	[tilespmem:$0x1FB80] =	vst v63  }
0x8d: {  	_ =	swait.ge [sflag:s19], $0x4000  }
0x8e: {  	[sflag:s19] =	ssyncset.done $0x0  }
0x8f: {  	[sflag:s19] =	ssyncadd.s32 $0xFFFFC000  }
0x90: {  	[spmem:s2] =	stream.indirect.scatter.add.f32 [tilespmem:s17], [sflag:$0x3], $0x80, s22, s11, $0xb8;
	[tilespmem:$0x1FB80] =	vst v63  }
0x91: {  	_ =	swait.ge [sflag:s13], $0x4000  }
0x92: {  	s23 =	sadd.s32 $0x1, s23;
	[sflag:s13] =	ssyncset.done $0x0  }
0x93: {  	p0 =	sne.s32 s23, s10;
	[sflag:s13] =	ssyncadd.s32 $0xFFFFC000  }
.Ltmp2:
0x94: {  	[bflag:$0x0] =	sbarrier.arrive $0xFFFF;
	(pc) =	sbr.rel @p0 .LBB2_1-.Ltmp2, $4  }
0x95: {  	[hbm:s9], [sflag:s15] =	dma.local [spmem:s16], $0x2800  }
0x96: {  	_ =	swait.ge [sflag:s13], $0x2800  }
0x97: {  	[sflag:s13] =	ssyncset.done $0x0  }
0x98: {  	[sflag:s13] =	ssyncadd.s32 $0xFFFFD800  }
0x99: {  	_ =	sfence.sel $0x180000  }
0x9a: {  	[bflag:$0x0] =	sbarrier.arrive $0xFFFF  }
0x9b: {  	p0 =	sne.s32 s0, $0x0;
	_ =	strace $0x90000053  }
0x9c: {  	s0 =	sadd.s32 @!p0 $0x100000, s1;
	[bflag:$0x2] =	sbarrier.arrive $0xFFFF  }
0x9d: {  	[sflag:s0] =	ssyncadd.tile.s32 @!p0 $0x1;
	_ =	shalt  }
.Lfunc_end2:
_tile_overlayer_lowered:
.L_overlay_start_2:
0x9e: {  	(tag) =	ssettag $0x2  }
0x9f: {  	s0 =	rddreg [dreg:$0x0];
	s2 =	stileid.u32  }
0xa0: {  	s1 =	rddreg [dreg:$0x1];
	p0 =	sne.s32 s2, $0x0  }
0xa1: {  	s3 =	rddreg [dreg:$0x2];
	[bflag:$0x3] =	sbarrier.arrive $0xFFFF;
	s2 =	simm.s32 @!p0 $0x1C03  }
0xa2: {  	[timem:s3], [sflag:s2] =	dma.local @!p0 [hbm:s0], s1  }
0xa3: {  	s0 =	simm.s32 @!p0 $0x3  }
0xa4: {  	_ =	swait.ge @!p0 [sflag:s0], s1  }
0xa5: {  	s1 =	ssub.s32 @!p0 $0x0, s1;
	[sflag:s0] =	ssyncset.done @!p0 $0x0  }
0xa6: {  	[sflag:s0] =	ssyncadd.s32 @!p0 s1  }
0xa7: {  	[bflag:$0x3] =	sbarrier.arrive $0xFFFF  }
0xa8: {  	_ =	shalt  }

</sc_bundles>
